<compile_context>
chip_gen: v7x
topology: tpu7x:2x2x1
jax: 0.10.2.dev20260603
libtpu: 0.0.44.dev20260713+nightly
codegen_flags: <defaults>
</compile_context>

<pallas_src>
import functools

import jax
import jax.numpy as jnp
from jax import lax
from jax.experimental import pallas as pl
from jax.experimental.pallas import tpu as pltpu
from jax.experimental.pallas import tpu_sc as plsc

_VOCAB = 100000
_DIM = 128
_K = 8
_BATCH = 4096
_HIST = 200

_NC = 2
_NS = 16
_NW = _NC * _NS
_BPW = _BATCH // _NW
_HALF = _HIST // 2
_LANES = 16
_DG = _DIM // _LANES
_UNROLL = 4


def _round_bf16(v):
    bits = plsc.bitcast(v, jnp.int32)
    rnd = bits + jnp.int32(0x7FFF) + ((bits >> 16) & jnp.int32(1))
    return plsc.bitcast(rnd & jnp.int32(-65536), jnp.float32)


def _sense_body(word_hbm, ctx_hbm, wg_hbm, ws_hbm, out_hbm,
                cidx, widx, rows, sense, outv,
                semr0, semr1, sems0, sems1):
    wid = lax.axis_index("s") * _NC + lax.axis_index("c")

    pltpu.sync_copy(ctx_hbm.at[wid], cidx)
    pltpu.sync_copy(word_hbm.at[wid], widx)

    iota = lax.iota(jnp.int32, _LANES)

    def issue(t, b, semr, sems):
        pltpu.async_copy(wg_hbm.at[cidx.at[t, 0]],
                         rows.at[b, pl.ds(0, _HALF)], semr)
        pltpu.async_copy(wg_hbm.at[cidx.at[t, 1]],
                         rows.at[b, pl.ds(_HALF, _HALF)], semr)
        pltpu.async_copy(ws_hbm.at[widx.at[t]], sense.at[b], sems)

    def drain(b, semr, sems):
        pltpu.make_async_copy(wg_hbm.at[pl.ds(0, _HIST)], rows.at[b],
                              semr).wait()
        pltpu.make_async_copy(ws_hbm.at[pl.ds(0, 1)], sense.at[b],
                              sems).wait()

    def compute(t, b):
        @plsc.parallel_loop(0, _HIST, 1, unroll=_UNROLL,
                            carry=tuple(jnp.zeros((_LANES,), jnp.float32)
                                        for _ in range(_DG)))
        def add_rows(l, acc):
            return tuple(acc[j] + rows[b, l, pl.ds(j * _LANES, _LANES)]
                         for j in range(_DG))

        acc = add_rows

        accr = tuple(_round_bf16(acc[j]) for j in range(_DG))
        scores = []
        for k in range(_K):
            sk = jnp.zeros((_LANES,), jnp.float32)
            for j in range(_DG):
                idx = (iota + (j * _LANES)) * _K + k
                sv = _round_bf16(plsc.load_gather(sense.at[b, 0], [idx]))
                sk = sk + accr[j] * sv
            scores.append(jnp.sum(sk))

        best_k = jnp.int32(0)
        best_v = scores[0]
        for k in range(1, _K):
            p = scores[k] > best_v
            best_v = jnp.where(p, scores[k], best_v)
            best_k = jnp.where(p, jnp.int32(k), best_k)

        for j in range(_DG):
            idx = (iota + (j * _LANES)) * _K + best_k
            outv[t, pl.ds(j * _LANES, _LANES)] = plsc.load_gather(
                sense.at[b, 0], [idx])

    issue(0, 0, semr0, sems0)

    def pair_body(g, carry):
        t0 = 2 * g
        issue(t0 + 1, 1, semr1, sems1)
        drain(0, semr0, sems0)
        compute(t0, 0)
        issue(jnp.minimum(t0 + 2, _BPW - 1), 0, semr0, sems0)
        drain(1, semr1, sems1)
        compute(t0 + 1, 1)
        return carry

    lax.fori_loop(0, _BPW // 2, pair_body, 0)
    drain(0, semr0, sems0)

    pltpu.sync_copy(outv, out_hbm.at[wid])


def kernel(word_idx, context_idx, W_g, W_s):
    ws2 = W_s.reshape(_VOCAB, _DIM * _K)
    ctx = context_idx.reshape(_NW, _BPW, 2, _HALF).astype(jnp.int32)
    widx = word_idx.reshape(_NW, _BPW, 1).astype(jnp.int32)

    mesh = plsc.VectorSubcoreMesh(core_axis_name="c", subcore_axis_name="s")
    run = functools.partial(
        pl.kernel,
        mesh=mesh,
        compiler_params=pltpu.CompilerParams(needs_layout_passes=False),
        out_type=jax.ShapeDtypeStruct((_NW, _BPW, _DIM), jnp.float32),
        scratch_types=[
            pltpu.VMEM((_BPW, 2, _HALF), jnp.int32),
            pltpu.VMEM((_BPW, 1), jnp.int32),
            pltpu.VMEM((2, _HIST, _DIM), jnp.float32),
            pltpu.VMEM((2, 1, _DIM * _K), jnp.float32),
            pltpu.VMEM((_BPW, _DIM), jnp.float32),
            pltpu.SemaphoreType.DMA,
            pltpu.SemaphoreType.DMA,
            pltpu.SemaphoreType.DMA,
            pltpu.SemaphoreType.DMA,
        ],
    )(_sense_body)
    out = run(widx, ctx, W_g, ws2)
    return out.reshape(_BATCH, _DIM)

# --- scband reference (transcript-rebuilt; emitter-appended) ---
"""Pipeline reference for scband-sense-embedding-85495618994267 (READ-ONLY COPY).

The authoritative reference and input builder live on the scoring server;
editing this copy changes nothing except your own understanding.
"""

import jax, jax.numpy as jnp
import numpy as np

VOCAB = 100000
DIM = 128
K_SENSES = 8
BATCH = 4096
HIST = 200


def setup_inputs(seed: int = 0) -> dict:
    key = jax.random.key(seed)
    k1, k2, k3, k4 = jax.random.split(key, 4)
    word_idx = jax.random.randint(k1, (BATCH,), 0, VOCAB, dtype=jnp.int64 if jax.config.jax_enable_x64 else jnp.int32)
    context_idx = jax.random.randint(k2, (BATCH, HIST), 0, VOCAB, dtype=jnp.int64 if jax.config.jax_enable_x64 else jnp.int32)
    # learned parameters, keras 'uniform' init
    W_g = jax.random.uniform(k3, (VOCAB, DIM), dtype=jnp.float32, minval=-0.05, maxval=0.05)
    W_s = jax.random.uniform(k4, (VOCAB, DIM, K_SENSES), dtype=jnp.float32, minval=-0.05, maxval=0.05)
    return {"word_idx": word_idx, "context_idx": context_idx, "W_g": W_g, "W_s": W_s}


def reference(word_idx, context_idx, W_g, W_s):
    # sum_context = sum of global embeddings of the context words (x[1])
    ctx = jnp.take(W_g, context_idx, axis=0)            # [B, L, D]  gather
    sum_context = jnp.sum(ctx, axis=1)                  # [B, D]
    # sense vectors of the target word (x[0])
    senses = jnp.take(W_s, word_idx, axis=0)            # [B, D, K]  gather
    # scan(lambda w: dot(w, sum_context)) over sense vectors -> per-sense scores
    scores = jnp.einsum('bdk,bd->bk', senses, sum_context)  # [B, K]
    # curr_sense = argmax(scores): top-1 routing over K 'experts' (senses)
    curr_sense = jnp.argmax(scores, axis=-1)            # [B]
    sel = jnp.take_along_axis(senses, curr_sense[:, None, None], axis=2)
    sel = jnp.squeeze(sel, axis=-1)                     # [B, D]
    return sel


if False:  # reference __main__ guard neutralized (emitter)
    out = reference(**setup_inputs())
    print(out.shape, out.dtype)

if __name__ == "__main__":
    import jax
    _d = setup_inputs()
    print(jax.jit(kernel)(*tuple(_d.values())))

</pallas_src>

<mosaic_0001>
#map = affine_map<(d0, d1) -> (0, 0, 0)>
#map1 = affine_map<(d0, d1) -> (0, 0, 0, 0)>
#map2 = affine_map<(d0, d1) -> (0, 0)>
module attributes {stable_mosaic.version = 14 : i64} {
  func.func @_sense_body(%arg0: i32, %arg1: i32, %arg2: memref<32x128x1xi32, #tpu.memory_space<hbm>>, %arg3: memref<32x128x2x100xi32, #tpu.memory_space<hbm>>, %arg4: memref<100000x128xf32, #tpu.memory_space<hbm>>, %arg5: memref<100000x1024xf32, #tpu.memory_space<hbm>>, %arg6: memref<32x128x128xf32, #tpu.memory_space<hbm>>, %arg7: memref<128x2x100xi32, #tpu.memory_space<vmem>>, %arg8: memref<128x1xi32, #tpu.memory_space<vmem>>, %arg9: memref<2x200x128xf32, #tpu.memory_space<vmem>>, %arg10: memref<2x1x1024xf32, #tpu.memory_space<vmem>>, %arg11: memref<128x128xf32, #tpu.memory_space<vmem>>, %arg12: memref<!tpu.dma_semaphore, #tpu.memory_space<semaphore_mem>>, %arg13: memref<!tpu.dma_semaphore, #tpu.memory_space<semaphore_mem>>, %arg14: memref<!tpu.dma_semaphore, #tpu.memory_space<semaphore_mem>>, %arg15: memref<!tpu.dma_semaphore, #tpu.memory_space<semaphore_mem>>) attributes {dimension_semantics = [#tpu.dimension_semantics<core_parallel>, #tpu.dimension_semantics<subcore_parallel>], iteration_bounds = array<i64: 2, 16>, scalar_prefetch = 0 : i64, scratch_operands = 9 : i64, tpu.core_type = #tpu.core_type<sc_vector_subcore>, window_params = [{transform_indices = #map}, {transform_indices = #map1}, {transform_indices = #map2}, {transform_indices = #map2}, {transform_indices = #map}]} {
    %mul3A = arith.constant 2 : i32
    %mul3A_0 = arith.muli %arg1, %mul3A : i32
    %add3A = arith.addi %mul3A_0, %arg0 : i32
    "tpu.region"() ({
      %run_scoped3A = tpu.sem_alloc : memref<!tpu.dma_semaphore, #tpu.memory_space<semaphore_mem>>
      %dma_start3A_72 = arith.constant 0 : i32
      %dma_start3A_73 = arith.constant 0 : i32
      %dma_start3A_74 = arith.constant 0 : i32
      %dma_start3A_75 = tpu.memref_slice %arg3[%add3A, %dma_start3A_72, %dma_start3A_73, %dma_start3A_74] : memref<32x128x2x100xi32, #tpu.memory_space<hbm>> -> memref<1x128x2x100xi32, #tpu.memory_space<hbm>>
      %dma_start3A_76 = tpu.memref_squeeze %dma_start3A_75 : memref<1x128x2x100xi32, #tpu.memory_space<hbm>> -> memref<128x2x100xi32, #tpu.memory_space<hbm>>
      %dma_start3A_77 = arith.constant 0 : i32
      %dma_start3A_78 = arith.constant 0 : i32
      %dma_start3A_79 = arith.constant 0 : i32
      %dma_start3A_80 = tpu.memref_slice %arg3[%add3A, %dma_start3A_77, %dma_start3A_78, %dma_start3A_79] : memref<32x128x2x100xi32, #tpu.memory_space<hbm>> -> memref<1x128x2x100xi32, #tpu.memory_space<hbm>>
      %dma_start3A_81 = tpu.memref_squeeze %dma_start3A_80 : memref<1x128x2x100xi32, #tpu.memory_space<hbm>> -> memref<128x2x100xi32, #tpu.memory_space<hbm>>
      tpu.enqueue_dma source(%dma_start3A_81 : memref<128x2x100xi32, #tpu.memory_space<hbm>>) target(%arg7 : memref<128x2x100xi32, #tpu.memory_space<vmem>>) target_semaphore(%run_scoped3A : memref<!tpu.dma_semaphore, #tpu.memory_space<semaphore_mem>>)
      %dma_wait3A_82 = arith.constant 0 : i32
      %dma_wait3A_83 = arith.constant 0 : i32
      %dma_wait3A_84 = arith.constant 0 : i32
      %dma_wait3A_85 = tpu.memref_slice %arg3[%add3A, %dma_wait3A_82, %dma_wait3A_83, %dma_wait3A_84] : memref<32x128x2x100xi32, #tpu.memory_space<hbm>> -> memref<1x128x2x100xi32, #tpu.memory_space<hbm>>
      %dma_wait3A_86 = tpu.memref_squeeze %dma_wait3A_85 : memref<1x128x2x100xi32, #tpu.memory_space<hbm>> -> memref<128x2x100xi32, #tpu.memory_space<hbm>>
      %dma_wait3A_87 = arith.constant 0 : i32
      %dma_wait3A_88 = arith.constant 0 : i32
      %dma_wait3A_89 = arith.constant 0 : i32
      %dma_wait3A_90 = tpu.memref_slice %arg3[%add3A, %dma_wait3A_87, %dma_wait3A_88, %dma_wait3A_89] : memref<32x128x2x100xi32, #tpu.memory_space<hbm>> -> memref<1x128x2x100xi32, #tpu.memory_space<hbm>>
      %dma_wait3A_91 = tpu.memref_squeeze %dma_wait3A_90 : memref<1x128x2x100xi32, #tpu.memory_space<hbm>> -> memref<128x2x100xi32, #tpu.memory_space<hbm>>
      tpu.wait_dma2 semaphore(%run_scoped3A : memref<!tpu.dma_semaphore, #tpu.memory_space<semaphore_mem>>) src(%dma_wait3A_91 : memref<128x2x100xi32, #tpu.memory_space<hbm>>) dst(%arg7 : memref<128x2x100xi32, #tpu.memory_space<vmem>>)
      tpu.yield
    }) : () -> ()
    "tpu.region"() ({
      %run_scoped3A = tpu.sem_alloc : memref<!tpu.dma_semaphore, #tpu.memory_space<semaphore_mem>>
      %dma_start3A_72 = arith.constant 0 : i32
      %dma_start3A_73 = arith.constant 0 : i32
      %dma_start3A_74 = tpu.memref_slice %arg2[%add3A, %dma_start3A_72, %dma_start3A_73] : memref<32x128x1xi32, #tpu.memory_space<hbm>> -> memref<1x128x1xi32, #tpu.memory_space<hbm>>
      %dma_start3A_75 = tpu.memref_squeeze %dma_start3A_74 : memref<1x128x1xi32, #tpu.memory_space<hbm>> -> memref<128x1xi32, #tpu.memory_space<hbm>>
      %dma_start3A_76 = arith.constant 0 : i32
      %dma_start3A_77 = arith.constant 0 : i32
      %dma_start3A_78 = tpu.memref_slice %arg2[%add3A, %dma_start3A_76, %dma_start3A_77] : memref<32x128x1xi32, #tpu.memory_space<hbm>> -> memref<1x128x1xi32, #tpu.memory_space<hbm>>
      %dma_start3A_79 = tpu.memref_squeeze %dma_start3A_78 : memref<1x128x1xi32, #tpu.memory_space<hbm>> -> memref<128x1xi32, #tpu.memory_space<hbm>>
      tpu.enqueue_dma source(%dma_start3A_79 : memref<128x1xi32, #tpu.memory_space<hbm>>) target(%arg8 : memref<128x1xi32, #tpu.memory_space<vmem>>) target_semaphore(%run_scoped3A : memref<!tpu.dma_semaphore, #tpu.memory_space<semaphore_mem>>)
      %dma_wait3A_80 = arith.constant 0 : i32
      %dma_wait3A_81 = arith.constant 0 : i32
      %dma_wait3A_82 = tpu.memref_slice %arg2[%add3A, %dma_wait3A_80, %dma_wait3A_81] : memref<32x128x1xi32, #tpu.memory_space<hbm>> -> memref<1x128x1xi32, #tpu.memory_space<hbm>>
      %dma_wait3A_83 = tpu.memref_squeeze %dma_wait3A_82 : memref<1x128x1xi32, #tpu.memory_space<hbm>> -> memref<128x1xi32, #tpu.memory_space<hbm>>
      %dma_wait3A_84 = arith.constant 0 : i32
      %dma_wait3A_85 = arith.constant 0 : i32
      %dma_wait3A_86 = tpu.memref_slice %arg2[%add3A, %dma_wait3A_84, %dma_wait3A_85] : memref<32x128x1xi32, #tpu.memory_space<hbm>> -> memref<1x128x1xi32, #tpu.memory_space<hbm>>
      %dma_wait3A_87 = tpu.memref_squeeze %dma_wait3A_86 : memref<1x128x1xi32, #tpu.memory_space<hbm>> -> memref<128x1xi32, #tpu.memory_space<hbm>>
      tpu.wait_dma2 semaphore(%run_scoped3A : memref<!tpu.dma_semaphore, #tpu.memory_space<semaphore_mem>>) src(%dma_wait3A_87 : memref<128x1xi32, #tpu.memory_space<hbm>>) dst(%arg8 : memref<128x1xi32, #tpu.memory_space<vmem>>)
      tpu.yield
    }) : () -> ()
    %iota3A = tpu.iota {dimensions = array<i32: 0>} : vector<16xi32>
    %dma_start3A = arith.constant 0 : i32
    %dma_start3A_1 = arith.constant 0 : i32
    %dma_start3A_2 = arith.constant 0 : i32
    %dma_start3A_3 = arith.constant 0 : i32
    %dma_start3A_4 = arith.constant 0 : i32
    %dma_start3A_5 = tpu.memref_slice %arg9[%dma_start3A_2, %dma_start3A_3, %dma_start3A_4] : memref<2x200x128xf32, #tpu.memory_space<vmem>> -> memref<1x100x128xf32, #tpu.memory_space<vmem>>
    %dma_start3A_6 = tpu.memref_squeeze %dma_start3A_5 : memref<1x100x128xf32, #tpu.memory_space<vmem>> -> memref<100x128xf32, #tpu.memory_space<vmem>>
    %dma_start3A_7 = arith.constant 0 : i32
    %dma_start3A_8 = tpu.memref_slice %arg7[%dma_start3A, %dma_start3A_1, %dma_start3A_7] : memref<128x2x100xi32, #tpu.memory_space<vmem>> -> memref<1x1x100xi32, #tpu.memory_space<vmem>>
    %dma_start3A_9 = tpu.memref_squeeze %dma_start3A_8 : memref<1x1x100xi32, #tpu.memory_space<vmem>> -> memref<100xi32, #tpu.memory_space<vmem>>
    %dma_start3A_10 = arith.constant 0 : i32
    %dma_start3A_11 = arith.constant 0 : i32
    %dma_start3A_12 = tpu.memref_slice %arg4[%dma_start3A_10, %dma_start3A_11] : memref<100000x128xf32, #tpu.memory_space<hbm>> -> memref<100000x128xf32, #tpu.memory_space<hbm>>
    tpu.enqueue_indirect_dma source(%dma_start3A_12 : memref<100000x128xf32, #tpu.memory_space<hbm>>) target(%dma_start3A_6 : memref<100x128xf32, #tpu.memory_space<vmem>>) offsets(%dma_start3A_9 : memref<100xi32, #tpu.memory_space<vmem>>) semaphore(%arg12 : memref<!tpu.dma_semaphore, #tpu.memory_space<semaphore_mem>>)
    %dma_start3A_13 = arith.constant 0 : i32
    %dma_start3A_14 = arith.constant 1 : i32
    %dma_start3A_15 = arith.constant 0 : i32
    %dma_start3A_16 = arith.constant 100 : i32
    %dma_start3A_17 = arith.constant 0 : i32
    %dma_start3A_18 = tpu.memref_slice %arg9[%dma_start3A_15, %dma_start3A_16, %dma_start3A_17] : memref<2x200x128xf32, #tpu.memory_space<vmem>> -> memref<1x100x128xf32, #tpu.memory_space<vmem>>
    %dma_start3A_19 = tpu.memref_squeeze %dma_start3A_18 : memref<1x100x128xf32, #tpu.memory_space<vmem>> -> memref<100x128xf32, #tpu.memory_space<vmem>>
    %dma_start3A_20 = arith.constant 0 : i32
    %dma_start3A_21 = tpu.memref_slice %arg7[%dma_start3A_13, %dma_start3A_14, %dma_start3A_20] : memref<128x2x100xi32, #tpu.memory_space<vmem>> -> memref<1x1x100xi32, #tpu.memory_space<vmem>>
    %dma_start3A_22 = tpu.memref_squeeze %dma_start3A_21 : memref<1x1x100xi32, #tpu.memory_space<vmem>> -> memref<100xi32, #tpu.memory_space<vmem>>
    %dma_start3A_23 = arith.constant 0 : i32
    %dma_start3A_24 = arith.constant 0 : i32
    %dma_start3A_25 = tpu.memref_slice %arg4[%dma_start3A_23, %dma_start3A_24] : memref<100000x128xf32, #tpu.memory_space<hbm>> -> memref<100000x128xf32, #tpu.memory_space<hbm>>
    tpu.enqueue_indirect_dma source(%dma_start3A_25 : memref<100000x128xf32, #tpu.memory_space<hbm>>) target(%dma_start3A_19 : memref<100x128xf32, #tpu.memory_space<vmem>>) offsets(%dma_start3A_22 : memref<100xi32, #tpu.memory_space<vmem>>) semaphore(%arg12 : memref<!tpu.dma_semaphore, #tpu.memory_space<semaphore_mem>>)
    %dma_start3A_26 = arith.constant 0 : i32
    %dma_start3A_27 = arith.constant 0 : i32
    %dma_start3A_28 = arith.constant 0 : i32
    %dma_start3A_29 = arith.constant 0 : i32
    %dma_start3A_30 = tpu.memref_slice %arg10[%dma_start3A_27, %dma_start3A_28, %dma_start3A_29] : memref<2x1x1024xf32, #tpu.memory_space<vmem>> -> memref<1x1x1024xf32, #tpu.memory_space<vmem>>
    %dma_start3A_31 = tpu.memref_squeeze %dma_start3A_30 : memref<1x1x1024xf32, #tpu.memory_space<vmem>> -> memref<1x1024xf32, #tpu.memory_space<vmem>>
    %dma_start3A_32 = arith.constant 0 : i32
    %dma_start3A_33 = tpu.memref_slice %arg8[%dma_start3A_26, %dma_start3A_32] : memref<128x1xi32, #tpu.memory_space<vmem>> -> memref<1x1xi32, #tpu.memory_space<vmem>>
    %dma_start3A_34 = tpu.memref_squeeze %dma_start3A_33 : memref<1x1xi32, #tpu.memory_space<vmem>> -> memref<1xi32, #tpu.memory_space<vmem>>
    %dma_start3A_35 = arith.constant 0 : i32
    %dma_start3A_36 = arith.constant 0 : i32
    %dma_start3A_37 = tpu.memref_slice %arg5[%dma_start3A_35, %dma_start3A_36] : memref<100000x1024xf32, #tpu.memory_space<hbm>> -> memref<100000x1024xf32, #tpu.memory_space<hbm>>
    tpu.enqueue_indirect_dma source(%dma_start3A_37 : memref<100000x1024xf32, #tpu.memory_space<hbm>>) target(%dma_start3A_31 : memref<1x1024xf32, #tpu.memory_space<vmem>>) offsets(%dma_start3A_34 : memref<1xi32, #tpu.memory_space<vmem>>) semaphore(%arg14 : memref<!tpu.dma_semaphore, #tpu.memory_space<semaphore_mem>>)
    %scan3A = arith.constant 0 : i32
    %scan3A_38 = arith.constant 0 : i32
    %scan3A_39 = arith.constant 64 : i32
    %scan3A_40 = arith.addi %scan3A_38, %scan3A_39 : i32
    %scan3A_41 = arith.constant 1 : i32
    scf.for %scan3A_72 = %scan3A_38 to %scan3A_40 step %scan3A_41  : i32 {
      %mul3A_73 = arith.constant 2 : i32
      %mul3A_74 = arith.muli %mul3A_73, %scan3A_72 : i32
      %add3A_75 = arith.constant 1 : i32
      %add3A_76 = arith.addi %mul3A_74, %add3A_75 : i32
      %dma_start3A_77 = arith.constant 0 : i32
      %dma_start3A_78 = arith.constant 1 : i32
      %dma_start3A_79 = arith.constant 0 : i32
      %dma_start3A_80 = arith.constant 0 : i32
      %dma_start3A_81 = tpu.memref_slice %arg9[%dma_start3A_78, %dma_start3A_79, %dma_start3A_80] : memref<2x200x128xf32, #tpu.memory_space<vmem>> -> memref<1x100x128xf32, #tpu.memory_space<vmem>>
      %dma_start3A_82 = tpu.memref_squeeze %dma_start3A_81 : memref<1x100x128xf32, #tpu.memory_space<vmem>> -> memref<100x128xf32, #tpu.memory_space<vmem>>
      %dma_start3A_83 = arith.constant 0 : i32
      %dma_start3A_84 = tpu.memref_slice %arg7[%add3A_76, %dma_start3A_77, %dma_start3A_83] : memref<128x2x100xi32, #tpu.memory_space<vmem>> -> memref<1x1x100xi32, #tpu.memory_space<vmem>>
      %dma_start3A_85 = tpu.memref_squeeze %dma_start3A_84 : memref<1x1x100xi32, #tpu.memory_space<vmem>> -> memref<100xi32, #tpu.memory_space<vmem>>
      %dma_start3A_86 = arith.constant 0 : i32
      %dma_start3A_87 = arith.constant 0 : i32
      %dma_start3A_88 = tpu.memref_slice %arg4[%dma_start3A_86, %dma_start3A_87] : memref<100000x128xf32, #tpu.memory_space<hbm>> -> memref<100000x128xf32, #tpu.memory_space<hbm>>
      tpu.enqueue_indirect_dma source(%dma_start3A_88 : memref<100000x128xf32, #tpu.memory_space<hbm>>) target(%dma_start3A_82 : memref<100x128xf32, #tpu.memory_space<vmem>>) offsets(%dma_start3A_85 : memref<100xi32, #tpu.memory_space<vmem>>) semaphore(%arg13 : memref<!tpu.dma_semaphore, #tpu.memory_space<semaphore_mem>>)
      %dma_start3A_89 = arith.constant 1 : i32
      %dma_start3A_90 = arith.constant 1 : i32
      %dma_start3A_91 = arith.constant 100 : i32
      %dma_start3A_92 = arith.constant 0 : i32
      %dma_start3A_93 = tpu.memref_slice %arg9[%dma_start3A_90, %dma_start3A_91, %dma_start3A_92] : memref<2x200x128xf32, #tpu.memory_space<vmem>> -> memref<1x100x128xf32, #tpu.memory_space<vmem>>
      %dma_start3A_94 = tpu.memref_squeeze %dma_start3A_93 : memref<1x100x128xf32, #tpu.memory_space<vmem>> -> memref<100x128xf32, #tpu.memory_space<vmem>>
      %dma_start3A_95 = arith.constant 0 : i32
      %dma_start3A_96 = tpu.memref_slice %arg7[%add3A_76, %dma_start3A_89, %dma_start3A_95] : memref<128x2x100xi32, #tpu.memory_space<vmem>> -> memref<1x1x100xi32, #tpu.memory_space<vmem>>
      %dma_start3A_97 = tpu.memref_squeeze %dma_start3A_96 : memref<1x1x100xi32, #tpu.memory_space<vmem>> -> memref<100xi32, #tpu.memory_space<vmem>>
      %dma_start3A_98 = arith.constant 0 : i32
      %dma_start3A_99 = arith.constant 0 : i32
      %dma_start3A_100 = tpu.memref_slice %arg4[%dma_start3A_98, %dma_start3A_99] : memref<100000x128xf32, #tpu.memory_space<hbm>> -> memref<100000x128xf32, #tpu.memory_space<hbm>>
      tpu.enqueue_indirect_dma source(%dma_start3A_100 : memref<100000x128xf32, #tpu.memory_space<hbm>>) target(%dma_start3A_94 : memref<100x128xf32, #tpu.memory_space<vmem>>) offsets(%dma_start3A_97 : memref<100xi32, #tpu.memory_space<vmem>>) semaphore(%arg13 : memref<!tpu.dma_semaphore, #tpu.memory_space<semaphore_mem>>)
      %dma_start3A_101 = arith.constant 1 : i32
      %dma_start3A_102 = arith.constant 0 : i32
      %dma_start3A_103 = arith.constant 0 : i32
      %dma_start3A_104 = tpu.memref_slice %arg10[%dma_start3A_101, %dma_start3A_102, %dma_start3A_103] : memref<2x1x1024xf32, #tpu.memory_space<vmem>> -> memref<1x1x1024xf32, #tpu.memory_space<vmem>>
      %dma_start3A_105 = tpu.memref_squeeze %dma_start3A_104 : memref<1x1x1024xf32, #tpu.memory_space<vmem>> -> memref<1x1024xf32, #tpu.memory_space<vmem>>
      %dma_start3A_106 = arith.constant 0 : i32
      %dma_start3A_107 = tpu.memref_slice %arg8[%add3A_76, %dma_start3A_106] : memref<128x1xi32, #tpu.memory_space<vmem>> -> memref<1x1xi32, #tpu.memory_space<vmem>>
      %dma_start3A_108 = tpu.memref_squeeze %dma_start3A_107 : memref<1x1xi32, #tpu.memory_space<vmem>> -> memref<1xi32, #tpu.memory_space<vmem>>
      %dma_start3A_109 = arith.constant 0 : i32
      %dma_start3A_110 = arith.constant 0 : i32
      %dma_start3A_111 = tpu.memref_slice %arg5[%dma_start3A_109, %dma_start3A_110] : memref<100000x1024xf32, #tpu.memory_space<hbm>> -> memref<100000x1024xf32, #tpu.memory_space<hbm>>
      tpu.enqueue_indirect_dma source(%dma_start3A_111 : memref<100000x1024xf32, #tpu.memory_space<hbm>>) target(%dma_start3A_105 : memref<1x1024xf32, #tpu.memory_space<vmem>>) offsets(%dma_start3A_108 : memref<1xi32, #tpu.memory_space<vmem>>) semaphore(%arg15 : memref<!tpu.dma_semaphore, #tpu.memory_space<semaphore_mem>>)
      %dma_wait3A_112 = arith.constant 0 : i32
      %dma_wait3A_113 = arith.constant 0 : i32
      %dma_wait3A_114 = arith.constant 0 : i32
      %dma_wait3A_115 = tpu.memref_slice %arg9[%dma_wait3A_112, %dma_wait3A_113, %dma_wait3A_114] : memref<2x200x128xf32, #tpu.memory_space<vmem>> -> memref<1x200x128xf32, #tpu.memory_space<vmem>>
      %dma_wait3A_116 = tpu.memref_squeeze %dma_wait3A_115 : memref<1x200x128xf32, #tpu.memory_space<vmem>> -> memref<200x128xf32, #tpu.memory_space<vmem>>
      %dma_wait3A_117 = arith.constant 0 : i32
      %dma_wait3A_118 = arith.constant 0 : i32
      %dma_wait3A_119 = tpu.memref_slice %arg4[%dma_wait3A_117, %dma_wait3A_118] : memref<100000x128xf32, #tpu.memory_space<hbm>> -> memref<200x128xf32, #tpu.memory_space<hbm>>
      %dma_wait3A_120 = arith.constant 0 : i32
      %dma_wait3A_121 = arith.constant 0 : i32
      %dma_wait3A_122 = tpu.memref_slice %arg9[%dma_wait3A_112, %dma_wait3A_120, %dma_wait3A_121] : memref<2x200x128xf32, #tpu.memory_space<vmem>> -> memref<1x200x128xf32, #tpu.memory_space<vmem>>
      %dma_wait3A_123 = tpu.memref_squeeze %dma_wait3A_122 : memref<1x200x128xf32, #tpu.memory_space<vmem>> -> memref<200x128xf32, #tpu.memory_space<vmem>>
      %dma_wait3A_124 = arith.constant 0 : i32
      %dma_wait3A_125 = arith.constant 0 : i32
      %dma_wait3A_126 = tpu.memref_slice %arg4[%dma_wait3A_124, %dma_wait3A_125] : memref<100000x128xf32, #tpu.memory_space<hbm>> -> memref<200x128xf32, #tpu.memory_space<hbm>>
      tpu.wait_dma2 semaphore(%arg12 : memref<!tpu.dma_semaphore, #tpu.memory_space<semaphore_mem>>) src(%dma_wait3A_126 : memref<200x128xf32, #tpu.memory_space<hbm>>) dst(%dma_wait3A_123 : memref<200x128xf32, #tpu.memory_space<vmem>>)
      %dma_wait3A_127 = arith.constant 0 : i32
      %dma_wait3A_128 = arith.constant 0 : i32
      %dma_wait3A_129 = arith.constant 0 : i32
      %dma_wait3A_130 = tpu.memref_slice %arg10[%dma_wait3A_127, %dma_wait3A_128, %dma_wait3A_129] : memref<2x1x1024xf32, #tpu.memory_space<vmem>> -> memref<1x1x1024xf32, #tpu.memory_space<vmem>>
      %dma_wait3A_131 = tpu.memref_squeeze %dma_wait3A_130 : memref<1x1x1024xf32, #tpu.memory_space<vmem>> -> memref<1x1024xf32, #tpu.memory_space<vmem>>
      %dma_wait3A_132 = arith.constant 0 : i32
      %dma_wait3A_133 = arith.constant 0 : i32
      %dma_wait3A_134 = tpu.memref_slice %arg5[%dma_wait3A_132, %dma_wait3A_133] : memref<100000x1024xf32, #tpu.memory_space<hbm>> -> memref<1x1024xf32, #tpu.memory_space<hbm>>
      %dma_wait3A_135 = arith.constant 0 : i32
      %dma_wait3A_136 = arith.constant 0 : i32
      %dma_wait3A_137 = tpu.memref_slice %arg10[%dma_wait3A_127, %dma_wait3A_135, %dma_wait3A_136] : memref<2x1x1024xf32, #tpu.memory_space<vmem>> -> memref<1x1x1024xf32, #tpu.memory_space<vmem>>
      %dma_wait3A_138 = tpu.memref_squeeze %dma_wait3A_137 : memref<1x1x1024xf32, #tpu.memory_space<vmem>> -> memref<1x1024xf32, #tpu.memory_space<vmem>>
      %dma_wait3A_139 = arith.constant 0 : i32
      %dma_wait3A_140 = arith.constant 0 : i32
      %dma_wait3A_141 = tpu.memref_slice %arg5[%dma_wait3A_139, %dma_wait3A_140] : memref<100000x1024xf32, #tpu.memory_space<hbm>> -> memref<1x1024xf32, #tpu.memory_space<hbm>>
      tpu.wait_dma2 semaphore(%arg14 : memref<!tpu.dma_semaphore, #tpu.memory_space<semaphore_mem>>) src(%dma_wait3A_141 : memref<1x1024xf32, #tpu.memory_space<hbm>>) dst(%dma_wait3A_138 : memref<1x1024xf32, #tpu.memory_space<vmem>>)
      %broadcast_in_dim3A = arith.constant 0.000000e+00 : f32
      %broadcast_in_dim3A_142 = vector.broadcast %broadcast_in_dim3A : f32 to vector<16xf32>
      %broadcast_in_dim3A_143 = arith.constant 0.000000e+00 : f32
      %broadcast_in_dim3A_144 = vector.broadcast %broadcast_in_dim3A_143 : f32 to vector<16xf32>
      %broadcast_in_dim3A_145 = arith.constant 0.000000e+00 : f32
      %broadcast_in_dim3A_146 = vector.broadcast %broadcast_in_dim3A_145 : f32 to vector<16xf32>
      %broadcast_in_dim3A_147 = arith.constant 0.000000e+00 : f32
      %broadcast_in_dim3A_148 = vector.broadcast %broadcast_in_dim3A_147 : f32 to vector<16xf32>
      %broadcast_in_dim3A_149 = arith.constant 0.000000e+00 : f32
      %broadcast_in_dim3A_150 = vector.broadcast %broadcast_in_dim3A_149 : f32 to vector<16xf32>
      %broadcast_in_dim3A_151 = arith.constant 0.000000e+00 : f32
      %broadcast_in_dim3A_152 = vector.broadcast %broadcast_in_dim3A_151 : f32 to vector<16xf32>
      %broadcast_in_dim3A_153 = arith.constant 0.000000e+00 : f32
      %broadcast_in_dim3A_154 = vector.broadcast %broadcast_in_dim3A_153 : f32 to vector<16xf32>
      %broadcast_in_dim3A_155 = arith.constant 0.000000e+00 : f32
      %broadcast_in_dim3A_156 = vector.broadcast %broadcast_in_dim3A_155 : f32 to vector<16xf32>
      %parallel_loop3A = arith.constant 0 : i32
      %parallel_loop3A_157 = arith.constant 200 : i32
      %parallel_loop3A_158 = arith.constant 1 : i32
      %parallel_loop3A_159:8 = scf.for %parallel_loop3A_5003 = %parallel_loop3A to %parallel_loop3A_157 step %parallel_loop3A_158 iter_args(%parallel_loop3A_5004 = %broadcast_in_dim3A_142, %parallel_loop3A_5005 = %broadcast_in_dim3A_144, %parallel_loop3A_5006 = %broadcast_in_dim3A_146, %parallel_loop3A_5007 = %broadcast_in_dim3A_148, %parallel_loop3A_5008 = %broadcast_in_dim3A_150, %parallel_loop3A_5009 = %broadcast_in_dim3A_152, %parallel_loop3A_5010 = %broadcast_in_dim3A_154, %parallel_loop3A_5011 = %broadcast_in_dim3A_156) -> (vector<16xf32>, vector<16xf32>, vector<16xf32>, vector<16xf32>, vector<16xf32>, vector<16xf32>, vector<16xf32>, vector<16xf32>)  : i32 {
        %parallel_loop3A_5012 = arith.constant 0 : i32
        %parallel_loop3A_5013 = arith.index_cast %parallel_loop3A_5012 : i32 to index
        %parallel_loop3A_5014 = arith.index_cast %parallel_loop3A_5003 : i32 to index
        %parallel_loop3A_5015 = arith.constant 0 : index
        %parallel_loop3A_5016 = tpu.vector_load %arg9[%parallel_loop3A_5013, %parallel_loop3A_5014, %parallel_loop3A_5015] {strides = array<i32>} : memref<2x200x128xf32, #tpu.memory_space<vmem>>, vector<16xf32>,
        %parallel_loop3A_5017 = arith.addf %parallel_loop3A_5004, %parallel_loop3A_5016 : vector<16xf32>
        %parallel_loop3A_5018 = arith.constant 0 : i32
        %parallel_loop3A_5019 = arith.index_cast %parallel_loop3A_5018 : i32 to index
        %parallel_loop3A_5020 = arith.index_cast %parallel_loop3A_5003 : i32 to index
        %parallel_loop3A_5021 = arith.constant 16 : index
        %parallel_loop3A_5022 = tpu.vector_load %arg9[%parallel_loop3A_5019, %parallel_loop3A_5020, %parallel_loop3A_5021] {strides = array<i32>} : memref<2x200x128xf32, #tpu.memory_space<vmem>>, vector<16xf32>,
        %parallel_loop3A_5023 = arith.addf %parallel_loop3A_5005, %parallel_loop3A_5022 : vector<16xf32>
        %parallel_loop3A_5024 = arith.constant 0 : i32
        %parallel_loop3A_5025 = arith.index_cast %parallel_loop3A_5024 : i32 to index
        %parallel_loop3A_5026 = arith.index_cast %parallel_loop3A_5003 : i32 to index
        %parallel_loop3A_5027 = arith.constant 32 : index
        %parallel_loop3A_5028 = tpu.vector_load %arg9[%parallel_loop3A_5025, %parallel_loop3A_5026, %parallel_loop3A_5027] {strides = array<i32>} : memref<2x200x128xf32, #tpu.memory_space<vmem>>, vector<16xf32>,
        %parallel_loop3A_5029 = arith.addf %parallel_loop3A_5006, %parallel_loop3A_5028 : vector<16xf32>
        %parallel_loop3A_5030 = arith.constant 0 : i32
        %parallel_loop3A_5031 = arith.index_cast %parallel_loop3A_5030 : i32 to index
        %parallel_loop3A_5032 = arith.index_cast %parallel_loop3A_5003 : i32 to index
        %parallel_loop3A_5033 = arith.constant 48 : index
        %parallel_loop3A_5034 = tpu.vector_load %arg9[%parallel_loop3A_5031, %parallel_loop3A_5032, %parallel_loop3A_5033] {strides = array<i32>} : memref<2x200x128xf32, #tpu.memory_space<vmem>>, vector<16xf32>,
        %parallel_loop3A_5035 = arith.addf %parallel_loop3A_5007, %parallel_loop3A_5034 : vector<16xf32>
        %parallel_loop3A_5036 = arith.constant 0 : i32
        %parallel_loop3A_5037 = arith.index_cast %parallel_loop3A_5036 : i32 to index
        %parallel_loop3A_5038 = arith.index_cast %parallel_loop3A_5003 : i32 to index
        %parallel_loop3A_5039 = arith.constant 64 : index
        %parallel_loop3A_5040 = tpu.vector_load %arg9[%parallel_loop3A_5037, %parallel_loop3A_5038, %parallel_loop3A_5039] {strides = array<i32>} : memref<2x200x128xf32, #tpu.memory_space<vmem>>, vector<16xf32>,
        %parallel_loop3A_5041 = arith.addf %parallel_loop3A_5008, %parallel_loop3A_5040 : vector<16xf32>
        %parallel_loop3A_5042 = arith.constant 0 : i32
        %parallel_loop3A_5043 = arith.index_cast %parallel_loop3A_5042 : i32 to index
        %parallel_loop3A_5044 = arith.index_cast %parallel_loop3A_5003 : i32 to index
        %parallel_loop3A_5045 = arith.constant 80 : index
        %parallel_loop3A_5046 = tpu.vector_load %arg9[%parallel_loop3A_5043, %parallel_loop3A_5044, %parallel_loop3A_5045] {strides = array<i32>} : memref<2x200x128xf32, #tpu.memory_space<vmem>>, vector<16xf32>,
        %parallel_loop3A_5047 = arith.addf %parallel_loop3A_5009, %parallel_loop3A_5046 : vector<16xf32>
        %parallel_loop3A_5048 = arith.constant 0 : i32
        %parallel_loop3A_5049 = arith.index_cast %parallel_loop3A_5048 : i32 to index
        %parallel_loop3A_5050 = arith.index_cast %parallel_loop3A_5003 : i32 to index
        %parallel_loop3A_5051 = arith.constant 96 : index
        %parallel_loop3A_5052 = tpu.vector_load %arg9[%parallel_loop3A_5049, %parallel_loop3A_5050, %parallel_loop3A_5051] {strides = array<i32>} : memref<2x200x128xf32, #tpu.memory_space<vmem>>, vector<16xf32>,
        %parallel_loop3A_5053 = arith.addf %parallel_loop3A_5010, %parallel_loop3A_5052 : vector<16xf32>
        %parallel_loop3A_5054 = arith.constant 0 : i32
        %parallel_loop3A_5055 = arith.index_cast %parallel_loop3A_5054 : i32 to index
        %parallel_loop3A_5056 = arith.index_cast %parallel_loop3A_5003 : i32 to index
        %parallel_loop3A_5057 = arith.constant 112 : index
        %parallel_loop3A_5058 = tpu.vector_load %arg9[%parallel_loop3A_5055, %parallel_loop3A_5056, %parallel_loop3A_5057] {strides = array<i32>} : memref<2x200x128xf32, #tpu.memory_space<vmem>>, vector<16xf32>,
        %parallel_loop3A_5059 = arith.addf %parallel_loop3A_5011, %parallel_loop3A_5058 : vector<16xf32>
        scf.yield %parallel_loop3A_5017, %parallel_loop3A_5023, %parallel_loop3A_5029, %parallel_loop3A_5035, %parallel_loop3A_5041, %parallel_loop3A_5047, %parallel_loop3A_5053, %parallel_loop3A_5059 : vector<16xf32>, vector<16xf32>, vector<16xf32>, vector<16xf32>, vector<16xf32>, vector<16xf32>, vector<16xf32>, vector<16xf32>
      } {sc.loop_unroll_factor = 4 : i64, sc.parallel_access}
      %bitcast3A = vector.bitcast %parallel_loop3A_159#0 : vector<16xf32> to vector<16xi32>
      %add3A_160 = arith.constant 32767 : i32
      %add3A_161 = vector.broadcast %add3A_160 : i32 to vector<16xi32>
      %add3A_162 = arith.addi %bitcast3A, %add3A_161 : vector<16xi32>
      %shift_right_arithmetic3A = arith.constant 16 : i32
      %shift_right_arithmetic3A_163 = vector.broadcast %shift_right_arithmetic3A : i32 to vector<16xi32>
      %shift_right_arithmetic3A_164 = arith.shrsi %bitcast3A, %shift_right_arithmetic3A_163 : vector<16xi32>
      %and3A = arith.constant 1 : i32
      %and3A_165 = vector.broadcast %and3A : i32 to vector<16xi32>
      %and3A_166 = arith.andi %shift_right_arithmetic3A_164, %and3A_165 : vector<16xi32>
      %add3A_167 = arith.addi %add3A_162, %and3A_166 : vector<16xi32>
      %and3A_168 = arith.constant -65536 : i32
      %and3A_169 = vector.broadcast %and3A_168 : i32 to vector<16xi32>
      %and3A_170 = arith.andi %add3A_167, %and3A_169 : vector<16xi32>
      %bitcast3A_171 = vector.bitcast %and3A_170 : vector<16xi32> to vector<16xf32>
      %bitcast3A_172 = vector.bitcast %parallel_loop3A_159#1 : vector<16xf32> to vector<16xi32>
      %add3A_173 = arith.constant 32767 : i32
      %add3A_174 = vector.broadcast %add3A_173 : i32 to vector<16xi32>
      %add3A_175 = arith.addi %bitcast3A_172, %add3A_174 : vector<16xi32>
      %shift_right_arithmetic3A_176 = arith.constant 16 : i32
      %shift_right_arithmetic3A_177 = vector.broadcast %shift_right_arithmetic3A_176 : i32 to vector<16xi32>
      %shift_right_arithmetic3A_178 = arith.shrsi %bitcast3A_172, %shift_right_arithmetic3A_177 : vector<16xi32>
      %and3A_179 = arith.constant 1 : i32
      %and3A_180 = vector.broadcast %and3A_179 : i32 to vector<16xi32>
      %and3A_181 = arith.andi %shift_right_arithmetic3A_178, %and3A_180 : vector<16xi32>
      %add3A_182 = arith.addi %add3A_175, %and3A_181 : vector<16xi32>
      %and3A_183 = arith.constant -65536 : i32
      %and3A_184 = vector.broadcast %and3A_183 : i32 to vector<16xi32>
      %and3A_185 = arith.andi %add3A_182, %and3A_184 : vector<16xi32>
      %bitcast3A_186 = vector.bitcast %and3A_185 : vector<16xi32> to vector<16xf32>
      %bitcast3A_187 = vector.bitcast %parallel_loop3A_159#2 : vector<16xf32> to vector<16xi32>
      %add3A_188 = arith.constant 32767 : i32
      %add3A_189 = vector.broadcast %add3A_188 : i32 to vector<16xi32>
      %add3A_190 = arith.addi %bitcast3A_187, %add3A_189 : vector<16xi32>
      %shift_right_arithmetic3A_191 = arith.constant 16 : i32
      %shift_right_arithmetic3A_192 = vector.broadcast %shift_right_arithmetic3A_191 : i32 to vector<16xi32>
      %shift_right_arithmetic3A_193 = arith.shrsi %bitcast3A_187, %shift_right_arithmetic3A_192 : vector<16xi32>
      %and3A_194 = arith.constant 1 : i32
      %and3A_195 = vector.broadcast %and3A_194 : i32 to vector<16xi32>
      %and3A_196 = arith.andi %shift_right_arithmetic3A_193, %and3A_195 : vector<16xi32>
      %add3A_197 = arith.addi %add3A_190, %and3A_196 : vector<16xi32>
      %and3A_198 = arith.constant -65536 : i32
      %and3A_199 = vector.broadcast %and3A_198 : i32 to vector<16xi32>
      %and3A_200 = arith.andi %add3A_197, %and3A_199 : vector<16xi32>
      %bitcast3A_201 = vector.bitcast %and3A_200 : vector<16xi32> to vector<16xf32>
      %bitcast3A_202 = vector.bitcast %parallel_loop3A_159#3 : vector<16xf32> to vector<16xi32>
      %add3A_203 = arith.constant 32767 : i32
      %add3A_204 = vector.broadcast %add3A_203 : i32 to vector<16xi32>
      %add3A_205 = arith.addi %bitcast3A_202, %add3A_204 : vector<16xi32>
      %shift_right_arithmetic3A_206 = arith.constant 16 : i32
      %shift_right_arithmetic3A_207 = vector.broadcast %shift_right_arithmetic3A_206 : i32 to vector<16xi32>
      %shift_right_arithmetic3A_208 = arith.shrsi %bitcast3A_202, %shift_right_arithmetic3A_207 : vector<16xi32>
      %and3A_209 = arith.constant 1 : i32
      %and3A_210 = vector.broadcast %and3A_209 : i32 to vector<16xi32>
      %and3A_211 = arith.andi %shift_right_arithmetic3A_208, %and3A_210 : vector<16xi32>
      %add3A_212 = arith.addi %add3A_205, %and3A_211 : vector<16xi32>
      %and3A_213 = arith.constant -65536 : i32
      %and3A_214 = vector.broadcast %and3A_213 : i32 to vector<16xi32>
      %and3A_215 = arith.andi %add3A_212, %and3A_214 : vector<16xi32>
      %bitcast3A_216 = vector.bitcast %and3A_215 : vector<16xi32> to vector<16xf32>
      %bitcast3A_217 = vector.bitcast %parallel_loop3A_159#4 : vector<16xf32> to vector<16xi32>
      %add3A_218 = arith.constant 32767 : i32
      %add3A_219 = vector.broadcast %add3A_218 : i32 to vector<16xi32>
      %add3A_220 = arith.addi %bitcast3A_217, %add3A_219 : vector<16xi32>
      %shift_right_arithmetic3A_221 = arith.constant 16 : i32
      %shift_right_arithmetic3A_222 = vector.broadcast %shift_right_arithmetic3A_221 : i32 to vector<16xi32>
      %shift_right_arithmetic3A_223 = arith.shrsi %bitcast3A_217, %shift_right_arithmetic3A_222 : vector<16xi32>
      %and3A_224 = arith.constant 1 : i32
      %and3A_225 = vector.broadcast %and3A_224 : i32 to vector<16xi32>
      %and3A_226 = arith.andi %shift_right_arithmetic3A_223, %and3A_225 : vector<16xi32>
      %add3A_227 = arith.addi %add3A_220, %and3A_226 : vector<16xi32>
      %and3A_228 = arith.constant -65536 : i32
      %and3A_229 = vector.broadcast %and3A_228 : i32 to vector<16xi32>
      %and3A_230 = arith.andi %add3A_227, %and3A_229 : vector<16xi32>
      %bitcast3A_231 = vector.bitcast %and3A_230 : vector<16xi32> to vector<16xf32>
      %bitcast3A_232 = vector.bitcast %parallel_loop3A_159#5 : vector<16xf32> to vector<16xi32>
      %add3A_233 = arith.constant 32767 : i32
      %add3A_234 = vector.broadcast %add3A_233 : i32 to vector<16xi32>
      %add3A_235 = arith.addi %bitcast3A_232, %add3A_234 : vector<16xi32>
      %shift_right_arithmetic3A_236 = arith.constant 16 : i32
      %shift_right_arithmetic3A_237 = vector.broadcast %shift_right_arithmetic3A_236 : i32 to vector<16xi32>
      %shift_right_arithmetic3A_238 = arith.shrsi %bitcast3A_232, %shift_right_arithmetic3A_237 : vector<16xi32>
      %and3A_239 = arith.constant 1 : i32
      %and3A_240 = vector.broadcast %and3A_239 : i32 to vector<16xi32>
      %and3A_241 = arith.andi %shift_right_arithmetic3A_238, %and3A_240 : vector<16xi32>
      %add3A_242 = arith.addi %add3A_235, %and3A_241 : vector<16xi32>
      %and3A_243 = arith.constant -65536 : i32
      %and3A_244 = vector.broadcast %and3A_243 : i32 to vector<16xi32>
      %and3A_245 = arith.andi %add3A_242, %and3A_244 : vector<16xi32>
      %bitcast3A_246 = vector.bitcast %and3A_245 : vector<16xi32> to vector<16xf32>
      %bitcast3A_247 = vector.bitcast %parallel_loop3A_159#6 : vector<16xf32> to vector<16xi32>
      %add3A_248 = arith.constant 32767 : i32
      %add3A_249 = vector.broadcast %add3A_248 : i32 to vector<16xi32>
      %add3A_250 = arith.addi %bitcast3A_247, %add3A_249 : vector<16xi32>
      %shift_right_arithmetic3A_251 = arith.constant 16 : i32
      %shift_right_arithmetic3A_252 = vector.broadcast %shift_right_arithmetic3A_251 : i32 to vector<16xi32>
      %shift_right_arithmetic3A_253 = arith.shrsi %bitcast3A_247, %shift_right_arithmetic3A_252 : vector<16xi32>
      %and3A_254 = arith.constant 1 : i32
      %and3A_255 = vector.broadcast %and3A_254 : i32 to vector<16xi32>
      %and3A_256 = arith.andi %shift_right_arithmetic3A_253, %and3A_255 : vector<16xi32>
      %add3A_257 = arith.addi %add3A_250, %and3A_256 : vector<16xi32>
      %and3A_258 = arith.constant -65536 : i32
      %and3A_259 = vector.broadcast %and3A_258 : i32 to vector<16xi32>
      %and3A_260 = arith.andi %add3A_257, %and3A_259 : vector<16xi32>
      %bitcast3A_261 = vector.bitcast %and3A_260 : vector<16xi32> to vector<16xf32>
      %bitcast3A_262 = vector.bitcast %parallel_loop3A_159#7 : vector<16xf32> to vector<16xi32>
      %add3A_263 = arith.constant 32767 : i32
      %add3A_264 = vector.broadcast %add3A_263 : i32 to vector<16xi32>
      %add3A_265 = arith.addi %bitcast3A_262, %add3A_264 : vector<16xi32>
      %shift_right_arithmetic3A_266 = arith.constant 16 : i32
      %shift_right_arithmetic3A_267 = vector.broadcast %shift_right_arithmetic3A_266 : i32 to vector<16xi32>
      %shift_right_arithmetic3A_268 = arith.shrsi %bitcast3A_262, %shift_right_arithmetic3A_267 : vector<16xi32>
      %and3A_269 = arith.constant 1 : i32
      %and3A_270 = vector.broadcast %and3A_269 : i32 to vector<16xi32>
      %and3A_271 = arith.andi %shift_right_arithmetic3A_268, %and3A_270 : vector<16xi32>
      %add3A_272 = arith.addi %add3A_265, %and3A_271 : vector<16xi32>
      %and3A_273 = arith.constant -65536 : i32
      %and3A_274 = vector.broadcast %and3A_273 : i32 to vector<16xi32>
      %and3A_275 = arith.andi %add3A_272, %and3A_274 : vector<16xi32>
      %bitcast3A_276 = vector.bitcast %and3A_275 : vector<16xi32> to vector<16xf32>
      %broadcast_in_dim3A_277 = arith.constant 0.000000e+00 : f32
      %broadcast_in_dim3A_278 = vector.broadcast %broadcast_in_dim3A_277 : f32 to vector<16xf32>
      %add3A_279 = arith.constant 0 : i32
      %add3A_280 = vector.broadcast %add3A_279 : i32 to vector<16xi32>
      %add3A_281 = arith.addi %iota3A, %add3A_280 : vector<16xi32>
      %mul3A_282 = arith.constant 8 : i32
      %mul3A_283 = vector.broadcast %mul3A_282 : i32 to vector<16xi32>
      %mul3A_284 = arith.muli %add3A_281, %mul3A_283 : vector<16xi32>
      %add3A_285 = arith.constant 0 : i32
      %add3A_286 = vector.broadcast %add3A_285 : i32 to vector<16xi32>
      %add3A_287 = arith.addi %mul3A_284, %add3A_286 : vector<16xi32>
      %gather3A = arith.constant 0 : i32
      %gather3A_288 = arith.constant 0 : i32
      %gather3A_289 = arith.constant 0 : i32
      %gather3A_290 = tpu.memref_slice %arg10[%gather3A, %gather3A_288, %gather3A_289] : memref<2x1x1024xf32, #tpu.memory_space<vmem>> -> memref<1x1x1024xf32, #tpu.memory_space<vmem>>
      %gather3A_291 = tpu.memref_squeeze %gather3A_290 : memref<1x1x1024xf32, #tpu.memory_space<vmem>> -> memref<1024xf32, #tpu.memory_space<vmem>>
      %gather3A_292 = tpu.vector_load_idx %gather3A_291[%add3A_287] : memref<1024xf32, #tpu.memory_space<vmem>>[vector<16xi32>], vector<16xf32>,
      %bitcast3A_293 = vector.bitcast %gather3A_292 : vector<16xf32> to vector<16xi32>
      %add3A_294 = arith.constant 32767 : i32
      %add3A_295 = vector.broadcast %add3A_294 : i32 to vector<16xi32>
      %add3A_296 = arith.addi %bitcast3A_293, %add3A_295 : vector<16xi32>
      %shift_right_arithmetic3A_297 = arith.constant 16 : i32
      %shift_right_arithmetic3A_298 = vector.broadcast %shift_right_arithmetic3A_297 : i32 to vector<16xi32>
      %shift_right_arithmetic3A_299 = arith.shrsi %bitcast3A_293, %shift_right_arithmetic3A_298 : vector<16xi32>
      %and3A_300 = arith.constant 1 : i32
      %and3A_301 = vector.broadcast %and3A_300 : i32 to vector<16xi32>
      %and3A_302 = arith.andi %shift_right_arithmetic3A_299, %and3A_301 : vector<16xi32>
      %add3A_303 = arith.addi %add3A_296, %and3A_302 : vector<16xi32>
      %and3A_304 = arith.constant -65536 : i32
      %and3A_305 = vector.broadcast %and3A_304 : i32 to vector<16xi32>
      %and3A_306 = arith.andi %add3A_303, %and3A_305 : vector<16xi32>
      %bitcast3A_307 = vector.bitcast %and3A_306 : vector<16xi32> to vector<16xf32>
      %mul3A_308 = arith.mulf %bitcast3A_171, %bitcast3A_307 : vector<16xf32>
      %add3A_309 = arith.addf %broadcast_in_dim3A_278, %mul3A_308 : vector<16xf32>
      %add3A_310 = arith.constant 16 : i32
      %add3A_311 = vector.broadcast %add3A_310 : i32 to vector<16xi32>
      %add3A_312 = arith.addi %iota3A, %add3A_311 : vector<16xi32>
      %mul3A_313 = arith.constant 8 : i32
      %mul3A_314 = vector.broadcast %mul3A_313 : i32 to vector<16xi32>
      %mul3A_315 = arith.muli %add3A_312, %mul3A_314 : vector<16xi32>
      %add3A_316 = arith.constant 0 : i32
      %add3A_317 = vector.broadcast %add3A_316 : i32 to vector<16xi32>
      %add3A_318 = arith.addi %mul3A_315, %add3A_317 : vector<16xi32>
      %gather3A_319 = arith.constant 0 : i32
      %gather3A_320 = arith.constant 0 : i32
      %gather3A_321 = arith.constant 0 : i32
      %gather3A_322 = tpu.memref_slice %arg10[%gather3A_319, %gather3A_320, %gather3A_321] : memref<2x1x1024xf32, #tpu.memory_space<vmem>> -> memref<1x1x1024xf32, #tpu.memory_space<vmem>>
      %gather3A_323 = tpu.memref_squeeze %gather3A_322 : memref<1x1x1024xf32, #tpu.memory_space<vmem>> -> memref<1024xf32, #tpu.memory_space<vmem>>
      %gather3A_324 = tpu.vector_load_idx %gather3A_323[%add3A_318] : memref<1024xf32, #tpu.memory_space<vmem>>[vector<16xi32>], vector<16xf32>,
      %bitcast3A_325 = vector.bitcast %gather3A_324 : vector<16xf32> to vector<16xi32>
      %add3A_326 = arith.constant 32767 : i32
      %add3A_327 = vector.broadcast %add3A_326 : i32 to vector<16xi32>
      %add3A_328 = arith.addi %bitcast3A_325, %add3A_327 : vector<16xi32>
      %shift_right_arithmetic3A_329 = arith.constant 16 : i32
      %shift_right_arithmetic3A_330 = vector.broadcast %shift_right_arithmetic3A_329 : i32 to vector<16xi32>
      %shift_right_arithmetic3A_331 = arith.shrsi %bitcast3A_325, %shift_right_arithmetic3A_330 : vector<16xi32>
      %and3A_332 = arith.constant 1 : i32
      %and3A_333 = vector.broadcast %and3A_332 : i32 to vector<16xi32>
      %and3A_334 = arith.andi %shift_right_arithmetic3A_331, %and3A_333 : vector<16xi32>
      %add3A_335 = arith.addi %add3A_328, %and3A_334 : vector<16xi32>
      %and3A_336 = arith.constant -65536 : i32
      %and3A_337 = vector.broadcast %and3A_336 : i32 to vector<16xi32>
      %and3A_338 = arith.andi %add3A_335, %and3A_337 : vector<16xi32>
      %bitcast3A_339 = vector.bitcast %and3A_338 : vector<16xi32> to vector<16xf32>
      %mul3A_340 = arith.mulf %bitcast3A_186, %bitcast3A_339 : vector<16xf32>
      %add3A_341 = arith.addf %add3A_309, %mul3A_340 : vector<16xf32>
      %add3A_342 = arith.constant 32 : i32
      %add3A_343 = vector.broadcast %add3A_342 : i32 to vector<16xi32>
      %add3A_344 = arith.addi %iota3A, %add3A_343 : vector<16xi32>
      %mul3A_345 = arith.constant 8 : i32
      %mul3A_346 = vector.broadcast %mul3A_345 : i32 to vector<16xi32>
      %mul3A_347 = arith.muli %add3A_344, %mul3A_346 : vector<16xi32>
      %add3A_348 = arith.constant 0 : i32
      %add3A_349 = vector.broadcast %add3A_348 : i32 to vector<16xi32>
      %add3A_350 = arith.addi %mul3A_347, %add3A_349 : vector<16xi32>
      %gather3A_351 = arith.constant 0 : i32
      %gather3A_352 = arith.constant 0 : i32
      %gather3A_353 = arith.constant 0 : i32
      %gather3A_354 = tpu.memref_slice %arg10[%gather3A_351, %gather3A_352, %gather3A_353] : memref<2x1x1024xf32, #tpu.memory_space<vmem>> -> memref<1x1x1024xf32, #tpu.memory_space<vmem>>
      %gather3A_355 = tpu.memref_squeeze %gather3A_354 : memref<1x1x1024xf32, #tpu.memory_space<vmem>> -> memref<1024xf32, #tpu.memory_space<vmem>>
      %gather3A_356 = tpu.vector_load_idx %gather3A_355[%add3A_350] : memref<1024xf32, #tpu.memory_space<vmem>>[vector<16xi32>], vector<16xf32>,
      %bitcast3A_357 = vector.bitcast %gather3A_356 : vector<16xf32> to vector<16xi32>
      %add3A_358 = arith.constant 32767 : i32
      %add3A_359 = vector.broadcast %add3A_358 : i32 to vector<16xi32>
      %add3A_360 = arith.addi %bitcast3A_357, %add3A_359 : vector<16xi32>
      %shift_right_arithmetic3A_361 = arith.constant 16 : i32
      %shift_right_arithmetic3A_362 = vector.broadcast %shift_right_arithmetic3A_361 : i32 to vector<16xi32>
      %shift_right_arithmetic3A_363 = arith.shrsi %bitcast3A_357, %shift_right_arithmetic3A_362 : vector<16xi32>
      %and3A_364 = arith.constant 1 : i32
      %and3A_365 = vector.broadcast %and3A_364 : i32 to vector<16xi32>
      %and3A_366 = arith.andi %shift_right_arithmetic3A_363, %and3A_365 : vector<16xi32>
      %add3A_367 = arith.addi %add3A_360, %and3A_366 : vector<16xi32>
      %and3A_368 = arith.constant -65536 : i32
      %and3A_369 = vector.broadcast %and3A_368 : i32 to vector<16xi32>
      %and3A_370 = arith.andi %add3A_367, %and3A_369 : vector<16xi32>
      %bitcast3A_371 = vector.bitcast %and3A_370 : vector<16xi32> to vector<16xf32>
      %mul3A_372 = arith.mulf %bitcast3A_201, %bitcast3A_371 : vector<16xf32>
      %add3A_373 = arith.addf %add3A_341, %mul3A_372 : vector<16xf32>
      %add3A_374 = arith.constant 48 : i32
      %add3A_375 = vector.broadcast %add3A_374 : i32 to vector<16xi32>
      %add3A_376 = arith.addi %iota3A, %add3A_375 : vector<16xi32>
      %mul3A_377 = arith.constant 8 : i32
      %mul3A_378 = vector.broadcast %mul3A_377 : i32 to vector<16xi32>
      %mul3A_379 = arith.muli %add3A_376, %mul3A_378 : vector<16xi32>
      %add3A_380 = arith.constant 0 : i32
      %add3A_381 = vector.broadcast %add3A_380 : i32 to vector<16xi32>
      %add3A_382 = arith.addi %mul3A_379, %add3A_381 : vector<16xi32>
      %gather3A_383 = arith.constant 0 : i32
      %gather3A_384 = arith.constant 0 : i32
      %gather3A_385 = arith.constant 0 : i32
      %gather3A_386 = tpu.memref_slice %arg10[%gather3A_383, %gather3A_384, %gather3A_385] : memref<2x1x1024xf32, #tpu.memory_space<vmem>> -> memref<1x1x1024xf32, #tpu.memory_space<vmem>>
      %gather3A_387 = tpu.memref_squeeze %gather3A_386 : memref<1x1x1024xf32, #tpu.memory_space<vmem>> -> memref<1024xf32, #tpu.memory_space<vmem>>
      %gather3A_388 = tpu.vector_load_idx %gather3A_387[%add3A_382] : memref<1024xf32, #tpu.memory_space<vmem>>[vector<16xi32>], vector<16xf32>,
      %bitcast3A_389 = vector.bitcast %gather3A_388 : vector<16xf32> to vector<16xi32>
      %add3A_390 = arith.constant 32767 : i32
      %add3A_391 = vector.broadcast %add3A_390 : i32 to vector<16xi32>
      %add3A_392 = arith.addi %bitcast3A_389, %add3A_391 : vector<16xi32>
      %shift_right_arithmetic3A_393 = arith.constant 16 : i32
      %shift_right_arithmetic3A_394 = vector.broadcast %shift_right_arithmetic3A_393 : i32 to vector<16xi32>
      %shift_right_arithmetic3A_395 = arith.shrsi %bitcast3A_389, %shift_right_arithmetic3A_394 : vector<16xi32>
      %and3A_396 = arith.constant 1 : i32
      %and3A_397 = vector.broadcast %and3A_396 : i32 to vector<16xi32>
      %and3A_398 = arith.andi %shift_right_arithmetic3A_395, %and3A_397 : vector<16xi32>
      %add3A_399 = arith.addi %add3A_392, %and3A_398 : vector<16xi32>
      %and3A_400 = arith.constant -65536 : i32
      %and3A_401 = vector.broadcast %and3A_400 : i32 to vector<16xi32>
      %and3A_402 = arith.andi %add3A_399, %and3A_401 : vector<16xi32>
      %bitcast3A_403 = vector.bitcast %and3A_402 : vector<16xi32> to vector<16xf32>
      %mul3A_404 = arith.mulf %bitcast3A_216, %bitcast3A_403 : vector<16xf32>
      %add3A_405 = arith.addf %add3A_373, %mul3A_404 : vector<16xf32>
      %add3A_406 = arith.constant 64 : i32
      %add3A_407 = vector.broadcast %add3A_406 : i32 to vector<16xi32>
      %add3A_408 = arith.addi %iota3A, %add3A_407 : vector<16xi32>
      %mul3A_409 = arith.constant 8 : i32
      %mul3A_410 = vector.broadcast %mul3A_409 : i32 to vector<16xi32>
      %mul3A_411 = arith.muli %add3A_408, %mul3A_410 : vector<16xi32>
      %add3A_412 = arith.constant 0 : i32
      %add3A_413 = vector.broadcast %add3A_412 : i32 to vector<16xi32>
      %add3A_414 = arith.addi %mul3A_411, %add3A_413 : vector<16xi32>
      %gather3A_415 = arith.constant 0 : i32
      %gather3A_416 = arith.constant 0 : i32
      %gather3A_417 = arith.constant 0 : i32
      %gather3A_418 = tpu.memref_slice %arg10[%gather3A_415, %gather3A_416, %gather3A_417] : memref<2x1x1024xf32, #tpu.memory_space<vmem>> -> memref<1x1x1024xf32, #tpu.memory_space<vmem>>
      %gather3A_419 = tpu.memref_squeeze %gather3A_418 : memref<1x1x1024xf32, #tpu.memory_space<vmem>> -> memref<1024xf32, #tpu.memory_space<vmem>>
      %gather3A_420 = tpu.vector_load_idx %gather3A_419[%add3A_414] : memref<1024xf32, #tpu.memory_space<vmem>>[vector<16xi32>], vector<16xf32>,
      %bitcast3A_421 = vector.bitcast %gather3A_420 : vector<16xf32> to vector<16xi32>
      %add3A_422 = arith.constant 32767 : i32
      %add3A_423 = vector.broadcast %add3A_422 : i32 to vector<16xi32>
      %add3A_424 = arith.addi %bitcast3A_421, %add3A_423 : vector<16xi32>
      %shift_right_arithmetic3A_425 = arith.constant 16 : i32
      %shift_right_arithmetic3A_426 = vector.broadcast %shift_right_arithmetic3A_425 : i32 to vector<16xi32>
      %shift_right_arithmetic3A_427 = arith.shrsi %bitcast3A_421, %shift_right_arithmetic3A_426 : vector<16xi32>
      %and3A_428 = arith.constant 1 : i32
      %and3A_429 = vector.broadcast %and3A_428 : i32 to vector<16xi32>
      %and3A_430 = arith.andi %shift_right_arithmetic3A_427, %and3A_429 : vector<16xi32>
      %add3A_431 = arith.addi %add3A_424, %and3A_430 : vector<16xi32>
      %and3A_432 = arith.constant -65536 : i32
      %and3A_433 = vector.broadcast %and3A_432 : i32 to vector<16xi32>
      %and3A_434 = arith.andi %add3A_431, %and3A_433 : vector<16xi32>
      %bitcast3A_435 = vector.bitcast %and3A_434 : vector<16xi32> to vector<16xf32>
      %mul3A_436 = arith.mulf %bitcast3A_231, %bitcast3A_435 : vector<16xf32>
      %add3A_437 = arith.addf %add3A_405, %mul3A_436 : vector<16xf32>
      %add3A_438 = arith.constant 80 : i32
      %add3A_439 = vector.broadcast %add3A_438 : i32 to vector<16xi32>
      %add3A_440 = arith.addi %iota3A, %add3A_439 : vector<16xi32>
      %mul3A_441 = arith.constant 8 : i32
      %mul3A_442 = vector.broadcast %mul3A_441 : i32 to vector<16xi32>
      %mul3A_443 = arith.muli %add3A_440, %mul3A_442 : vector<16xi32>
      %add3A_444 = arith.constant 0 : i32
      %add3A_445 = vector.broadcast %add3A_444 : i32 to vector<16xi32>
      %add3A_446 = arith.addi %mul3A_443, %add3A_445 : vector<16xi32>
      %gather3A_447 = arith.constant 0 : i32
      %gather3A_448 = arith.constant 0 : i32
      %gather3A_449 = arith.constant 0 : i32
      %gather3A_450 = tpu.memref_slice %arg10[%gather3A_447, %gather3A_448, %gather3A_449] : memref<2x1x1024xf32, #tpu.memory_space<vmem>> -> memref<1x1x1024xf32, #tpu.memory_space<vmem>>
      %gather3A_451 = tpu.memref_squeeze %gather3A_450 : memref<1x1x1024xf32, #tpu.memory_space<vmem>> -> memref<1024xf32, #tpu.memory_space<vmem>>
      %gather3A_452 = tpu.vector_load_idx %gather3A_451[%add3A_446] : memref<1024xf32, #tpu.memory_space<vmem>>[vector<16xi32>], vector<16xf32>,
      %bitcast3A_453 = vector.bitcast %gather3A_452 : vector<16xf32> to vector<16xi32>
      %add3A_454 = arith.constant 32767 : i32
      %add3A_455 = vector.broadcast %add3A_454 : i32 to vector<16xi32>
      %add3A_456 = arith.addi %bitcast3A_453, %add3A_455 : vector<16xi32>
      %shift_right_arithmetic3A_457 = arith.constant 16 : i32
      %shift_right_arithmetic3A_458 = vector.broadcast %shift_right_arithmetic3A_457 : i32 to vector<16xi32>
      %shift_right_arithmetic3A_459 = arith.shrsi %bitcast3A_453, %shift_right_arithmetic3A_458 : vector<16xi32>
      %and3A_460 = arith.constant 1 : i32
      %and3A_461 = vector.broadcast %and3A_460 : i32 to vector<16xi32>
      %and3A_462 = arith.andi %shift_right_arithmetic3A_459, %and3A_461 : vector<16xi32>
      %add3A_463 = arith.addi %add3A_456, %and3A_462 : vector<16xi32>
      %and3A_464 = arith.constant -65536 : i32
      %and3A_465 = vector.broadcast %and3A_464 : i32 to vector<16xi32>
      %and3A_466 = arith.andi %add3A_463, %and3A_465 : vector<16xi32>
      %bitcast3A_467 = vector.bitcast %and3A_466 : vector<16xi32> to vector<16xf32>
      %mul3A_468 = arith.mulf %bitcast3A_246, %bitcast3A_467 : vector<16xf32>
      %add3A_469 = arith.addf %add3A_437, %mul3A_468 : vector<16xf32>
      %add3A_470 = arith.constant 96 : i32
      %add3A_471 = vector.broadcast %add3A_470 : i32 to vector<16xi32>
      %add3A_472 = arith.addi %iota3A, %add3A_471 : vector<16xi32>
      %mul3A_473 = arith.constant 8 : i32
      %mul3A_474 = vector.broadcast %mul3A_473 : i32 to vector<16xi32>
      %mul3A_475 = arith.muli %add3A_472, %mul3A_474 : vector<16xi32>
      %add3A_476 = arith.constant 0 : i32
      %add3A_477 = vector.broadcast %add3A_476 : i32 to vector<16xi32>
      %add3A_478 = arith.addi %mul3A_475, %add3A_477 : vector<16xi32>
      %gather3A_479 = arith.constant 0 : i32
      %gather3A_480 = arith.constant 0 : i32
      %gather3A_481 = arith.constant 0 : i32
      %gather3A_482 = tpu.memref_slice %arg10[%gather3A_479, %gather3A_480, %gather3A_481] : memref<2x1x1024xf32, #tpu.memory_space<vmem>> -> memref<1x1x1024xf32, #tpu.memory_space<vmem>>
      %gather3A_483 = tpu.memref_squeeze %gather3A_482 : memref<1x1x1024xf32, #tpu.memory_space<vmem>> -> memref<1024xf32, #tpu.memory_space<vmem>>
      %gather3A_484 = tpu.vector_load_idx %gather3A_483[%add3A_478] : memref<1024xf32, #tpu.memory_space<vmem>>[vector<16xi32>], vector<16xf32>,
      %bitcast3A_485 = vector.bitcast %gather3A_484 : vector<16xf32> to vector<16xi32>
      %add3A_486 = arith.constant 32767 : i32
      %add3A_487 = vector.broadcast %add3A_486 : i32 to vector<16xi32>
      %add3A_488 = arith.addi %bitcast3A_485, %add3A_487 : vector<16xi32>
      %shift_right_arithmetic3A_489 = arith.constant 16 : i32
      %shift_right_arithmetic3A_490 = vector.broadcast %shift_right_arithmetic3A_489 : i32 to vector<16xi32>
      %shift_right_arithmetic3A_491 = arith.shrsi %bitcast3A_485, %shift_right_arithmetic3A_490 : vector<16xi32>
      %and3A_492 = arith.constant 1 : i32
      %and3A_493 = vector.broadcast %and3A_492 : i32 to vector<16xi32>
      %and3A_494 = arith.andi %shift_right_arithmetic3A_491, %and3A_493 : vector<16xi32>
      %add3A_495 = arith.addi %add3A_488, %and3A_494 : vector<16xi32>
      %and3A_496 = arith.constant -65536 : i32
      %and3A_497 = vector.broadcast %and3A_496 : i32 to vector<16xi32>
      %and3A_498 = arith.andi %add3A_495, %and3A_497 : vector<16xi32>
      %bitcast3A_499 = vector.bitcast %and3A_498 : vector<16xi32> to vector<16xf32>
      %mul3A_500 = arith.mulf %bitcast3A_261, %bitcast3A_499 : vector<16xf32>
      %add3A_501 = arith.addf %add3A_469, %mul3A_500 : vector<16xf32>
      %add3A_502 = arith.constant 112 : i32
      %add3A_503 = vector.broadcast %add3A_502 : i32 to vector<16xi32>
      %add3A_504 = arith.addi %iota3A, %add3A_503 : vector<16xi32>
      %mul3A_505 = arith.constant 8 : i32
      %mul3A_506 = vector.broadcast %mul3A_505 : i32 to vector<16xi32>
      %mul3A_507 = arith.muli %add3A_504, %mul3A_506 : vector<16xi32>
      %add3A_508 = arith.constant 0 : i32
      %add3A_509 = vector.broadcast %add3A_508 : i32 to vector<16xi32>
      %add3A_510 = arith.addi %mul3A_507, %add3A_509 : vector<16xi32>
      %gather3A_511 = arith.constant 0 : i32
      %gather3A_512 = arith.constant 0 : i32
      %gather3A_513 = arith.constant 0 : i32
      %gather3A_514 = tpu.memref_slice %arg10[%gather3A_511, %gather3A_512, %gather3A_513] : memref<2x1x1024xf32, #tpu.memory_space<vmem>> -> memref<1x1x1024xf32, #tpu.memory_space<vmem>>
      %gather3A_515 = tpu.memref_squeeze %gather3A_514 : memref<1x1x1024xf32, #tpu.memory_space<vmem>> -> memref<1024xf32, #tpu.memory_space<vmem>>
      %gather3A_516 = tpu.vector_load_idx %gather3A_515[%add3A_510] : memref<1024xf32, #tpu.memory_space<vmem>>[vector<16xi32>], vector<16xf32>,
      %bitcast3A_517 = vector.bitcast %gather3A_516 : vector<16xf32> to vector<16xi32>
      %add3A_518 = arith.constant 32767 : i32
      %add3A_519 = vector.broadcast %add3A_518 : i32 to vector<16xi32>
      %add3A_520 = arith.addi %bitcast3A_517, %add3A_519 : vector<16xi32>
      %shift_right_arithmetic3A_521 = arith.constant 16 : i32
      %shift_right_arithmetic3A_522 = vector.broadcast %shift_right_arithmetic3A_521 : i32 to vector<16xi32>
      %shift_right_arithmetic3A_523 = arith.shrsi %bitcast3A_517, %shift_right_arithmetic3A_522 : vector<16xi32>
      %and3A_524 = arith.constant 1 : i32
      %and3A_525 = vector.broadcast %and3A_524 : i32 to vector<16xi32>
      %and3A_526 = arith.andi %shift_right_arithmetic3A_523, %and3A_525 : vector<16xi32>
      %add3A_527 = arith.addi %add3A_520, %and3A_526 : vector<16xi32>
      %and3A_528 = arith.constant -65536 : i32
      %and3A_529 = vector.broadcast %and3A_528 : i32 to vector<16xi32>
      %and3A_530 = arith.andi %add3A_527, %and3A_529 : vector<16xi32>
      %bitcast3A_531 = vector.bitcast %and3A_530 : vector<16xi32> to vector<16xf32>
      %mul3A_532 = arith.mulf %bitcast3A_276, %bitcast3A_531 : vector<16xf32>
      %add3A_533 = arith.addf %add3A_501, %mul3A_532 : vector<16xf32>
      %reduce_sum3A = arith.constant true
      %reduce_sum3A_534 = vector.broadcast %reduce_sum3A : i1 to vector<16xi1>
      %reduce_sum3A_535 = tpu.scan <sum>, %add3A_533 masked %reduce_sum3A_534 : vector<16xf32>, vector<16xi1> -> vector<16xf32>
      %reduce_sum3A_536 = vector.extract %reduce_sum3A_535[15] : f32 from vector<16xf32>
      %broadcast_in_dim3A_537 = arith.constant 0.000000e+00 : f32
      %broadcast_in_dim3A_538 = vector.broadcast %broadcast_in_dim3A_537 : f32 to vector<16xf32>
      %add3A_539 = arith.constant 0 : i32
      %add3A_540 = vector.broadcast %add3A_539 : i32 to vector<16xi32>
      %add3A_541 = arith.addi %iota3A, %add3A_540 : vector<16xi32>
      %mul3A_542 = arith.constant 8 : i32
      %mul3A_543 = vector.broadcast %mul3A_542 : i32 to vector<16xi32>
      %mul3A_544 = arith.muli %add3A_541, %mul3A_543 : vector<16xi32>
      %add3A_545 = arith.constant 1 : i32
      %add3A_546 = vector.broadcast %add3A_545 : i32 to vector<16xi32>
      %add3A_547 = arith.addi %mul3A_544, %add3A_546 : vector<16xi32>
      %gather3A_548 = arith.constant 0 : i32
      %gather3A_549 = arith.constant 0 : i32
      %gather3A_550 = arith.constant 0 : i32
      %gather3A_551 = tpu.memref_slice %arg10[%gather3A_548, %gather3A_549, %gather3A_550] : memref<2x1x1024xf32, #tpu.memory_space<vmem>> -> memref<1x1x1024xf32, #tpu.memory_space<vmem>>
      %gather3A_552 = tpu.memref_squeeze %gather3A_551 : memref<1x1x1024xf32, #tpu.memory_space<vmem>> -> memref<1024xf32, #tpu.memory_space<vmem>>
      %gather3A_553 = tpu.vector_load_idx %gather3A_552[%add3A_547] : memref<1024xf32, #tpu.memory_space<vmem>>[vector<16xi32>], vector<16xf32>,
      %bitcast3A_554 = vector.bitcast %gather3A_553 : vector<16xf32> to vector<16xi32>
      %add3A_555 = arith.constant 32767 : i32
      %add3A_556 = vector.broadcast %add3A_555 : i32 to vector<16xi32>
      %add3A_557 = arith.addi %bitcast3A_554, %add3A_556 : vector<16xi32>
      %shift_right_arithmetic3A_558 = arith.constant 16 : i32
      %shift_right_arithmetic3A_559 = vector.broadcast %shift_right_arithmetic3A_558 : i32 to vector<16xi32>
      %shift_right_arithmetic3A_560 = arith.shrsi %bitcast3A_554, %shift_right_arithmetic3A_559 : vector<16xi32>
      %and3A_561 = arith.constant 1 : i32
      %and3A_562 = vector.broadcast %and3A_561 : i32 to vector<16xi32>
      %and3A_563 = arith.andi %shift_right_arithmetic3A_560, %and3A_562 : vector<16xi32>
      %add3A_564 = arith.addi %add3A_557, %and3A_563 : vector<16xi32>
      %and3A_565 = arith.constant -65536 : i32
      %and3A_566 = vector.broadcast %and3A_565 : i32 to vector<16xi32>
      %and3A_567 = arith.andi %add3A_564, %and3A_566 : vector<16xi32>
      %bitcast3A_568 = vector.bitcast %and3A_567 : vector<16xi32> to vector<16xf32>
      %mul3A_569 = arith.mulf %bitcast3A_171, %bitcast3A_568 : vector<16xf32>
      %add3A_570 = arith.addf %broadcast_in_dim3A_538, %mul3A_569 : vector<16xf32>
      %add3A_571 = arith.constant 16 : i32
      %add3A_572 = vector.broadcast %add3A_571 : i32 to vector<16xi32>
      %add3A_573 = arith.addi %iota3A, %add3A_572 : vector<16xi32>
      %mul3A_574 = arith.constant 8 : i32
      %mul3A_575 = vector.broadcast %mul3A_574 : i32 to vector<16xi32>
      %mul3A_576 = arith.muli %add3A_573, %mul3A_575 : vector<16xi32>
      %add3A_577 = arith.constant 1 : i32
      %add3A_578 = vector.broadcast %add3A_577 : i32 to vector<16xi32>
      %add3A_579 = arith.addi %mul3A_576, %add3A_578 : vector<16xi32>
      %gather3A_580 = arith.constant 0 : i32
      %gather3A_581 = arith.constant 0 : i32
      %gather3A_582 = arith.constant 0 : i32
      %gather3A_583 = tpu.memref_slice %arg10[%gather3A_580, %gather3A_581, %gather3A_582] : memref<2x1x1024xf32, #tpu.memory_space<vmem>> -> memref<1x1x1024xf32, #tpu.memory_space<vmem>>
      %gather3A_584 = tpu.memref_squeeze %gather3A_583 : memref<1x1x1024xf32, #tpu.memory_space<vmem>> -> memref<1024xf32, #tpu.memory_space<vmem>>
      %gather3A_585 = tpu.vector_load_idx %gather3A_584[%add3A_579] : memref<1024xf32, #tpu.memory_space<vmem>>[vector<16xi32>], vector<16xf32>,
      %bitcast3A_586 = vector.bitcast %gather3A_585 : vector<16xf32> to vector<16xi32>
      %add3A_587 = arith.constant 32767 : i32
      %add3A_588 = vector.broadcast %add3A_587 : i32 to vector<16xi32>
      %add3A_589 = arith.addi %bitcast3A_586, %add3A_588 : vector<16xi32>
      %shift_right_arithmetic3A_590 = arith.constant 16 : i32
      %shift_right_arithmetic3A_591 = vector.broadcast %shift_right_arithmetic3A_590 : i32 to vector<16xi32>
      %shift_right_arithmetic3A_592 = arith.shrsi %bitcast3A_586, %shift_right_arithmetic3A_591 : vector<16xi32>
      %and3A_593 = arith.constant 1 : i32
      %and3A_594 = vector.broadcast %and3A_593 : i32 to vector<16xi32>
      %and3A_595 = arith.andi %shift_right_arithmetic3A_592, %and3A_594 : vector<16xi32>
      %add3A_596 = arith.addi %add3A_589, %and3A_595 : vector<16xi32>
      %and3A_597 = arith.constant -65536 : i32
      %and3A_598 = vector.broadcast %and3A_597 : i32 to vector<16xi32>
      %and3A_599 = arith.andi %add3A_596, %and3A_598 : vector<16xi32>
      %bitcast3A_600 = vector.bitcast %and3A_599 : vector<16xi32> to vector<16xf32>
      %mul3A_601 = arith.mulf %bitcast3A_186, %bitcast3A_600 : vector<16xf32>
      %add3A_602 = arith.addf %add3A_570, %mul3A_601 : vector<16xf32>
      %add3A_603 = arith.constant 32 : i32
      %add3A_604 = vector.broadcast %add3A_603 : i32 to vector<16xi32>
      %add3A_605 = arith.addi %iota3A, %add3A_604 : vector<16xi32>
      %mul3A_606 = arith.constant 8 : i32
      %mul3A_607 = vector.broadcast %mul3A_606 : i32 to vector<16xi32>
      %mul3A_608 = arith.muli %add3A_605, %mul3A_607 : vector<16xi32>
      %add3A_609 = arith.constant 1 : i32
      %add3A_610 = vector.broadcast %add3A_609 : i32 to vector<16xi32>
      %add3A_611 = arith.addi %mul3A_608, %add3A_610 : vector<16xi32>
      %gather3A_612 = arith.constant 0 : i32
      %gather3A_613 = arith.constant 0 : i32
      %gather3A_614 = arith.constant 0 : i32
      %gather3A_615 = tpu.memref_slice %arg10[%gather3A_612, %gather3A_613, %gather3A_614] : memref<2x1x1024xf32, #tpu.memory_space<vmem>> -> memref<1x1x1024xf32, #tpu.memory_space<vmem>>
      %gather3A_616 = tpu.memref_squeeze %gather3A_615 : memref<1x1x1024xf32, #tpu.memory_space<vmem>> -> memref<1024xf32, #tpu.memory_space<vmem>>
      %gather3A_617 = tpu.vector_load_idx %gather3A_616[%add3A_611] : memref<1024xf32, #tpu.memory_space<vmem>>[vector<16xi32>], vector<16xf32>,
      %bitcast3A_618 = vector.bitcast %gather3A_617 : vector<16xf32> to vector<16xi32>
      %add3A_619 = arith.constant 32767 : i32
      %add3A_620 = vector.broadcast %add3A_619 : i32 to vector<16xi32>
      %add3A_621 = arith.addi %bitcast3A_618, %add3A_620 : vector<16xi32>
      %shift_right_arithmetic3A_622 = arith.constant 16 : i32
      %shift_right_arithmetic3A_623 = vector.broadcast %shift_right_arithmetic3A_622 : i32 to vector<16xi32>
      %shift_right_arithmetic3A_624 = arith.shrsi %bitcast3A_618, %shift_right_arithmetic3A_623 : vector<16xi32>
      %and3A_625 = arith.constant 1 : i32
      %and3A_626 = vector.broadcast %and3A_625 : i32 to vector<16xi32>
      %and3A_627 = arith.andi %shift_right_arithmetic3A_624, %and3A_626 : vector<16xi32>
      %add3A_628 = arith.addi %add3A_621, %and3A_627 : vector<16xi32>
      %and3A_629 = arith.constant -65536 : i32
      %and3A_630 = vector.broadcast %and3A_629 : i32 to vector<16xi32>
      %and3A_631 = arith.andi %add3A_628, %and3A_630 : vector<16xi32>
      %bitcast3A_632 = vector.bitcast %and3A_631 : vector<16xi32> to vector<16xf32>
      %mul3A_633 = arith.mulf %bitcast3A_201, %bitcast3A_632 : vector<16xf32>
      %add3A_634 = arith.addf %add3A_602, %mul3A_633 : vector<16xf32>
      %add3A_635 = arith.constant 48 : i32
      %add3A_636 = vector.broadcast %add3A_635 : i32 to vector<16xi32>
      %add3A_637 = arith.addi %iota3A, %add3A_636 : vector<16xi32>
      %mul3A_638 = arith.constant 8 : i32
      %mul3A_639 = vector.broadcast %mul3A_638 : i32 to vector<16xi32>
      %mul3A_640 = arith.muli %add3A_637, %mul3A_639 : vector<16xi32>
      %add3A_641 = arith.constant 1 : i32
      %add3A_642 = vector.broadcast %add3A_641 : i32 to vector<16xi32>
      %add3A_643 = arith.addi %mul3A_640, %add3A_642 : vector<16xi32>
      %gather3A_644 = arith.constant 0 : i32
      %gather3A_645 = arith.constant 0 : i32
      %gather3A_646 = arith.constant 0 : i32
      %gather3A_647 = tpu.memref_slice %arg10[%gather3A_644, %gather3A_645, %gather3A_646] : memref<2x1x1024xf32, #tpu.memory_space<vmem>> -> memref<1x1x1024xf32, #tpu.memory_space<vmem>>
      %gather3A_648 = tpu.memref_squeeze %gather3A_647 : memref<1x1x1024xf32, #tpu.memory_space<vmem>> -> memref<1024xf32, #tpu.memory_space<vmem>>
      %gather3A_649 = tpu.vector_load_idx %gather3A_648[%add3A_643] : memref<1024xf32, #tpu.memory_space<vmem>>[vector<16xi32>], vector<16xf32>,
      %bitcast3A_650 = vector.bitcast %gather3A_649 : vector<16xf32> to vector<16xi32>
      %add3A_651 = arith.constant 32767 : i32
      %add3A_652 = vector.broadcast %add3A_651 : i32 to vector<16xi32>
      %add3A_653 = arith.addi %bitcast3A_650, %add3A_652 : vector<16xi32>
      %shift_right_arithmetic3A_654 = arith.constant 16 : i32
      %shift_right_arithmetic3A_655 = vector.broadcast %shift_right_arithmetic3A_654 : i32 to vector<16xi32>
      %shift_right_arithmetic3A_656 = arith.shrsi %bitcast3A_650, %shift_right_arithmetic3A_655 : vector<16xi32>
      %and3A_657 = arith.constant 1 : i32
      %and3A_658 = vector.broadcast %and3A_657 : i32 to vector<16xi32>
      %and3A_659 = arith.andi %shift_right_arithmetic3A_656, %and3A_658 : vector<16xi32>
      %add3A_660 = arith.addi %add3A_653, %and3A_659 : vector<16xi32>
      %and3A_661 = arith.constant -65536 : i32
      %and3A_662 = vector.broadcast %and3A_661 : i32 to vector<16xi32>
      %and3A_663 = arith.andi %add3A_660, %and3A_662 : vector<16xi32>
      %bitcast3A_664 = vector.bitcast %and3A_663 : vector<16xi32> to vector<16xf32>
      %mul3A_665 = arith.mulf %bitcast3A_216, %bitcast3A_664 : vector<16xf32>
      %add3A_666 = arith.addf %add3A_634, %mul3A_665 : vector<16xf32>
      %add3A_667 = arith.constant 64 : i32
      %add3A_668 = vector.broadcast %add3A_667 : i32 to vector<16xi32>
      %add3A_669 = arith.addi %iota3A, %add3A_668 : vector<16xi32>
      %mul3A_670 = arith.constant 8 : i32
      %mul3A_671 = vector.broadcast %mul3A_670 : i32 to vector<16xi32>
      %mul3A_672 = arith.muli %add3A_669, %mul3A_671 : vector<16xi32>
      %add3A_673 = arith.constant 1 : i32
      %add3A_674 = vector.broadcast %add3A_673 : i32 to vector<16xi32>
      %add3A_675 = arith.addi %mul3A_672, %add3A_674 : vector<16xi32>
      %gather3A_676 = arith.constant 0 : i32
      %gather3A_677 = arith.constant 0 : i32
      %gather3A_678 = arith.constant 0 : i32
      %gather3A_679 = tpu.memref_slice %arg10[%gather3A_676, %gather3A_677, %gather3A_678] : memref<2x1x1024xf32, #tpu.memory_space<vmem>> -> memref<1x1x1024xf32, #tpu.memory_space<vmem>>
      %gather3A_680 = tpu.memref_squeeze %gather3A_679 : memref<1x1x1024xf32, #tpu.memory_space<vmem>> -> memref<1024xf32, #tpu.memory_space<vmem>>
      %gather3A_681 = tpu.vector_load_idx %gather3A_680[%add3A_675] : memref<1024xf32, #tpu.memory_space<vmem>>[vector<16xi32>], vector<16xf32>,
      %bitcast3A_682 = vector.bitcast %gather3A_681 : vector<16xf32> to vector<16xi32>
      %add3A_683 = arith.constant 32767 : i32
      %add3A_684 = vector.broadcast %add3A_683 : i32 to vector<16xi32>
      %add3A_685 = arith.addi %bitcast3A_682, %add3A_684 : vector<16xi32>
      %shift_right_arithmetic3A_686 = arith.constant 16 : i32
      %shift_right_arithmetic3A_687 = vector.broadcast %shift_right_arithmetic3A_686 : i32 to vector<16xi32>
      %shift_right_arithmetic3A_688 = arith.shrsi %bitcast3A_682, %shift_right_arithmetic3A_687 : vector<16xi32>
      %and3A_689 = arith.constant 1 : i32
      %and3A_690 = vector.broadcast %and3A_689 : i32 to vector<16xi32>
      %and3A_691 = arith.andi %shift_right_arithmetic3A_688, %and3A_690 : vector<16xi32>
      %add3A_692 = arith.addi %add3A_685, %and3A_691 : vector<16xi32>
      %and3A_693 = arith.constant -65536 : i32
      %and3A_694 = vector.broadcast %and3A_693 : i32 to vector<16xi32>
      %and3A_695 = arith.andi %add3A_692, %and3A_694 : vector<16xi32>
      %bitcast3A_696 = vector.bitcast %and3A_695 : vector<16xi32> to vector<16xf32>
      %mul3A_697 = arith.mulf %bitcast3A_231, %bitcast3A_696 : vector<16xf32>
      %add3A_698 = arith.addf %add3A_666, %mul3A_697 : vector<16xf32>
      %add3A_699 = arith.constant 80 : i32
      %add3A_700 = vector.broadcast %add3A_699 : i32 to vector<16xi32>
      %add3A_701 = arith.addi %iota3A, %add3A_700 : vector<16xi32>
      %mul3A_702 = arith.constant 8 : i32
      %mul3A_703 = vector.broadcast %mul3A_702 : i32 to vector<16xi32>
      %mul3A_704 = arith.muli %add3A_701, %mul3A_703 : vector<16xi32>
      %add3A_705 = arith.constant 1 : i32
      %add3A_706 = vector.broadcast %add3A_705 : i32 to vector<16xi32>
      %add3A_707 = arith.addi %mul3A_704, %add3A_706 : vector<16xi32>
      %gather3A_708 = arith.constant 0 : i32
      %gather3A_709 = arith.constant 0 : i32
      %gather3A_710 = arith.constant 0 : i32
      %gather3A_711 = tpu.memref_slice %arg10[%gather3A_708, %gather3A_709, %gather3A_710] : memref<2x1x1024xf32, #tpu.memory_space<vmem>> -> memref<1x1x1024xf32, #tpu.memory_space<vmem>>
      %gather3A_712 = tpu.memref_squeeze %gather3A_711 : memref<1x1x1024xf32, #tpu.memory_space<vmem>> -> memref<1024xf32, #tpu.memory_space<vmem>>
      %gather3A_713 = tpu.vector_load_idx %gather3A_712[%add3A_707] : memref<1024xf32, #tpu.memory_space<vmem>>[vector<16xi32>], vector<16xf32>,
      %bitcast3A_714 = vector.bitcast %gather3A_713 : vector<16xf32> to vector<16xi32>
      %add3A_715 = arith.constant 32767 : i32
      %add3A_716 = vector.broadcast %add3A_715 : i32 to vector<16xi32>
      %add3A_717 = arith.addi %bitcast3A_714, %add3A_716 : vector<16xi32>
      %shift_right_arithmetic3A_718 = arith.constant 16 : i32
      %shift_right_arithmetic3A_719 = vector.broadcast %shift_right_arithmetic3A_718 : i32 to vector<16xi32>
      %shift_right_arithmetic3A_720 = arith.shrsi %bitcast3A_714, %shift_right_arithmetic3A_719 : vector<16xi32>
      %and3A_721 = arith.constant 1 : i32
      %and3A_722 = vector.broadcast %and3A_721 : i32 to vector<16xi32>
      %and3A_723 = arith.andi %shift_right_arithmetic3A_720, %and3A_722 : vector<16xi32>
      %add3A_724 = arith.addi %add3A_717, %and3A_723 : vector<16xi32>
      %and3A_725 = arith.constant -65536 : i32
      %and3A_726 = vector.broadcast %and3A_725 : i32 to vector<16xi32>
      %and3A_727 = arith.andi %add3A_724, %and3A_726 : vector<16xi32>
      %bitcast3A_728 = vector.bitcast %and3A_727 : vector<16xi32> to vector<16xf32>
      %mul3A_729 = arith.mulf %bitcast3A_246, %bitcast3A_728 : vector<16xf32>
      %add3A_730 = arith.addf %add3A_698, %mul3A_729 : vector<16xf32>
      %add3A_731 = arith.constant 96 : i32
      %add3A_732 = vector.broadcast %add3A_731 : i32 to vector<16xi32>
      %add3A_733 = arith.addi %iota3A, %add3A_732 : vector<16xi32>
      %mul3A_734 = arith.constant 8 : i32
      %mul3A_735 = vector.broadcast %mul3A_734 : i32 to vector<16xi32>
      %mul3A_736 = arith.muli %add3A_733, %mul3A_735 : vector<16xi32>
      %add3A_737 = arith.constant 1 : i32
      %add3A_738 = vector.broadcast %add3A_737 : i32 to vector<16xi32>
      %add3A_739 = arith.addi %mul3A_736, %add3A_738 : vector<16xi32>
      %gather3A_740 = arith.constant 0 : i32
      %gather3A_741 = arith.constant 0 : i32
      %gather3A_742 = arith.constant 0 : i32
      %gather3A_743 = tpu.memref_slice %arg10[%gather3A_740, %gather3A_741, %gather3A_742] : memref<2x1x1024xf32, #tpu.memory_space<vmem>> -> memref<1x1x1024xf32, #tpu.memory_space<vmem>>
      %gather3A_744 = tpu.memref_squeeze %gather3A_743 : memref<1x1x1024xf32, #tpu.memory_space<vmem>> -> memref<1024xf32, #tpu.memory_space<vmem>>
      %gather3A_745 = tpu.vector_load_idx %gather3A_744[%add3A_739] : memref<1024xf32, #tpu.memory_space<vmem>>[vector<16xi32>], vector<16xf32>,
      %bitcast3A_746 = vector.bitcast %gather3A_745 : vector<16xf32> to vector<16xi32>
      %add3A_747 = arith.constant 32767 : i32
      %add3A_748 = vector.broadcast %add3A_747 : i32 to vector<16xi32>
      %add3A_749 = arith.addi %bitcast3A_746, %add3A_748 : vector<16xi32>
      %shift_right_arithmetic3A_750 = arith.constant 16 : i32
      %shift_right_arithmetic3A_751 = vector.broadcast %shift_right_arithmetic3A_750 : i32 to vector<16xi32>
      %shift_right_arithmetic3A_752 = arith.shrsi %bitcast3A_746, %shift_right_arithmetic3A_751 : vector<16xi32>
      %and3A_753 = arith.constant 1 : i32
      %and3A_754 = vector.broadcast %and3A_753 : i32 to vector<16xi32>
      %and3A_755 = arith.andi %shift_right_arithmetic3A_752, %and3A_754 : vector<16xi32>
      %add3A_756 = arith.addi %add3A_749, %and3A_755 : vector<16xi32>
      %and3A_757 = arith.constant -65536 : i32
      %and3A_758 = vector.broadcast %and3A_757 : i32 to vector<16xi32>
      %and3A_759 = arith.andi %add3A_756, %and3A_758 : vector<16xi32>
      %bitcast3A_760 = vector.bitcast %and3A_759 : vector<16xi32> to vector<16xf32>
      %mul3A_761 = arith.mulf %bitcast3A_261, %bitcast3A_760 : vector<16xf32>
      %add3A_762 = arith.addf %add3A_730, %mul3A_761 : vector<16xf32>
      %add3A_763 = arith.constant 112 : i32
      %add3A_764 = vector.broadcast %add3A_763 : i32 to vector<16xi32>
      %add3A_765 = arith.addi %iota3A, %add3A_764 : vector<16xi32>
      %mul3A_766 = arith.constant 8 : i32
      %mul3A_767 = vector.broadcast %mul3A_766 : i32 to vector<16xi32>
      %mul3A_768 = arith.muli %add3A_765, %mul3A_767 : vector<16xi32>
      %add3A_769 = arith.constant 1 : i32
      %add3A_770 = vector.broadcast %add3A_769 : i32 to vector<16xi32>
      %add3A_771 = arith.addi %mul3A_768, %add3A_770 : vector<16xi32>
      %gather3A_772 = arith.constant 0 : i32
      %gather3A_773 = arith.constant 0 : i32
      %gather3A_774 = arith.constant 0 : i32
      %gather3A_775 = tpu.memref_slice %arg10[%gather3A_772, %gather3A_773, %gather3A_774] : memref<2x1x1024xf32, #tpu.memory_space<vmem>> -> memref<1x1x1024xf32, #tpu.memory_space<vmem>>
      %gather3A_776 = tpu.memref_squeeze %gather3A_775 : memref<1x1x1024xf32, #tpu.memory_space<vmem>> -> memref<1024xf32, #tpu.memory_space<vmem>>
      %gather3A_777 = tpu.vector_load_idx %gather3A_776[%add3A_771] : memref<1024xf32, #tpu.memory_space<vmem>>[vector<16xi32>], vector<16xf32>,
      %bitcast3A_778 = vector.bitcast %gather3A_777 : vector<16xf32> to vector<16xi32>
      %add3A_779 = arith.constant 32767 : i32
      %add3A_780 = vector.broadcast %add3A_779 : i32 to vector<16xi32>
      %add3A_781 = arith.addi %bitcast3A_778, %add3A_780 : vector<16xi32>
      %shift_right_arithmetic3A_782 = arith.constant 16 : i32
      %shift_right_arithmetic3A_783 = vector.broadcast %shift_right_arithmetic3A_782 : i32 to vector<16xi32>
      %shift_right_arithmetic3A_784 = arith.shrsi %bitcast3A_778, %shift_right_arithmetic3A_783 : vector<16xi32>
      %and3A_785 = arith.constant 1 : i32
      %and3A_786 = vector.broadcast %and3A_785 : i32 to vector<16xi32>
      %and3A_787 = arith.andi %shift_right_arithmetic3A_784, %and3A_786 : vector<16xi32>
      %add3A_788 = arith.addi %add3A_781, %and3A_787 : vector<16xi32>
      %and3A_789 = arith.constant -65536 : i32
      %and3A_790 = vector.broadcast %and3A_789 : i32 to vector<16xi32>
      %and3A_791 = arith.andi %add3A_788, %and3A_790 : vector<16xi32>
      %bitcast3A_792 = vector.bitcast %and3A_791 : vector<16xi32> to vector<16xf32>
      %mul3A_793 = arith.mulf %bitcast3A_276, %bitcast3A_792 : vector<16xf32>
      %add3A_794 = arith.addf %add3A_762, %mul3A_793 : vector<16xf32>
      %reduce_sum3A_795 = arith.constant true
      %reduce_sum3A_796 = vector.broadcast %reduce_sum3A_795 : i1 to vector<16xi1>
      %reduce_sum3A_797 = tpu.scan <sum>, %add3A_794 masked %reduce_sum3A_796 : vector<16xf32>, vector<16xi1> -> vector<16xf32>
      %reduce_sum3A_798 = vector.extract %reduce_sum3A_797[15] : f32 from vector<16xf32>
      %broadcast_in_dim3A_799 = arith.constant 0.000000e+00 : f32
      %broadcast_in_dim3A_800 = vector.broadcast %broadcast_in_dim3A_799 : f32 to vector<16xf32>
      %add3A_801 = arith.constant 0 : i32
      %add3A_802 = vector.broadcast %add3A_801 : i32 to vector<16xi32>
      %add3A_803 = arith.addi %iota3A, %add3A_802 : vector<16xi32>
      %mul3A_804 = arith.constant 8 : i32
      %mul3A_805 = vector.broadcast %mul3A_804 : i32 to vector<16xi32>
      %mul3A_806 = arith.muli %add3A_803, %mul3A_805 : vector<16xi32>
      %add3A_807 = arith.constant 2 : i32
      %add3A_808 = vector.broadcast %add3A_807 : i32 to vector<16xi32>
      %add3A_809 = arith.addi %mul3A_806, %add3A_808 : vector<16xi32>
      %gather3A_810 = arith.constant 0 : i32
      %gather3A_811 = arith.constant 0 : i32
      %gather3A_812 = arith.constant 0 : i32
      %gather3A_813 = tpu.memref_slice %arg10[%gather3A_810, %gather3A_811, %gather3A_812] : memref<2x1x1024xf32, #tpu.memory_space<vmem>> -> memref<1x1x1024xf32, #tpu.memory_space<vmem>>
      %gather3A_814 = tpu.memref_squeeze %gather3A_813 : memref<1x1x1024xf32, #tpu.memory_space<vmem>> -> memref<1024xf32, #tpu.memory_space<vmem>>
      %gather3A_815 = tpu.vector_load_idx %gather3A_814[%add3A_809] : memref<1024xf32, #tpu.memory_space<vmem>>[vector<16xi32>], vector<16xf32>,
      %bitcast3A_816 = vector.bitcast %gather3A_815 : vector<16xf32> to vector<16xi32>
      %add3A_817 = arith.constant 32767 : i32
      %add3A_818 = vector.broadcast %add3A_817 : i32 to vector<16xi32>
      %add3A_819 = arith.addi %bitcast3A_816, %add3A_818 : vector<16xi32>
      %shift_right_arithmetic3A_820 = arith.constant 16 : i32
      %shift_right_arithmetic3A_821 = vector.broadcast %shift_right_arithmetic3A_820 : i32 to vector<16xi32>
      %shift_right_arithmetic3A_822 = arith.shrsi %bitcast3A_816, %shift_right_arithmetic3A_821 : vector<16xi32>
      %and3A_823 = arith.constant 1 : i32
      %and3A_824 = vector.broadcast %and3A_823 : i32 to vector<16xi32>
      %and3A_825 = arith.andi %shift_right_arithmetic3A_822, %and3A_824 : vector<16xi32>
      %add3A_826 = arith.addi %add3A_819, %and3A_825 : vector<16xi32>
      %and3A_827 = arith.constant -65536 : i32
      %and3A_828 = vector.broadcast %and3A_827 : i32 to vector<16xi32>
      %and3A_829 = arith.andi %add3A_826, %and3A_828 : vector<16xi32>
      %bitcast3A_830 = vector.bitcast %and3A_829 : vector<16xi32> to vector<16xf32>
      %mul3A_831 = arith.mulf %bitcast3A_171, %bitcast3A_830 : vector<16xf32>
      %add3A_832 = arith.addf %broadcast_in_dim3A_800, %mul3A_831 : vector<16xf32>
      %add3A_833 = arith.constant 16 : i32
      %add3A_834 = vector.broadcast %add3A_833 : i32 to vector<16xi32>
      %add3A_835 = arith.addi %iota3A, %add3A_834 : vector<16xi32>
      %mul3A_836 = arith.constant 8 : i32
      %mul3A_837 = vector.broadcast %mul3A_836 : i32 to vector<16xi32>
      %mul3A_838 = arith.muli %add3A_835, %mul3A_837 : vector<16xi32>
      %add3A_839 = arith.constant 2 : i32
      %add3A_840 = vector.broadcast %add3A_839 : i32 to vector<16xi32>
      %add3A_841 = arith.addi %mul3A_838, %add3A_840 : vector<16xi32>
      %gather3A_842 = arith.constant 0 : i32
      %gather3A_843 = arith.constant 0 : i32
      %gather3A_844 = arith.constant 0 : i32
      %gather3A_845 = tpu.memref_slice %arg10[%gather3A_842, %gather3A_843, %gather3A_844] : memref<2x1x1024xf32, #tpu.memory_space<vmem>> -> memref<1x1x1024xf32, #tpu.memory_space<vmem>>
      %gather3A_846 = tpu.memref_squeeze %gather3A_845 : memref<1x1x1024xf32, #tpu.memory_space<vmem>> -> memref<1024xf32, #tpu.memory_space<vmem>>
      %gather3A_847 = tpu.vector_load_idx %gather3A_846[%add3A_841] : memref<1024xf32, #tpu.memory_space<vmem>>[vector<16xi32>], vector<16xf32>,
      %bitcast3A_848 = vector.bitcast %gather3A_847 : vector<16xf32> to vector<16xi32>
      %add3A_849 = arith.constant 32767 : i32
      %add3A_850 = vector.broadcast %add3A_849 : i32 to vector<16xi32>
      %add3A_851 = arith.addi %bitcast3A_848, %add3A_850 : vector<16xi32>
      %shift_right_arithmetic3A_852 = arith.constant 16 : i32
      %shift_right_arithmetic3A_853 = vector.broadcast %shift_right_arithmetic3A_852 : i32 to vector<16xi32>
      %shift_right_arithmetic3A_854 = arith.shrsi %bitcast3A_848, %shift_right_arithmetic3A_853 : vector<16xi32>
      %and3A_855 = arith.constant 1 : i32
      %and3A_856 = vector.broadcast %and3A_855 : i32 to vector<16xi32>
      %and3A_857 = arith.andi %shift_right_arithmetic3A_854, %and3A_856 : vector<16xi32>
      %add3A_858 = arith.addi %add3A_851, %and3A_857 : vector<16xi32>
      %and3A_859 = arith.constant -65536 : i32
      %and3A_860 = vector.broadcast %and3A_859 : i32 to vector<16xi32>
      %and3A_861 = arith.andi %add3A_858, %and3A_860 : vector<16xi32>
      %bitcast3A_862 = vector.bitcast %and3A_861 : vector<16xi32> to vector<16xf32>
      %mul3A_863 = arith.mulf %bitcast3A_186, %bitcast3A_862 : vector<16xf32>
      %add3A_864 = arith.addf %add3A_832, %mul3A_863 : vector<16xf32>
      %add3A_865 = arith.constant 32 : i32
      %add3A_866 = vector.broadcast %add3A_865 : i32 to vector<16xi32>
      %add3A_867 = arith.addi %iota3A, %add3A_866 : vector<16xi32>
      %mul3A_868 = arith.constant 8 : i32
      %mul3A_869 = vector.broadcast %mul3A_868 : i32 to vector<16xi32>
      %mul3A_870 = arith.muli %add3A_867, %mul3A_869 : vector<16xi32>
      %add3A_871 = arith.constant 2 : i32
      %add3A_872 = vector.broadcast %add3A_871 : i32 to vector<16xi32>
      %add3A_873 = arith.addi %mul3A_870, %add3A_872 : vector<16xi32>
      %gather3A_874 = arith.constant 0 : i32
      %gather3A_875 = arith.constant 0 : i32
      %gather3A_876 = arith.constant 0 : i32
      %gather3A_877 = tpu.memref_slice %arg10[%gather3A_874, %gather3A_875, %gather3A_876] : memref<2x1x1024xf32, #tpu.memory_space<vmem>> -> memref<1x1x1024xf32, #tpu.memory_space<vmem>>
      %gather3A_878 = tpu.memref_squeeze %gather3A_877 : memref<1x1x1024xf32, #tpu.memory_space<vmem>> -> memref<1024xf32, #tpu.memory_space<vmem>>
      %gather3A_879 = tpu.vector_load_idx %gather3A_878[%add3A_873] : memref<1024xf32, #tpu.memory_space<vmem>>[vector<16xi32>], vector<16xf32>,
      %bitcast3A_880 = vector.bitcast %gather3A_879 : vector<16xf32> to vector<16xi32>
      %add3A_881 = arith.constant 32767 : i32
      %add3A_882 = vector.broadcast %add3A_881 : i32 to vector<16xi32>
      %add3A_883 = arith.addi %bitcast3A_880, %add3A_882 : vector<16xi32>
      %shift_right_arithmetic3A_884 = arith.constant 16 : i32
      %shift_right_arithmetic3A_885 = vector.broadcast %shift_right_arithmetic3A_884 : i32 to vector<16xi32>
      %shift_right_arithmetic3A_886 = arith.shrsi %bitcast3A_880, %shift_right_arithmetic3A_885 : vector<16xi32>
      %and3A_887 = arith.constant 1 : i32
      %and3A_888 = vector.broadcast %and3A_887 : i32 to vector<16xi32>
      %and3A_889 = arith.andi %shift_right_arithmetic3A_886, %and3A_888 : vector<16xi32>
      %add3A_890 = arith.addi %add3A_883, %and3A_889 : vector<16xi32>
      %and3A_891 = arith.constant -65536 : i32
      %and3A_892 = vector.broadcast %and3A_891 : i32 to vector<16xi32>
      %and3A_893 = arith.andi %add3A_890, %and3A_892 : vector<16xi32>
      %bitcast3A_894 = vector.bitcast %and3A_893 : vector<16xi32> to vector<16xf32>
      %mul3A_895 = arith.mulf %bitcast3A_201, %bitcast3A_894 : vector<16xf32>
      %add3A_896 = arith.addf %add3A_864, %mul3A_895 : vector<16xf32>
      %add3A_897 = arith.constant 48 : i32
      %add3A_898 = vector.broadcast %add3A_897 : i32 to vector<16xi32>
      %add3A_899 = arith.addi %iota3A, %add3A_898 : vector<16xi32>
      %mul3A_900 = arith.constant 8 : i32
      %mul3A_901 = vector.broadcast %mul3A_900 : i32 to vector<16xi32>
      %mul3A_902 = arith.muli %add3A_899, %mul3A_901 : vector<16xi32>
      %add3A_903 = arith.constant 2 : i32
      %add3A_904 = vector.broadcast %add3A_903 : i32 to vector<16xi32>
      %add3A_905 = arith.addi %mul3A_902, %add3A_904 : vector<16xi32>
      %gather3A_906 = arith.constant 0 : i32
      %gather3A_907 = arith.constant 0 : i32
      %gather3A_908 = arith.constant 0 : i32
      %gather3A_909 = tpu.memref_slice %arg10[%gather3A_906, %gather3A_907, %gather3A_908] : memref<2x1x1024xf32, #tpu.memory_space<vmem>> -> memref<1x1x1024xf32, #tpu.memory_space<vmem>>
      %gather3A_910 = tpu.memref_squeeze %gather3A_909 : memref<1x1x1024xf32, #tpu.memory_space<vmem>> -> memref<1024xf32, #tpu.memory_space<vmem>>
      %gather3A_911 = tpu.vector_load_idx %gather3A_910[%add3A_905] : memref<1024xf32, #tpu.memory_space<vmem>>[vector<16xi32>], vector<16xf32>,
      %bitcast3A_912 = vector.bitcast %gather3A_911 : vector<16xf32> to vector<16xi32>
      %add3A_913 = arith.constant 32767 : i32
      %add3A_914 = vector.broadcast %add3A_913 : i32 to vector<16xi32>
      %add3A_915 = arith.addi %bitcast3A_912, %add3A_914 : vector<16xi32>
      %shift_right_arithmetic3A_916 = arith.constant 16 : i32
      %shift_right_arithmetic3A_917 = vector.broadcast %shift_right_arithmetic3A_916 : i32 to vector<16xi32>
      %shift_right_arithmetic3A_918 = arith.shrsi %bitcast3A_912, %shift_right_arithmetic3A_917 : vector<16xi32>
      %and3A_919 = arith.constant 1 : i32
      %and3A_920 = vector.broadcast %and3A_919 : i32 to vector<16xi32>
      %and3A_921 = arith.andi %shift_right_arithmetic3A_918, %and3A_920 : vector<16xi32>
      %add3A_922 = arith.addi %add3A_915, %and3A_921 : vector<16xi32>
      %and3A_923 = arith.constant -65536 : i32
      %and3A_924 = vector.broadcast %and3A_923 : i32 to vector<16xi32>
      %and3A_925 = arith.andi %add3A_922, %and3A_924 : vector<16xi32>
      %bitcast3A_926 = vector.bitcast %and3A_925 : vector<16xi32> to vector<16xf32>
      %mul3A_927 = arith.mulf %bitcast3A_216, %bitcast3A_926 : vector<16xf32>
      %add3A_928 = arith.addf %add3A_896, %mul3A_927 : vector<16xf32>
      %add3A_929 = arith.constant 64 : i32
      %add3A_930 = vector.broadcast %add3A_929 : i32 to vector<16xi32>
      %add3A_931 = arith.addi %iota3A, %add3A_930 : vector<16xi32>
      %mul3A_932 = arith.constant 8 : i32
      %mul3A_933 = vector.broadcast %mul3A_932 : i32 to vector<16xi32>
      %mul3A_934 = arith.muli %add3A_931, %mul3A_933 : vector<16xi32>
      %add3A_935 = arith.constant 2 : i32
      %add3A_936 = vector.broadcast %add3A_935 : i32 to vector<16xi32>
      %add3A_937 = arith.addi %mul3A_934, %add3A_936 : vector<16xi32>
      %gather3A_938 = arith.constant 0 : i32
      %gather3A_939 = arith.constant 0 : i32
      %gather3A_940 = arith.constant 0 : i32
      %gather3A_941 = tpu.memref_slice %arg10[%gather3A_938, %gather3A_939, %gather3A_940] : memref<2x1x1024xf32, #tpu.memory_space<vmem>> -> memref<1x1x1024xf32, #tpu.memory_space<vmem>>
      %gather3A_942 = tpu.memref_squeeze %gather3A_941 : memref<1x1x1024xf32, #tpu.memory_space<vmem>> -> memref<1024xf32, #tpu.memory_space<vmem>>
      %gather3A_943 = tpu.vector_load_idx %gather3A_942[%add3A_937] : memref<1024xf32, #tpu.memory_space<vmem>>[vector<16xi32>], vector<16xf32>,
      %bitcast3A_944 = vector.bitcast %gather3A_943 : vector<16xf32> to vector<16xi32>
      %add3A_945 = arith.constant 32767 : i32
      %add3A_946 = vector.broadcast %add3A_945 : i32 to vector<16xi32>
      %add3A_947 = arith.addi %bitcast3A_944, %add3A_946 : vector<16xi32>
      %shift_right_arithmetic3A_948 = arith.constant 16 : i32
      %shift_right_arithmetic3A_949 = vector.broadcast %shift_right_arithmetic3A_948 : i32 to vector<16xi32>
      %shift_right_arithmetic3A_950 = arith.shrsi %bitcast3A_944, %shift_right_arithmetic3A_949 : vector<16xi32>
      %and3A_951 = arith.constant 1 : i32
      %and3A_952 = vector.broadcast %and3A_951 : i32 to vector<16xi32>
      %and3A_953 = arith.andi %shift_right_arithmetic3A_950, %and3A_952 : vector<16xi32>
      %add3A_954 = arith.addi %add3A_947, %and3A_953 : vector<16xi32>
      %and3A_955 = arith.constant -65536 : i32
      %and3A_956 = vector.broadcast %and3A_955 : i32 to vector<16xi32>
      %and3A_957 = arith.andi %add3A_954, %and3A_956 : vector<16xi32>
      %bitcast3A_958 = vector.bitcast %and3A_957 : vector<16xi32> to vector<16xf32>
      %mul3A_959 = arith.mulf %bitcast3A_231, %bitcast3A_958 : vector<16xf32>
      %add3A_960 = arith.addf %add3A_928, %mul3A_959 : vector<16xf32>
      %add3A_961 = arith.constant 80 : i32
      %add3A_962 = vector.broadcast %add3A_961 : i32 to vector<16xi32>
      %add3A_963 = arith.addi %iota3A, %add3A_962 : vector<16xi32>
      %mul3A_964 = arith.constant 8 : i32
      %mul3A_965 = vector.broadcast %mul3A_964 : i32 to vector<16xi32>
      %mul3A_966 = arith.muli %add3A_963, %mul3A_965 : vector<16xi32>
      %add3A_967 = arith.constant 2 : i32
      %add3A_968 = vector.broadcast %add3A_967 : i32 to vector<16xi32>
      %add3A_969 = arith.addi %mul3A_966, %add3A_968 : vector<16xi32>
      %gather3A_970 = arith.constant 0 : i32
      %gather3A_971 = arith.constant 0 : i32
      %gather3A_972 = arith.constant 0 : i32
      %gather3A_973 = tpu.memref_slice %arg10[%gather3A_970, %gather3A_971, %gather3A_972] : memref<2x1x1024xf32, #tpu.memory_space<vmem>> -> memref<1x1x1024xf32, #tpu.memory_space<vmem>>
      %gather3A_974 = tpu.memref_squeeze %gather3A_973 : memref<1x1x1024xf32, #tpu.memory_space<vmem>> -> memref<1024xf32, #tpu.memory_space<vmem>>
      %gather3A_975 = tpu.vector_load_idx %gather3A_974[%add3A_969] : memref<1024xf32, #tpu.memory_space<vmem>>[vector<16xi32>], vector<16xf32>,
      %bitcast3A_976 = vector.bitcast %gather3A_975 : vector<16xf32> to vector<16xi32>
      %add3A_977 = arith.constant 32767 : i32
      %add3A_978 = vector.broadcast %add3A_977 : i32 to vector<16xi32>
      %add3A_979 = arith.addi %bitcast3A_976, %add3A_978 : vector<16xi32>
      %shift_right_arithmetic3A_980 = arith.constant 16 : i32
      %shift_right_arithmetic3A_981 = vector.broadcast %shift_right_arithmetic3A_980 : i32 to vector<16xi32>
      %shift_right_arithmetic3A_982 = arith.shrsi %bitcast3A_976, %shift_right_arithmetic3A_981 : vector<16xi32>
      %and3A_983 = arith.constant 1 : i32
      %and3A_984 = vector.broadcast %and3A_983 : i32 to vector<16xi32>
      %and3A_985 = arith.andi %shift_right_arithmetic3A_982, %and3A_984 : vector<16xi32>
      %add3A_986 = arith.addi %add3A_979, %and3A_985 : vector<16xi32>
      %and3A_987 = arith.constant -65536 : i32
      %and3A_988 = vector.broadcast %and3A_987 : i32 to vector<16xi32>
      %and3A_989 = arith.andi %add3A_986, %and3A_988 : vector<16xi32>
      %bitcast3A_990 = vector.bitcast %and3A_989 : vector<16xi32> to vector<16xf32>
      %mul3A_991 = arith.mulf %bitcast3A_246, %bitcast3A_990 : vector<16xf32>
      %add3A_992 = arith.addf %add3A_960, %mul3A_991 : vector<16xf32>
      %add3A_993 = arith.constant 96 : i32
      %add3A_994 = vector.broadcast %add3A_993 : i32 to vector<16xi32>
      %add3A_995 = arith.addi %iota3A, %add3A_994 : vector<16xi32>
      %mul3A_996 = arith.constant 8 : i32
      %mul3A_997 = vector.broadcast %mul3A_996 : i32 to vector<16xi32>
      %mul3A_998 = arith.muli %add3A_995, %mul3A_997 : vector<16xi32>
      %add3A_999 = arith.constant 2 : i32
      %add3A_1000 = vector.broadcast %add3A_999 : i32 to vector<16xi32>
      %add3A_1001 = arith.addi %mul3A_998, %add3A_1000 : vector<16xi32>
      %gather3A_1002 = arith.constant 0 : i32
      %gather3A_1003 = arith.constant 0 : i32
      %gather3A_1004 = arith.constant 0 : i32
      %gather3A_1005 = tpu.memref_slice %arg10[%gather3A_1002, %gather3A_1003, %gather3A_1004] : memref<2x1x1024xf32, #tpu.memory_space<vmem>> -> memref<1x1x1024xf32, #tpu.memory_space<vmem>>
      %gather3A_1006 = tpu.memref_squeeze %gather3A_1005 : memref<1x1x1024xf32, #tpu.memory_space<vmem>> -> memref<1024xf32, #tpu.memory_space<vmem>>
      %gather3A_1007 = tpu.vector_load_idx %gather3A_1006[%add3A_1001] : memref<1024xf32, #tpu.memory_space<vmem>>[vector<16xi32>], vector<16xf32>,
      %bitcast3A_1008 = vector.bitcast %gather3A_1007 : vector<16xf32> to vector<16xi32>
      %add3A_1009 = arith.constant 32767 : i32
      %add3A_1010 = vector.broadcast %add3A_1009 : i32 to vector<16xi32>
      %add3A_1011 = arith.addi %bitcast3A_1008, %add3A_1010 : vector<16xi32>
      %shift_right_arithmetic3A_1012 = arith.constant 16 : i32
      %shift_right_arithmetic3A_1013 = vector.broadcast %shift_right_arithmetic3A_1012 : i32 to vector<16xi32>
      %shift_right_arithmetic3A_1014 = arith.shrsi %bitcast3A_1008, %shift_right_arithmetic3A_1013 : vector<16xi32>
      %and3A_1015 = arith.constant 1 : i32
      %and3A_1016 = vector.broadcast %and3A_1015 : i32 to vector<16xi32>
      %and3A_1017 = arith.andi %shift_right_arithmetic3A_1014, %and3A_1016 : vector<16xi32>
      %add3A_1018 = arith.addi %add3A_1011, %and3A_1017 : vector<16xi32>
      %and3A_1019 = arith.constant -65536 : i32
      %and3A_1020 = vector.broadcast %and3A_1019 : i32 to vector<16xi32>
      %and3A_1021 = arith.andi %add3A_1018, %and3A_1020 : vector<16xi32>
      %bitcast3A_1022 = vector.bitcast %and3A_1021 : vector<16xi32> to vector<16xf32>
      %mul3A_1023 = arith.mulf %bitcast3A_261, %bitcast3A_1022 : vector<16xf32>
      %add3A_1024 = arith.addf %add3A_992, %mul3A_1023 : vector<16xf32>
      %add3A_1025 = arith.constant 112 : i32
      %add3A_1026 = vector.broadcast %add3A_1025 : i32 to vector<16xi32>
      %add3A_1027 = arith.addi %iota3A, %add3A_1026 : vector<16xi32>
      %mul3A_1028 = arith.constant 8 : i32
      %mul3A_1029 = vector.broadcast %mul3A_1028 : i32 to vector<16xi32>
      %mul3A_1030 = arith.muli %add3A_1027, %mul3A_1029 : vector<16xi32>
      %add3A_1031 = arith.constant 2 : i32
      %add3A_1032 = vector.broadcast %add3A_1031 : i32 to vector<16xi32>
      %add3A_1033 = arith.addi %mul3A_1030, %add3A_1032 : vector<16xi32>
      %gather3A_1034 = arith.constant 0 : i32
      %gather3A_1035 = arith.constant 0 : i32
      %gather3A_1036 = arith.constant 0 : i32
      %gather3A_1037 = tpu.memref_slice %arg10[%gather3A_1034, %gather3A_1035, %gather3A_1036] : memref<2x1x1024xf32, #tpu.memory_space<vmem>> -> memref<1x1x1024xf32, #tpu.memory_space<vmem>>
      %gather3A_1038 = tpu.memref_squeeze %gather3A_1037 : memref<1x1x1024xf32, #tpu.memory_space<vmem>> -> memref<1024xf32, #tpu.memory_space<vmem>>
      %gather3A_1039 = tpu.vector_load_idx %gather3A_1038[%add3A_1033] : memref<1024xf32, #tpu.memory_space<vmem>>[vector<16xi32>], vector<16xf32>,
      %bitcast3A_1040 = vector.bitcast %gather3A_1039 : vector<16xf32> to vector<16xi32>
      %add3A_1041 = arith.constant 32767 : i32
      %add3A_1042 = vector.broadcast %add3A_1041 : i32 to vector<16xi32>
      %add3A_1043 = arith.addi %bitcast3A_1040, %add3A_1042 : vector<16xi32>
      %shift_right_arithmetic3A_1044 = arith.constant 16 : i32
      %shift_right_arithmetic3A_1045 = vector.broadcast %shift_right_arithmetic3A_1044 : i32 to vector<16xi32>
      %shift_right_arithmetic3A_1046 = arith.shrsi %bitcast3A_1040, %shift_right_arithmetic3A_1045 : vector<16xi32>
      %and3A_1047 = arith.constant 1 : i32
      %and3A_1048 = vector.broadcast %and3A_1047 : i32 to vector<16xi32>
      %and3A_1049 = arith.andi %shift_right_arithmetic3A_1046, %and3A_1048 : vector<16xi32>
      %add3A_1050 = arith.addi %add3A_1043, %and3A_1049 : vector<16xi32>
      %and3A_1051 = arith.constant -65536 : i32
      %and3A_1052 = vector.broadcast %and3A_1051 : i32 to vector<16xi32>
      %and3A_1053 = arith.andi %add3A_1050, %and3A_1052 : vector<16xi32>
      %bitcast3A_1054 = vector.bitcast %and3A_1053 : vector<16xi32> to vector<16xf32>
      %mul3A_1055 = arith.mulf %bitcast3A_276, %bitcast3A_1054 : vector<16xf32>
      %add3A_1056 = arith.addf %add3A_1024, %mul3A_1055 : vector<16xf32>
      %reduce_sum3A_1057 = arith.constant true
      %reduce_sum3A_1058 = vector.broadcast %reduce_sum3A_1057 : i1 to vector<16xi1>
      %reduce_sum3A_1059 = tpu.scan <sum>, %add3A_1056 masked %reduce_sum3A_1058 : vector<16xf32>, vector<16xi1> -> vector<16xf32>
      %reduce_sum3A_1060 = vector.extract %reduce_sum3A_1059[15] : f32 from vector<16xf32>
      %broadcast_in_dim3A_1061 = arith.constant 0.000000e+00 : f32
      %broadcast_in_dim3A_1062 = vector.broadcast %broadcast_in_dim3A_1061 : f32 to vector<16xf32>
      %add3A_1063 = arith.constant 0 : i32
      %add3A_1064 = vector.broadcast %add3A_1063 : i32 to vector<16xi32>
      %add3A_1065 = arith.addi %iota3A, %add3A_1064 : vector<16xi32>
      %mul3A_1066 = arith.constant 8 : i32
      %mul3A_1067 = vector.broadcast %mul3A_1066 : i32 to vector<16xi32>
      %mul3A_1068 = arith.muli %add3A_1065, %mul3A_1067 : vector<16xi32>
      %add3A_1069 = arith.constant 3 : i32
      %add3A_1070 = vector.broadcast %add3A_1069 : i32 to vector<16xi32>
      %add3A_1071 = arith.addi %mul3A_1068, %add3A_1070 : vector<16xi32>
      %gather3A_1072 = arith.constant 0 : i32
      %gather3A_1073 = arith.constant 0 : i32
      %gather3A_1074 = arith.constant 0 : i32
      %gather3A_1075 = tpu.memref_slice %arg10[%gather3A_1072, %gather3A_1073, %gather3A_1074] : memref<2x1x1024xf32, #tpu.memory_space<vmem>> -> memref<1x1x1024xf32, #tpu.memory_space<vmem>>
      %gather3A_1076 = tpu.memref_squeeze %gather3A_1075 : memref<1x1x1024xf32, #tpu.memory_space<vmem>> -> memref<1024xf32, #tpu.memory_space<vmem>>
      %gather3A_1077 = tpu.vector_load_idx %gather3A_1076[%add3A_1071] : memref<1024xf32, #tpu.memory_space<vmem>>[vector<16xi32>], vector<16xf32>,
      %bitcast3A_1078 = vector.bitcast %gather3A_1077 : vector<16xf32> to vector<16xi32>
      %add3A_1079 = arith.constant 32767 : i32
      %add3A_1080 = vector.broadcast %add3A_1079 : i32 to vector<16xi32>
      %add3A_1081 = arith.addi %bitcast3A_1078, %add3A_1080 : vector<16xi32>
      %shift_right_arithmetic3A_1082 = arith.constant 16 : i32
      %shift_right_arithmetic3A_1083 = vector.broadcast %shift_right_arithmetic3A_1082 : i32 to vector<16xi32>
      %shift_right_arithmetic3A_1084 = arith.shrsi %bitcast3A_1078, %shift_right_arithmetic3A_1083 : vector<16xi32>
      %and3A_1085 = arith.constant 1 : i32
      %and3A_1086 = vector.broadcast %and3A_1085 : i32 to vector<16xi32>
      %and3A_1087 = arith.andi %shift_right_arithmetic3A_1084, %and3A_1086 : vector<16xi32>
      %add3A_1088 = arith.addi %add3A_1081, %and3A_1087 : vector<16xi32>
      %and3A_1089 = arith.constant -65536 : i32
      %and3A_1090 = vector.broadcast %and3A_1089 : i32 to vector<16xi32>
      %and3A_1091 = arith.andi %add3A_1088, %and3A_1090 : vector<16xi32>
      %bitcast3A_1092 = vector.bitcast %and3A_1091 : vector<16xi32> to vector<16xf32>
      %mul3A_1093 = arith.mulf %bitcast3A_171, %bitcast3A_1092 : vector<16xf32>
      %add3A_1094 = arith.addf %broadcast_in_dim3A_1062, %mul3A_1093 : vector<16xf32>
      %add3A_1095 = arith.constant 16 : i32
      %add3A_1096 = vector.broadcast %add3A_1095 : i32 to vector<16xi32>
      %add3A_1097 = arith.addi %iota3A, %add3A_1096 : vector<16xi32>
      %mul3A_1098 = arith.constant 8 : i32
      %mul3A_1099 = vector.broadcast %mul3A_1098 : i32 to vector<16xi32>
      %mul3A_1100 = arith.muli %add3A_1097, %mul3A_1099 : vector<16xi32>
      %add3A_1101 = arith.constant 3 : i32
      %add3A_1102 = vector.broadcast %add3A_1101 : i32 to vector<16xi32>
      %add3A_1103 = arith.addi %mul3A_1100, %add3A_1102 : vector<16xi32>
      %gather3A_1104 = arith.constant 0 : i32
      %gather3A_1105 = arith.constant 0 : i32
      %gather3A_1106 = arith.constant 0 : i32
      %gather3A_1107 = tpu.memref_slice %arg10[%gather3A_1104, %gather3A_1105, %gather3A_1106] : memref<2x1x1024xf32, #tpu.memory_space<vmem>> -> memref<1x1x1024xf32, #tpu.memory_space<vmem>>
      %gather3A_1108 = tpu.memref_squeeze %gather3A_1107 : memref<1x1x1024xf32, #tpu.memory_space<vmem>> -> memref<1024xf32, #tpu.memory_space<vmem>>
      %gather3A_1109 = tpu.vector_load_idx %gather3A_1108[%add3A_1103] : memref<1024xf32, #tpu.memory_space<vmem>>[vector<16xi32>], vector<16xf32>,
      %bitcast3A_1110 = vector.bitcast %gather3A_1109 : vector<16xf32> to vector<16xi32>
      %add3A_1111 = arith.constant 32767 : i32
      %add3A_1112 = vector.broadcast %add3A_1111 : i32 to vector<16xi32>
      %add3A_1113 = arith.addi %bitcast3A_1110, %add3A_1112 : vector<16xi32>
      %shift_right_arithmetic3A_1114 = arith.constant 16 : i32
      %shift_right_arithmetic3A_1115 = vector.broadcast %shift_right_arithmetic3A_1114 : i32 to vector<16xi32>
      %shift_right_arithmetic3A_1116 = arith.shrsi %bitcast3A_1110, %shift_right_arithmetic3A_1115 : vector<16xi32>
      %and3A_1117 = arith.constant 1 : i32
      %and3A_1118 = vector.broadcast %and3A_1117 : i32 to vector<16xi32>
      %and3A_1119 = arith.andi %shift_right_arithmetic3A_1116, %and3A_1118 : vector<16xi32>
      %add3A_1120 = arith.addi %add3A_1113, %and3A_1119 : vector<16xi32>
      %and3A_1121 = arith.constant -65536 : i32
      %and3A_1122 = vector.broadcast %and3A_1121 : i32 to vector<16xi32>
      %and3A_1123 = arith.andi %add3A_1120, %and3A_1122 : vector<16xi32>
      %bitcast3A_1124 = vector.bitcast %and3A_1123 : vector<16xi32> to vector<16xf32>
      %mul3A_1125 = arith.mulf %bitcast3A_186, %bitcast3A_1124 : vector<16xf32>
      %add3A_1126 = arith.addf %add3A_1094, %mul3A_1125 : vector<16xf32>
      %add3A_1127 = arith.constant 32 : i32
      %add3A_1128 = vector.broadcast %add3A_1127 : i32 to vector<16xi32>
      %add3A_1129 = arith.addi %iota3A, %add3A_1128 : vector<16xi32>
      %mul3A_1130 = arith.constant 8 : i32
      %mul3A_1131 = vector.broadcast %mul3A_1130 : i32 to vector<16xi32>
      %mul3A_1132 = arith.muli %add3A_1129, %mul3A_1131 : vector<16xi32>
      %add3A_1133 = arith.constant 3 : i32
      %add3A_1134 = vector.broadcast %add3A_1133 : i32 to vector<16xi32>
      %add3A_1135 = arith.addi %mul3A_1132, %add3A_1134 : vector<16xi32>
      %gather3A_1136 = arith.constant 0 : i32
      %gather3A_1137 = arith.constant 0 : i32
      %gather3A_1138 = arith.constant 0 : i32
      %gather3A_1139 = tpu.memref_slice %arg10[%gather3A_1136, %gather3A_1137, %gather3A_1138] : memref<2x1x1024xf32, #tpu.memory_space<vmem>> -> memref<1x1x1024xf32, #tpu.memory_space<vmem>>
      %gather3A_1140 = tpu.memref_squeeze %gather3A_1139 : memref<1x1x1024xf32, #tpu.memory_space<vmem>> -> memref<1024xf32, #tpu.memory_space<vmem>>
      %gather3A_1141 = tpu.vector_load_idx %gather3A_1140[%add3A_1135] : memref<1024xf32, #tpu.memory_space<vmem>>[vector<16xi32>], vector<16xf32>,
      %bitcast3A_1142 = vector.bitcast %gather3A_1141 : vector<16xf32> to vector<16xi32>
      %add3A_1143 = arith.constant 32767 : i32
      %add3A_1144 = vector.broadcast %add3A_1143 : i32 to vector<16xi32>
      %add3A_1145 = arith.addi %bitcast3A_1142, %add3A_1144 : vector<16xi32>
      %shift_right_arithmetic3A_1146 = arith.constant 16 : i32
      %shift_right_arithmetic3A_1147 = vector.broadcast %shift_right_arithmetic3A_1146 : i32 to vector<16xi32>
      %shift_right_arithmetic3A_1148 = arith.shrsi %bitcast3A_1142, %shift_right_arithmetic3A_1147 : vector<16xi32>
      %and3A_1149 = arith.constant 1 : i32
      %and3A_1150 = vector.broadcast %and3A_1149 : i32 to vector<16xi32>
      %and3A_1151 = arith.andi %shift_right_arithmetic3A_1148, %and3A_1150 : vector<16xi32>
      %add3A_1152 = arith.addi %add3A_1145, %and3A_1151 : vector<16xi32>
      %and3A_1153 = arith.constant -65536 : i32
      %and3A_1154 = vector.broadcast %and3A_1153 : i32 to vector<16xi32>
      %and3A_1155 = arith.andi %add3A_1152, %and3A_1154 : vector<16xi32>
      %bitcast3A_1156 = vector.bitcast %and3A_1155 : vector<16xi32> to vector<16xf32>
      %mul3A_1157 = arith.mulf %bitcast3A_201, %bitcast3A_1156 : vector<16xf32>
      %add3A_1158 = arith.addf %add3A_1126, %mul3A_1157 : vector<16xf32>
      %add3A_1159 = arith.constant 48 : i32
      %add3A_1160 = vector.broadcast %add3A_1159 : i32 to vector<16xi32>
      %add3A_1161 = arith.addi %iota3A, %add3A_1160 : vector<16xi32>
      %mul3A_1162 = arith.constant 8 : i32
      %mul3A_1163 = vector.broadcast %mul3A_1162 : i32 to vector<16xi32>
      %mul3A_1164 = arith.muli %add3A_1161, %mul3A_1163 : vector<16xi32>
      %add3A_1165 = arith.constant 3 : i32
      %add3A_1166 = vector.broadcast %add3A_1165 : i32 to vector<16xi32>
      %add3A_1167 = arith.addi %mul3A_1164, %add3A_1166 : vector<16xi32>
      %gather3A_1168 = arith.constant 0 : i32
      %gather3A_1169 = arith.constant 0 : i32
      %gather3A_1170 = arith.constant 0 : i32
      %gather3A_1171 = tpu.memref_slice %arg10[%gather3A_1168, %gather3A_1169, %gather3A_1170] : memref<2x1x1024xf32, #tpu.memory_space<vmem>> -> memref<1x1x1024xf32, #tpu.memory_space<vmem>>
      %gather3A_1172 = tpu.memref_squeeze %gather3A_1171 : memref<1x1x1024xf32, #tpu.memory_space<vmem>> -> memref<1024xf32, #tpu.memory_space<vmem>>
      %gather3A_1173 = tpu.vector_load_idx %gather3A_1172[%add3A_1167] : memref<1024xf32, #tpu.memory_space<vmem>>[vector<16xi32>], vector<16xf32>,
      %bitcast3A_1174 = vector.bitcast %gather3A_1173 : vector<16xf32> to vector<16xi32>
      %add3A_1175 = arith.constant 32767 : i32
      %add3A_1176 = vector.broadcast %add3A_1175 : i32 to vector<16xi32>
      %add3A_1177 = arith.addi %bitcast3A_1174, %add3A_1176 : vector<16xi32>
      %shift_right_arithmetic3A_1178 = arith.constant 16 : i32
      %shift_right_arithmetic3A_1179 = vector.broadcast %shift_right_arithmetic3A_1178 : i32 to vector<16xi32>
      %shift_right_arithmetic3A_1180 = arith.shrsi %bitcast3A_1174, %shift_right_arithmetic3A_1179 : vector<16xi32>
      %and3A_1181 = arith.constant 1 : i32
      %and3A_1182 = vector.broadcast %and3A_1181 : i32 to vector<16xi32>
      %and3A_1183 = arith.andi %shift_right_arithmetic3A_1180, %and3A_1182 : vector<16xi32>
      %add3A_1184 = arith.addi %add3A_1177, %and3A_1183 : vector<16xi32>
      %and3A_1185 = arith.constant -65536 : i32
      %and3A_1186 = vector.broadcast %and3A_1185 : i32 to vector<16xi32>
      %and3A_1187 = arith.andi %add3A_1184, %and3A_1186 : vector<16xi32>
      %bitcast3A_1188 = vector.bitcast %and3A_1187 : vector<16xi32> to vector<16xf32>
      %mul3A_1189 = arith.mulf %bitcast3A_216, %bitcast3A_1188 : vector<16xf32>
      %add3A_1190 = arith.addf %add3A_1158, %mul3A_1189 : vector<16xf32>
      %add3A_1191 = arith.constant 64 : i32
      %add3A_1192 = vector.broadcast %add3A_1191 : i32 to vector<16xi32>
      %add3A_1193 = arith.addi %iota3A, %add3A_1192 : vector<16xi32>
      %mul3A_1194 = arith.constant 8 : i32
      %mul3A_1195 = vector.broadcast %mul3A_1194 : i32 to vector<16xi32>
      %mul3A_1196 = arith.muli %add3A_1193, %mul3A_1195 : vector<16xi32>
      %add3A_1197 = arith.constant 3 : i32
      %add3A_1198 = vector.broadcast %add3A_1197 : i32 to vector<16xi32>
      %add3A_1199 = arith.addi %mul3A_1196, %add3A_1198 : vector<16xi32>
      %gather3A_1200 = arith.constant 0 : i32
      %gather3A_1201 = arith.constant 0 : i32
      %gather3A_1202 = arith.constant 0 : i32
      %gather3A_1203 = tpu.memref_slice %arg10[%gather3A_1200, %gather3A_1201, %gather3A_1202] : memref<2x1x1024xf32, #tpu.memory_space<vmem>> -> memref<1x1x1024xf32, #tpu.memory_space<vmem>>
      %gather3A_1204 = tpu.memref_squeeze %gather3A_1203 : memref<1x1x1024xf32, #tpu.memory_space<vmem>> -> memref<1024xf32, #tpu.memory_space<vmem>>
      %gather3A_1205 = tpu.vector_load_idx %gather3A_1204[%add3A_1199] : memref<1024xf32, #tpu.memory_space<vmem>>[vector<16xi32>], vector<16xf32>,
      %bitcast3A_1206 = vector.bitcast %gather3A_1205 : vector<16xf32> to vector<16xi32>
      %add3A_1207 = arith.constant 32767 : i32
      %add3A_1208 = vector.broadcast %add3A_1207 : i32 to vector<16xi32>
      %add3A_1209 = arith.addi %bitcast3A_1206, %add3A_1208 : vector<16xi32>
      %shift_right_arithmetic3A_1210 = arith.constant 16 : i32
      %shift_right_arithmetic3A_1211 = vector.broadcast %shift_right_arithmetic3A_1210 : i32 to vector<16xi32>
      %shift_right_arithmetic3A_1212 = arith.shrsi %bitcast3A_1206, %shift_right_arithmetic3A_1211 : vector<16xi32>
      %and3A_1213 = arith.constant 1 : i32
      %and3A_1214 = vector.broadcast %and3A_1213 : i32 to vector<16xi32>
      %and3A_1215 = arith.andi %shift_right_arithmetic3A_1212, %and3A_1214 : vector<16xi32>
      %add3A_1216 = arith.addi %add3A_1209, %and3A_1215 : vector<16xi32>
      %and3A_1217 = arith.constant -65536 : i32
      %and3A_1218 = vector.broadcast %and3A_1217 : i32 to vector<16xi32>
      %and3A_1219 = arith.andi %add3A_1216, %and3A_1218 : vector<16xi32>
      %bitcast3A_1220 = vector.bitcast %and3A_1219 : vector<16xi32> to vector<16xf32>
      %mul3A_1221 = arith.mulf %bitcast3A_231, %bitcast3A_1220 : vector<16xf32>
      %add3A_1222 = arith.addf %add3A_1190, %mul3A_1221 : vector<16xf32>
      %add3A_1223 = arith.constant 80 : i32
      %add3A_1224 = vector.broadcast %add3A_1223 : i32 to vector<16xi32>
      %add3A_1225 = arith.addi %iota3A, %add3A_1224 : vector<16xi32>
      %mul3A_1226 = arith.constant 8 : i32
      %mul3A_1227 = vector.broadcast %mul3A_1226 : i32 to vector<16xi32>
      %mul3A_1228 = arith.muli %add3A_1225, %mul3A_1227 : vector<16xi32>
      %add3A_1229 = arith.constant 3 : i32
      %add3A_1230 = vector.broadcast %add3A_1229 : i32 to vector<16xi32>
      %add3A_1231 = arith.addi %mul3A_1228, %add3A_1230 : vector<16xi32>
      %gather3A_1232 = arith.constant 0 : i32
      %gather3A_1233 = arith.constant 0 : i32
      %gather3A_1234 = arith.constant 0 : i32
      %gather3A_1235 = tpu.memref_slice %arg10[%gather3A_1232, %gather3A_1233, %gather3A_1234] : memref<2x1x1024xf32, #tpu.memory_space<vmem>> -> memref<1x1x1024xf32, #tpu.memory_space<vmem>>
      %gather3A_1236 = tpu.memref_squeeze %gather3A_1235 : memref<1x1x1024xf32, #tpu.memory_space<vmem>> -> memref<1024xf32, #tpu.memory_space<vmem>>
      %gather3A_1237 = tpu.vector_load_idx %gather3A_1236[%add3A_1231] : memref<1024xf32, #tpu.memory_space<vmem>>[vector<16xi32>], vector<16xf32>,
      %bitcast3A_1238 = vector.bitcast %gather3A_1237 : vector<16xf32> to vector<16xi32>
      %add3A_1239 = arith.constant 32767 : i32
      %add3A_1240 = vector.broadcast %add3A_1239 : i32 to vector<16xi32>
      %add3A_1241 = arith.addi %bitcast3A_1238, %add3A_1240 : vector<16xi32>
      %shift_right_arithmetic3A_1242 = arith.constant 16 : i32
      %shift_right_arithmetic3A_1243 = vector.broadcast %shift_right_arithmetic3A_1242 : i32 to vector<16xi32>
      %shift_right_arithmetic3A_1244 = arith.shrsi %bitcast3A_1238, %shift_right_arithmetic3A_1243 : vector<16xi32>
      %and3A_1245 = arith.constant 1 : i32
      %and3A_1246 = vector.broadcast %and3A_1245 : i32 to vector<16xi32>
      %and3A_1247 = arith.andi %shift_right_arithmetic3A_1244, %and3A_1246 : vector<16xi32>
      %add3A_1248 = arith.addi %add3A_1241, %and3A_1247 : vector<16xi32>
      %and3A_1249 = arith.constant -65536 : i32
      %and3A_1250 = vector.broadcast %and3A_1249 : i32 to vector<16xi32>
      %and3A_1251 = arith.andi %add3A_1248, %and3A_1250 : vector<16xi32>
      %bitcast3A_1252 = vector.bitcast %and3A_1251 : vector<16xi32> to vector<16xf32>
      %mul3A_1253 = arith.mulf %bitcast3A_246, %bitcast3A_1252 : vector<16xf32>
      %add3A_1254 = arith.addf %add3A_1222, %mul3A_1253 : vector<16xf32>
      %add3A_1255 = arith.constant 96 : i32
      %add3A_1256 = vector.broadcast %add3A_1255 : i32 to vector<16xi32>
      %add3A_1257 = arith.addi %iota3A, %add3A_1256 : vector<16xi32>
      %mul3A_1258 = arith.constant 8 : i32
      %mul3A_1259 = vector.broadcast %mul3A_1258 : i32 to vector<16xi32>
      %mul3A_1260 = arith.muli %add3A_1257, %mul3A_1259 : vector<16xi32>
      %add3A_1261 = arith.constant 3 : i32
      %add3A_1262 = vector.broadcast %add3A_1261 : i32 to vector<16xi32>
      %add3A_1263 = arith.addi %mul3A_1260, %add3A_1262 : vector<16xi32>
      %gather3A_1264 = arith.constant 0 : i32
      %gather3A_1265 = arith.constant 0 : i32
      %gather3A_1266 = arith.constant 0 : i32
      %gather3A_1267 = tpu.memref_slice %arg10[%gather3A_1264, %gather3A_1265, %gather3A_1266] : memref<2x1x1024xf32, #tpu.memory_space<vmem>> -> memref<1x1x1024xf32, #tpu.memory_space<vmem>>
      %gather3A_1268 = tpu.memref_squeeze %gather3A_1267 : memref<1x1x1024xf32, #tpu.memory_space<vmem>> -> memref<1024xf32, #tpu.memory_space<vmem>>
      %gather3A_1269 = tpu.vector_load_idx %gather3A_1268[%add3A_1263] : memref<1024xf32, #tpu.memory_space<vmem>>[vector<16xi32>], vector<16xf32>,
      %bitcast3A_1270 = vector.bitcast %gather3A_1269 : vector<16xf32> to vector<16xi32>
      %add3A_1271 = arith.constant 32767 : i32
      %add3A_1272 = vector.broadcast %add3A_1271 : i32 to vector<16xi32>
      %add3A_1273 = arith.addi %bitcast3A_1270, %add3A_1272 : vector<16xi32>
      %shift_right_arithmetic3A_1274 = arith.constant 16 : i32
      %shift_right_arithmetic3A_1275 = vector.broadcast %shift_right_arithmetic3A_1274 : i32 to vector<16xi32>
      %shift_right_arithmetic3A_1276 = arith.shrsi %bitcast3A_1270, %shift_right_arithmetic3A_1275 : vector<16xi32>
      %and3A_1277 = arith.constant 1 : i32
      %and3A_1278 = vector.broadcast %and3A_1277 : i32 to vector<16xi32>
      %and3A_1279 = arith.andi %shift_right_arithmetic3A_1276, %and3A_1278 : vector<16xi32>
      %add3A_1280 = arith.addi %add3A_1273, %and3A_1279 : vector<16xi32>
      %and3A_1281 = arith.constant -65536 : i32
      %and3A_1282 = vector.broadcast %and3A_1281 : i32 to vector<16xi32>
      %and3A_1283 = arith.andi %add3A_1280, %and3A_1282 : vector<16xi32>
      %bitcast3A_1284 = vector.bitcast %and3A_1283 : vector<16xi32> to vector<16xf32>
      %mul3A_1285 = arith.mulf %bitcast3A_261, %bitcast3A_1284 : vector<16xf32>
      %add3A_1286 = arith.addf %add3A_1254, %mul3A_1285 : vector<16xf32>
      %add3A_1287 = arith.constant 112 : i32
      %add3A_1288 = vector.broadcast %add3A_1287 : i32 to vector<16xi32>
      %add3A_1289 = arith.addi %iota3A, %add3A_1288 : vector<16xi32>
      %mul3A_1290 = arith.constant 8 : i32
      %mul3A_1291 = vector.broadcast %mul3A_1290 : i32 to vector<16xi32>
      %mul3A_1292 = arith.muli %add3A_1289, %mul3A_1291 : vector<16xi32>
      %add3A_1293 = arith.constant 3 : i32
      %add3A_1294 = vector.broadcast %add3A_1293 : i32 to vector<16xi32>
      %add3A_1295 = arith.addi %mul3A_1292, %add3A_1294 : vector<16xi32>
      %gather3A_1296 = arith.constant 0 : i32
      %gather3A_1297 = arith.constant 0 : i32
      %gather3A_1298 = arith.constant 0 : i32
      %gather3A_1299 = tpu.memref_slice %arg10[%gather3A_1296, %gather3A_1297, %gather3A_1298] : memref<2x1x1024xf32, #tpu.memory_space<vmem>> -> memref<1x1x1024xf32, #tpu.memory_space<vmem>>
      %gather3A_1300 = tpu.memref_squeeze %gather3A_1299 : memref<1x1x1024xf32, #tpu.memory_space<vmem>> -> memref<1024xf32, #tpu.memory_space<vmem>>
      %gather3A_1301 = tpu.vector_load_idx %gather3A_1300[%add3A_1295] : memref<1024xf32, #tpu.memory_space<vmem>>[vector<16xi32>], vector<16xf32>,
      %bitcast3A_1302 = vector.bitcast %gather3A_1301 : vector<16xf32> to vector<16xi32>
      %add3A_1303 = arith.constant 32767 : i32
      %add3A_1304 = vector.broadcast %add3A_1303 : i32 to vector<16xi32>
      %add3A_1305 = arith.addi %bitcast3A_1302, %add3A_1304 : vector<16xi32>
      %shift_right_arithmetic3A_1306 = arith.constant 16 : i32
      %shift_right_arithmetic3A_1307 = vector.broadcast %shift_right_arithmetic3A_1306 : i32 to vector<16xi32>
      %shift_right_arithmetic3A_1308 = arith.shrsi %bitcast3A_1302, %shift_right_arithmetic3A_1307 : vector<16xi32>
      %and3A_1309 = arith.constant 1 : i32
      %and3A_1310 = vector.broadcast %and3A_1309 : i32 to vector<16xi32>
      %and3A_1311 = arith.andi %shift_right_arithmetic3A_1308, %and3A_1310 : vector<16xi32>
      %add3A_1312 = arith.addi %add3A_1305, %and3A_1311 : vector<16xi32>
      %and3A_1313 = arith.constant -65536 : i32
      %and3A_1314 = vector.broadcast %and3A_1313 : i32 to vector<16xi32>
      %and3A_1315 = arith.andi %add3A_1312, %and3A_1314 : vector<16xi32>
      %bitcast3A_1316 = vector.bitcast %and3A_1315 : vector<16xi32> to vector<16xf32>
      %mul3A_1317 = arith.mulf %bitcast3A_276, %bitcast3A_1316 : vector<16xf32>
      %add3A_1318 = arith.addf %add3A_1286, %mul3A_1317 : vector<16xf32>
      %reduce_sum3A_1319 = arith.constant true
      %reduce_sum3A_1320 = vector.broadcast %reduce_sum3A_1319 : i1 to vector<16xi1>
      %reduce_sum3A_1321 = tpu.scan <sum>, %add3A_1318 masked %reduce_sum3A_1320 : vector<16xf32>, vector<16xi1> -> vector<16xf32>
      %reduce_sum3A_1322 = vector.extract %reduce_sum3A_1321[15] : f32 from vector<16xf32>
      %broadcast_in_dim3A_1323 = arith.constant 0.000000e+00 : f32
      %broadcast_in_dim3A_1324 = vector.broadcast %broadcast_in_dim3A_1323 : f32 to vector<16xf32>
      %add3A_1325 = arith.constant 0 : i32
      %add3A_1326 = vector.broadcast %add3A_1325 : i32 to vector<16xi32>
      %add3A_1327 = arith.addi %iota3A, %add3A_1326 : vector<16xi32>
      %mul3A_1328 = arith.constant 8 : i32
      %mul3A_1329 = vector.broadcast %mul3A_1328 : i32 to vector<16xi32>
      %mul3A_1330 = arith.muli %add3A_1327, %mul3A_1329 : vector<16xi32>
      %add3A_1331 = arith.constant 4 : i32
      %add3A_1332 = vector.broadcast %add3A_1331 : i32 to vector<16xi32>
      %add3A_1333 = arith.addi %mul3A_1330, %add3A_1332 : vector<16xi32>
      %gather3A_1334 = arith.constant 0 : i32
      %gather3A_1335 = arith.constant 0 : i32
      %gather3A_1336 = arith.constant 0 : i32
      %gather3A_1337 = tpu.memref_slice %arg10[%gather3A_1334, %gather3A_1335, %gather3A_1336] : memref<2x1x1024xf32, #tpu.memory_space<vmem>> -> memref<1x1x1024xf32, #tpu.memory_space<vmem>>
      %gather3A_1338 = tpu.memref_squeeze %gather3A_1337 : memref<1x1x1024xf32, #tpu.memory_space<vmem>> -> memref<1024xf32, #tpu.memory_space<vmem>>
      %gather3A_1339 = tpu.vector_load_idx %gather3A_1338[%add3A_1333] : memref<1024xf32, #tpu.memory_space<vmem>>[vector<16xi32>], vector<16xf32>,
      %bitcast3A_1340 = vector.bitcast %gather3A_1339 : vector<16xf32> to vector<16xi32>
      %add3A_1341 = arith.constant 32767 : i32
      %add3A_1342 = vector.broadcast %add3A_1341 : i32 to vector<16xi32>
      %add3A_1343 = arith.addi %bitcast3A_1340, %add3A_1342 : vector<16xi32>
      %shift_right_arithmetic3A_1344 = arith.constant 16 : i32
      %shift_right_arithmetic3A_1345 = vector.broadcast %shift_right_arithmetic3A_1344 : i32 to vector<16xi32>
      %shift_right_arithmetic3A_1346 = arith.shrsi %bitcast3A_1340, %shift_right_arithmetic3A_1345 : vector<16xi32>
      %and3A_1347 = arith.constant 1 : i32
      %and3A_1348 = vector.broadcast %and3A_1347 : i32 to vector<16xi32>
      %and3A_1349 = arith.andi %shift_right_arithmetic3A_1346, %and3A_1348 : vector<16xi32>
      %add3A_1350 = arith.addi %add3A_1343, %and3A_1349 : vector<16xi32>
      %and3A_1351 = arith.constant -65536 : i32
      %and3A_1352 = vector.broadcast %and3A_1351 : i32 to vector<16xi32>
      %and3A_1353 = arith.andi %add3A_1350, %and3A_1352 : vector<16xi32>
      %bitcast3A_1354 = vector.bitcast %and3A_1353 : vector<16xi32> to vector<16xf32>
      %mul3A_1355 = arith.mulf %bitcast3A_171, %bitcast3A_1354 : vector<16xf32>
      %add3A_1356 = arith.addf %broadcast_in_dim3A_1324, %mul3A_1355 : vector<16xf32>
      %add3A_1357 = arith.constant 16 : i32
      %add3A_1358 = vector.broadcast %add3A_1357 : i32 to vector<16xi32>
      %add3A_1359 = arith.addi %iota3A, %add3A_1358 : vector<16xi32>
      %mul3A_1360 = arith.constant 8 : i32
      %mul3A_1361 = vector.broadcast %mul3A_1360 : i32 to vector<16xi32>
      %mul3A_1362 = arith.muli %add3A_1359, %mul3A_1361 : vector<16xi32>
      %add3A_1363 = arith.constant 4 : i32
      %add3A_1364 = vector.broadcast %add3A_1363 : i32 to vector<16xi32>
      %add3A_1365 = arith.addi %mul3A_1362, %add3A_1364 : vector<16xi32>
      %gather3A_1366 = arith.constant 0 : i32
      %gather3A_1367 = arith.constant 0 : i32
      %gather3A_1368 = arith.constant 0 : i32
      %gather3A_1369 = tpu.memref_slice %arg10[%gather3A_1366, %gather3A_1367, %gather3A_1368] : memref<2x1x1024xf32, #tpu.memory_space<vmem>> -> memref<1x1x1024xf32, #tpu.memory_space<vmem>>
      %gather3A_1370 = tpu.memref_squeeze %gather3A_1369 : memref<1x1x1024xf32, #tpu.memory_space<vmem>> -> memref<1024xf32, #tpu.memory_space<vmem>>
      %gather3A_1371 = tpu.vector_load_idx %gather3A_1370[%add3A_1365] : memref<1024xf32, #tpu.memory_space<vmem>>[vector<16xi32>], vector<16xf32>,
      %bitcast3A_1372 = vector.bitcast %gather3A_1371 : vector<16xf32> to vector<16xi32>
      %add3A_1373 = arith.constant 32767 : i32
      %add3A_1374 = vector.broadcast %add3A_1373 : i32 to vector<16xi32>
      %add3A_1375 = arith.addi %bitcast3A_1372, %add3A_1374 : vector<16xi32>
      %shift_right_arithmetic3A_1376 = arith.constant 16 : i32
      %shift_right_arithmetic3A_1377 = vector.broadcast %shift_right_arithmetic3A_1376 : i32 to vector<16xi32>
      %shift_right_arithmetic3A_1378 = arith.shrsi %bitcast3A_1372, %shift_right_arithmetic3A_1377 : vector<16xi32>
      %and3A_1379 = arith.constant 1 : i32
      %and3A_1380 = vector.broadcast %and3A_1379 : i32 to vector<16xi32>
      %and3A_1381 = arith.andi %shift_right_arithmetic3A_1378, %and3A_1380 : vector<16xi32>
      %add3A_1382 = arith.addi %add3A_1375, %and3A_1381 : vector<16xi32>
      %and3A_1383 = arith.constant -65536 : i32
      %and3A_1384 = vector.broadcast %and3A_1383 : i32 to vector<16xi32>
      %and3A_1385 = arith.andi %add3A_1382, %and3A_1384 : vector<16xi32>
      %bitcast3A_1386 = vector.bitcast %and3A_1385 : vector<16xi32> to vector<16xf32>
      %mul3A_1387 = arith.mulf %bitcast3A_186, %bitcast3A_1386 : vector<16xf32>
      %add3A_1388 = arith.addf %add3A_1356, %mul3A_1387 : vector<16xf32>
      %add3A_1389 = arith.constant 32 : i32
      %add3A_1390 = vector.broadcast %add3A_1389 : i32 to vector<16xi32>
      %add3A_1391 = arith.addi %iota3A, %add3A_1390 : vector<16xi32>
      %mul3A_1392 = arith.constant 8 : i32
      %mul3A_1393 = vector.broadcast %mul3A_1392 : i32 to vector<16xi32>
      %mul3A_1394 = arith.muli %add3A_1391, %mul3A_1393 : vector<16xi32>
      %add3A_1395 = arith.constant 4 : i32
      %add3A_1396 = vector.broadcast %add3A_1395 : i32 to vector<16xi32>
      %add3A_1397 = arith.addi %mul3A_1394, %add3A_1396 : vector<16xi32>
      %gather3A_1398 = arith.constant 0 : i32
      %gather3A_1399 = arith.constant 0 : i32
      %gather3A_1400 = arith.constant 0 : i32
      %gather3A_1401 = tpu.memref_slice %arg10[%gather3A_1398, %gather3A_1399, %gather3A_1400] : memref<2x1x1024xf32, #tpu.memory_space<vmem>> -> memref<1x1x1024xf32, #tpu.memory_space<vmem>>
      %gather3A_1402 = tpu.memref_squeeze %gather3A_1401 : memref<1x1x1024xf32, #tpu.memory_space<vmem>> -> memref<1024xf32, #tpu.memory_space<vmem>>
      %gather3A_1403 = tpu.vector_load_idx %gather3A_1402[%add3A_1397] : memref<1024xf32, #tpu.memory_space<vmem>>[vector<16xi32>], vector<16xf32>,
      %bitcast3A_1404 = vector.bitcast %gather3A_1403 : vector<16xf32> to vector<16xi32>
      %add3A_1405 = arith.constant 32767 : i32
      %add3A_1406 = vector.broadcast %add3A_1405 : i32 to vector<16xi32>
      %add3A_1407 = arith.addi %bitcast3A_1404, %add3A_1406 : vector<16xi32>
      %shift_right_arithmetic3A_1408 = arith.constant 16 : i32
      %shift_right_arithmetic3A_1409 = vector.broadcast %shift_right_arithmetic3A_1408 : i32 to vector<16xi32>
      %shift_right_arithmetic3A_1410 = arith.shrsi %bitcast3A_1404, %shift_right_arithmetic3A_1409 : vector<16xi32>
      %and3A_1411 = arith.constant 1 : i32
      %and3A_1412 = vector.broadcast %and3A_1411 : i32 to vector<16xi32>
      %and3A_1413 = arith.andi %shift_right_arithmetic3A_1410, %and3A_1412 : vector<16xi32>
      %add3A_1414 = arith.addi %add3A_1407, %and3A_1413 : vector<16xi32>
      %and3A_1415 = arith.constant -65536 : i32
      %and3A_1416 = vector.broadcast %and3A_1415 : i32 to vector<16xi32>
      %and3A_1417 = arith.andi %add3A_1414, %and3A_1416 : vector<16xi32>
      %bitcast3A_1418 = vector.bitcast %and3A_1417 : vector<16xi32> to vector<16xf32>
      %mul3A_1419 = arith.mulf %bitcast3A_201, %bitcast3A_1418 : vector<16xf32>
      %add3A_1420 = arith.addf %add3A_1388, %mul3A_1419 : vector<16xf32>
      %add3A_1421 = arith.constant 48 : i32
      %add3A_1422 = vector.broadcast %add3A_1421 : i32 to vector<16xi32>
      %add3A_1423 = arith.addi %iota3A, %add3A_1422 : vector<16xi32>
      %mul3A_1424 = arith.constant 8 : i32
      %mul3A_1425 = vector.broadcast %mul3A_1424 : i32 to vector<16xi32>
      %mul3A_1426 = arith.muli %add3A_1423, %mul3A_1425 : vector<16xi32>
      %add3A_1427 = arith.constant 4 : i32
      %add3A_1428 = vector.broadcast %add3A_1427 : i32 to vector<16xi32>
      %add3A_1429 = arith.addi %mul3A_1426, %add3A_1428 : vector<16xi32>
      %gather3A_1430 = arith.constant 0 : i32
      %gather3A_1431 = arith.constant 0 : i32
      %gather3A_1432 = arith.constant 0 : i32
      %gather3A_1433 = tpu.memref_slice %arg10[%gather3A_1430, %gather3A_1431, %gather3A_1432] : memref<2x1x1024xf32, #tpu.memory_space<vmem>> -> memref<1x1x1024xf32, #tpu.memory_space<vmem>>
      %gather3A_1434 = tpu.memref_squeeze %gather3A_1433 : memref<1x1x1024xf32, #tpu.memory_space<vmem>> -> memref<1024xf32, #tpu.memory_space<vmem>>
      %gather3A_1435 = tpu.vector_load_idx %gather3A_1434[%add3A_1429] : memref<1024xf32, #tpu.memory_space<vmem>>[vector<16xi32>], vector<16xf32>,
      %bitcast3A_1436 = vector.bitcast %gather3A_1435 : vector<16xf32> to vector<16xi32>
      %add3A_1437 = arith.constant 32767 : i32
      %add3A_1438 = vector.broadcast %add3A_1437 : i32 to vector<16xi32>
      %add3A_1439 = arith.addi %bitcast3A_1436, %add3A_1438 : vector<16xi32>
      %shift_right_arithmetic3A_1440 = arith.constant 16 : i32
      %shift_right_arithmetic3A_1441 = vector.broadcast %shift_right_arithmetic3A_1440 : i32 to vector<16xi32>
      %shift_right_arithmetic3A_1442 = arith.shrsi %bitcast3A_1436, %shift_right_arithmetic3A_1441 : vector<16xi32>
      %and3A_1443 = arith.constant 1 : i32
      %and3A_1444 = vector.broadcast %and3A_1443 : i32 to vector<16xi32>
      %and3A_1445 = arith.andi %shift_right_arithmetic3A_1442, %and3A_1444 : vector<16xi32>
      %add3A_1446 = arith.addi %add3A_1439, %and3A_1445 : vector<16xi32>
      %and3A_1447 = arith.constant -65536 : i32
      %and3A_1448 = vector.broadcast %and3A_1447 : i32 to vector<16xi32>
      %and3A_1449 = arith.andi %add3A_1446, %and3A_1448 : vector<16xi32>
      %bitcast3A_1450 = vector.bitcast %and3A_1449 : vector<16xi32> to vector<16xf32>
      %mul3A_1451 = arith.mulf %bitcast3A_216, %bitcast3A_1450 : vector<16xf32>
      %add3A_1452 = arith.addf %add3A_1420, %mul3A_1451 : vector<16xf32>
      %add3A_1453 = arith.constant 64 : i32
      %add3A_1454 = vector.broadcast %add3A_1453 : i32 to vector<16xi32>
      %add3A_1455 = arith.addi %iota3A, %add3A_1454 : vector<16xi32>
      %mul3A_1456 = arith.constant 8 : i32
      %mul3A_1457 = vector.broadcast %mul3A_1456 : i32 to vector<16xi32>
      %mul3A_1458 = arith.muli %add3A_1455, %mul3A_1457 : vector<16xi32>
      %add3A_1459 = arith.constant 4 : i32
      %add3A_1460 = vector.broadcast %add3A_1459 : i32 to vector<16xi32>
      %add3A_1461 = arith.addi %mul3A_1458, %add3A_1460 : vector<16xi32>
      %gather3A_1462 = arith.constant 0 : i32
      %gather3A_1463 = arith.constant 0 : i32
      %gather3A_1464 = arith.constant 0 : i32
      %gather3A_1465 = tpu.memref_slice %arg10[%gather3A_1462, %gather3A_1463, %gather3A_1464] : memref<2x1x1024xf32, #tpu.memory_space<vmem>> -> memref<1x1x1024xf32, #tpu.memory_space<vmem>>
      %gather3A_1466 = tpu.memref_squeeze %gather3A_1465 : memref<1x1x1024xf32, #tpu.memory_space<vmem>> -> memref<1024xf32, #tpu.memory_space<vmem>>
      %gather3A_1467 = tpu.vector_load_idx %gather3A_1466[%add3A_1461] : memref<1024xf32, #tpu.memory_space<vmem>>[vector<16xi32>], vector<16xf32>,
      %bitcast3A_1468 = vector.bitcast %gather3A_1467 : vector<16xf32> to vector<16xi32>
      %add3A_1469 = arith.constant 32767 : i32
      %add3A_1470 = vector.broadcast %add3A_1469 : i32 to vector<16xi32>
      %add3A_1471 = arith.addi %bitcast3A_1468, %add3A_1470 : vector<16xi32>
      %shift_right_arithmetic3A_1472 = arith.constant 16 : i32
      %shift_right_arithmetic3A_1473 = vector.broadcast %shift_right_arithmetic3A_1472 : i32 to vector<16xi32>
      %shift_right_arithmetic3A_1474 = arith.shrsi %bitcast3A_1468, %shift_right_arithmetic3A_1473 : vector<16xi32>
      %and3A_1475 = arith.constant 1 : i32
      %and3A_1476 = vector.broadcast %and3A_1475 : i32 to vector<16xi32>
      %and3A_1477 = arith.andi %shift_right_arithmetic3A_1474, %and3A_1476 : vector<16xi32>
      %add3A_1478 = arith.addi %add3A_1471, %and3A_1477 : vector<16xi32>
      %and3A_1479 = arith.constant -65536 : i32
      %and3A_1480 = vector.broadcast %and3A_1479 : i32 to vector<16xi32>
      %and3A_1481 = arith.andi %add3A_1478, %and3A_1480 : vector<16xi32>
      %bitcast3A_1482 = vector.bitcast %and3A_1481 : vector<16xi32> to vector<16xf32>
      %mul3A_1483 = arith.mulf %bitcast3A_231, %bitcast3A_1482 : vector<16xf32>
      %add3A_1484 = arith.addf %add3A_1452, %mul3A_1483 : vector<16xf32>
      %add3A_1485 = arith.constant 80 : i32
      %add3A_1486 = vector.broadcast %add3A_1485 : i32 to vector<16xi32>
      %add3A_1487 = arith.addi %iota3A, %add3A_1486 : vector<16xi32>
      %mul3A_1488 = arith.constant 8 : i32
      %mul3A_1489 = vector.broadcast %mul3A_1488 : i32 to vector<16xi32>
      %mul3A_1490 = arith.muli %add3A_1487, %mul3A_1489 : vector<16xi32>
      %add3A_1491 = arith.constant 4 : i32
      %add3A_1492 = vector.broadcast %add3A_1491 : i32 to vector<16xi32>
      %add3A_1493 = arith.addi %mul3A_1490, %add3A_1492 : vector<16xi32>
      %gather3A_1494 = arith.constant 0 : i32
      %gather3A_1495 = arith.constant 0 : i32
      %gather3A_1496 = arith.constant 0 : i32
      %gather3A_1497 = tpu.memref_slice %arg10[%gather3A_1494, %gather3A_1495, %gather3A_1496] : memref<2x1x1024xf32, #tpu.memory_space<vmem>> -> memref<1x1x1024xf32, #tpu.memory_space<vmem>>
      %gather3A_1498 = tpu.memref_squeeze %gather3A_1497 : memref<1x1x1024xf32, #tpu.memory_space<vmem>> -> memref<1024xf32, #tpu.memory_space<vmem>>
      %gather3A_1499 = tpu.vector_load_idx %gather3A_1498[%add3A_1493] : memref<1024xf32, #tpu.memory_space<vmem>>[vector<16xi32>], vector<16xf32>,
      %bitcast3A_1500 = vector.bitcast %gather3A_1499 : vector<16xf32> to vector<16xi32>
      %add3A_1501 = arith.constant 32767 : i32
      %add3A_1502 = vector.broadcast %add3A_1501 : i32 to vector<16xi32>
      %add3A_1503 = arith.addi %bitcast3A_1500, %add3A_1502 : vector<16xi32>
      %shift_right_arithmetic3A_1504 = arith.constant 16 : i32
      %shift_right_arithmetic3A_1505 = vector.broadcast %shift_right_arithmetic3A_1504 : i32 to vector<16xi32>
      %shift_right_arithmetic3A_1506 = arith.shrsi %bitcast3A_1500, %shift_right_arithmetic3A_1505 : vector<16xi32>
      %and3A_1507 = arith.constant 1 : i32
      %and3A_1508 = vector.broadcast %and3A_1507 : i32 to vector<16xi32>
      %and3A_1509 = arith.andi %shift_right_arithmetic3A_1506, %and3A_1508 : vector<16xi32>
      %add3A_1510 = arith.addi %add3A_1503, %and3A_1509 : vector<16xi32>
      %and3A_1511 = arith.constant -65536 : i32
      %and3A_1512 = vector.broadcast %and3A_1511 : i32 to vector<16xi32>
      %and3A_1513 = arith.andi %add3A_1510, %and3A_1512 : vector<16xi32>
      %bitcast3A_1514 = vector.bitcast %and3A_1513 : vector<16xi32> to vector<16xf32>
      %mul3A_1515 = arith.mulf %bitcast3A_246, %bitcast3A_1514 : vector<16xf32>
      %add3A_1516 = arith.addf %add3A_1484, %mul3A_1515 : vector<16xf32>
      %add3A_1517 = arith.constant 96 : i32
      %add3A_1518 = vector.broadcast %add3A_1517 : i32 to vector<16xi32>
      %add3A_1519 = arith.addi %iota3A, %add3A_1518 : vector<16xi32>
      %mul3A_1520 = arith.constant 8 : i32
      %mul3A_1521 = vector.broadcast %mul3A_1520 : i32 to vector<16xi32>
      %mul3A_1522 = arith.muli %add3A_1519, %mul3A_1521 : vector<16xi32>
      %add3A_1523 = arith.constant 4 : i32
      %add3A_1524 = vector.broadcast %add3A_1523 : i32 to vector<16xi32>
      %add3A_1525 = arith.addi %mul3A_1522, %add3A_1524 : vector<16xi32>
      %gather3A_1526 = arith.constant 0 : i32
      %gather3A_1527 = arith.constant 0 : i32
      %gather3A_1528 = arith.constant 0 : i32
      %gather3A_1529 = tpu.memref_slice %arg10[%gather3A_1526, %gather3A_1527, %gather3A_1528] : memref<2x1x1024xf32, #tpu.memory_space<vmem>> -> memref<1x1x1024xf32, #tpu.memory_space<vmem>>
      %gather3A_1530 = tpu.memref_squeeze %gather3A_1529 : memref<1x1x1024xf32, #tpu.memory_space<vmem>> -> memref<1024xf32, #tpu.memory_space<vmem>>
      %gather3A_1531 = tpu.vector_load_idx %gather3A_1530[%add3A_1525] : memref<1024xf32, #tpu.memory_space<vmem>>[vector<16xi32>], vector<16xf32>,
      %bitcast3A_1532 = vector.bitcast %gather3A_1531 : vector<16xf32> to vector<16xi32>
      %add3A_1533 = arith.constant 32767 : i32
      %add3A_1534 = vector.broadcast %add3A_1533 : i32 to vector<16xi32>
      %add3A_1535 = arith.addi %bitcast3A_1532, %add3A_1534 : vector<16xi32>
      %shift_right_arithmetic3A_1536 = arith.constant 16 : i32
      %shift_right_arithmetic3A_1537 = vector.broadcast %shift_right_arithmetic3A_1536 : i32 to vector<16xi32>
      %shift_right_arithmetic3A_1538 = arith.shrsi %bitcast3A_1532, %shift_right_arithmetic3A_1537 : vector<16xi32>
      %and3A_1539 = arith.constant 1 : i32
      %and3A_1540 = vector.broadcast %and3A_1539 : i32 to vector<16xi32>
      %and3A_1541 = arith.andi %shift_right_arithmetic3A_1538, %and3A_1540 : vector<16xi32>
      %add3A_1542 = arith.addi %add3A_1535, %and3A_1541 : vector<16xi32>
      %and3A_1543 = arith.constant -65536 : i32
      %and3A_1544 = vector.broadcast %and3A_1543 : i32 to vector<16xi32>
      %and3A_1545 = arith.andi %add3A_1542, %and3A_1544 : vector<16xi32>
      %bitcast3A_1546 = vector.bitcast %and3A_1545 : vector<16xi32> to vector<16xf32>
      %mul3A_1547 = arith.mulf %bitcast3A_261, %bitcast3A_1546 : vector<16xf32>
      %add3A_1548 = arith.addf %add3A_1516, %mul3A_1547 : vector<16xf32>
      %add3A_1549 = arith.constant 112 : i32
      %add3A_1550 = vector.broadcast %add3A_1549 : i32 to vector<16xi32>
      %add3A_1551 = arith.addi %iota3A, %add3A_1550 : vector<16xi32>
      %mul3A_1552 = arith.constant 8 : i32
      %mul3A_1553 = vector.broadcast %mul3A_1552 : i32 to vector<16xi32>
      %mul3A_1554 = arith.muli %add3A_1551, %mul3A_1553 : vector<16xi32>
      %add3A_1555 = arith.constant 4 : i32
      %add3A_1556 = vector.broadcast %add3A_1555 : i32 to vector<16xi32>
      %add3A_1557 = arith.addi %mul3A_1554, %add3A_1556 : vector<16xi32>
      %gather3A_1558 = arith.constant 0 : i32
      %gather3A_1559 = arith.constant 0 : i32
      %gather3A_1560 = arith.constant 0 : i32
      %gather3A_1561 = tpu.memref_slice %arg10[%gather3A_1558, %gather3A_1559, %gather3A_1560] : memref<2x1x1024xf32, #tpu.memory_space<vmem>> -> memref<1x1x1024xf32, #tpu.memory_space<vmem>>
      %gather3A_1562 = tpu.memref_squeeze %gather3A_1561 : memref<1x1x1024xf32, #tpu.memory_space<vmem>> -> memref<1024xf32, #tpu.memory_space<vmem>>
      %gather3A_1563 = tpu.vector_load_idx %gather3A_1562[%add3A_1557] : memref<1024xf32, #tpu.memory_space<vmem>>[vector<16xi32>], vector<16xf32>,
      %bitcast3A_1564 = vector.bitcast %gather3A_1563 : vector<16xf32> to vector<16xi32>
      %add3A_1565 = arith.constant 32767 : i32
      %add3A_1566 = vector.broadcast %add3A_1565 : i32 to vector<16xi32>
      %add3A_1567 = arith.addi %bitcast3A_1564, %add3A_1566 : vector<16xi32>
      %shift_right_arithmetic3A_1568 = arith.constant 16 : i32
      %shift_right_arithmetic3A_1569 = vector.broadcast %shift_right_arithmetic3A_1568 : i32 to vector<16xi32>
      %shift_right_arithmetic3A_1570 = arith.shrsi %bitcast3A_1564, %shift_right_arithmetic3A_1569 : vector<16xi32>
      %and3A_1571 = arith.constant 1 : i32
      %and3A_1572 = vector.broadcast %and3A_1571 : i32 to vector<16xi32>
      %and3A_1573 = arith.andi %shift_right_arithmetic3A_1570, %and3A_1572 : vector<16xi32>
      %add3A_1574 = arith.addi %add3A_1567, %and3A_1573 : vector<16xi32>
      %and3A_1575 = arith.constant -65536 : i32
      %and3A_1576 = vector.broadcast %and3A_1575 : i32 to vector<16xi32>
      %and3A_1577 = arith.andi %add3A_1574, %and3A_1576 : vector<16xi32>
      %bitcast3A_1578 = vector.bitcast %and3A_1577 : vector<16xi32> to vector<16xf32>
      %mul3A_1579 = arith.mulf %bitcast3A_276, %bitcast3A_1578 : vector<16xf32>
      %add3A_1580 = arith.addf %add3A_1548, %mul3A_1579 : vector<16xf32>
      %reduce_sum3A_1581 = arith.constant true
      %reduce_sum3A_1582 = vector.broadcast %reduce_sum3A_1581 : i1 to vector<16xi1>
      %reduce_sum3A_1583 = tpu.scan <sum>, %add3A_1580 masked %reduce_sum3A_1582 : vector<16xf32>, vector<16xi1> -> vector<16xf32>
      %reduce_sum3A_1584 = vector.extract %reduce_sum3A_1583[15] : f32 from vector<16xf32>
      %broadcast_in_dim3A_1585 = arith.constant 0.000000e+00 : f32
      %broadcast_in_dim3A_1586 = vector.broadcast %broadcast_in_dim3A_1585 : f32 to vector<16xf32>
      %add3A_1587 = arith.constant 0 : i32
      %add3A_1588 = vector.broadcast %add3A_1587 : i32 to vector<16xi32>
      %add3A_1589 = arith.addi %iota3A, %add3A_1588 : vector<16xi32>
      %mul3A_1590 = arith.constant 8 : i32
      %mul3A_1591 = vector.broadcast %mul3A_1590 : i32 to vector<16xi32>
      %mul3A_1592 = arith.muli %add3A_1589, %mul3A_1591 : vector<16xi32>
      %add3A_1593 = arith.constant 5 : i32
      %add3A_1594 = vector.broadcast %add3A_1593 : i32 to vector<16xi32>
      %add3A_1595 = arith.addi %mul3A_1592, %add3A_1594 : vector<16xi32>
      %gather3A_1596 = arith.constant 0 : i32
      %gather3A_1597 = arith.constant 0 : i32
      %gather3A_1598 = arith.constant 0 : i32
      %gather3A_1599 = tpu.memref_slice %arg10[%gather3A_1596, %gather3A_1597, %gather3A_1598] : memref<2x1x1024xf32, #tpu.memory_space<vmem>> -> memref<1x1x1024xf32, #tpu.memory_space<vmem>>
      %gather3A_1600 = tpu.memref_squeeze %gather3A_1599 : memref<1x1x1024xf32, #tpu.memory_space<vmem>> -> memref<1024xf32, #tpu.memory_space<vmem>>
      %gather3A_1601 = tpu.vector_load_idx %gather3A_1600[%add3A_1595] : memref<1024xf32, #tpu.memory_space<vmem>>[vector<16xi32>], vector<16xf32>,
      %bitcast3A_1602 = vector.bitcast %gather3A_1601 : vector<16xf32> to vector<16xi32>
      %add3A_1603 = arith.constant 32767 : i32
      %add3A_1604 = vector.broadcast %add3A_1603 : i32 to vector<16xi32>
      %add3A_1605 = arith.addi %bitcast3A_1602, %add3A_1604 : vector<16xi32>
      %shift_right_arithmetic3A_1606 = arith.constant 16 : i32
      %shift_right_arithmetic3A_1607 = vector.broadcast %shift_right_arithmetic3A_1606 : i32 to vector<16xi32>
      %shift_right_arithmetic3A_1608 = arith.shrsi %bitcast3A_1602, %shift_right_arithmetic3A_1607 : vector<16xi32>
      %and3A_1609 = arith.constant 1 : i32
      %and3A_1610 = vector.broadcast %and3A_1609 : i32 to vector<16xi32>
      %and3A_1611 = arith.andi %shift_right_arithmetic3A_1608, %and3A_1610 : vector<16xi32>
      %add3A_1612 = arith.addi %add3A_1605, %and3A_1611 : vector<16xi32>
      %and3A_1613 = arith.constant -65536 : i32
      %and3A_1614 = vector.broadcast %and3A_1613 : i32 to vector<16xi32>
      %and3A_1615 = arith.andi %add3A_1612, %and3A_1614 : vector<16xi32>
      %bitcast3A_1616 = vector.bitcast %and3A_1615 : vector<16xi32> to vector<16xf32>
      %mul3A_1617 = arith.mulf %bitcast3A_171, %bitcast3A_1616 : vector<16xf32>
      %add3A_1618 = arith.addf %broadcast_in_dim3A_1586, %mul3A_1617 : vector<16xf32>
      %add3A_1619 = arith.constant 16 : i32
      %add3A_1620 = vector.broadcast %add3A_1619 : i32 to vector<16xi32>
      %add3A_1621 = arith.addi %iota3A, %add3A_1620 : vector<16xi32>
      %mul3A_1622 = arith.constant 8 : i32
      %mul3A_1623 = vector.broadcast %mul3A_1622 : i32 to vector<16xi32>
      %mul3A_1624 = arith.muli %add3A_1621, %mul3A_1623 : vector<16xi32>
      %add3A_1625 = arith.constant 5 : i32
      %add3A_1626 = vector.broadcast %add3A_1625 : i32 to vector<16xi32>
      %add3A_1627 = arith.addi %mul3A_1624, %add3A_1626 : vector<16xi32>
      %gather3A_1628 = arith.constant 0 : i32
      %gather3A_1629 = arith.constant 0 : i32
      %gather3A_1630 = arith.constant 0 : i32
      %gather3A_1631 = tpu.memref_slice %arg10[%gather3A_1628, %gather3A_1629, %gather3A_1630] : memref<2x1x1024xf32, #tpu.memory_space<vmem>> -> memref<1x1x1024xf32, #tpu.memory_space<vmem>>
      %gather3A_1632 = tpu.memref_squeeze %gather3A_1631 : memref<1x1x1024xf32, #tpu.memory_space<vmem>> -> memref<1024xf32, #tpu.memory_space<vmem>>
      %gather3A_1633 = tpu.vector_load_idx %gather3A_1632[%add3A_1627] : memref<1024xf32, #tpu.memory_space<vmem>>[vector<16xi32>], vector<16xf32>,
      %bitcast3A_1634 = vector.bitcast %gather3A_1633 : vector<16xf32> to vector<16xi32>
      %add3A_1635 = arith.constant 32767 : i32
      %add3A_1636 = vector.broadcast %add3A_1635 : i32 to vector<16xi32>
      %add3A_1637 = arith.addi %bitcast3A_1634, %add3A_1636 : vector<16xi32>
      %shift_right_arithmetic3A_1638 = arith.constant 16 : i32
      %shift_right_arithmetic3A_1639 = vector.broadcast %shift_right_arithmetic3A_1638 : i32 to vector<16xi32>
      %shift_right_arithmetic3A_1640 = arith.shrsi %bitcast3A_1634, %shift_right_arithmetic3A_1639 : vector<16xi32>
      %and3A_1641 = arith.constant 1 : i32
      %and3A_1642 = vector.broadcast %and3A_1641 : i32 to vector<16xi32>
      %and3A_1643 = arith.andi %shift_right_arithmetic3A_1640, %and3A_1642 : vector<16xi32>
      %add3A_1644 = arith.addi %add3A_1637, %and3A_1643 : vector<16xi32>
      %and3A_1645 = arith.constant -65536 : i32
      %and3A_1646 = vector.broadcast %and3A_1645 : i32 to vector<16xi32>
      %and3A_1647 = arith.andi %add3A_1644, %and3A_1646 : vector<16xi32>
      %bitcast3A_1648 = vector.bitcast %and3A_1647 : vector<16xi32> to vector<16xf32>
      %mul3A_1649 = arith.mulf %bitcast3A_186, %bitcast3A_1648 : vector<16xf32>
      %add3A_1650 = arith.addf %add3A_1618, %mul3A_1649 : vector<16xf32>
      %add3A_1651 = arith.constant 32 : i32
      %add3A_1652 = vector.broadcast %add3A_1651 : i32 to vector<16xi32>
      %add3A_1653 = arith.addi %iota3A, %add3A_1652 : vector<16xi32>
      %mul3A_1654 = arith.constant 8 : i32
      %mul3A_1655 = vector.broadcast %mul3A_1654 : i32 to vector<16xi32>
      %mul3A_1656 = arith.muli %add3A_1653, %mul3A_1655 : vector<16xi32>
      %add3A_1657 = arith.constant 5 : i32
      %add3A_1658 = vector.broadcast %add3A_1657 : i32 to vector<16xi32>
      %add3A_1659 = arith.addi %mul3A_1656, %add3A_1658 : vector<16xi32>
      %gather3A_1660 = arith.constant 0 : i32
      %gather3A_1661 = arith.constant 0 : i32
      %gather3A_1662 = arith.constant 0 : i32
      %gather3A_1663 = tpu.memref_slice %arg10[%gather3A_1660, %gather3A_1661, %gather3A_1662] : memref<2x1x1024xf32, #tpu.memory_space<vmem>> -> memref<1x1x1024xf32, #tpu.memory_space<vmem>>
      %gather3A_1664 = tpu.memref_squeeze %gather3A_1663 : memref<1x1x1024xf32, #tpu.memory_space<vmem>> -> memref<1024xf32, #tpu.memory_space<vmem>>
      %gather3A_1665 = tpu.vector_load_idx %gather3A_1664[%add3A_1659] : memref<1024xf32, #tpu.memory_space<vmem>>[vector<16xi32>], vector<16xf32>,
      %bitcast3A_1666 = vector.bitcast %gather3A_1665 : vector<16xf32> to vector<16xi32>
      %add3A_1667 = arith.constant 32767 : i32
      %add3A_1668 = vector.broadcast %add3A_1667 : i32 to vector<16xi32>
      %add3A_1669 = arith.addi %bitcast3A_1666, %add3A_1668 : vector<16xi32>
      %shift_right_arithmetic3A_1670 = arith.constant 16 : i32
      %shift_right_arithmetic3A_1671 = vector.broadcast %shift_right_arithmetic3A_1670 : i32 to vector<16xi32>
      %shift_right_arithmetic3A_1672 = arith.shrsi %bitcast3A_1666, %shift_right_arithmetic3A_1671 : vector<16xi32>
      %and3A_1673 = arith.constant 1 : i32
      %and3A_1674 = vector.broadcast %and3A_1673 : i32 to vector<16xi32>
      %and3A_1675 = arith.andi %shift_right_arithmetic3A_1672, %and3A_1674 : vector<16xi32>
      %add3A_1676 = arith.addi %add3A_1669, %and3A_1675 : vector<16xi32>
      %and3A_1677 = arith.constant -65536 : i32
      %and3A_1678 = vector.broadcast %and3A_1677 : i32 to vector<16xi32>
      %and3A_1679 = arith.andi %add3A_1676, %and3A_1678 : vector<16xi32>
      %bitcast3A_1680 = vector.bitcast %and3A_1679 : vector<16xi32> to vector<16xf32>
      %mul3A_1681 = arith.mulf %bitcast3A_201, %bitcast3A_1680 : vector<16xf32>
      %add3A_1682 = arith.addf %add3A_1650, %mul3A_1681 : vector<16xf32>
      %add3A_1683 = arith.constant 48 : i32
      %add3A_1684 = vector.broadcast %add3A_1683 : i32 to vector<16xi32>
      %add3A_1685 = arith.addi %iota3A, %add3A_1684 : vector<16xi32>
      %mul3A_1686 = arith.constant 8 : i32
      %mul3A_1687 = vector.broadcast %mul3A_1686 : i32 to vector<16xi32>
      %mul3A_1688 = arith.muli %add3A_1685, %mul3A_1687 : vector<16xi32>
      %add3A_1689 = arith.constant 5 : i32
      %add3A_1690 = vector.broadcast %add3A_1689 : i32 to vector<16xi32>
      %add3A_1691 = arith.addi %mul3A_1688, %add3A_1690 : vector<16xi32>
      %gather3A_1692 = arith.constant 0 : i32
      %gather3A_1693 = arith.constant 0 : i32
      %gather3A_1694 = arith.constant 0 : i32
      %gather3A_1695 = tpu.memref_slice %arg10[%gather3A_1692, %gather3A_1693, %gather3A_1694] : memref<2x1x1024xf32, #tpu.memory_space<vmem>> -> memref<1x1x1024xf32, #tpu.memory_space<vmem>>
      %gather3A_1696 = tpu.memref_squeeze %gather3A_1695 : memref<1x1x1024xf32, #tpu.memory_space<vmem>> -> memref<1024xf32, #tpu.memory_space<vmem>>
      %gather3A_1697 = tpu.vector_load_idx %gather3A_1696[%add3A_1691] : memref<1024xf32, #tpu.memory_space<vmem>>[vector<16xi32>], vector<16xf32>,
      %bitcast3A_1698 = vector.bitcast %gather3A_1697 : vector<16xf32> to vector<16xi32>
      %add3A_1699 = arith.constant 32767 : i32
      %add3A_1700 = vector.broadcast %add3A_1699 : i32 to vector<16xi32>
      %add3A_1701 = arith.addi %bitcast3A_1698, %add3A_1700 : vector<16xi32>
      %shift_right_arithmetic3A_1702 = arith.constant 16 : i32
      %shift_right_arithmetic3A_1703 = vector.broadcast %shift_right_arithmetic3A_1702 : i32 to vector<16xi32>
      %shift_right_arithmetic3A_1704 = arith.shrsi %bitcast3A_1698, %shift_right_arithmetic3A_1703 : vector<16xi32>
      %and3A_1705 = arith.constant 1 : i32
      %and3A_1706 = vector.broadcast %and3A_1705 : i32 to vector<16xi32>
      %and3A_1707 = arith.andi %shift_right_arithmetic3A_1704, %and3A_1706 : vector<16xi32>
      %add3A_1708 = arith.addi %add3A_1701, %and3A_1707 : vector<16xi32>
      %and3A_1709 = arith.constant -65536 : i32
      %and3A_1710 = vector.broadcast %and3A_1709 : i32 to vector<16xi32>
      %and3A_1711 = arith.andi %add3A_1708, %and3A_1710 : vector<16xi32>
      %bitcast3A_1712 = vector.bitcast %and3A_1711 : vector<16xi32> to vector<16xf32>
      %mul3A_1713 = arith.mulf %bitcast3A_216, %bitcast3A_1712 : vector<16xf32>
      %add3A_1714 = arith.addf %add3A_1682, %mul3A_1713 : vector<16xf32>
      %add3A_1715 = arith.constant 64 : i32
      %add3A_1716 = vector.broadcast %add3A_1715 : i32 to vector<16xi32>
      %add3A_1717 = arith.addi %iota3A, %add3A_1716 : vector<16xi32>
      %mul3A_1718 = arith.constant 8 : i32
      %mul3A_1719 = vector.broadcast %mul3A_1718 : i32 to vector<16xi32>
      %mul3A_1720 = arith.muli %add3A_1717, %mul3A_1719 : vector<16xi32>
      %add3A_1721 = arith.constant 5 : i32
      %add3A_1722 = vector.broadcast %add3A_1721 : i32 to vector<16xi32>
      %add3A_1723 = arith.addi %mul3A_1720, %add3A_1722 : vector<16xi32>
      %gather3A_1724 = arith.constant 0 : i32
      %gather3A_1725 = arith.constant 0 : i32
      %gather3A_1726 = arith.constant 0 : i32
      %gather3A_1727 = tpu.memref_slice %arg10[%gather3A_1724, %gather3A_1725, %gather3A_1726] : memref<2x1x1024xf32, #tpu.memory_space<vmem>> -> memref<1x1x1024xf32, #tpu.memory_space<vmem>>
      %gather3A_1728 = tpu.memref_squeeze %gather3A_1727 : memref<1x1x1024xf32, #tpu.memory_space<vmem>> -> memref<1024xf32, #tpu.memory_space<vmem>>
      %gather3A_1729 = tpu.vector_load_idx %gather3A_1728[%add3A_1723] : memref<1024xf32, #tpu.memory_space<vmem>>[vector<16xi32>], vector<16xf32>,
      %bitcast3A_1730 = vector.bitcast %gather3A_1729 : vector<16xf32> to vector<16xi32>
      %add3A_1731 = arith.constant 32767 : i32
      %add3A_1732 = vector.broadcast %add3A_1731 : i32 to vector<16xi32>
      %add3A_1733 = arith.addi %bitcast3A_1730, %add3A_1732 : vector<16xi32>
      %shift_right_arithmetic3A_1734 = arith.constant 16 : i32
      %shift_right_arithmetic3A_1735 = vector.broadcast %shift_right_arithmetic3A_1734 : i32 to vector<16xi32>
      %shift_right_arithmetic3A_1736 = arith.shrsi %bitcast3A_1730, %shift_right_arithmetic3A_1735 : vector<16xi32>
      %and3A_1737 = arith.constant 1 : i32
      %and3A_1738 = vector.broadcast %and3A_1737 : i32 to vector<16xi32>
      %and3A_1739 = arith.andi %shift_right_arithmetic3A_1736, %and3A_1738 : vector<16xi32>
      %add3A_1740 = arith.addi %add3A_1733, %and3A_1739 : vector<16xi32>
      %and3A_1741 = arith.constant -65536 : i32
      %and3A_1742 = vector.broadcast %and3A_1741 : i32 to vector<16xi32>
      %and3A_1743 = arith.andi %add3A_1740, %and3A_1742 : vector<16xi32>
      %bitcast3A_1744 = vector.bitcast %and3A_1743 : vector<16xi32> to vector<16xf32>
      %mul3A_1745 = arith.mulf %bitcast3A_231, %bitcast3A_1744 : vector<16xf32>
      %add3A_1746 = arith.addf %add3A_1714, %mul3A_1745 : vector<16xf32>
      %add3A_1747 = arith.constant 80 : i32
      %add3A_1748 = vector.broadcast %add3A_1747 : i32 to vector<16xi32>
      %add3A_1749 = arith.addi %iota3A, %add3A_1748 : vector<16xi32>
      %mul3A_1750 = arith.constant 8 : i32
      %mul3A_1751 = vector.broadcast %mul3A_1750 : i32 to vector<16xi32>
      %mul3A_1752 = arith.muli %add3A_1749, %mul3A_1751 : vector<16xi32>
      %add3A_1753 = arith.constant 5 : i32
      %add3A_1754 = vector.broadcast %add3A_1753 : i32 to vector<16xi32>
      %add3A_1755 = arith.addi %mul3A_1752, %add3A_1754 : vector<16xi32>
      %gather3A_1756 = arith.constant 0 : i32
      %gather3A_1757 = arith.constant 0 : i32
      %gather3A_1758 = arith.constant 0 : i32
      %gather3A_1759 = tpu.memref_slice %arg10[%gather3A_1756, %gather3A_1757, %gather3A_1758] : memref<2x1x1024xf32, #tpu.memory_space<vmem>> -> memref<1x1x1024xf32, #tpu.memory_space<vmem>>
      %gather3A_1760 = tpu.memref_squeeze %gather3A_1759 : memref<1x1x1024xf32, #tpu.memory_space<vmem>> -> memref<1024xf32, #tpu.memory_space<vmem>>
      %gather3A_1761 = tpu.vector_load_idx %gather3A_1760[%add3A_1755] : memref<1024xf32, #tpu.memory_space<vmem>>[vector<16xi32>], vector<16xf32>,
      %bitcast3A_1762 = vector.bitcast %gather3A_1761 : vector<16xf32> to vector<16xi32>
      %add3A_1763 = arith.constant 32767 : i32
      %add3A_1764 = vector.broadcast %add3A_1763 : i32 to vector<16xi32>
      %add3A_1765 = arith.addi %bitcast3A_1762, %add3A_1764 : vector<16xi32>
      %shift_right_arithmetic3A_1766 = arith.constant 16 : i32
      %shift_right_arithmetic3A_1767 = vector.broadcast %shift_right_arithmetic3A_1766 : i32 to vector<16xi32>
      %shift_right_arithmetic3A_1768 = arith.shrsi %bitcast3A_1762, %shift_right_arithmetic3A_1767 : vector<16xi32>
      %and3A_1769 = arith.constant 1 : i32
      %and3A_1770 = vector.broadcast %and3A_1769 : i32 to vector<16xi32>
      %and3A_1771 = arith.andi %shift_right_arithmetic3A_1768, %and3A_1770 : vector<16xi32>
      %add3A_1772 = arith.addi %add3A_1765, %and3A_1771 : vector<16xi32>
      %and3A_1773 = arith.constant -65536 : i32
      %and3A_1774 = vector.broadcast %and3A_1773 : i32 to vector<16xi32>
      %and3A_1775 = arith.andi %add3A_1772, %and3A_1774 : vector<16xi32>
      %bitcast3A_1776 = vector.bitcast %and3A_1775 : vector<16xi32> to vector<16xf32>
      %mul3A_1777 = arith.mulf %bitcast3A_246, %bitcast3A_1776 : vector<16xf32>
      %add3A_1778 = arith.addf %add3A_1746, %mul3A_1777 : vector<16xf32>
      %add3A_1779 = arith.constant 96 : i32
      %add3A_1780 = vector.broadcast %add3A_1779 : i32 to vector<16xi32>
      %add3A_1781 = arith.addi %iota3A, %add3A_1780 : vector<16xi32>
      %mul3A_1782 = arith.constant 8 : i32
      %mul3A_1783 = vector.broadcast %mul3A_1782 : i32 to vector<16xi32>
      %mul3A_1784 = arith.muli %add3A_1781, %mul3A_1783 : vector<16xi32>
      %add3A_1785 = arith.constant 5 : i32
      %add3A_1786 = vector.broadcast %add3A_1785 : i32 to vector<16xi32>
      %add3A_1787 = arith.addi %mul3A_1784, %add3A_1786 : vector<16xi32>
      %gather3A_1788 = arith.constant 0 : i32
      %gather3A_1789 = arith.constant 0 : i32
      %gather3A_1790 = arith.constant 0 : i32
      %gather3A_1791 = tpu.memref_slice %arg10[%gather3A_1788, %gather3A_1789, %gather3A_1790] : memref<2x1x1024xf32, #tpu.memory_space<vmem>> -> memref<1x1x1024xf32, #tpu.memory_space<vmem>>
      %gather3A_1792 = tpu.memref_squeeze %gather3A_1791 : memref<1x1x1024xf32, #tpu.memory_space<vmem>> -> memref<1024xf32, #tpu.memory_space<vmem>>
      %gather3A_1793 = tpu.vector_load_idx %gather3A_1792[%add3A_1787] : memref<1024xf32, #tpu.memory_space<vmem>>[vector<16xi32>], vector<16xf32>,
      %bitcast3A_1794 = vector.bitcast %gather3A_1793 : vector<16xf32> to vector<16xi32>
      %add3A_1795 = arith.constant 32767 : i32
      %add3A_1796 = vector.broadcast %add3A_1795 : i32 to vector<16xi32>
      %add3A_1797 = arith.addi %bitcast3A_1794, %add3A_1796 : vector<16xi32>
      %shift_right_arithmetic3A_1798 = arith.constant 16 : i32
      %shift_right_arithmetic3A_1799 = vector.broadcast %shift_right_arithmetic3A_1798 : i32 to vector<16xi32>
      %shift_right_arithmetic3A_1800 = arith.shrsi %bitcast3A_1794, %shift_right_arithmetic3A_1799 : vector<16xi32>
      %and3A_1801 = arith.constant 1 : i32
      %and3A_1802 = vector.broadcast %and3A_1801 : i32 to vector<16xi32>
      %and3A_1803 = arith.andi %shift_right_arithmetic3A_1800, %and3A_1802 : vector<16xi32>
      %add3A_1804 = arith.addi %add3A_1797, %and3A_1803 : vector<16xi32>
      %and3A_1805 = arith.constant -65536 : i32
      %and3A_1806 = vector.broadcast %and3A_1805 : i32 to vector<16xi32>
      %and3A_1807 = arith.andi %add3A_1804, %and3A_1806 : vector<16xi32>
      %bitcast3A_1808 = vector.bitcast %and3A_1807 : vector<16xi32> to vector<16xf32>
      %mul3A_1809 = arith.mulf %bitcast3A_261, %bitcast3A_1808 : vector<16xf32>
      %add3A_1810 = arith.addf %add3A_1778, %mul3A_1809 : vector<16xf32>
      %add3A_1811 = arith.constant 112 : i32
      %add3A_1812 = vector.broadcast %add3A_1811 : i32 to vector<16xi32>
      %add3A_1813 = arith.addi %iota3A, %add3A_1812 : vector<16xi32>
      %mul3A_1814 = arith.constant 8 : i32
      %mul3A_1815 = vector.broadcast %mul3A_1814 : i32 to vector<16xi32>
      %mul3A_1816 = arith.muli %add3A_1813, %mul3A_1815 : vector<16xi32>
      %add3A_1817 = arith.constant 5 : i32
      %add3A_1818 = vector.broadcast %add3A_1817 : i32 to vector<16xi32>
      %add3A_1819 = arith.addi %mul3A_1816, %add3A_1818 : vector<16xi32>
      %gather3A_1820 = arith.constant 0 : i32
      %gather3A_1821 = arith.constant 0 : i32
      %gather3A_1822 = arith.constant 0 : i32
      %gather3A_1823 = tpu.memref_slice %arg10[%gather3A_1820, %gather3A_1821, %gather3A_1822] : memref<2x1x1024xf32, #tpu.memory_space<vmem>> -> memref<1x1x1024xf32, #tpu.memory_space<vmem>>
      %gather3A_1824 = tpu.memref_squeeze %gather3A_1823 : memref<1x1x1024xf32, #tpu.memory_space<vmem>> -> memref<1024xf32, #tpu.memory_space<vmem>>
      %gather3A_1825 = tpu.vector_load_idx %gather3A_1824[%add3A_1819] : memref<1024xf32, #tpu.memory_space<vmem>>[vector<16xi32>], vector<16xf32>,
      %bitcast3A_1826 = vector.bitcast %gather3A_1825 : vector<16xf32> to vector<16xi32>
      %add3A_1827 = arith.constant 32767 : i32
      %add3A_1828 = vector.broadcast %add3A_1827 : i32 to vector<16xi32>
      %add3A_1829 = arith.addi %bitcast3A_1826, %add3A_1828 : vector<16xi32>
      %shift_right_arithmetic3A_1830 = arith.constant 16 : i32
      %shift_right_arithmetic3A_1831 = vector.broadcast %shift_right_arithmetic3A_1830 : i32 to vector<16xi32>
      %shift_right_arithmetic3A_1832 = arith.shrsi %bitcast3A_1826, %shift_right_arithmetic3A_1831 : vector<16xi32>
      %and3A_1833 = arith.constant 1 : i32
      %and3A_1834 = vector.broadcast %and3A_1833 : i32 to vector<16xi32>
      %and3A_1835 = arith.andi %shift_right_arithmetic3A_1832, %and3A_1834 : vector<16xi32>
      %add3A_1836 = arith.addi %add3A_1829, %and3A_1835 : vector<16xi32>
      %and3A_1837 = arith.constant -65536 : i32
      %and3A_1838 = vector.broadcast %and3A_1837 : i32 to vector<16xi32>
      %and3A_1839 = arith.andi %add3A_1836, %and3A_1838 : vector<16xi32>
      %bitcast3A_1840 = vector.bitcast %and3A_1839 : vector<16xi32> to vector<16xf32>
      %mul3A_1841 = arith.mulf %bitcast3A_276, %bitcast3A_1840 : vector<16xf32>
      %add3A_1842 = arith.addf %add3A_1810, %mul3A_1841 : vector<16xf32>
      %reduce_sum3A_1843 = arith.constant true
      %reduce_sum3A_1844 = vector.broadcast %reduce_sum3A_1843 : i1 to vector<16xi1>
      %reduce_sum3A_1845 = tpu.scan <sum>, %add3A_1842 masked %reduce_sum3A_1844 : vector<16xf32>, vector<16xi1> -> vector<16xf32>
      %reduce_sum3A_1846 = vector.extract %reduce_sum3A_1845[15] : f32 from vector<16xf32>
      %broadcast_in_dim3A_1847 = arith.constant 0.000000e+00 : f32
      %broadcast_in_dim3A_1848 = vector.broadcast %broadcast_in_dim3A_1847 : f32 to vector<16xf32>
      %add3A_1849 = arith.constant 0 : i32
      %add3A_1850 = vector.broadcast %add3A_1849 : i32 to vector<16xi32>
      %add3A_1851 = arith.addi %iota3A, %add3A_1850 : vector<16xi32>
      %mul3A_1852 = arith.constant 8 : i32
      %mul3A_1853 = vector.broadcast %mul3A_1852 : i32 to vector<16xi32>
      %mul3A_1854 = arith.muli %add3A_1851, %mul3A_1853 : vector<16xi32>
      %add3A_1855 = arith.constant 6 : i32
      %add3A_1856 = vector.broadcast %add3A_1855 : i32 to vector<16xi32>
      %add3A_1857 = arith.addi %mul3A_1854, %add3A_1856 : vector<16xi32>
      %gather3A_1858 = arith.constant 0 : i32
      %gather3A_1859 = arith.constant 0 : i32
      %gather3A_1860 = arith.constant 0 : i32
      %gather3A_1861 = tpu.memref_slice %arg10[%gather3A_1858, %gather3A_1859, %gather3A_1860] : memref<2x1x1024xf32, #tpu.memory_space<vmem>> -> memref<1x1x1024xf32, #tpu.memory_space<vmem>>
      %gather3A_1862 = tpu.memref_squeeze %gather3A_1861 : memref<1x1x1024xf32, #tpu.memory_space<vmem>> -> memref<1024xf32, #tpu.memory_space<vmem>>
      %gather3A_1863 = tpu.vector_load_idx %gather3A_1862[%add3A_1857] : memref<1024xf32, #tpu.memory_space<vmem>>[vector<16xi32>], vector<16xf32>,
      %bitcast3A_1864 = vector.bitcast %gather3A_1863 : vector<16xf32> to vector<16xi32>
      %add3A_1865 = arith.constant 32767 : i32
      %add3A_1866 = vector.broadcast %add3A_1865 : i32 to vector<16xi32>
      %add3A_1867 = arith.addi %bitcast3A_1864, %add3A_1866 : vector<16xi32>
      %shift_right_arithmetic3A_1868 = arith.constant 16 : i32
      %shift_right_arithmetic3A_1869 = vector.broadcast %shift_right_arithmetic3A_1868 : i32 to vector<16xi32>
      %shift_right_arithmetic3A_1870 = arith.shrsi %bitcast3A_1864, %shift_right_arithmetic3A_1869 : vector<16xi32>
      %and3A_1871 = arith.constant 1 : i32
      %and3A_1872 = vector.broadcast %and3A_1871 : i32 to vector<16xi32>
      %and3A_1873 = arith.andi %shift_right_arithmetic3A_1870, %and3A_1872 : vector<16xi32>
      %add3A_1874 = arith.addi %add3A_1867, %and3A_1873 : vector<16xi32>
      %and3A_1875 = arith.constant -65536 : i32
      %and3A_1876 = vector.broadcast %and3A_1875 : i32 to vector<16xi32>
      %and3A_1877 = arith.andi %add3A_1874, %and3A_1876 : vector<16xi32>
      %bitcast3A_1878 = vector.bitcast %and3A_1877 : vector<16xi32> to vector<16xf32>
      %mul3A_1879 = arith.mulf %bitcast3A_171, %bitcast3A_1878 : vector<16xf32>
      %add3A_1880 = arith.addf %broadcast_in_dim3A_1848, %mul3A_1879 : vector<16xf32>
      %add3A_1881 = arith.constant 16 : i32
      %add3A_1882 = vector.broadcast %add3A_1881 : i32 to vector<16xi32>
      %add3A_1883 = arith.addi %iota3A, %add3A_1882 : vector<16xi32>
      %mul3A_1884 = arith.constant 8 : i32
      %mul3A_1885 = vector.broadcast %mul3A_1884 : i32 to vector<16xi32>
      %mul3A_1886 = arith.muli %add3A_1883, %mul3A_1885 : vector<16xi32>
      %add3A_1887 = arith.constant 6 : i32
      %add3A_1888 = vector.broadcast %add3A_1887 : i32 to vector<16xi32>
      %add3A_1889 = arith.addi %mul3A_1886, %add3A_1888 : vector<16xi32>
      %gather3A_1890 = arith.constant 0 : i32
      %gather3A_1891 = arith.constant 0 : i32
      %gather3A_1892 = arith.constant 0 : i32
      %gather3A_1893 = tpu.memref_slice %arg10[%gather3A_1890, %gather3A_1891, %gather3A_1892] : memref<2x1x1024xf32, #tpu.memory_space<vmem>> -> memref<1x1x1024xf32, #tpu.memory_space<vmem>>
      %gather3A_1894 = tpu.memref_squeeze %gather3A_1893 : memref<1x1x1024xf32, #tpu.memory_space<vmem>> -> memref<1024xf32, #tpu.memory_space<vmem>>
      %gather3A_1895 = tpu.vector_load_idx %gather3A_1894[%add3A_1889] : memref<1024xf32, #tpu.memory_space<vmem>>[vector<16xi32>], vector<16xf32>,
      %bitcast3A_1896 = vector.bitcast %gather3A_1895 : vector<16xf32> to vector<16xi32>
      %add3A_1897 = arith.constant 32767 : i32
      %add3A_1898 = vector.broadcast %add3A_1897 : i32 to vector<16xi32>
      %add3A_1899 = arith.addi %bitcast3A_1896, %add3A_1898 : vector<16xi32>
      %shift_right_arithmetic3A_1900 = arith.constant 16 : i32
      %shift_right_arithmetic3A_1901 = vector.broadcast %shift_right_arithmetic3A_1900 : i32 to vector<16xi32>
      %shift_right_arithmetic3A_1902 = arith.shrsi %bitcast3A_1896, %shift_right_arithmetic3A_1901 : vector<16xi32>
      %and3A_1903 = arith.constant 1 : i32
      %and3A_1904 = vector.broadcast %and3A_1903 : i32 to vector<16xi32>
      %and3A_1905 = arith.andi %shift_right_arithmetic3A_1902, %and3A_1904 : vector<16xi32>
      %add3A_1906 = arith.addi %add3A_1899, %and3A_1905 : vector<16xi32>
      %and3A_1907 = arith.constant -65536 : i32
      %and3A_1908 = vector.broadcast %and3A_1907 : i32 to vector<16xi32>
      %and3A_1909 = arith.andi %add3A_1906, %and3A_1908 : vector<16xi32>
      %bitcast3A_1910 = vector.bitcast %and3A_1909 : vector<16xi32> to vector<16xf32>
      %mul3A_1911 = arith.mulf %bitcast3A_186, %bitcast3A_1910 : vector<16xf32>
      %add3A_1912 = arith.addf %add3A_1880, %mul3A_1911 : vector<16xf32>
      %add3A_1913 = arith.constant 32 : i32
      %add3A_1914 = vector.broadcast %add3A_1913 : i32 to vector<16xi32>
      %add3A_1915 = arith.addi %iota3A, %add3A_1914 : vector<16xi32>
      %mul3A_1916 = arith.constant 8 : i32
      %mul3A_1917 = vector.broadcast %mul3A_1916 : i32 to vector<16xi32>
      %mul3A_1918 = arith.muli %add3A_1915, %mul3A_1917 : vector<16xi32>
      %add3A_1919 = arith.constant 6 : i32
      %add3A_1920 = vector.broadcast %add3A_1919 : i32 to vector<16xi32>
      %add3A_1921 = arith.addi %mul3A_1918, %add3A_1920 : vector<16xi32>
      %gather3A_1922 = arith.constant 0 : i32
      %gather3A_1923 = arith.constant 0 : i32
      %gather3A_1924 = arith.constant 0 : i32
      %gather3A_1925 = tpu.memref_slice %arg10[%gather3A_1922, %gather3A_1923, %gather3A_1924] : memref<2x1x1024xf32, #tpu.memory_space<vmem>> -> memref<1x1x1024xf32, #tpu.memory_space<vmem>>
      %gather3A_1926 = tpu.memref_squeeze %gather3A_1925 : memref<1x1x1024xf32, #tpu.memory_space<vmem>> -> memref<1024xf32, #tpu.memory_space<vmem>>
      %gather3A_1927 = tpu.vector_load_idx %gather3A_1926[%add3A_1921] : memref<1024xf32, #tpu.memory_space<vmem>>[vector<16xi32>], vector<16xf32>,
      %bitcast3A_1928 = vector.bitcast %gather3A_1927 : vector<16xf32> to vector<16xi32>
      %add3A_1929 = arith.constant 32767 : i32
      %add3A_1930 = vector.broadcast %add3A_1929 : i32 to vector<16xi32>
      %add3A_1931 = arith.addi %bitcast3A_1928, %add3A_1930 : vector<16xi32>
      %shift_right_arithmetic3A_1932 = arith.constant 16 : i32
      %shift_right_arithmetic3A_1933 = vector.broadcast %shift_right_arithmetic3A_1932 : i32 to vector<16xi32>
      %shift_right_arithmetic3A_1934 = arith.shrsi %bitcast3A_1928, %shift_right_arithmetic3A_1933 : vector<16xi32>
      %and3A_1935 = arith.constant 1 : i32
      %and3A_1936 = vector.broadcast %and3A_1935 : i32 to vector<16xi32>
      %and3A_1937 = arith.andi %shift_right_arithmetic3A_1934, %and3A_1936 : vector<16xi32>
      %add3A_1938 = arith.addi %add3A_1931, %and3A_1937 : vector<16xi32>
      %and3A_1939 = arith.constant -65536 : i32
      %and3A_1940 = vector.broadcast %and3A_1939 : i32 to vector<16xi32>
      %and3A_1941 = arith.andi %add3A_1938, %and3A_1940 : vector<16xi32>
      %bitcast3A_1942 = vector.bitcast %and3A_1941 : vector<16xi32> to vector<16xf32>
      %mul3A_1943 = arith.mulf %bitcast3A_201, %bitcast3A_1942 : vector<16xf32>
      %add3A_1944 = arith.addf %add3A_1912, %mul3A_1943 : vector<16xf32>
      %add3A_1945 = arith.constant 48 : i32
      %add3A_1946 = vector.broadcast %add3A_1945 : i32 to vector<16xi32>
      %add3A_1947 = arith.addi %iota3A, %add3A_1946 : vector<16xi32>
      %mul3A_1948 = arith.constant 8 : i32
      %mul3A_1949 = vector.broadcast %mul3A_1948 : i32 to vector<16xi32>
      %mul3A_1950 = arith.muli %add3A_1947, %mul3A_1949 : vector<16xi32>
      %add3A_1951 = arith.constant 6 : i32
      %add3A_1952 = vector.broadcast %add3A_1951 : i32 to vector<16xi32>
      %add3A_1953 = arith.addi %mul3A_1950, %add3A_1952 : vector<16xi32>
      %gather3A_1954 = arith.constant 0 : i32
      %gather3A_1955 = arith.constant 0 : i32
      %gather3A_1956 = arith.constant 0 : i32
      %gather3A_1957 = tpu.memref_slice %arg10[%gather3A_1954, %gather3A_1955, %gather3A_1956] : memref<2x1x1024xf32, #tpu.memory_space<vmem>> -> memref<1x1x1024xf32, #tpu.memory_space<vmem>>
      %gather3A_1958 = tpu.memref_squeeze %gather3A_1957 : memref<1x1x1024xf32, #tpu.memory_space<vmem>> -> memref<1024xf32, #tpu.memory_space<vmem>>
      %gather3A_1959 = tpu.vector_load_idx %gather3A_1958[%add3A_1953] : memref<1024xf32, #tpu.memory_space<vmem>>[vector<16xi32>], vector<16xf32>,
      %bitcast3A_1960 = vector.bitcast %gather3A_1959 : vector<16xf32> to vector<16xi32>
      %add3A_1961 = arith.constant 32767 : i32
      %add3A_1962 = vector.broadcast %add3A_1961 : i32 to vector<16xi32>
      %add3A_1963 = arith.addi %bitcast3A_1960, %add3A_1962 : vector<16xi32>
      %shift_right_arithmetic3A_1964 = arith.constant 16 : i32
      %shift_right_arithmetic3A_1965 = vector.broadcast %shift_right_arithmetic3A_1964 : i32 to vector<16xi32>
      %shift_right_arithmetic3A_1966 = arith.shrsi %bitcast3A_1960, %shift_right_arithmetic3A_1965 : vector<16xi32>
      %and3A_1967 = arith.constant 1 : i32
      %and3A_1968 = vector.broadcast %and3A_1967 : i32 to vector<16xi32>
      %and3A_1969 = arith.andi %shift_right_arithmetic3A_1966, %and3A_1968 : vector<16xi32>
      %add3A_1970 = arith.addi %add3A_1963, %and3A_1969 : vector<16xi32>
      %and3A_1971 = arith.constant -65536 : i32
      %and3A_1972 = vector.broadcast %and3A_1971 : i32 to vector<16xi32>
      %and3A_1973 = arith.andi %add3A_1970, %and3A_1972 : vector<16xi32>
      %bitcast3A_1974 = vector.bitcast %and3A_1973 : vector<16xi32> to vector<16xf32>
      %mul3A_1975 = arith.mulf %bitcast3A_216, %bitcast3A_1974 : vector<16xf32>
      %add3A_1976 = arith.addf %add3A_1944, %mul3A_1975 : vector<16xf32>
      %add3A_1977 = arith.constant 64 : i32
      %add3A_1978 = vector.broadcast %add3A_1977 : i32 to vector<16xi32>
      %add3A_1979 = arith.addi %iota3A, %add3A_1978 : vector<16xi32>
      %mul3A_1980 = arith.constant 8 : i32
      %mul3A_1981 = vector.broadcast %mul3A_1980 : i32 to vector<16xi32>
      %mul3A_1982 = arith.muli %add3A_1979, %mul3A_1981 : vector<16xi32>
      %add3A_1983 = arith.constant 6 : i32
      %add3A_1984 = vector.broadcast %add3A_1983 : i32 to vector<16xi32>
      %add3A_1985 = arith.addi %mul3A_1982, %add3A_1984 : vector<16xi32>
      %gather3A_1986 = arith.constant 0 : i32
      %gather3A_1987 = arith.constant 0 : i32
      %gather3A_1988 = arith.constant 0 : i32
      %gather3A_1989 = tpu.memref_slice %arg10[%gather3A_1986, %gather3A_1987, %gather3A_1988] : memref<2x1x1024xf32, #tpu.memory_space<vmem>> -> memref<1x1x1024xf32, #tpu.memory_space<vmem>>
      %gather3A_1990 = tpu.memref_squeeze %gather3A_1989 : memref<1x1x1024xf32, #tpu.memory_space<vmem>> -> memref<1024xf32, #tpu.memory_space<vmem>>
      %gather3A_1991 = tpu.vector_load_idx %gather3A_1990[%add3A_1985] : memref<1024xf32, #tpu.memory_space<vmem>>[vector<16xi32>], vector<16xf32>,
      %bitcast3A_1992 = vector.bitcast %gather3A_1991 : vector<16xf32> to vector<16xi32>
      %add3A_1993 = arith.constant 32767 : i32
      %add3A_1994 = vector.broadcast %add3A_1993 : i32 to vector<16xi32>
      %add3A_1995 = arith.addi %bitcast3A_1992, %add3A_1994 : vector<16xi32>
      %shift_right_arithmetic3A_1996 = arith.constant 16 : i32
      %shift_right_arithmetic3A_1997 = vector.broadcast %shift_right_arithmetic3A_1996 : i32 to vector<16xi32>
      %shift_right_arithmetic3A_1998 = arith.shrsi %bitcast3A_1992, %shift_right_arithmetic3A_1997 : vector<16xi32>
      %and3A_1999 = arith.constant 1 : i32
      %and3A_2000 = vector.broadcast %and3A_1999 : i32 to vector<16xi32>
      %and3A_2001 = arith.andi %shift_right_arithmetic3A_1998, %and3A_2000 : vector<16xi32>
      %add3A_2002 = arith.addi %add3A_1995, %and3A_2001 : vector<16xi32>
      %and3A_2003 = arith.constant -65536 : i32
      %and3A_2004 = vector.broadcast %and3A_2003 : i32 to vector<16xi32>
      %and3A_2005 = arith.andi %add3A_2002, %and3A_2004 : vector<16xi32>
      %bitcast3A_2006 = vector.bitcast %and3A_2005 : vector<16xi32> to vector<16xf32>
      %mul3A_2007 = arith.mulf %bitcast3A_231, %bitcast3A_2006 : vector<16xf32>
      %add3A_2008 = arith.addf %add3A_1976, %mul3A_2007 : vector<16xf32>
      %add3A_2009 = arith.constant 80 : i32
      %add3A_2010 = vector.broadcast %add3A_2009 : i32 to vector<16xi32>
      %add3A_2011 = arith.addi %iota3A, %add3A_2010 : vector<16xi32>
      %mul3A_2012 = arith.constant 8 : i32
      %mul3A_2013 = vector.broadcast %mul3A_2012 : i32 to vector<16xi32>
      %mul3A_2014 = arith.muli %add3A_2011, %mul3A_2013 : vector<16xi32>
      %add3A_2015 = arith.constant 6 : i32
      %add3A_2016 = vector.broadcast %add3A_2015 : i32 to vector<16xi32>
      %add3A_2017 = arith.addi %mul3A_2014, %add3A_2016 : vector<16xi32>
      %gather3A_2018 = arith.constant 0 : i32
      %gather3A_2019 = arith.constant 0 : i32
      %gather3A_2020 = arith.constant 0 : i32
      %gather3A_2021 = tpu.memref_slice %arg10[%gather3A_2018, %gather3A_2019, %gather3A_2020] : memref<2x1x1024xf32, #tpu.memory_space<vmem>> -> memref<1x1x1024xf32, #tpu.memory_space<vmem>>
      %gather3A_2022 = tpu.memref_squeeze %gather3A_2021 : memref<1x1x1024xf32, #tpu.memory_space<vmem>> -> memref<1024xf32, #tpu.memory_space<vmem>>
      %gather3A_2023 = tpu.vector_load_idx %gather3A_2022[%add3A_2017] : memref<1024xf32, #tpu.memory_space<vmem>>[vector<16xi32>], vector<16xf32>,
      %bitcast3A_2024 = vector.bitcast %gather3A_2023 : vector<16xf32> to vector<16xi32>
      %add3A_2025 = arith.constant 32767 : i32
      %add3A_2026 = vector.broadcast %add3A_2025 : i32 to vector<16xi32>
      %add3A_2027 = arith.addi %bitcast3A_2024, %add3A_2026 : vector<16xi32>
      %shift_right_arithmetic3A_2028 = arith.constant 16 : i32
      %shift_right_arithmetic3A_2029 = vector.broadcast %shift_right_arithmetic3A_2028 : i32 to vector<16xi32>
      %shift_right_arithmetic3A_2030 = arith.shrsi %bitcast3A_2024, %shift_right_arithmetic3A_2029 : vector<16xi32>
      %and3A_2031 = arith.constant 1 : i32
      %and3A_2032 = vector.broadcast %and3A_2031 : i32 to vector<16xi32>
      %and3A_2033 = arith.andi %shift_right_arithmetic3A_2030, %and3A_2032 : vector<16xi32>
      %add3A_2034 = arith.addi %add3A_2027, %and3A_2033 : vector<16xi32>
      %and3A_2035 = arith.constant -65536 : i32
      %and3A_2036 = vector.broadcast %and3A_2035 : i32 to vector<16xi32>
      %and3A_2037 = arith.andi %add3A_2034, %and3A_2036 : vector<16xi32>
      %bitcast3A_2038 = vector.bitcast %and3A_2037 : vector<16xi32> to vector<16xf32>
      %mul3A_2039 = arith.mulf %bitcast3A_246, %bitcast3A_2038 : vector<16xf32>
      %add3A_2040 = arith.addf %add3A_2008, %mul3A_2039 : vector<16xf32>
      %add3A_2041 = arith.constant 96 : i32
      %add3A_2042 = vector.broadcast %add3A_2041 : i32 to vector<16xi32>
      %add3A_2043 = arith.addi %iota3A, %add3A_2042 : vector<16xi32>
      %mul3A_2044 = arith.constant 8 : i32
      %mul3A_2045 = vector.broadcast %mul3A_2044 : i32 to vector<16xi32>
      %mul3A_2046 = arith.muli %add3A_2043, %mul3A_2045 : vector<16xi32>
      %add3A_2047 = arith.constant 6 : i32
      %add3A_2048 = vector.broadcast %add3A_2047 : i32 to vector<16xi32>
      %add3A_2049 = arith.addi %mul3A_2046, %add3A_2048 : vector<16xi32>
      %gather3A_2050 = arith.constant 0 : i32
      %gather3A_2051 = arith.constant 0 : i32
      %gather3A_2052 = arith.constant 0 : i32
      %gather3A_2053 = tpu.memref_slice %arg10[%gather3A_2050, %gather3A_2051, %gather3A_2052] : memref<2x1x1024xf32, #tpu.memory_space<vmem>> -> memref<1x1x1024xf32, #tpu.memory_space<vmem>>
      %gather3A_2054 = tpu.memref_squeeze %gather3A_2053 : memref<1x1x1024xf32, #tpu.memory_space<vmem>> -> memref<1024xf32, #tpu.memory_space<vmem>>
      %gather3A_2055 = tpu.vector_load_idx %gather3A_2054[%add3A_2049] : memref<1024xf32, #tpu.memory_space<vmem>>[vector<16xi32>], vector<16xf32>,
      %bitcast3A_2056 = vector.bitcast %gather3A_2055 : vector<16xf32> to vector<16xi32>
      %add3A_2057 = arith.constant 32767 : i32
      %add3A_2058 = vector.broadcast %add3A_2057 : i32 to vector<16xi32>
      %add3A_2059 = arith.addi %bitcast3A_2056, %add3A_2058 : vector<16xi32>
      %shift_right_arithmetic3A_2060 = arith.constant 16 : i32
      %shift_right_arithmetic3A_2061 = vector.broadcast %shift_right_arithmetic3A_2060 : i32 to vector<16xi32>
      %shift_right_arithmetic3A_2062 = arith.shrsi %bitcast3A_2056, %shift_right_arithmetic3A_2061 : vector<16xi32>
      %and3A_2063 = arith.constant 1 : i32
      %and3A_2064 = vector.broadcast %and3A_2063 : i32 to vector<16xi32>
      %and3A_2065 = arith.andi %shift_right_arithmetic3A_2062, %and3A_2064 : vector<16xi32>
      %add3A_2066 = arith.addi %add3A_2059, %and3A_2065 : vector<16xi32>
      %and3A_2067 = arith.constant -65536 : i32
      %and3A_2068 = vector.broadcast %and3A_2067 : i32 to vector<16xi32>
      %and3A_2069 = arith.andi %add3A_2066, %and3A_2068 : vector<16xi32>
      %bitcast3A_2070 = vector.bitcast %and3A_2069 : vector<16xi32> to vector<16xf32>
      %mul3A_2071 = arith.mulf %bitcast3A_261, %bitcast3A_2070 : vector<16xf32>
      %add3A_2072 = arith.addf %add3A_2040, %mul3A_2071 : vector<16xf32>
      %add3A_2073 = arith.constant 112 : i32
      %add3A_2074 = vector.broadcast %add3A_2073 : i32 to vector<16xi32>
      %add3A_2075 = arith.addi %iota3A, %add3A_2074 : vector<16xi32>
      %mul3A_2076 = arith.constant 8 : i32
      %mul3A_2077 = vector.broadcast %mul3A_2076 : i32 to vector<16xi32>
      %mul3A_2078 = arith.muli %add3A_2075, %mul3A_2077 : vector<16xi32>
      %add3A_2079 = arith.constant 6 : i32
      %add3A_2080 = vector.broadcast %add3A_2079 : i32 to vector<16xi32>
      %add3A_2081 = arith.addi %mul3A_2078, %add3A_2080 : vector<16xi32>
      %gather3A_2082 = arith.constant 0 : i32
      %gather3A_2083 = arith.constant 0 : i32
      %gather3A_2084 = arith.constant 0 : i32
      %gather3A_2085 = tpu.memref_slice %arg10[%gather3A_2082, %gather3A_2083, %gather3A_2084] : memref<2x1x1024xf32, #tpu.memory_space<vmem>> -> memref<1x1x1024xf32, #tpu.memory_space<vmem>>
      %gather3A_2086 = tpu.memref_squeeze %gather3A_2085 : memref<1x1x1024xf32, #tpu.memory_space<vmem>> -> memref<1024xf32, #tpu.memory_space<vmem>>
      %gather3A_2087 = tpu.vector_load_idx %gather3A_2086[%add3A_2081] : memref<1024xf32, #tpu.memory_space<vmem>>[vector<16xi32>], vector<16xf32>,
      %bitcast3A_2088 = vector.bitcast %gather3A_2087 : vector<16xf32> to vector<16xi32>
      %add3A_2089 = arith.constant 32767 : i32
      %add3A_2090 = vector.broadcast %add3A_2089 : i32 to vector<16xi32>
      %add3A_2091 = arith.addi %bitcast3A_2088, %add3A_2090 : vector<16xi32>
      %shift_right_arithmetic3A_2092 = arith.constant 16 : i32
      %shift_right_arithmetic3A_2093 = vector.broadcast %shift_right_arithmetic3A_2092 : i32 to vector<16xi32>
      %shift_right_arithmetic3A_2094 = arith.shrsi %bitcast3A_2088, %shift_right_arithmetic3A_2093 : vector<16xi32>
      %and3A_2095 = arith.constant 1 : i32
      %and3A_2096 = vector.broadcast %and3A_2095 : i32 to vector<16xi32>
      %and3A_2097 = arith.andi %shift_right_arithmetic3A_2094, %and3A_2096 : vector<16xi32>
      %add3A_2098 = arith.addi %add3A_2091, %and3A_2097 : vector<16xi32>
      %and3A_2099 = arith.constant -65536 : i32
      %and3A_2100 = vector.broadcast %and3A_2099 : i32 to vector<16xi32>
      %and3A_2101 = arith.andi %add3A_2098, %and3A_2100 : vector<16xi32>
      %bitcast3A_2102 = vector.bitcast %and3A_2101 : vector<16xi32> to vector<16xf32>
      %mul3A_2103 = arith.mulf %bitcast3A_276, %bitcast3A_2102 : vector<16xf32>
      %add3A_2104 = arith.addf %add3A_2072, %mul3A_2103 : vector<16xf32>
      %reduce_sum3A_2105 = arith.constant true
      %reduce_sum3A_2106 = vector.broadcast %reduce_sum3A_2105 : i1 to vector<16xi1>
      %reduce_sum3A_2107 = tpu.scan <sum>, %add3A_2104 masked %reduce_sum3A_2106 : vector<16xf32>, vector<16xi1> -> vector<16xf32>
      %reduce_sum3A_2108 = vector.extract %reduce_sum3A_2107[15] : f32 from vector<16xf32>
      %broadcast_in_dim3A_2109 = arith.constant 0.000000e+00 : f32
      %broadcast_in_dim3A_2110 = vector.broadcast %broadcast_in_dim3A_2109 : f32 to vector<16xf32>
      %add3A_2111 = arith.constant 0 : i32
      %add3A_2112 = vector.broadcast %add3A_2111 : i32 to vector<16xi32>
      %add3A_2113 = arith.addi %iota3A, %add3A_2112 : vector<16xi32>
      %mul3A_2114 = arith.constant 8 : i32
      %mul3A_2115 = vector.broadcast %mul3A_2114 : i32 to vector<16xi32>
      %mul3A_2116 = arith.muli %add3A_2113, %mul3A_2115 : vector<16xi32>
      %add3A_2117 = arith.constant 7 : i32
      %add3A_2118 = vector.broadcast %add3A_2117 : i32 to vector<16xi32>
      %add3A_2119 = arith.addi %mul3A_2116, %add3A_2118 : vector<16xi32>
      %gather3A_2120 = arith.constant 0 : i32
      %gather3A_2121 = arith.constant 0 : i32
      %gather3A_2122 = arith.constant 0 : i32
      %gather3A_2123 = tpu.memref_slice %arg10[%gather3A_2120, %gather3A_2121, %gather3A_2122] : memref<2x1x1024xf32, #tpu.memory_space<vmem>> -> memref<1x1x1024xf32, #tpu.memory_space<vmem>>
      %gather3A_2124 = tpu.memref_squeeze %gather3A_2123 : memref<1x1x1024xf32, #tpu.memory_space<vmem>> -> memref<1024xf32, #tpu.memory_space<vmem>>
      %gather3A_2125 = tpu.vector_load_idx %gather3A_2124[%add3A_2119] : memref<1024xf32, #tpu.memory_space<vmem>>[vector<16xi32>], vector<16xf32>,
      %bitcast3A_2126 = vector.bitcast %gather3A_2125 : vector<16xf32> to vector<16xi32>
      %add3A_2127 = arith.constant 32767 : i32
      %add3A_2128 = vector.broadcast %add3A_2127 : i32 to vector<16xi32>
      %add3A_2129 = arith.addi %bitcast3A_2126, %add3A_2128 : vector<16xi32>
      %shift_right_arithmetic3A_2130 = arith.constant 16 : i32
      %shift_right_arithmetic3A_2131 = vector.broadcast %shift_right_arithmetic3A_2130 : i32 to vector<16xi32>
      %shift_right_arithmetic3A_2132 = arith.shrsi %bitcast3A_2126, %shift_right_arithmetic3A_2131 : vector<16xi32>
      %and3A_2133 = arith.constant 1 : i32
      %and3A_2134 = vector.broadcast %and3A_2133 : i32 to vector<16xi32>
      %and3A_2135 = arith.andi %shift_right_arithmetic3A_2132, %and3A_2134 : vector<16xi32>
      %add3A_2136 = arith.addi %add3A_2129, %and3A_2135 : vector<16xi32>
      %and3A_2137 = arith.constant -65536 : i32
      %and3A_2138 = vector.broadcast %and3A_2137 : i32 to vector<16xi32>
      %and3A_2139 = arith.andi %add3A_2136, %and3A_2138 : vector<16xi32>
      %bitcast3A_2140 = vector.bitcast %and3A_2139 : vector<16xi32> to vector<16xf32>
      %mul3A_2141 = arith.mulf %bitcast3A_171, %bitcast3A_2140 : vector<16xf32>
      %add3A_2142 = arith.addf %broadcast_in_dim3A_2110, %mul3A_2141 : vector<16xf32>
      %add3A_2143 = arith.constant 16 : i32
      %add3A_2144 = vector.broadcast %add3A_2143 : i32 to vector<16xi32>
      %add3A_2145 = arith.addi %iota3A, %add3A_2144 : vector<16xi32>
      %mul3A_2146 = arith.constant 8 : i32
      %mul3A_2147 = vector.broadcast %mul3A_2146 : i32 to vector<16xi32>
      %mul3A_2148 = arith.muli %add3A_2145, %mul3A_2147 : vector<16xi32>
      %add3A_2149 = arith.constant 7 : i32
      %add3A_2150 = vector.broadcast %add3A_2149 : i32 to vector<16xi32>
      %add3A_2151 = arith.addi %mul3A_2148, %add3A_2150 : vector<16xi32>
      %gather3A_2152 = arith.constant 0 : i32
      %gather3A_2153 = arith.constant 0 : i32
      %gather3A_2154 = arith.constant 0 : i32
      %gather3A_2155 = tpu.memref_slice %arg10[%gather3A_2152, %gather3A_2153, %gather3A_2154] : memref<2x1x1024xf32, #tpu.memory_space<vmem>> -> memref<1x1x1024xf32, #tpu.memory_space<vmem>>
      %gather3A_2156 = tpu.memref_squeeze %gather3A_2155 : memref<1x1x1024xf32, #tpu.memory_space<vmem>> -> memref<1024xf32, #tpu.memory_space<vmem>>
      %gather3A_2157 = tpu.vector_load_idx %gather3A_2156[%add3A_2151] : memref<1024xf32, #tpu.memory_space<vmem>>[vector<16xi32>], vector<16xf32>,
      %bitcast3A_2158 = vector.bitcast %gather3A_2157 : vector<16xf32> to vector<16xi32>
      %add3A_2159 = arith.constant 32767 : i32
      %add3A_2160 = vector.broadcast %add3A_2159 : i32 to vector<16xi32>
      %add3A_2161 = arith.addi %bitcast3A_2158, %add3A_2160 : vector<16xi32>
      %shift_right_arithmetic3A_2162 = arith.constant 16 : i32
      %shift_right_arithmetic3A_2163 = vector.broadcast %shift_right_arithmetic3A_2162 : i32 to vector<16xi32>
      %shift_right_arithmetic3A_2164 = arith.shrsi %bitcast3A_2158, %shift_right_arithmetic3A_2163 : vector<16xi32>
      %and3A_2165 = arith.constant 1 : i32
      %and3A_2166 = vector.broadcast %and3A_2165 : i32 to vector<16xi32>
      %and3A_2167 = arith.andi %shift_right_arithmetic3A_2164, %and3A_2166 : vector<16xi32>
      %add3A_2168 = arith.addi %add3A_2161, %and3A_2167 : vector<16xi32>
      %and3A_2169 = arith.constant -65536 : i32
      %and3A_2170 = vector.broadcast %and3A_2169 : i32 to vector<16xi32>
      %and3A_2171 = arith.andi %add3A_2168, %and3A_2170 : vector<16xi32>
      %bitcast3A_2172 = vector.bitcast %and3A_2171 : vector<16xi32> to vector<16xf32>
      %mul3A_2173 = arith.mulf %bitcast3A_186, %bitcast3A_2172 : vector<16xf32>
      %add3A_2174 = arith.addf %add3A_2142, %mul3A_2173 : vector<16xf32>
      %add3A_2175 = arith.constant 32 : i32
      %add3A_2176 = vector.broadcast %add3A_2175 : i32 to vector<16xi32>
      %add3A_2177 = arith.addi %iota3A, %add3A_2176 : vector<16xi32>
      %mul3A_2178 = arith.constant 8 : i32
      %mul3A_2179 = vector.broadcast %mul3A_2178 : i32 to vector<16xi32>
      %mul3A_2180 = arith.muli %add3A_2177, %mul3A_2179 : vector<16xi32>
      %add3A_2181 = arith.constant 7 : i32
      %add3A_2182 = vector.broadcast %add3A_2181 : i32 to vector<16xi32>
      %add3A_2183 = arith.addi %mul3A_2180, %add3A_2182 : vector<16xi32>
      %gather3A_2184 = arith.constant 0 : i32
      %gather3A_2185 = arith.constant 0 : i32
      %gather3A_2186 = arith.constant 0 : i32
      %gather3A_2187 = tpu.memref_slice %arg10[%gather3A_2184, %gather3A_2185, %gather3A_2186] : memref<2x1x1024xf32, #tpu.memory_space<vmem>> -> memref<1x1x1024xf32, #tpu.memory_space<vmem>>
      %gather3A_2188 = tpu.memref_squeeze %gather3A_2187 : memref<1x1x1024xf32, #tpu.memory_space<vmem>> -> memref<1024xf32, #tpu.memory_space<vmem>>
      %gather3A_2189 = tpu.vector_load_idx %gather3A_2188[%add3A_2183] : memref<1024xf32, #tpu.memory_space<vmem>>[vector<16xi32>], vector<16xf32>,
      %bitcast3A_2190 = vector.bitcast %gather3A_2189 : vector<16xf32> to vector<16xi32>
      %add3A_2191 = arith.constant 32767 : i32
      %add3A_2192 = vector.broadcast %add3A_2191 : i32 to vector<16xi32>
      %add3A_2193 = arith.addi %bitcast3A_2190, %add3A_2192 : vector<16xi32>
      %shift_right_arithmetic3A_2194 = arith.constant 16 : i32
      %shift_right_arithmetic3A_2195 = vector.broadcast %shift_right_arithmetic3A_2194 : i32 to vector<16xi32>
      %shift_right_arithmetic3A_2196 = arith.shrsi %bitcast3A_2190, %shift_right_arithmetic3A_2195 : vector<16xi32>
      %and3A_2197 = arith.constant 1 : i32
      %and3A_2198 = vector.broadcast %and3A_2197 : i32 to vector<16xi32>
      %and3A_2199 = arith.andi %shift_right_arithmetic3A_2196, %and3A_2198 : vector<16xi32>
      %add3A_2200 = arith.addi %add3A_2193, %and3A_2199 : vector<16xi32>
      %and3A_2201 = arith.constant -65536 : i32
      %and3A_2202 = vector.broadcast %and3A_2201 : i32 to vector<16xi32>
      %and3A_2203 = arith.andi %add3A_2200, %and3A_2202 : vector<16xi32>
      %bitcast3A_2204 = vector.bitcast %and3A_2203 : vector<16xi32> to vector<16xf32>
      %mul3A_2205 = arith.mulf %bitcast3A_201, %bitcast3A_2204 : vector<16xf32>
      %add3A_2206 = arith.addf %add3A_2174, %mul3A_2205 : vector<16xf32>
      %add3A_2207 = arith.constant 48 : i32
      %add3A_2208 = vector.broadcast %add3A_2207 : i32 to vector<16xi32>
      %add3A_2209 = arith.addi %iota3A, %add3A_2208 : vector<16xi32>
      %mul3A_2210 = arith.constant 8 : i32
      %mul3A_2211 = vector.broadcast %mul3A_2210 : i32 to vector<16xi32>
      %mul3A_2212 = arith.muli %add3A_2209, %mul3A_2211 : vector<16xi32>
      %add3A_2213 = arith.constant 7 : i32
      %add3A_2214 = vector.broadcast %add3A_2213 : i32 to vector<16xi32>
      %add3A_2215 = arith.addi %mul3A_2212, %add3A_2214 : vector<16xi32>
      %gather3A_2216 = arith.constant 0 : i32
      %gather3A_2217 = arith.constant 0 : i32
      %gather3A_2218 = arith.constant 0 : i32
      %gather3A_2219 = tpu.memref_slice %arg10[%gather3A_2216, %gather3A_2217, %gather3A_2218] : memref<2x1x1024xf32, #tpu.memory_space<vmem>> -> memref<1x1x1024xf32, #tpu.memory_space<vmem>>
      %gather3A_2220 = tpu.memref_squeeze %gather3A_2219 : memref<1x1x1024xf32, #tpu.memory_space<vmem>> -> memref<1024xf32, #tpu.memory_space<vmem>>
      %gather3A_2221 = tpu.vector_load_idx %gather3A_2220[%add3A_2215] : memref<1024xf32, #tpu.memory_space<vmem>>[vector<16xi32>], vector<16xf32>,
      %bitcast3A_2222 = vector.bitcast %gather3A_2221 : vector<16xf32> to vector<16xi32>
      %add3A_2223 = arith.constant 32767 : i32
      %add3A_2224 = vector.broadcast %add3A_2223 : i32 to vector<16xi32>
      %add3A_2225 = arith.addi %bitcast3A_2222, %add3A_2224 : vector<16xi32>
      %shift_right_arithmetic3A_2226 = arith.constant 16 : i32
      %shift_right_arithmetic3A_2227 = vector.broadcast %shift_right_arithmetic3A_2226 : i32 to vector<16xi32>
      %shift_right_arithmetic3A_2228 = arith.shrsi %bitcast3A_2222, %shift_right_arithmetic3A_2227 : vector<16xi32>
      %and3A_2229 = arith.constant 1 : i32
      %and3A_2230 = vector.broadcast %and3A_2229 : i32 to vector<16xi32>
      %and3A_2231 = arith.andi %shift_right_arithmetic3A_2228, %and3A_2230 : vector<16xi32>
      %add3A_2232 = arith.addi %add3A_2225, %and3A_2231 : vector<16xi32>
      %and3A_2233 = arith.constant -65536 : i32
      %and3A_2234 = vector.broadcast %and3A_2233 : i32 to vector<16xi32>
      %and3A_2235 = arith.andi %add3A_2232, %and3A_2234 : vector<16xi32>
      %bitcast3A_2236 = vector.bitcast %and3A_2235 : vector<16xi32> to vector<16xf32>
      %mul3A_2237 = arith.mulf %bitcast3A_216, %bitcast3A_2236 : vector<16xf32>
      %add3A_2238 = arith.addf %add3A_2206, %mul3A_2237 : vector<16xf32>
      %add3A_2239 = arith.constant 64 : i32
      %add3A_2240 = vector.broadcast %add3A_2239 : i32 to vector<16xi32>
      %add3A_2241 = arith.addi %iota3A, %add3A_2240 : vector<16xi32>
      %mul3A_2242 = arith.constant 8 : i32
      %mul3A_2243 = vector.broadcast %mul3A_2242 : i32 to vector<16xi32>
      %mul3A_2244 = arith.muli %add3A_2241, %mul3A_2243 : vector<16xi32>
      %add3A_2245 = arith.constant 7 : i32
      %add3A_2246 = vector.broadcast %add3A_2245 : i32 to vector<16xi32>
      %add3A_2247 = arith.addi %mul3A_2244, %add3A_2246 : vector<16xi32>
      %gather3A_2248 = arith.constant 0 : i32
      %gather3A_2249 = arith.constant 0 : i32
      %gather3A_2250 = arith.constant 0 : i32
      %gather3A_2251 = tpu.memref_slice %arg10[%gather3A_2248, %gather3A_2249, %gather3A_2250] : memref<2x1x1024xf32, #tpu.memory_space<vmem>> -> memref<1x1x1024xf32, #tpu.memory_space<vmem>>
      %gather3A_2252 = tpu.memref_squeeze %gather3A_2251 : memref<1x1x1024xf32, #tpu.memory_space<vmem>> -> memref<1024xf32, #tpu.memory_space<vmem>>
      %gather3A_2253 = tpu.vector_load_idx %gather3A_2252[%add3A_2247] : memref<1024xf32, #tpu.memory_space<vmem>>[vector<16xi32>], vector<16xf32>,
      %bitcast3A_2254 = vector.bitcast %gather3A_2253 : vector<16xf32> to vector<16xi32>
      %add3A_2255 = arith.constant 32767 : i32
      %add3A_2256 = vector.broadcast %add3A_2255 : i32 to vector<16xi32>
      %add3A_2257 = arith.addi %bitcast3A_2254, %add3A_2256 : vector<16xi32>
      %shift_right_arithmetic3A_2258 = arith.constant 16 : i32
      %shift_right_arithmetic3A_2259 = vector.broadcast %shift_right_arithmetic3A_2258 : i32 to vector<16xi32>
      %shift_right_arithmetic3A_2260 = arith.shrsi %bitcast3A_2254, %shift_right_arithmetic3A_2259 : vector<16xi32>
      %and3A_2261 = arith.constant 1 : i32
      %and3A_2262 = vector.broadcast %and3A_2261 : i32 to vector<16xi32>
      %and3A_2263 = arith.andi %shift_right_arithmetic3A_2260, %and3A_2262 : vector<16xi32>
      %add3A_2264 = arith.addi %add3A_2257, %and3A_2263 : vector<16xi32>
      %and3A_2265 = arith.constant -65536 : i32
      %and3A_2266 = vector.broadcast %and3A_2265 : i32 to vector<16xi32>
      %and3A_2267 = arith.andi %add3A_2264, %and3A_2266 : vector<16xi32>
      %bitcast3A_2268 = vector.bitcast %and3A_2267 : vector<16xi32> to vector<16xf32>
      %mul3A_2269 = arith.mulf %bitcast3A_231, %bitcast3A_2268 : vector<16xf32>
      %add3A_2270 = arith.addf %add3A_2238, %mul3A_2269 : vector<16xf32>
      %add3A_2271 = arith.constant 80 : i32
      %add3A_2272 = vector.broadcast %add3A_2271 : i32 to vector<16xi32>
      %add3A_2273 = arith.addi %iota3A, %add3A_2272 : vector<16xi32>
      %mul3A_2274 = arith.constant 8 : i32
      %mul3A_2275 = vector.broadcast %mul3A_2274 : i32 to vector<16xi32>
      %mul3A_2276 = arith.muli %add3A_2273, %mul3A_2275 : vector<16xi32>
      %add3A_2277 = arith.constant 7 : i32
      %add3A_2278 = vector.broadcast %add3A_2277 : i32 to vector<16xi32>
      %add3A_2279 = arith.addi %mul3A_2276, %add3A_2278 : vector<16xi32>
      %gather3A_2280 = arith.constant 0 : i32
      %gather3A_2281 = arith.constant 0 : i32
      %gather3A_2282 = arith.constant 0 : i32
      %gather3A_2283 = tpu.memref_slice %arg10[%gather3A_2280, %gather3A_2281, %gather3A_2282] : memref<2x1x1024xf32, #tpu.memory_space<vmem>> -> memref<1x1x1024xf32, #tpu.memory_space<vmem>>
      %gather3A_2284 = tpu.memref_squeeze %gather3A_2283 : memref<1x1x1024xf32, #tpu.memory_space<vmem>> -> memref<1024xf32, #tpu.memory_space<vmem>>
      %gather3A_2285 = tpu.vector_load_idx %gather3A_2284[%add3A_2279] : memref<1024xf32, #tpu.memory_space<vmem>>[vector<16xi32>], vector<16xf32>,
      %bitcast3A_2286 = vector.bitcast %gather3A_2285 : vector<16xf32> to vector<16xi32>
      %add3A_2287 = arith.constant 32767 : i32
      %add3A_2288 = vector.broadcast %add3A_2287 : i32 to vector<16xi32>
      %add3A_2289 = arith.addi %bitcast3A_2286, %add3A_2288 : vector<16xi32>
      %shift_right_arithmetic3A_2290 = arith.constant 16 : i32
      %shift_right_arithmetic3A_2291 = vector.broadcast %shift_right_arithmetic3A_2290 : i32 to vector<16xi32>
      %shift_right_arithmetic3A_2292 = arith.shrsi %bitcast3A_2286, %shift_right_arithmetic3A_2291 : vector<16xi32>
      %and3A_2293 = arith.constant 1 : i32
      %and3A_2294 = vector.broadcast %and3A_2293 : i32 to vector<16xi32>
      %and3A_2295 = arith.andi %shift_right_arithmetic3A_2292, %and3A_2294 : vector<16xi32>
      %add3A_2296 = arith.addi %add3A_2289, %and3A_2295 : vector<16xi32>
      %and3A_2297 = arith.constant -65536 : i32
      %and3A_2298 = vector.broadcast %and3A_2297 : i32 to vector<16xi32>
      %and3A_2299 = arith.andi %add3A_2296, %and3A_2298 : vector<16xi32>
      %bitcast3A_2300 = vector.bitcast %and3A_2299 : vector<16xi32> to vector<16xf32>
      %mul3A_2301 = arith.mulf %bitcast3A_246, %bitcast3A_2300 : vector<16xf32>
      %add3A_2302 = arith.addf %add3A_2270, %mul3A_2301 : vector<16xf32>
      %add3A_2303 = arith.constant 96 : i32
      %add3A_2304 = vector.broadcast %add3A_2303 : i32 to vector<16xi32>
      %add3A_2305 = arith.addi %iota3A, %add3A_2304 : vector<16xi32>
      %mul3A_2306 = arith.constant 8 : i32
      %mul3A_2307 = vector.broadcast %mul3A_2306 : i32 to vector<16xi32>
      %mul3A_2308 = arith.muli %add3A_2305, %mul3A_2307 : vector<16xi32>
      %add3A_2309 = arith.constant 7 : i32
      %add3A_2310 = vector.broadcast %add3A_2309 : i32 to vector<16xi32>
      %add3A_2311 = arith.addi %mul3A_2308, %add3A_2310 : vector<16xi32>
      %gather3A_2312 = arith.constant 0 : i32
      %gather3A_2313 = arith.constant 0 : i32
      %gather3A_2314 = arith.constant 0 : i32
      %gather3A_2315 = tpu.memref_slice %arg10[%gather3A_2312, %gather3A_2313, %gather3A_2314] : memref<2x1x1024xf32, #tpu.memory_space<vmem>> -> memref<1x1x1024xf32, #tpu.memory_space<vmem>>
      %gather3A_2316 = tpu.memref_squeeze %gather3A_2315 : memref<1x1x1024xf32, #tpu.memory_space<vmem>> -> memref<1024xf32, #tpu.memory_space<vmem>>
      %gather3A_2317 = tpu.vector_load_idx %gather3A_2316[%add3A_2311] : memref<1024xf32, #tpu.memory_space<vmem>>[vector<16xi32>], vector<16xf32>,
      %bitcast3A_2318 = vector.bitcast %gather3A_2317 : vector<16xf32> to vector<16xi32>
      %add3A_2319 = arith.constant 32767 : i32
      %add3A_2320 = vector.broadcast %add3A_2319 : i32 to vector<16xi32>
      %add3A_2321 = arith.addi %bitcast3A_2318, %add3A_2320 : vector<16xi32>
      %shift_right_arithmetic3A_2322 = arith.constant 16 : i32
      %shift_right_arithmetic3A_2323 = vector.broadcast %shift_right_arithmetic3A_2322 : i32 to vector<16xi32>
      %shift_right_arithmetic3A_2324 = arith.shrsi %bitcast3A_2318, %shift_right_arithmetic3A_2323 : vector<16xi32>
      %and3A_2325 = arith.constant 1 : i32
      %and3A_2326 = vector.broadcast %and3A_2325 : i32 to vector<16xi32>
      %and3A_2327 = arith.andi %shift_right_arithmetic3A_2324, %and3A_2326 : vector<16xi32>
      %add3A_2328 = arith.addi %add3A_2321, %and3A_2327 : vector<16xi32>
      %and3A_2329 = arith.constant -65536 : i32
      %and3A_2330 = vector.broadcast %and3A_2329 : i32 to vector<16xi32>
      %and3A_2331 = arith.andi %add3A_2328, %and3A_2330 : vector<16xi32>
      %bitcast3A_2332 = vector.bitcast %and3A_2331 : vector<16xi32> to vector<16xf32>
      %mul3A_2333 = arith.mulf %bitcast3A_261, %bitcast3A_2332 : vector<16xf32>
      %add3A_2334 = arith.addf %add3A_2302, %mul3A_2333 : vector<16xf32>
      %add3A_2335 = arith.constant 112 : i32
      %add3A_2336 = vector.broadcast %add3A_2335 : i32 to vector<16xi32>
      %add3A_2337 = arith.addi %iota3A, %add3A_2336 : vector<16xi32>
      %mul3A_2338 = arith.constant 8 : i32
      %mul3A_2339 = vector.broadcast %mul3A_2338 : i32 to vector<16xi32>
      %mul3A_2340 = arith.muli %add3A_2337, %mul3A_2339 : vector<16xi32>
      %add3A_2341 = arith.constant 7 : i32
      %add3A_2342 = vector.broadcast %add3A_2341 : i32 to vector<16xi32>
      %add3A_2343 = arith.addi %mul3A_2340, %add3A_2342 : vector<16xi32>
      %gather3A_2344 = arith.constant 0 : i32
      %gather3A_2345 = arith.constant 0 : i32
      %gather3A_2346 = arith.constant 0 : i32
      %gather3A_2347 = tpu.memref_slice %arg10[%gather3A_2344, %gather3A_2345, %gather3A_2346] : memref<2x1x1024xf32, #tpu.memory_space<vmem>> -> memref<1x1x1024xf32, #tpu.memory_space<vmem>>
      %gather3A_2348 = tpu.memref_squeeze %gather3A_2347 : memref<1x1x1024xf32, #tpu.memory_space<vmem>> -> memref<1024xf32, #tpu.memory_space<vmem>>
      %gather3A_2349 = tpu.vector_load_idx %gather3A_2348[%add3A_2343] : memref<1024xf32, #tpu.memory_space<vmem>>[vector<16xi32>], vector<16xf32>,
      %bitcast3A_2350 = vector.bitcast %gather3A_2349 : vector<16xf32> to vector<16xi32>
      %add3A_2351 = arith.constant 32767 : i32
      %add3A_2352 = vector.broadcast %add3A_2351 : i32 to vector<16xi32>
      %add3A_2353 = arith.addi %bitcast3A_2350, %add3A_2352 : vector<16xi32>
      %shift_right_arithmetic3A_2354 = arith.constant 16 : i32
      %shift_right_arithmetic3A_2355 = vector.broadcast %shift_right_arithmetic3A_2354 : i32 to vector<16xi32>
      %shift_right_arithmetic3A_2356 = arith.shrsi %bitcast3A_2350, %shift_right_arithmetic3A_2355 : vector<16xi32>
      %and3A_2357 = arith.constant 1 : i32
      %and3A_2358 = vector.broadcast %and3A_2357 : i32 to vector<16xi32>
      %and3A_2359 = arith.andi %shift_right_arithmetic3A_2356, %and3A_2358 : vector<16xi32>
      %add3A_2360 = arith.addi %add3A_2353, %and3A_2359 : vector<16xi32>
      %and3A_2361 = arith.constant -65536 : i32
      %and3A_2362 = vector.broadcast %and3A_2361 : i32 to vector<16xi32>
      %and3A_2363 = arith.andi %add3A_2360, %and3A_2362 : vector<16xi32>
      %bitcast3A_2364 = vector.bitcast %and3A_2363 : vector<16xi32> to vector<16xf32>
      %mul3A_2365 = arith.mulf %bitcast3A_276, %bitcast3A_2364 : vector<16xf32>
      %add3A_2366 = arith.addf %add3A_2334, %mul3A_2365 : vector<16xf32>
      %reduce_sum3A_2367 = arith.constant true
      %reduce_sum3A_2368 = vector.broadcast %reduce_sum3A_2367 : i1 to vector<16xi1>
      %reduce_sum3A_2369 = tpu.scan <sum>, %add3A_2366 masked %reduce_sum3A_2368 : vector<16xf32>, vector<16xi1> -> vector<16xf32>
      %reduce_sum3A_2370 = vector.extract %reduce_sum3A_2369[15] : f32 from vector<16xf32>
      %gt3A = arith.cmpf ogt, %reduce_sum3A_798, %reduce_sum3A_536 : f32
      %select_n3A = arith.select %gt3A, %reduce_sum3A_798, %reduce_sum3A_536 : f32
      %jit3A = arith.constant 1 : i32
      %jit3A_2371 = arith.constant 0 : i32
      %select_n3A_2372 = arith.select %gt3A, %jit3A, %jit3A_2371 : i32
      %gt3A_2373 = arith.cmpf ogt, %reduce_sum3A_1060, %select_n3A : f32
      %select_n3A_2374 = arith.select %gt3A_2373, %reduce_sum3A_1060, %select_n3A : f32
      %jit3A_2375 = arith.constant 2 : i32
      %select_n3A_2376 = arith.select %gt3A_2373, %jit3A_2375, %select_n3A_2372 : i32
      %gt3A_2377 = arith.cmpf ogt, %reduce_sum3A_1322, %select_n3A_2374 : f32
      %select_n3A_2378 = arith.select %gt3A_2377, %reduce_sum3A_1322, %select_n3A_2374 : f32
      %jit3A_2379 = arith.constant 3 : i32
      %select_n3A_2380 = arith.select %gt3A_2377, %jit3A_2379, %select_n3A_2376 : i32
      %gt3A_2381 = arith.cmpf ogt, %reduce_sum3A_1584, %select_n3A_2378 : f32
      %select_n3A_2382 = arith.select %gt3A_2381, %reduce_sum3A_1584, %select_n3A_2378 : f32
      %jit3A_2383 = arith.constant 4 : i32
      %select_n3A_2384 = arith.select %gt3A_2381, %jit3A_2383, %select_n3A_2380 : i32
      %gt3A_2385 = arith.cmpf ogt, %reduce_sum3A_1846, %select_n3A_2382 : f32
      %select_n3A_2386 = arith.select %gt3A_2385, %reduce_sum3A_1846, %select_n3A_2382 : f32
      %jit3A_2387 = arith.constant 5 : i32
      %select_n3A_2388 = arith.select %gt3A_2385, %jit3A_2387, %select_n3A_2384 : i32
      %gt3A_2389 = arith.cmpf ogt, %reduce_sum3A_2108, %select_n3A_2386 : f32
      %select_n3A_2390 = arith.select %gt3A_2389, %reduce_sum3A_2108, %select_n3A_2386 : f32
      %jit3A_2391 = arith.constant 6 : i32
      %select_n3A_2392 = arith.select %gt3A_2389, %jit3A_2391, %select_n3A_2388 : i32
      %gt3A_2393 = arith.cmpf ogt, %reduce_sum3A_2370, %select_n3A_2390 : f32
      %select_n3A_2394 = arith.select %gt3A_2393, %reduce_sum3A_2370, %select_n3A_2390 : f32
      %jit3A_2395 = arith.constant 7 : i32
      %select_n3A_2396 = arith.select %gt3A_2393, %jit3A_2395, %select_n3A_2392 : i32
      %add3A_2397 = arith.constant 0 : i32
      %add3A_2398 = vector.broadcast %add3A_2397 : i32 to vector<16xi32>
      %add3A_2399 = arith.addi %iota3A, %add3A_2398 : vector<16xi32>
      %mul3A_2400 = arith.constant 8 : i32
      %mul3A_2401 = vector.broadcast %mul3A_2400 : i32 to vector<16xi32>
      %mul3A_2402 = arith.muli %add3A_2399, %mul3A_2401 : vector<16xi32>
      %add3A_2403 = vector.broadcast %select_n3A_2396 : i32 to vector<16xi32>
      %add3A_2404 = arith.addi %mul3A_2402, %add3A_2403 : vector<16xi32>
      %gather3A_2405 = arith.constant 0 : i32
      %gather3A_2406 = arith.constant 0 : i32
      %gather3A_2407 = arith.constant 0 : i32
      %gather3A_2408 = tpu.memref_slice %arg10[%gather3A_2405, %gather3A_2406, %gather3A_2407] : memref<2x1x1024xf32, #tpu.memory_space<vmem>> -> memref<1x1x1024xf32, #tpu.memory_space<vmem>>
      %gather3A_2409 = tpu.memref_squeeze %gather3A_2408 : memref<1x1x1024xf32, #tpu.memory_space<vmem>> -> memref<1024xf32, #tpu.memory_space<vmem>>
      %gather3A_2410 = tpu.vector_load_idx %gather3A_2409[%add3A_2404] : memref<1024xf32, #tpu.memory_space<vmem>>[vector<16xi32>], vector<16xf32>,
      %swap3A = arith.index_cast %mul3A_74 : i32 to index
      %swap3A_2411 = arith.constant 0 : index
      %swap3A_2412 = tpu.vector_load %arg11[%swap3A, %swap3A_2411] {strides = array<i32>} : memref<128x128xf32, #tpu.memory_space<vmem>>, vector<16xf32>,
      tpu.vector_store %arg11[%swap3A, %swap3A_2411], %gather3A_2410 {strides = array<i32>} : memref<128x128xf32, #tpu.memory_space<vmem>>, vector<16xf32>,
      %add3A_2413 = arith.constant 16 : i32
      %add3A_2414 = vector.broadcast %add3A_2413 : i32 to vector<16xi32>
      %add3A_2415 = arith.addi %iota3A, %add3A_2414 : vector<16xi32>
      %mul3A_2416 = arith.constant 8 : i32
      %mul3A_2417 = vector.broadcast %mul3A_2416 : i32 to vector<16xi32>
      %mul3A_2418 = arith.muli %add3A_2415, %mul3A_2417 : vector<16xi32>
      %add3A_2419 = vector.broadcast %select_n3A_2396 : i32 to vector<16xi32>
      %add3A_2420 = arith.addi %mul3A_2418, %add3A_2419 : vector<16xi32>
      %gather3A_2421 = arith.constant 0 : i32
      %gather3A_2422 = arith.constant 0 : i32
      %gather3A_2423 = arith.constant 0 : i32
      %gather3A_2424 = tpu.memref_slice %arg10[%gather3A_2421, %gather3A_2422, %gather3A_2423] : memref<2x1x1024xf32, #tpu.memory_space<vmem>> -> memref<1x1x1024xf32, #tpu.memory_space<vmem>>
      %gather3A_2425 = tpu.memref_squeeze %gather3A_2424 : memref<1x1x1024xf32, #tpu.memory_space<vmem>> -> memref<1024xf32, #tpu.memory_space<vmem>>
      %gather3A_2426 = tpu.vector_load_idx %gather3A_2425[%add3A_2420] : memref<1024xf32, #tpu.memory_space<vmem>>[vector<16xi32>], vector<16xf32>,
      %swap3A_2427 = arith.index_cast %mul3A_74 : i32 to index
      %swap3A_2428 = arith.constant 16 : index
      %swap3A_2429 = tpu.vector_load %arg11[%swap3A_2427, %swap3A_2428] {strides = array<i32>} : memref<128x128xf32, #tpu.memory_space<vmem>>, vector<16xf32>,
      tpu.vector_store %arg11[%swap3A_2427, %swap3A_2428], %gather3A_2426 {strides = array<i32>} : memref<128x128xf32, #tpu.memory_space<vmem>>, vector<16xf32>,
      %add3A_2430 = arith.constant 32 : i32
      %add3A_2431 = vector.broadcast %add3A_2430 : i32 to vector<16xi32>
      %add3A_2432 = arith.addi %iota3A, %add3A_2431 : vector<16xi32>
      %mul3A_2433 = arith.constant 8 : i32
      %mul3A_2434 = vector.broadcast %mul3A_2433 : i32 to vector<16xi32>
      %mul3A_2435 = arith.muli %add3A_2432, %mul3A_2434 : vector<16xi32>
      %add3A_2436 = vector.broadcast %select_n3A_2396 : i32 to vector<16xi32>
      %add3A_2437 = arith.addi %mul3A_2435, %add3A_2436 : vector<16xi32>
      %gather3A_2438 = arith.constant 0 : i32
      %gather3A_2439 = arith.constant 0 : i32
      %gather3A_2440 = arith.constant 0 : i32
      %gather3A_2441 = tpu.memref_slice %arg10[%gather3A_2438, %gather3A_2439, %gather3A_2440] : memref<2x1x1024xf32, #tpu.memory_space<vmem>> -> memref<1x1x1024xf32, #tpu.memory_space<vmem>>
      %gather3A_2442 = tpu.memref_squeeze %gather3A_2441 : memref<1x1x1024xf32, #tpu.memory_space<vmem>> -> memref<1024xf32, #tpu.memory_space<vmem>>
      %gather3A_2443 = tpu.vector_load_idx %gather3A_2442[%add3A_2437] : memref<1024xf32, #tpu.memory_space<vmem>>[vector<16xi32>], vector<16xf32>,
      %swap3A_2444 = arith.index_cast %mul3A_74 : i32 to index
      %swap3A_2445 = arith.constant 32 : index
      %swap3A_2446 = tpu.vector_load %arg11[%swap3A_2444, %swap3A_2445] {strides = array<i32>} : memref<128x128xf32, #tpu.memory_space<vmem>>, vector<16xf32>,
      tpu.vector_store %arg11[%swap3A_2444, %swap3A_2445], %gather3A_2443 {strides = array<i32>} : memref<128x128xf32, #tpu.memory_space<vmem>>, vector<16xf32>,
      %add3A_2447 = arith.constant 48 : i32
      %add3A_2448 = vector.broadcast %add3A_2447 : i32 to vector<16xi32>
      %add3A_2449 = arith.addi %iota3A, %add3A_2448 : vector<16xi32>
      %mul3A_2450 = arith.constant 8 : i32
      %mul3A_2451 = vector.broadcast %mul3A_2450 : i32 to vector<16xi32>
      %mul3A_2452 = arith.muli %add3A_2449, %mul3A_2451 : vector<16xi32>
      %add3A_2453 = vector.broadcast %select_n3A_2396 : i32 to vector<16xi32>
      %add3A_2454 = arith.addi %mul3A_2452, %add3A_2453 : vector<16xi32>
      %gather3A_2455 = arith.constant 0 : i32
      %gather3A_2456 = arith.constant 0 : i32
      %gather3A_2457 = arith.constant 0 : i32
      %gather3A_2458 = tpu.memref_slice %arg10[%gather3A_2455, %gather3A_2456, %gather3A_2457] : memref<2x1x1024xf32, #tpu.memory_space<vmem>> -> memref<1x1x1024xf32, #tpu.memory_space<vmem>>
      %gather3A_2459 = tpu.memref_squeeze %gather3A_2458 : memref<1x1x1024xf32, #tpu.memory_space<vmem>> -> memref<1024xf32, #tpu.memory_space<vmem>>
      %gather3A_2460 = tpu.vector_load_idx %gather3A_2459[%add3A_2454] : memref<1024xf32, #tpu.memory_space<vmem>>[vector<16xi32>], vector<16xf32>,
      %swap3A_2461 = arith.index_cast %mul3A_74 : i32 to index
      %swap3A_2462 = arith.constant 48 : index
      %swap3A_2463 = tpu.vector_load %arg11[%swap3A_2461, %swap3A_2462] {strides = array<i32>} : memref<128x128xf32, #tpu.memory_space<vmem>>, vector<16xf32>,
      tpu.vector_store %arg11[%swap3A_2461, %swap3A_2462], %gather3A_2460 {strides = array<i32>} : memref<128x128xf32, #tpu.memory_space<vmem>>, vector<16xf32>,
      %add3A_2464 = arith.constant 64 : i32
      %add3A_2465 = vector.broadcast %add3A_2464 : i32 to vector<16xi32>
      %add3A_2466 = arith.addi %iota3A, %add3A_2465 : vector<16xi32>
      %mul3A_2467 = arith.constant 8 : i32
      %mul3A_2468 = vector.broadcast %mul3A_2467 : i32 to vector<16xi32>
      %mul3A_2469 = arith.muli %add3A_2466, %mul3A_2468 : vector<16xi32>
      %add3A_2470 = vector.broadcast %select_n3A_2396 : i32 to vector<16xi32>
      %add3A_2471 = arith.addi %mul3A_2469, %add3A_2470 : vector<16xi32>
      %gather3A_2472 = arith.constant 0 : i32
      %gather3A_2473 = arith.constant 0 : i32
      %gather3A_2474 = arith.constant 0 : i32
      %gather3A_2475 = tpu.memref_slice %arg10[%gather3A_2472, %gather3A_2473, %gather3A_2474] : memref<2x1x1024xf32, #tpu.memory_space<vmem>> -> memref<1x1x1024xf32, #tpu.memory_space<vmem>>
      %gather3A_2476 = tpu.memref_squeeze %gather3A_2475 : memref<1x1x1024xf32, #tpu.memory_space<vmem>> -> memref<1024xf32, #tpu.memory_space<vmem>>
      %gather3A_2477 = tpu.vector_load_idx %gather3A_2476[%add3A_2471] : memref<1024xf32, #tpu.memory_space<vmem>>[vector<16xi32>], vector<16xf32>,
      %swap3A_2478 = arith.index_cast %mul3A_74 : i32 to index
      %swap3A_2479 = arith.constant 64 : index
      %swap3A_2480 = tpu.vector_load %arg11[%swap3A_2478, %swap3A_2479] {strides = array<i32>} : memref<128x128xf32, #tpu.memory_space<vmem>>, vector<16xf32>,
      tpu.vector_store %arg11[%swap3A_2478, %swap3A_2479], %gather3A_2477 {strides = array<i32>} : memref<128x128xf32, #tpu.memory_space<vmem>>, vector<16xf32>,
      %add3A_2481 = arith.constant 80 : i32
      %add3A_2482 = vector.broadcast %add3A_2481 : i32 to vector<16xi32>
      %add3A_2483 = arith.addi %iota3A, %add3A_2482 : vector<16xi32>
      %mul3A_2484 = arith.constant 8 : i32
      %mul3A_2485 = vector.broadcast %mul3A_2484 : i32 to vector<16xi32>
      %mul3A_2486 = arith.muli %add3A_2483, %mul3A_2485 : vector<16xi32>
      %add3A_2487 = vector.broadcast %select_n3A_2396 : i32 to vector<16xi32>
      %add3A_2488 = arith.addi %mul3A_2486, %add3A_2487 : vector<16xi32>
      %gather3A_2489 = arith.constant 0 : i32
      %gather3A_2490 = arith.constant 0 : i32
      %gather3A_2491 = arith.constant 0 : i32
      %gather3A_2492 = tpu.memref_slice %arg10[%gather3A_2489, %gather3A_2490, %gather3A_2491] : memref<2x1x1024xf32, #tpu.memory_space<vmem>> -> memref<1x1x1024xf32, #tpu.memory_space<vmem>>
      %gather3A_2493 = tpu.memref_squeeze %gather3A_2492 : memref<1x1x1024xf32, #tpu.memory_space<vmem>> -> memref<1024xf32, #tpu.memory_space<vmem>>
      %gather3A_2494 = tpu.vector_load_idx %gather3A_2493[%add3A_2488] : memref<1024xf32, #tpu.memory_space<vmem>>[vector<16xi32>], vector<16xf32>,
      %swap3A_2495 = arith.index_cast %mul3A_74 : i32 to index
      %swap3A_2496 = arith.constant 80 : index
      %swap3A_2497 = tpu.vector_load %arg11[%swap3A_2495, %swap3A_2496] {strides = array<i32>} : memref<128x128xf32, #tpu.memory_space<vmem>>, vector<16xf32>,
      tpu.vector_store %arg11[%swap3A_2495, %swap3A_2496], %gather3A_2494 {strides = array<i32>} : memref<128x128xf32, #tpu.memory_space<vmem>>, vector<16xf32>,
      %add3A_2498 = arith.constant 96 : i32
      %add3A_2499 = vector.broadcast %add3A_2498 : i32 to vector<16xi32>
      %add3A_2500 = arith.addi %iota3A, %add3A_2499 : vector<16xi32>
      %mul3A_2501 = arith.constant 8 : i32
      %mul3A_2502 = vector.broadcast %mul3A_2501 : i32 to vector<16xi32>
      %mul3A_2503 = arith.muli %add3A_2500, %mul3A_2502 : vector<16xi32>
      %add3A_2504 = vector.broadcast %select_n3A_2396 : i32 to vector<16xi32>
      %add3A_2505 = arith.addi %mul3A_2503, %add3A_2504 : vector<16xi32>
      %gather3A_2506 = arith.constant 0 : i32
      %gather3A_2507 = arith.constant 0 : i32
      %gather3A_2508 = arith.constant 0 : i32
      %gather3A_2509 = tpu.memref_slice %arg10[%gather3A_2506, %gather3A_2507, %gather3A_2508] : memref<2x1x1024xf32, #tpu.memory_space<vmem>> -> memref<1x1x1024xf32, #tpu.memory_space<vmem>>
      %gather3A_2510 = tpu.memref_squeeze %gather3A_2509 : memref<1x1x1024xf32, #tpu.memory_space<vmem>> -> memref<1024xf32, #tpu.memory_space<vmem>>
      %gather3A_2511 = tpu.vector_load_idx %gather3A_2510[%add3A_2505] : memref<1024xf32, #tpu.memory_space<vmem>>[vector<16xi32>], vector<16xf32>,
      %swap3A_2512 = arith.index_cast %mul3A_74 : i32 to index
      %swap3A_2513 = arith.constant 96 : index
      %swap3A_2514 = tpu.vector_load %arg11[%swap3A_2512, %swap3A_2513] {strides = array<i32>} : memref<128x128xf32, #tpu.memory_space<vmem>>, vector<16xf32>,
      tpu.vector_store %arg11[%swap3A_2512, %swap3A_2513], %gather3A_2511 {strides = array<i32>} : memref<128x128xf32, #tpu.memory_space<vmem>>, vector<16xf32>,
      %add3A_2515 = arith.constant 112 : i32
      %add3A_2516 = vector.broadcast %add3A_2515 : i32 to vector<16xi32>
      %add3A_2517 = arith.addi %iota3A, %add3A_2516 : vector<16xi32>
      %mul3A_2518 = arith.constant 8 : i32
      %mul3A_2519 = vector.broadcast %mul3A_2518 : i32 to vector<16xi32>
      %mul3A_2520 = arith.muli %add3A_2517, %mul3A_2519 : vector<16xi32>
      %add3A_2521 = vector.broadcast %select_n3A_2396 : i32 to vector<16xi32>
      %add3A_2522 = arith.addi %mul3A_2520, %add3A_2521 : vector<16xi32>
      %gather3A_2523 = arith.constant 0 : i32
      %gather3A_2524 = arith.constant 0 : i32
      %gather3A_2525 = arith.constant 0 : i32
      %gather3A_2526 = tpu.memref_slice %arg10[%gather3A_2523, %gather3A_2524, %gather3A_2525] : memref<2x1x1024xf32, #tpu.memory_space<vmem>> -> memref<1x1x1024xf32, #tpu.memory_space<vmem>>
      %gather3A_2527 = tpu.memref_squeeze %gather3A_2526 : memref<1x1x1024xf32, #tpu.memory_space<vmem>> -> memref<1024xf32, #tpu.memory_space<vmem>>
      %gather3A_2528 = tpu.vector_load_idx %gather3A_2527[%add3A_2522] : memref<1024xf32, #tpu.memory_space<vmem>>[vector<16xi32>], vector<16xf32>,
      %swap3A_2529 = arith.index_cast %mul3A_74 : i32 to index
      %swap3A_2530 = arith.constant 112 : index
      %swap3A_2531 = tpu.vector_load %arg11[%swap3A_2529, %swap3A_2530] {strides = array<i32>} : memref<128x128xf32, #tpu.memory_space<vmem>>, vector<16xf32>,
      tpu.vector_store %arg11[%swap3A_2529, %swap3A_2530], %gather3A_2528 {strides = array<i32>} : memref<128x128xf32, #tpu.memory_space<vmem>>, vector<16xf32>,
      %add3A_2532 = arith.constant 2 : i32
      %add3A_2533 = arith.addi %mul3A_74, %add3A_2532 : i32
      %min3A = arith.constant 127 : i32
      %min3A_2534 = arith.minsi %add3A_2533, %min3A : i32
      %dma_start3A_2535 = arith.constant 0 : i32
      %dma_start3A_2536 = arith.constant 0 : i32
      %dma_start3A_2537 = arith.constant 0 : i32
      %dma_start3A_2538 = arith.constant 0 : i32
      %dma_start3A_2539 = tpu.memref_slice %arg9[%dma_start3A_2536, %dma_start3A_2537, %dma_start3A_2538] : memref<2x200x128xf32, #tpu.memory_space<vmem>> -> memref<1x100x128xf32, #tpu.memory_space<vmem>>
      %dma_start3A_2540 = tpu.memref_squeeze %dma_start3A_2539 : memref<1x100x128xf32, #tpu.memory_space<vmem>> -> memref<100x128xf32, #tpu.memory_space<vmem>>
      %dma_start3A_2541 = arith.constant 0 : i32
      %dma_start3A_2542 = tpu.memref_slice %arg7[%min3A_2534, %dma_start3A_2535, %dma_start3A_2541] : memref<128x2x100xi32, #tpu.memory_space<vmem>> -> memref<1x1x100xi32, #tpu.memory_space<vmem>>
      %dma_start3A_2543 = tpu.memref_squeeze %dma_start3A_2542 : memref<1x1x100xi32, #tpu.memory_space<vmem>> -> memref<100xi32, #tpu.memory_space<vmem>>
      %dma_start3A_2544 = arith.constant 0 : i32
      %dma_start3A_2545 = arith.constant 0 : i32
      %dma_start3A_2546 = tpu.memref_slice %arg4[%dma_start3A_2544, %dma_start3A_2545] : memref<100000x128xf32, #tpu.memory_space<hbm>> -> memref<100000x128xf32, #tpu.memory_space<hbm>>
      tpu.enqueue_indirect_dma source(%dma_start3A_2546 : memref<100000x128xf32, #tpu.memory_space<hbm>>) target(%dma_start3A_2540 : memref<100x128xf32, #tpu.memory_space<vmem>>) offsets(%dma_start3A_2543 : memref<100xi32, #tpu.memory_space<vmem>>) semaphore(%arg12 : memref<!tpu.dma_semaphore, #tpu.memory_space<semaphore_mem>>)
      %dma_start3A_2547 = arith.constant 1 : i32
      %dma_start3A_2548 = arith.constant 0 : i32
      %dma_start3A_2549 = arith.constant 100 : i32
      %dma_start3A_2550 = arith.constant 0 : i32
      %dma_start3A_2551 = tpu.memref_slice %arg9[%dma_start3A_2548, %dma_start3A_2549, %dma_start3A_2550] : memref<2x200x128xf32, #tpu.memory_space<vmem>> -> memref<1x100x128xf32, #tpu.memory_space<vmem>>
      %dma_start3A_2552 = tpu.memref_squeeze %dma_start3A_2551 : memref<1x100x128xf32, #tpu.memory_space<vmem>> -> memref<100x128xf32, #tpu.memory_space<vmem>>
      %dma_start3A_2553 = arith.constant 0 : i32
      %dma_start3A_2554 = tpu.memref_slice %arg7[%min3A_2534, %dma_start3A_2547, %dma_start3A_2553] : memref<128x2x100xi32, #tpu.memory_space<vmem>> -> memref<1x1x100xi32, #tpu.memory_space<vmem>>
      %dma_start3A_2555 = tpu.memref_squeeze %dma_start3A_2554 : memref<1x1x100xi32, #tpu.memory_space<vmem>> -> memref<100xi32, #tpu.memory_space<vmem>>
      %dma_start3A_2556 = arith.constant 0 : i32
      %dma_start3A_2557 = arith.constant 0 : i32
      %dma_start3A_2558 = tpu.memref_slice %arg4[%dma_start3A_2556, %dma_start3A_2557] : memref<100000x128xf32, #tpu.memory_space<hbm>> -> memref<100000x128xf32, #tpu.memory_space<hbm>>
      tpu.enqueue_indirect_dma source(%dma_start3A_2558 : memref<100000x128xf32, #tpu.memory_space<hbm>>) target(%dma_start3A_2552 : memref<100x128xf32, #tpu.memory_space<vmem>>) offsets(%dma_start3A_2555 : memref<100xi32, #tpu.memory_space<vmem>>) semaphore(%arg12 : memref<!tpu.dma_semaphore, #tpu.memory_space<semaphore_mem>>)
      %dma_start3A_2559 = arith.constant 0 : i32
      %dma_start3A_2560 = arith.constant 0 : i32
      %dma_start3A_2561 = arith.constant 0 : i32
      %dma_start3A_2562 = tpu.memref_slice %arg10[%dma_start3A_2559, %dma_start3A_2560, %dma_start3A_2561] : memref<2x1x1024xf32, #tpu.memory_space<vmem>> -> memref<1x1x1024xf32, #tpu.memory_space<vmem>>
      %dma_start3A_2563 = tpu.memref_squeeze %dma_start3A_2562 : memref<1x1x1024xf32, #tpu.memory_space<vmem>> -> memref<1x1024xf32, #tpu.memory_space<vmem>>
      %dma_start3A_2564 = arith.constant 0 : i32
      %dma_start3A_2565 = tpu.memref_slice %arg8[%min3A_2534, %dma_start3A_2564] : memref<128x1xi32, #tpu.memory_space<vmem>> -> memref<1x1xi32, #tpu.memory_space<vmem>>
      %dma_start3A_2566 = tpu.memref_squeeze %dma_start3A_2565 : memref<1x1xi32, #tpu.memory_space<vmem>> -> memref<1xi32, #tpu.memory_space<vmem>>
      %dma_start3A_2567 = arith.constant 0 : i32
      %dma_start3A_2568 = arith.constant 0 : i32
      %dma_start3A_2569 = tpu.memref_slice %arg5[%dma_start3A_2567, %dma_start3A_2568] : memref<100000x1024xf32, #tpu.memory_space<hbm>> -> memref<100000x1024xf32, #tpu.memory_space<hbm>>
      tpu.enqueue_indirect_dma source(%dma_start3A_2569 : memref<100000x1024xf32, #tpu.memory_space<hbm>>) target(%dma_start3A_2563 : memref<1x1024xf32, #tpu.memory_space<vmem>>) offsets(%dma_start3A_2566 : memref<1xi32, #tpu.memory_space<vmem>>) semaphore(%arg14 : memref<!tpu.dma_semaphore, #tpu.memory_space<semaphore_mem>>)
      %dma_wait3A_2570 = arith.constant 1 : i32
      %dma_wait3A_2571 = arith.constant 0 : i32
      %dma_wait3A_2572 = arith.constant 0 : i32
      %dma_wait3A_2573 = tpu.memref_slice %arg9[%dma_wait3A_2570, %dma_wait3A_2571, %dma_wait3A_2572] : memref<2x200x128xf32, #tpu.memory_space<vmem>> -> memref<1x200x128xf32, #tpu.memory_space<vmem>>
      %dma_wait3A_2574 = tpu.memref_squeeze %dma_wait3A_2573 : memref<1x200x128xf32, #tpu.memory_space<vmem>> -> memref<200x128xf32, #tpu.memory_space<vmem>>
      %dma_wait3A_2575 = arith.constant 0 : i32
      %dma_wait3A_2576 = arith.constant 0 : i32
      %dma_wait3A_2577 = tpu.memref_slice %arg4[%dma_wait3A_2575, %dma_wait3A_2576] : memref<100000x128xf32, #tpu.memory_space<hbm>> -> memref<200x128xf32, #tpu.memory_space<hbm>>
      %dma_wait3A_2578 = arith.constant 0 : i32
      %dma_wait3A_2579 = arith.constant 0 : i32
      %dma_wait3A_2580 = tpu.memref_slice %arg9[%dma_wait3A_2570, %dma_wait3A_2578, %dma_wait3A_2579] : memref<2x200x128xf32, #tpu.memory_space<vmem>> -> memref<1x200x128xf32, #tpu.memory_space<vmem>>
      %dma_wait3A_2581 = tpu.memref_squeeze %dma_wait3A_2580 : memref<1x200x128xf32, #tpu.memory_space<vmem>> -> memref<200x128xf32, #tpu.memory_space<vmem>>
      %dma_wait3A_2582 = arith.constant 0 : i32
      %dma_wait3A_2583 = arith.constant 0 : i32
      %dma_wait3A_2584 = tpu.memref_slice %arg4[%dma_wait3A_2582, %dma_wait3A_2583] : memref<100000x128xf32, #tpu.memory_space<hbm>> -> memref<200x128xf32, #tpu.memory_space<hbm>>
      tpu.wait_dma2 semaphore(%arg13 : memref<!tpu.dma_semaphore, #tpu.memory_space<semaphore_mem>>) src(%dma_wait3A_2584 : memref<200x128xf32, #tpu.memory_space<hbm>>) dst(%dma_wait3A_2581 : memref<200x128xf32, #tpu.memory_space<vmem>>)
      %dma_wait3A_2585 = arith.constant 1 : i32
      %dma_wait3A_2586 = arith.constant 0 : i32
      %dma_wait3A_2587 = arith.constant 0 : i32
      %dma_wait3A_2588 = tpu.memref_slice %arg10[%dma_wait3A_2585, %dma_wait3A_2586, %dma_wait3A_2587] : memref<2x1x1024xf32, #tpu.memory_space<vmem>> -> memref<1x1x1024xf32, #tpu.memory_space<vmem>>
      %dma_wait3A_2589 = tpu.memref_squeeze %dma_wait3A_2588 : memref<1x1x1024xf32, #tpu.memory_space<vmem>> -> memref<1x1024xf32, #tpu.memory_space<vmem>>
      %dma_wait3A_2590 = arith.constant 0 : i32
      %dma_wait3A_2591 = arith.constant 0 : i32
      %dma_wait3A_2592 = tpu.memref_slice %arg5[%dma_wait3A_2590, %dma_wait3A_2591] : memref<100000x1024xf32, #tpu.memory_space<hbm>> -> memref<1x1024xf32, #tpu.memory_space<hbm>>
      %dma_wait3A_2593 = arith.constant 0 : i32
      %dma_wait3A_2594 = arith.constant 0 : i32
      %dma_wait3A_2595 = tpu.memref_slice %arg10[%dma_wait3A_2585, %dma_wait3A_2593, %dma_wait3A_2594] : memref<2x1x1024xf32, #tpu.memory_space<vmem>> -> memref<1x1x1024xf32, #tpu.memory_space<vmem>>
      %dma_wait3A_2596 = tpu.memref_squeeze %dma_wait3A_2595 : memref<1x1x1024xf32, #tpu.memory_space<vmem>> -> memref<1x1024xf32, #tpu.memory_space<vmem>>
      %dma_wait3A_2597 = arith.constant 0 : i32
      %dma_wait3A_2598 = arith.constant 0 : i32
      %dma_wait3A_2599 = tpu.memref_slice %arg5[%dma_wait3A_2597, %dma_wait3A_2598] : memref<100000x1024xf32, #tpu.memory_space<hbm>> -> memref<1x1024xf32, #tpu.memory_space<hbm>>
      tpu.wait_dma2 semaphore(%arg15 : memref<!tpu.dma_semaphore, #tpu.memory_space<semaphore_mem>>) src(%dma_wait3A_2599 : memref<1x1024xf32, #tpu.memory_space<hbm>>) dst(%dma_wait3A_2596 : memref<1x1024xf32, #tpu.memory_space<vmem>>)
      %add3A_2600 = arith.constant 1 : i32
      %add3A_2601 = arith.addi %mul3A_74, %add3A_2600 : i32
      %broadcast_in_dim3A_2602 = arith.constant 0.000000e+00 : f32
      %broadcast_in_dim3A_2603 = vector.broadcast %broadcast_in_dim3A_2602 : f32 to vector<16xf32>
      %broadcast_in_dim3A_2604 = arith.constant 0.000000e+00 : f32
      %broadcast_in_dim3A_2605 = vector.broadcast %broadcast_in_dim3A_2604 : f32 to vector<16xf32>
      %broadcast_in_dim3A_2606 = arith.constant 0.000000e+00 : f32
      %broadcast_in_dim3A_2607 = vector.broadcast %broadcast_in_dim3A_2606 : f32 to vector<16xf32>
      %broadcast_in_dim3A_2608 = arith.constant 0.000000e+00 : f32
      %broadcast_in_dim3A_2609 = vector.broadcast %broadcast_in_dim3A_2608 : f32 to vector<16xf32>
      %broadcast_in_dim3A_2610 = arith.constant 0.000000e+00 : f32
      %broadcast_in_dim3A_2611 = vector.broadcast %broadcast_in_dim3A_2610 : f32 to vector<16xf32>
      %broadcast_in_dim3A_2612 = arith.constant 0.000000e+00 : f32
      %broadcast_in_dim3A_2613 = vector.broadcast %broadcast_in_dim3A_2612 : f32 to vector<16xf32>
      %broadcast_in_dim3A_2614 = arith.constant 0.000000e+00 : f32
      %broadcast_in_dim3A_2615 = vector.broadcast %broadcast_in_dim3A_2614 : f32 to vector<16xf32>
      %broadcast_in_dim3A_2616 = arith.constant 0.000000e+00 : f32
      %broadcast_in_dim3A_2617 = vector.broadcast %broadcast_in_dim3A_2616 : f32 to vector<16xf32>
      %parallel_loop3A_2618 = arith.constant 0 : i32
      %parallel_loop3A_2619 = arith.constant 200 : i32
      %parallel_loop3A_2620 = arith.constant 1 : i32
      %parallel_loop3A_2621:8 = scf.for %parallel_loop3A_5003 = %parallel_loop3A_2618 to %parallel_loop3A_2619 step %parallel_loop3A_2620 iter_args(%parallel_loop3A_5004 = %broadcast_in_dim3A_2603, %parallel_loop3A_5005 = %broadcast_in_dim3A_2605, %parallel_loop3A_5006 = %broadcast_in_dim3A_2607, %parallel_loop3A_5007 = %broadcast_in_dim3A_2609, %parallel_loop3A_5008 = %broadcast_in_dim3A_2611, %parallel_loop3A_5009 = %broadcast_in_dim3A_2613, %parallel_loop3A_5010 = %broadcast_in_dim3A_2615, %parallel_loop3A_5011 = %broadcast_in_dim3A_2617) -> (vector<16xf32>, vector<16xf32>, vector<16xf32>, vector<16xf32>, vector<16xf32>, vector<16xf32>, vector<16xf32>, vector<16xf32>)  : i32 {
        %parallel_loop3A_5012 = arith.constant 1 : i32
        %parallel_loop3A_5013 = arith.index_cast %parallel_loop3A_5012 : i32 to index
        %parallel_loop3A_5014 = arith.index_cast %parallel_loop3A_5003 : i32 to index
        %parallel_loop3A_5015 = arith.constant 0 : index
        %parallel_loop3A_5016 = tpu.vector_load %arg9[%parallel_loop3A_5013, %parallel_loop3A_5014, %parallel_loop3A_5015] {strides = array<i32>} : memref<2x200x128xf32, #tpu.memory_space<vmem>>, vector<16xf32>,
        %parallel_loop3A_5017 = arith.addf %parallel_loop3A_5004, %parallel_loop3A_5016 : vector<16xf32>
        %parallel_loop3A_5018 = arith.constant 1 : i32
        %parallel_loop3A_5019 = arith.index_cast %parallel_loop3A_5018 : i32 to index
        %parallel_loop3A_5020 = arith.index_cast %parallel_loop3A_5003 : i32 to index
        %parallel_loop3A_5021 = arith.constant 16 : index
        %parallel_loop3A_5022 = tpu.vector_load %arg9[%parallel_loop3A_5019, %parallel_loop3A_5020, %parallel_loop3A_5021] {strides = array<i32>} : memref<2x200x128xf32, #tpu.memory_space<vmem>>, vector<16xf32>,
        %parallel_loop3A_5023 = arith.addf %parallel_loop3A_5005, %parallel_loop3A_5022 : vector<16xf32>
        %parallel_loop3A_5024 = arith.constant 1 : i32
        %parallel_loop3A_5025 = arith.index_cast %parallel_loop3A_5024 : i32 to index
        %parallel_loop3A_5026 = arith.index_cast %parallel_loop3A_5003 : i32 to index
        %parallel_loop3A_5027 = arith.constant 32 : index
        %parallel_loop3A_5028 = tpu.vector_load %arg9[%parallel_loop3A_5025, %parallel_loop3A_5026, %parallel_loop3A_5027] {strides = array<i32>} : memref<2x200x128xf32, #tpu.memory_space<vmem>>, vector<16xf32>,
        %parallel_loop3A_5029 = arith.addf %parallel_loop3A_5006, %parallel_loop3A_5028 : vector<16xf32>
        %parallel_loop3A_5030 = arith.constant 1 : i32
        %parallel_loop3A_5031 = arith.index_cast %parallel_loop3A_5030 : i32 to index
        %parallel_loop3A_5032 = arith.index_cast %parallel_loop3A_5003 : i32 to index
        %parallel_loop3A_5033 = arith.constant 48 : index
        %parallel_loop3A_5034 = tpu.vector_load %arg9[%parallel_loop3A_5031, %parallel_loop3A_5032, %parallel_loop3A_5033] {strides = array<i32>} : memref<2x200x128xf32, #tpu.memory_space<vmem>>, vector<16xf32>,
        %parallel_loop3A_5035 = arith.addf %parallel_loop3A_5007, %parallel_loop3A_5034 : vector<16xf32>
        %parallel_loop3A_5036 = arith.constant 1 : i32
        %parallel_loop3A_5037 = arith.index_cast %parallel_loop3A_5036 : i32 to index
        %parallel_loop3A_5038 = arith.index_cast %parallel_loop3A_5003 : i32 to index
        %parallel_loop3A_5039 = arith.constant 64 : index
        %parallel_loop3A_5040 = tpu.vector_load %arg9[%parallel_loop3A_5037, %parallel_loop3A_5038, %parallel_loop3A_5039] {strides = array<i32>} : memref<2x200x128xf32, #tpu.memory_space<vmem>>, vector<16xf32>,
        %parallel_loop3A_5041 = arith.addf %parallel_loop3A_5008, %parallel_loop3A_5040 : vector<16xf32>
        %parallel_loop3A_5042 = arith.constant 1 : i32
        %parallel_loop3A_5043 = arith.index_cast %parallel_loop3A_5042 : i32 to index
        %parallel_loop3A_5044 = arith.index_cast %parallel_loop3A_5003 : i32 to index
        %parallel_loop3A_5045 = arith.constant 80 : index
        %parallel_loop3A_5046 = tpu.vector_load %arg9[%parallel_loop3A_5043, %parallel_loop3A_5044, %parallel_loop3A_5045] {strides = array<i32>} : memref<2x200x128xf32, #tpu.memory_space<vmem>>, vector<16xf32>,
        %parallel_loop3A_5047 = arith.addf %parallel_loop3A_5009, %parallel_loop3A_5046 : vector<16xf32>
        %parallel_loop3A_5048 = arith.constant 1 : i32
        %parallel_loop3A_5049 = arith.index_cast %parallel_loop3A_5048 : i32 to index
        %parallel_loop3A_5050 = arith.index_cast %parallel_loop3A_5003 : i32 to index
        %parallel_loop3A_5051 = arith.constant 96 : index
        %parallel_loop3A_5052 = tpu.vector_load %arg9[%parallel_loop3A_5049, %parallel_loop3A_5050, %parallel_loop3A_5051] {strides = array<i32>} : memref<2x200x128xf32, #tpu.memory_space<vmem>>, vector<16xf32>,
        %parallel_loop3A_5053 = arith.addf %parallel_loop3A_5010, %parallel_loop3A_5052 : vector<16xf32>
        %parallel_loop3A_5054 = arith.constant 1 : i32
        %parallel_loop3A_5055 = arith.index_cast %parallel_loop3A_5054 : i32 to index
        %parallel_loop3A_5056 = arith.index_cast %parallel_loop3A_5003 : i32 to index
        %parallel_loop3A_5057 = arith.constant 112 : index
        %parallel_loop3A_5058 = tpu.vector_load %arg9[%parallel_loop3A_5055, %parallel_loop3A_5056, %parallel_loop3A_5057] {strides = array<i32>} : memref<2x200x128xf32, #tpu.memory_space<vmem>>, vector<16xf32>,
        %parallel_loop3A_5059 = arith.addf %parallel_loop3A_5011, %parallel_loop3A_5058 : vector<16xf32>
        scf.yield %parallel_loop3A_5017, %parallel_loop3A_5023, %parallel_loop3A_5029, %parallel_loop3A_5035, %parallel_loop3A_5041, %parallel_loop3A_5047, %parallel_loop3A_5053, %parallel_loop3A_5059 : vector<16xf32>, vector<16xf32>, vector<16xf32>, vector<16xf32>, vector<16xf32>, vector<16xf32>, vector<16xf32>, vector<16xf32>
      } {sc.loop_unroll_factor = 4 : i64, sc.parallel_access}
      %bitcast3A_2622 = vector.bitcast %parallel_loop3A_2621#0 : vector<16xf32> to vector<16xi32>
      %add3A_2623 = arith.constant 32767 : i32
      %add3A_2624 = vector.broadcast %add3A_2623 : i32 to vector<16xi32>
      %add3A_2625 = arith.addi %bitcast3A_2622, %add3A_2624 : vector<16xi32>
      %shift_right_arithmetic3A_2626 = arith.constant 16 : i32
      %shift_right_arithmetic3A_2627 = vector.broadcast %shift_right_arithmetic3A_2626 : i32 to vector<16xi32>
      %shift_right_arithmetic3A_2628 = arith.shrsi %bitcast3A_2622, %shift_right_arithmetic3A_2627 : vector<16xi32>
      %and3A_2629 = arith.constant 1 : i32
      %and3A_2630 = vector.broadcast %and3A_2629 : i32 to vector<16xi32>
      %and3A_2631 = arith.andi %shift_right_arithmetic3A_2628, %and3A_2630 : vector<16xi32>
      %add3A_2632 = arith.addi %add3A_2625, %and3A_2631 : vector<16xi32>
      %and3A_2633 = arith.constant -65536 : i32
      %and3A_2634 = vector.broadcast %and3A_2633 : i32 to vector<16xi32>
      %and3A_2635 = arith.andi %add3A_2632, %and3A_2634 : vector<16xi32>
      %bitcast3A_2636 = vector.bitcast %and3A_2635 : vector<16xi32> to vector<16xf32>
      %bitcast3A_2637 = vector.bitcast %parallel_loop3A_2621#1 : vector<16xf32> to vector<16xi32>
      %add3A_2638 = arith.constant 32767 : i32
      %add3A_2639 = vector.broadcast %add3A_2638 : i32 to vector<16xi32>
      %add3A_2640 = arith.addi %bitcast3A_2637, %add3A_2639 : vector<16xi32>
      %shift_right_arithmetic3A_2641 = arith.constant 16 : i32
      %shift_right_arithmetic3A_2642 = vector.broadcast %shift_right_arithmetic3A_2641 : i32 to vector<16xi32>
      %shift_right_arithmetic3A_2643 = arith.shrsi %bitcast3A_2637, %shift_right_arithmetic3A_2642 : vector<16xi32>
      %and3A_2644 = arith.constant 1 : i32
      %and3A_2645 = vector.broadcast %and3A_2644 : i32 to vector<16xi32>
      %and3A_2646 = arith.andi %shift_right_arithmetic3A_2643, %and3A_2645 : vector<16xi32>
      %add3A_2647 = arith.addi %add3A_2640, %and3A_2646 : vector<16xi32>
      %and3A_2648 = arith.constant -65536 : i32
      %and3A_2649 = vector.broadcast %and3A_2648 : i32 to vector<16xi32>
      %and3A_2650 = arith.andi %add3A_2647, %and3A_2649 : vector<16xi32>
      %bitcast3A_2651 = vector.bitcast %and3A_2650 : vector<16xi32> to vector<16xf32>
      %bitcast3A_2652 = vector.bitcast %parallel_loop3A_2621#2 : vector<16xf32> to vector<16xi32>
      %add3A_2653 = arith.constant 32767 : i32
      %add3A_2654 = vector.broadcast %add3A_2653 : i32 to vector<16xi32>
      %add3A_2655 = arith.addi %bitcast3A_2652, %add3A_2654 : vector<16xi32>
      %shift_right_arithmetic3A_2656 = arith.constant 16 : i32
      %shift_right_arithmetic3A_2657 = vector.broadcast %shift_right_arithmetic3A_2656 : i32 to vector<16xi32>
      %shift_right_arithmetic3A_2658 = arith.shrsi %bitcast3A_2652, %shift_right_arithmetic3A_2657 : vector<16xi32>
      %and3A_2659 = arith.constant 1 : i32
      %and3A_2660 = vector.broadcast %and3A_2659 : i32 to vector<16xi32>
      %and3A_2661 = arith.andi %shift_right_arithmetic3A_2658, %and3A_2660 : vector<16xi32>
      %add3A_2662 = arith.addi %add3A_2655, %and3A_2661 : vector<16xi32>
      %and3A_2663 = arith.constant -65536 : i32
      %and3A_2664 = vector.broadcast %and3A_2663 : i32 to vector<16xi32>
      %and3A_2665 = arith.andi %add3A_2662, %and3A_2664 : vector<16xi32>
      %bitcast3A_2666 = vector.bitcast %and3A_2665 : vector<16xi32> to vector<16xf32>
      %bitcast3A_2667 = vector.bitcast %parallel_loop3A_2621#3 : vector<16xf32> to vector<16xi32>
      %add3A_2668 = arith.constant 32767 : i32
      %add3A_2669 = vector.broadcast %add3A_2668 : i32 to vector<16xi32>
      %add3A_2670 = arith.addi %bitcast3A_2667, %add3A_2669 : vector<16xi32>
      %shift_right_arithmetic3A_2671 = arith.constant 16 : i32
      %shift_right_arithmetic3A_2672 = vector.broadcast %shift_right_arithmetic3A_2671 : i32 to vector<16xi32>
      %shift_right_arithmetic3A_2673 = arith.shrsi %bitcast3A_2667, %shift_right_arithmetic3A_2672 : vector<16xi32>
      %and3A_2674 = arith.constant 1 : i32
      %and3A_2675 = vector.broadcast %and3A_2674 : i32 to vector<16xi32>
      %and3A_2676 = arith.andi %shift_right_arithmetic3A_2673, %and3A_2675 : vector<16xi32>
      %add3A_2677 = arith.addi %add3A_2670, %and3A_2676 : vector<16xi32>
      %and3A_2678 = arith.constant -65536 : i32
      %and3A_2679 = vector.broadcast %and3A_2678 : i32 to vector<16xi32>
      %and3A_2680 = arith.andi %add3A_2677, %and3A_2679 : vector<16xi32>
      %bitcast3A_2681 = vector.bitcast %and3A_2680 : vector<16xi32> to vector<16xf32>
      %bitcast3A_2682 = vector.bitcast %parallel_loop3A_2621#4 : vector<16xf32> to vector<16xi32>
      %add3A_2683 = arith.constant 32767 : i32
      %add3A_2684 = vector.broadcast %add3A_2683 : i32 to vector<16xi32>
      %add3A_2685 = arith.addi %bitcast3A_2682, %add3A_2684 : vector<16xi32>
      %shift_right_arithmetic3A_2686 = arith.constant 16 : i32
      %shift_right_arithmetic3A_2687 = vector.broadcast %shift_right_arithmetic3A_2686 : i32 to vector<16xi32>
      %shift_right_arithmetic3A_2688 = arith.shrsi %bitcast3A_2682, %shift_right_arithmetic3A_2687 : vector<16xi32>
      %and3A_2689 = arith.constant 1 : i32
      %and3A_2690 = vector.broadcast %and3A_2689 : i32 to vector<16xi32>
      %and3A_2691 = arith.andi %shift_right_arithmetic3A_2688, %and3A_2690 : vector<16xi32>
      %add3A_2692 = arith.addi %add3A_2685, %and3A_2691 : vector<16xi32>
      %and3A_2693 = arith.constant -65536 : i32
      %and3A_2694 = vector.broadcast %and3A_2693 : i32 to vector<16xi32>
      %and3A_2695 = arith.andi %add3A_2692, %and3A_2694 : vector<16xi32>
      %bitcast3A_2696 = vector.bitcast %and3A_2695 : vector<16xi32> to vector<16xf32>
      %bitcast3A_2697 = vector.bitcast %parallel_loop3A_2621#5 : vector<16xf32> to vector<16xi32>
      %add3A_2698 = arith.constant 32767 : i32
      %add3A_2699 = vector.broadcast %add3A_2698 : i32 to vector<16xi32>
      %add3A_2700 = arith.addi %bitcast3A_2697, %add3A_2699 : vector<16xi32>
      %shift_right_arithmetic3A_2701 = arith.constant 16 : i32
      %shift_right_arithmetic3A_2702 = vector.broadcast %shift_right_arithmetic3A_2701 : i32 to vector<16xi32>
      %shift_right_arithmetic3A_2703 = arith.shrsi %bitcast3A_2697, %shift_right_arithmetic3A_2702 : vector<16xi32>
      %and3A_2704 = arith.constant 1 : i32
      %and3A_2705 = vector.broadcast %and3A_2704 : i32 to vector<16xi32>
      %and3A_2706 = arith.andi %shift_right_arithmetic3A_2703, %and3A_2705 : vector<16xi32>
      %add3A_2707 = arith.addi %add3A_2700, %and3A_2706 : vector<16xi32>
      %and3A_2708 = arith.constant -65536 : i32
      %and3A_2709 = vector.broadcast %and3A_2708 : i32 to vector<16xi32>
      %and3A_2710 = arith.andi %add3A_2707, %and3A_2709 : vector<16xi32>
      %bitcast3A_2711 = vector.bitcast %and3A_2710 : vector<16xi32> to vector<16xf32>
      %bitcast3A_2712 = vector.bitcast %parallel_loop3A_2621#6 : vector<16xf32> to vector<16xi32>
      %add3A_2713 = arith.constant 32767 : i32
      %add3A_2714 = vector.broadcast %add3A_2713 : i32 to vector<16xi32>
      %add3A_2715 = arith.addi %bitcast3A_2712, %add3A_2714 : vector<16xi32>
      %shift_right_arithmetic3A_2716 = arith.constant 16 : i32
      %shift_right_arithmetic3A_2717 = vector.broadcast %shift_right_arithmetic3A_2716 : i32 to vector<16xi32>
      %shift_right_arithmetic3A_2718 = arith.shrsi %bitcast3A_2712, %shift_right_arithmetic3A_2717 : vector<16xi32>
      %and3A_2719 = arith.constant 1 : i32
      %and3A_2720 = vector.broadcast %and3A_2719 : i32 to vector<16xi32>
      %and3A_2721 = arith.andi %shift_right_arithmetic3A_2718, %and3A_2720 : vector<16xi32>
      %add3A_2722 = arith.addi %add3A_2715, %and3A_2721 : vector<16xi32>
      %and3A_2723 = arith.constant -65536 : i32
      %and3A_2724 = vector.broadcast %and3A_2723 : i32 to vector<16xi32>
      %and3A_2725 = arith.andi %add3A_2722, %and3A_2724 : vector<16xi32>
      %bitcast3A_2726 = vector.bitcast %and3A_2725 : vector<16xi32> to vector<16xf32>
      %bitcast3A_2727 = vector.bitcast %parallel_loop3A_2621#7 : vector<16xf32> to vector<16xi32>
      %add3A_2728 = arith.constant 32767 : i32
      %add3A_2729 = vector.broadcast %add3A_2728 : i32 to vector<16xi32>
      %add3A_2730 = arith.addi %bitcast3A_2727, %add3A_2729 : vector<16xi32>
      %shift_right_arithmetic3A_2731 = arith.constant 16 : i32
      %shift_right_arithmetic3A_2732 = vector.broadcast %shift_right_arithmetic3A_2731 : i32 to vector<16xi32>
      %shift_right_arithmetic3A_2733 = arith.shrsi %bitcast3A_2727, %shift_right_arithmetic3A_2732 : vector<16xi32>
      %and3A_2734 = arith.constant 1 : i32
      %and3A_2735 = vector.broadcast %and3A_2734 : i32 to vector<16xi32>
      %and3A_2736 = arith.andi %shift_right_arithmetic3A_2733, %and3A_2735 : vector<16xi32>
      %add3A_2737 = arith.addi %add3A_2730, %and3A_2736 : vector<16xi32>
      %and3A_2738 = arith.constant -65536 : i32
      %and3A_2739 = vector.broadcast %and3A_2738 : i32 to vector<16xi32>
      %and3A_2740 = arith.andi %add3A_2737, %and3A_2739 : vector<16xi32>
      %bitcast3A_2741 = vector.bitcast %and3A_2740 : vector<16xi32> to vector<16xf32>
      %broadcast_in_dim3A_2742 = arith.constant 0.000000e+00 : f32
      %broadcast_in_dim3A_2743 = vector.broadcast %broadcast_in_dim3A_2742 : f32 to vector<16xf32>
      %add3A_2744 = arith.constant 0 : i32
      %add3A_2745 = vector.broadcast %add3A_2744 : i32 to vector<16xi32>
      %add3A_2746 = arith.addi %iota3A, %add3A_2745 : vector<16xi32>
      %mul3A_2747 = arith.constant 8 : i32
      %mul3A_2748 = vector.broadcast %mul3A_2747 : i32 to vector<16xi32>
      %mul3A_2749 = arith.muli %add3A_2746, %mul3A_2748 : vector<16xi32>
      %add3A_2750 = arith.constant 0 : i32
      %add3A_2751 = vector.broadcast %add3A_2750 : i32 to vector<16xi32>
      %add3A_2752 = arith.addi %mul3A_2749, %add3A_2751 : vector<16xi32>
      %gather3A_2753 = arith.constant 1 : i32
      %gather3A_2754 = arith.constant 0 : i32
      %gather3A_2755 = arith.constant 0 : i32
      %gather3A_2756 = tpu.memref_slice %arg10[%gather3A_2753, %gather3A_2754, %gather3A_2755] : memref<2x1x1024xf32, #tpu.memory_space<vmem>> -> memref<1x1x1024xf32, #tpu.memory_space<vmem>>
      %gather3A_2757 = tpu.memref_squeeze %gather3A_2756 : memref<1x1x1024xf32, #tpu.memory_space<vmem>> -> memref<1024xf32, #tpu.memory_space<vmem>>
      %gather3A_2758 = tpu.vector_load_idx %gather3A_2757[%add3A_2752] : memref<1024xf32, #tpu.memory_space<vmem>>[vector<16xi32>], vector<16xf32>,
      %bitcast3A_2759 = vector.bitcast %gather3A_2758 : vector<16xf32> to vector<16xi32>
      %add3A_2760 = arith.constant 32767 : i32
      %add3A_2761 = vector.broadcast %add3A_2760 : i32 to vector<16xi32>
      %add3A_2762 = arith.addi %bitcast3A_2759, %add3A_2761 : vector<16xi32>
      %shift_right_arithmetic3A_2763 = arith.constant 16 : i32
      %shift_right_arithmetic3A_2764 = vector.broadcast %shift_right_arithmetic3A_2763 : i32 to vector<16xi32>
      %shift_right_arithmetic3A_2765 = arith.shrsi %bitcast3A_2759, %shift_right_arithmetic3A_2764 : vector<16xi32>
      %and3A_2766 = arith.constant 1 : i32
      %and3A_2767 = vector.broadcast %and3A_2766 : i32 to vector<16xi32>
      %and3A_2768 = arith.andi %shift_right_arithmetic3A_2765, %and3A_2767 : vector<16xi32>
      %add3A_2769 = arith.addi %add3A_2762, %and3A_2768 : vector<16xi32>
      %and3A_2770 = arith.constant -65536 : i32
      %and3A_2771 = vector.broadcast %and3A_2770 : i32 to vector<16xi32>
      %and3A_2772 = arith.andi %add3A_2769, %and3A_2771 : vector<16xi32>
      %bitcast3A_2773 = vector.bitcast %and3A_2772 : vector<16xi32> to vector<16xf32>
      %mul3A_2774 = arith.mulf %bitcast3A_2636, %bitcast3A_2773 : vector<16xf32>
      %add3A_2775 = arith.addf %broadcast_in_dim3A_2743, %mul3A_2774 : vector<16xf32>
      %add3A_2776 = arith.constant 16 : i32
      %add3A_2777 = vector.broadcast %add3A_2776 : i32 to vector<16xi32>
      %add3A_2778 = arith.addi %iota3A, %add3A_2777 : vector<16xi32>
      %mul3A_2779 = arith.constant 8 : i32
      %mul3A_2780 = vector.broadcast %mul3A_2779 : i32 to vector<16xi32>
      %mul3A_2781 = arith.muli %add3A_2778, %mul3A_2780 : vector<16xi32>
      %add3A_2782 = arith.constant 0 : i32
      %add3A_2783 = vector.broadcast %add3A_2782 : i32 to vector<16xi32>
      %add3A_2784 = arith.addi %mul3A_2781, %add3A_2783 : vector<16xi32>
      %gather3A_2785 = arith.constant 1 : i32
      %gather3A_2786 = arith.constant 0 : i32
      %gather3A_2787 = arith.constant 0 : i32
      %gather3A_2788 = tpu.memref_slice %arg10[%gather3A_2785, %gather3A_2786, %gather3A_2787] : memref<2x1x1024xf32, #tpu.memory_space<vmem>> -> memref<1x1x1024xf32, #tpu.memory_space<vmem>>
      %gather3A_2789 = tpu.memref_squeeze %gather3A_2788 : memref<1x1x1024xf32, #tpu.memory_space<vmem>> -> memref<1024xf32, #tpu.memory_space<vmem>>
      %gather3A_2790 = tpu.vector_load_idx %gather3A_2789[%add3A_2784] : memref<1024xf32, #tpu.memory_space<vmem>>[vector<16xi32>], vector<16xf32>,
      %bitcast3A_2791 = vector.bitcast %gather3A_2790 : vector<16xf32> to vector<16xi32>
      %add3A_2792 = arith.constant 32767 : i32
      %add3A_2793 = vector.broadcast %add3A_2792 : i32 to vector<16xi32>
      %add3A_2794 = arith.addi %bitcast3A_2791, %add3A_2793 : vector<16xi32>
      %shift_right_arithmetic3A_2795 = arith.constant 16 : i32
      %shift_right_arithmetic3A_2796 = vector.broadcast %shift_right_arithmetic3A_2795 : i32 to vector<16xi32>
      %shift_right_arithmetic3A_2797 = arith.shrsi %bitcast3A_2791, %shift_right_arithmetic3A_2796 : vector<16xi32>
      %and3A_2798 = arith.constant 1 : i32
      %and3A_2799 = vector.broadcast %and3A_2798 : i32 to vector<16xi32>
      %and3A_2800 = arith.andi %shift_right_arithmetic3A_2797, %and3A_2799 : vector<16xi32>
      %add3A_2801 = arith.addi %add3A_2794, %and3A_2800 : vector<16xi32>
      %and3A_2802 = arith.constant -65536 : i32
      %and3A_2803 = vector.broadcast %and3A_2802 : i32 to vector<16xi32>
      %and3A_2804 = arith.andi %add3A_2801, %and3A_2803 : vector<16xi32>
      %bitcast3A_2805 = vector.bitcast %and3A_2804 : vector<16xi32> to vector<16xf32>
      %mul3A_2806 = arith.mulf %bitcast3A_2651, %bitcast3A_2805 : vector<16xf32>
      %add3A_2807 = arith.addf %add3A_2775, %mul3A_2806 : vector<16xf32>
      %add3A_2808 = arith.constant 32 : i32
      %add3A_2809 = vector.broadcast %add3A_2808 : i32 to vector<16xi32>
      %add3A_2810 = arith.addi %iota3A, %add3A_2809 : vector<16xi32>
      %mul3A_2811 = arith.constant 8 : i32
      %mul3A_2812 = vector.broadcast %mul3A_2811 : i32 to vector<16xi32>
      %mul3A_2813 = arith.muli %add3A_2810, %mul3A_2812 : vector<16xi32>
      %add3A_2814 = arith.constant 0 : i32
      %add3A_2815 = vector.broadcast %add3A_2814 : i32 to vector<16xi32>
      %add3A_2816 = arith.addi %mul3A_2813, %add3A_2815 : vector<16xi32>
      %gather3A_2817 = arith.constant 1 : i32
      %gather3A_2818 = arith.constant 0 : i32
      %gather3A_2819 = arith.constant 0 : i32
      %gather3A_2820 = tpu.memref_slice %arg10[%gather3A_2817, %gather3A_2818, %gather3A_2819] : memref<2x1x1024xf32, #tpu.memory_space<vmem>> -> memref<1x1x1024xf32, #tpu.memory_space<vmem>>
      %gather3A_2821 = tpu.memref_squeeze %gather3A_2820 : memref<1x1x1024xf32, #tpu.memory_space<vmem>> -> memref<1024xf32, #tpu.memory_space<vmem>>
      %gather3A_2822 = tpu.vector_load_idx %gather3A_2821[%add3A_2816] : memref<1024xf32, #tpu.memory_space<vmem>>[vector<16xi32>], vector<16xf32>,
      %bitcast3A_2823 = vector.bitcast %gather3A_2822 : vector<16xf32> to vector<16xi32>
      %add3A_2824 = arith.constant 32767 : i32
      %add3A_2825 = vector.broadcast %add3A_2824 : i32 to vector<16xi32>
      %add3A_2826 = arith.addi %bitcast3A_2823, %add3A_2825 : vector<16xi32>
      %shift_right_arithmetic3A_2827 = arith.constant 16 : i32
      %shift_right_arithmetic3A_2828 = vector.broadcast %shift_right_arithmetic3A_2827 : i32 to vector<16xi32>
      %shift_right_arithmetic3A_2829 = arith.shrsi %bitcast3A_2823, %shift_right_arithmetic3A_2828 : vector<16xi32>
      %and3A_2830 = arith.constant 1 : i32
      %and3A_2831 = vector.broadcast %and3A_2830 : i32 to vector<16xi32>
      %and3A_2832 = arith.andi %shift_right_arithmetic3A_2829, %and3A_2831 : vector<16xi32>
      %add3A_2833 = arith.addi %add3A_2826, %and3A_2832 : vector<16xi32>
      %and3A_2834 = arith.constant -65536 : i32
      %and3A_2835 = vector.broadcast %and3A_2834 : i32 to vector<16xi32>
      %and3A_2836 = arith.andi %add3A_2833, %and3A_2835 : vector<16xi32>
      %bitcast3A_2837 = vector.bitcast %and3A_2836 : vector<16xi32> to vector<16xf32>
      %mul3A_2838 = arith.mulf %bitcast3A_2666, %bitcast3A_2837 : vector<16xf32>
      %add3A_2839 = arith.addf %add3A_2807, %mul3A_2838 : vector<16xf32>
      %add3A_2840 = arith.constant 48 : i32
      %add3A_2841 = vector.broadcast %add3A_2840 : i32 to vector<16xi32>
      %add3A_2842 = arith.addi %iota3A, %add3A_2841 : vector<16xi32>
      %mul3A_2843 = arith.constant 8 : i32
      %mul3A_2844 = vector.broadcast %mul3A_2843 : i32 to vector<16xi32>
      %mul3A_2845 = arith.muli %add3A_2842, %mul3A_2844 : vector<16xi32>
      %add3A_2846 = arith.constant 0 : i32
      %add3A_2847 = vector.broadcast %add3A_2846 : i32 to vector<16xi32>
      %add3A_2848 = arith.addi %mul3A_2845, %add3A_2847 : vector<16xi32>
      %gather3A_2849 = arith.constant 1 : i32
      %gather3A_2850 = arith.constant 0 : i32
      %gather3A_2851 = arith.constant 0 : i32
      %gather3A_2852 = tpu.memref_slice %arg10[%gather3A_2849, %gather3A_2850, %gather3A_2851] : memref<2x1x1024xf32, #tpu.memory_space<vmem>> -> memref<1x1x1024xf32, #tpu.memory_space<vmem>>
      %gather3A_2853 = tpu.memref_squeeze %gather3A_2852 : memref<1x1x1024xf32, #tpu.memory_space<vmem>> -> memref<1024xf32, #tpu.memory_space<vmem>>
      %gather3A_2854 = tpu.vector_load_idx %gather3A_2853[%add3A_2848] : memref<1024xf32, #tpu.memory_space<vmem>>[vector<16xi32>], vector<16xf32>,
      %bitcast3A_2855 = vector.bitcast %gather3A_2854 : vector<16xf32> to vector<16xi32>
      %add3A_2856 = arith.constant 32767 : i32
      %add3A_2857 = vector.broadcast %add3A_2856 : i32 to vector<16xi32>
      %add3A_2858 = arith.addi %bitcast3A_2855, %add3A_2857 : vector<16xi32>
      %shift_right_arithmetic3A_2859 = arith.constant 16 : i32
      %shift_right_arithmetic3A_2860 = vector.broadcast %shift_right_arithmetic3A_2859 : i32 to vector<16xi32>
      %shift_right_arithmetic3A_2861 = arith.shrsi %bitcast3A_2855, %shift_right_arithmetic3A_2860 : vector<16xi32>
      %and3A_2862 = arith.constant 1 : i32
      %and3A_2863 = vector.broadcast %and3A_2862 : i32 to vector<16xi32>
      %and3A_2864 = arith.andi %shift_right_arithmetic3A_2861, %and3A_2863 : vector<16xi32>
      %add3A_2865 = arith.addi %add3A_2858, %and3A_2864 : vector<16xi32>
      %and3A_2866 = arith.constant -65536 : i32
      %and3A_2867 = vector.broadcast %and3A_2866 : i32 to vector<16xi32>
      %and3A_2868 = arith.andi %add3A_2865, %and3A_2867 : vector<16xi32>
      %bitcast3A_2869 = vector.bitcast %and3A_2868 : vector<16xi32> to vector<16xf32>
      %mul3A_2870 = arith.mulf %bitcast3A_2681, %bitcast3A_2869 : vector<16xf32>
      %add3A_2871 = arith.addf %add3A_2839, %mul3A_2870 : vector<16xf32>
      %add3A_2872 = arith.constant 64 : i32
      %add3A_2873 = vector.broadcast %add3A_2872 : i32 to vector<16xi32>
      %add3A_2874 = arith.addi %iota3A, %add3A_2873 : vector<16xi32>
      %mul3A_2875 = arith.constant 8 : i32
      %mul3A_2876 = vector.broadcast %mul3A_2875 : i32 to vector<16xi32>
      %mul3A_2877 = arith.muli %add3A_2874, %mul3A_2876 : vector<16xi32>
      %add3A_2878 = arith.constant 0 : i32
      %add3A_2879 = vector.broadcast %add3A_2878 : i32 to vector<16xi32>
      %add3A_2880 = arith.addi %mul3A_2877, %add3A_2879 : vector<16xi32>
      %gather3A_2881 = arith.constant 1 : i32
      %gather3A_2882 = arith.constant 0 : i32
      %gather3A_2883 = arith.constant 0 : i32
      %gather3A_2884 = tpu.memref_slice %arg10[%gather3A_2881, %gather3A_2882, %gather3A_2883] : memref<2x1x1024xf32, #tpu.memory_space<vmem>> -> memref<1x1x1024xf32, #tpu.memory_space<vmem>>
      %gather3A_2885 = tpu.memref_squeeze %gather3A_2884 : memref<1x1x1024xf32, #tpu.memory_space<vmem>> -> memref<1024xf32, #tpu.memory_space<vmem>>
      %gather3A_2886 = tpu.vector_load_idx %gather3A_2885[%add3A_2880] : memref<1024xf32, #tpu.memory_space<vmem>>[vector<16xi32>], vector<16xf32>,
      %bitcast3A_2887 = vector.bitcast %gather3A_2886 : vector<16xf32> to vector<16xi32>
      %add3A_2888 = arith.constant 32767 : i32
      %add3A_2889 = vector.broadcast %add3A_2888 : i32 to vector<16xi32>
      %add3A_2890 = arith.addi %bitcast3A_2887, %add3A_2889 : vector<16xi32>
      %shift_right_arithmetic3A_2891 = arith.constant 16 : i32
      %shift_right_arithmetic3A_2892 = vector.broadcast %shift_right_arithmetic3A_2891 : i32 to vector<16xi32>
      %shift_right_arithmetic3A_2893 = arith.shrsi %bitcast3A_2887, %shift_right_arithmetic3A_2892 : vector<16xi32>
      %and3A_2894 = arith.constant 1 : i32
      %and3A_2895 = vector.broadcast %and3A_2894 : i32 to vector<16xi32>
      %and3A_2896 = arith.andi %shift_right_arithmetic3A_2893, %and3A_2895 : vector<16xi32>
      %add3A_2897 = arith.addi %add3A_2890, %and3A_2896 : vector<16xi32>
      %and3A_2898 = arith.constant -65536 : i32
      %and3A_2899 = vector.broadcast %and3A_2898 : i32 to vector<16xi32>
      %and3A_2900 = arith.andi %add3A_2897, %and3A_2899 : vector<16xi32>
      %bitcast3A_2901 = vector.bitcast %and3A_2900 : vector<16xi32> to vector<16xf32>
      %mul3A_2902 = arith.mulf %bitcast3A_2696, %bitcast3A_2901 : vector<16xf32>
      %add3A_2903 = arith.addf %add3A_2871, %mul3A_2902 : vector<16xf32>
      %add3A_2904 = arith.constant 80 : i32
      %add3A_2905 = vector.broadcast %add3A_2904 : i32 to vector<16xi32>
      %add3A_2906 = arith.addi %iota3A, %add3A_2905 : vector<16xi32>
      %mul3A_2907 = arith.constant 8 : i32
      %mul3A_2908 = vector.broadcast %mul3A_2907 : i32 to vector<16xi32>
      %mul3A_2909 = arith.muli %add3A_2906, %mul3A_2908 : vector<16xi32>
      %add3A_2910 = arith.constant 0 : i32
      %add3A_2911 = vector.broadcast %add3A_2910 : i32 to vector<16xi32>
      %add3A_2912 = arith.addi %mul3A_2909, %add3A_2911 : vector<16xi32>
      %gather3A_2913 = arith.constant 1 : i32
      %gather3A_2914 = arith.constant 0 : i32
      %gather3A_2915 = arith.constant 0 : i32
      %gather3A_2916 = tpu.memref_slice %arg10[%gather3A_2913, %gather3A_2914, %gather3A_2915] : memref<2x1x1024xf32, #tpu.memory_space<vmem>> -> memref<1x1x1024xf32, #tpu.memory_space<vmem>>
      %gather3A_2917 = tpu.memref_squeeze %gather3A_2916 : memref<1x1x1024xf32, #tpu.memory_space<vmem>> -> memref<1024xf32, #tpu.memory_space<vmem>>
      %gather3A_2918 = tpu.vector_load_idx %gather3A_2917[%add3A_2912] : memref<1024xf32, #tpu.memory_space<vmem>>[vector<16xi32>], vector<16xf32>,
      %bitcast3A_2919 = vector.bitcast %gather3A_2918 : vector<16xf32> to vector<16xi32>
      %add3A_2920 = arith.constant 32767 : i32
      %add3A_2921 = vector.broadcast %add3A_2920 : i32 to vector<16xi32>
      %add3A_2922 = arith.addi %bitcast3A_2919, %add3A_2921 : vector<16xi32>
      %shift_right_arithmetic3A_2923 = arith.constant 16 : i32
      %shift_right_arithmetic3A_2924 = vector.broadcast %shift_right_arithmetic3A_2923 : i32 to vector<16xi32>
      %shift_right_arithmetic3A_2925 = arith.shrsi %bitcast3A_2919, %shift_right_arithmetic3A_2924 : vector<16xi32>
      %and3A_2926 = arith.constant 1 : i32
      %and3A_2927 = vector.broadcast %and3A_2926 : i32 to vector<16xi32>
      %and3A_2928 = arith.andi %shift_right_arithmetic3A_2925, %and3A_2927 : vector<16xi32>
      %add3A_2929 = arith.addi %add3A_2922, %and3A_2928 : vector<16xi32>
      %and3A_2930 = arith.constant -65536 : i32
      %and3A_2931 = vector.broadcast %and3A_2930 : i32 to vector<16xi32>
      %and3A_2932 = arith.andi %add3A_2929, %and3A_2931 : vector<16xi32>
      %bitcast3A_2933 = vector.bitcast %and3A_2932 : vector<16xi32> to vector<16xf32>
      %mul3A_2934 = arith.mulf %bitcast3A_2711, %bitcast3A_2933 : vector<16xf32>
      %add3A_2935 = arith.addf %add3A_2903, %mul3A_2934 : vector<16xf32>
      %add3A_2936 = arith.constant 96 : i32
      %add3A_2937 = vector.broadcast %add3A_2936 : i32 to vector<16xi32>
      %add3A_2938 = arith.addi %iota3A, %add3A_2937 : vector<16xi32>
      %mul3A_2939 = arith.constant 8 : i32
      %mul3A_2940 = vector.broadcast %mul3A_2939 : i32 to vector<16xi32>
      %mul3A_2941 = arith.muli %add3A_2938, %mul3A_2940 : vector<16xi32>
      %add3A_2942 = arith.constant 0 : i32
      %add3A_2943 = vector.broadcast %add3A_2942 : i32 to vector<16xi32>
      %add3A_2944 = arith.addi %mul3A_2941, %add3A_2943 : vector<16xi32>
      %gather3A_2945 = arith.constant 1 : i32
      %gather3A_2946 = arith.constant 0 : i32
      %gather3A_2947 = arith.constant 0 : i32
      %gather3A_2948 = tpu.memref_slice %arg10[%gather3A_2945, %gather3A_2946, %gather3A_2947] : memref<2x1x1024xf32, #tpu.memory_space<vmem>> -> memref<1x1x1024xf32, #tpu.memory_space<vmem>>
      %gather3A_2949 = tpu.memref_squeeze %gather3A_2948 : memref<1x1x1024xf32, #tpu.memory_space<vmem>> -> memref<1024xf32, #tpu.memory_space<vmem>>
      %gather3A_2950 = tpu.vector_load_idx %gather3A_2949[%add3A_2944] : memref<1024xf32, #tpu.memory_space<vmem>>[vector<16xi32>], vector<16xf32>,
      %bitcast3A_2951 = vector.bitcast %gather3A_2950 : vector<16xf32> to vector<16xi32>
      %add3A_2952 = arith.constant 32767 : i32
      %add3A_2953 = vector.broadcast %add3A_2952 : i32 to vector<16xi32>
      %add3A_2954 = arith.addi %bitcast3A_2951, %add3A_2953 : vector<16xi32>
      %shift_right_arithmetic3A_2955 = arith.constant 16 : i32
      %shift_right_arithmetic3A_2956 = vector.broadcast %shift_right_arithmetic3A_2955 : i32 to vector<16xi32>
      %shift_right_arithmetic3A_2957 = arith.shrsi %bitcast3A_2951, %shift_right_arithmetic3A_2956 : vector<16xi32>
      %and3A_2958 = arith.constant 1 : i32
      %and3A_2959 = vector.broadcast %and3A_2958 : i32 to vector<16xi32>
      %and3A_2960 = arith.andi %shift_right_arithmetic3A_2957, %and3A_2959 : vector<16xi32>
      %add3A_2961 = arith.addi %add3A_2954, %and3A_2960 : vector<16xi32>
      %and3A_2962 = arith.constant -65536 : i32
      %and3A_2963 = vector.broadcast %and3A_2962 : i32 to vector<16xi32>
      %and3A_2964 = arith.andi %add3A_2961, %and3A_2963 : vector<16xi32>
      %bitcast3A_2965 = vector.bitcast %and3A_2964 : vector<16xi32> to vector<16xf32>
      %mul3A_2966 = arith.mulf %bitcast3A_2726, %bitcast3A_2965 : vector<16xf32>
      %add3A_2967 = arith.addf %add3A_2935, %mul3A_2966 : vector<16xf32>
      %add3A_2968 = arith.constant 112 : i32
      %add3A_2969 = vector.broadcast %add3A_2968 : i32 to vector<16xi32>
      %add3A_2970 = arith.addi %iota3A, %add3A_2969 : vector<16xi32>
      %mul3A_2971 = arith.constant 8 : i32
      %mul3A_2972 = vector.broadcast %mul3A_2971 : i32 to vector<16xi32>
      %mul3A_2973 = arith.muli %add3A_2970, %mul3A_2972 : vector<16xi32>
      %add3A_2974 = arith.constant 0 : i32
      %add3A_2975 = vector.broadcast %add3A_2974 : i32 to vector<16xi32>
      %add3A_2976 = arith.addi %mul3A_2973, %add3A_2975 : vector<16xi32>
      %gather3A_2977 = arith.constant 1 : i32
      %gather3A_2978 = arith.constant 0 : i32
      %gather3A_2979 = arith.constant 0 : i32
      %gather3A_2980 = tpu.memref_slice %arg10[%gather3A_2977, %gather3A_2978, %gather3A_2979] : memref<2x1x1024xf32, #tpu.memory_space<vmem>> -> memref<1x1x1024xf32, #tpu.memory_space<vmem>>
      %gather3A_2981 = tpu.memref_squeeze %gather3A_2980 : memref<1x1x1024xf32, #tpu.memory_space<vmem>> -> memref<1024xf32, #tpu.memory_space<vmem>>
      %gather3A_2982 = tpu.vector_load_idx %gather3A_2981[%add3A_2976] : memref<1024xf32, #tpu.memory_space<vmem>>[vector<16xi32>], vector<16xf32>,
      %bitcast3A_2983 = vector.bitcast %gather3A_2982 : vector<16xf32> to vector<16xi32>
      %add3A_2984 = arith.constant 32767 : i32
      %add3A_2985 = vector.broadcast %add3A_2984 : i32 to vector<16xi32>
      %add3A_2986 = arith.addi %bitcast3A_2983, %add3A_2985 : vector<16xi32>
      %shift_right_arithmetic3A_2987 = arith.constant 16 : i32
      %shift_right_arithmetic3A_2988 = vector.broadcast %shift_right_arithmetic3A_2987 : i32 to vector<16xi32>
      %shift_right_arithmetic3A_2989 = arith.shrsi %bitcast3A_2983, %shift_right_arithmetic3A_2988 : vector<16xi32>
      %and3A_2990 = arith.constant 1 : i32
      %and3A_2991 = vector.broadcast %and3A_2990 : i32 to vector<16xi32>
      %and3A_2992 = arith.andi %shift_right_arithmetic3A_2989, %and3A_2991 : vector<16xi32>
      %add3A_2993 = arith.addi %add3A_2986, %and3A_2992 : vector<16xi32>
      %and3A_2994 = arith.constant -65536 : i32
      %and3A_2995 = vector.broadcast %and3A_2994 : i32 to vector<16xi32>
      %and3A_2996 = arith.andi %add3A_2993, %and3A_2995 : vector<16xi32>
      %bitcast3A_2997 = vector.bitcast %and3A_2996 : vector<16xi32> to vector<16xf32>
      %mul3A_2998 = arith.mulf %bitcast3A_2741, %bitcast3A_2997 : vector<16xf32>
      %add3A_2999 = arith.addf %add3A_2967, %mul3A_2998 : vector<16xf32>
      %reduce_sum3A_3000 = arith.constant true
      %reduce_sum3A_3001 = vector.broadcast %reduce_sum3A_3000 : i1 to vector<16xi1>
      %reduce_sum3A_3002 = tpu.scan <sum>, %add3A_2999 masked %reduce_sum3A_3001 : vector<16xf32>, vector<16xi1> -> vector<16xf32>
      %reduce_sum3A_3003 = vector.extract %reduce_sum3A_3002[15] : f32 from vector<16xf32>
      %broadcast_in_dim3A_3004 = arith.constant 0.000000e+00 : f32
      %broadcast_in_dim3A_3005 = vector.broadcast %broadcast_in_dim3A_3004 : f32 to vector<16xf32>
      %add3A_3006 = arith.constant 0 : i32
      %add3A_3007 = vector.broadcast %add3A_3006 : i32 to vector<16xi32>
      %add3A_3008 = arith.addi %iota3A, %add3A_3007 : vector<16xi32>
      %mul3A_3009 = arith.constant 8 : i32
      %mul3A_3010 = vector.broadcast %mul3A_3009 : i32 to vector<16xi32>
      %mul3A_3011 = arith.muli %add3A_3008, %mul3A_3010 : vector<16xi32>
      %add3A_3012 = arith.constant 1 : i32
      %add3A_3013 = vector.broadcast %add3A_3012 : i32 to vector<16xi32>
      %add3A_3014 = arith.addi %mul3A_3011, %add3A_3013 : vector<16xi32>
      %gather3A_3015 = arith.constant 1 : i32
      %gather3A_3016 = arith.constant 0 : i32
      %gather3A_3017 = arith.constant 0 : i32
      %gather3A_3018 = tpu.memref_slice %arg10[%gather3A_3015, %gather3A_3016, %gather3A_3017] : memref<2x1x1024xf32, #tpu.memory_space<vmem>> -> memref<1x1x1024xf32, #tpu.memory_space<vmem>>
      %gather3A_3019 = tpu.memref_squeeze %gather3A_3018 : memref<1x1x1024xf32, #tpu.memory_space<vmem>> -> memref<1024xf32, #tpu.memory_space<vmem>>
      %gather3A_3020 = tpu.vector_load_idx %gather3A_3019[%add3A_3014] : memref<1024xf32, #tpu.memory_space<vmem>>[vector<16xi32>], vector<16xf32>,
      %bitcast3A_3021 = vector.bitcast %gather3A_3020 : vector<16xf32> to vector<16xi32>
      %add3A_3022 = arith.constant 32767 : i32
      %add3A_3023 = vector.broadcast %add3A_3022 : i32 to vector<16xi32>
      %add3A_3024 = arith.addi %bitcast3A_3021, %add3A_3023 : vector<16xi32>
      %shift_right_arithmetic3A_3025 = arith.constant 16 : i32
      %shift_right_arithmetic3A_3026 = vector.broadcast %shift_right_arithmetic3A_3025 : i32 to vector<16xi32>
      %shift_right_arithmetic3A_3027 = arith.shrsi %bitcast3A_3021, %shift_right_arithmetic3A_3026 : vector<16xi32>
      %and3A_3028 = arith.constant 1 : i32
      %and3A_3029 = vector.broadcast %and3A_3028 : i32 to vector<16xi32>
      %and3A_3030 = arith.andi %shift_right_arithmetic3A_3027, %and3A_3029 : vector<16xi32>
      %add3A_3031 = arith.addi %add3A_3024, %and3A_3030 : vector<16xi32>
      %and3A_3032 = arith.constant -65536 : i32
      %and3A_3033 = vector.broadcast %and3A_3032 : i32 to vector<16xi32>
      %and3A_3034 = arith.andi %add3A_3031, %and3A_3033 : vector<16xi32>
      %bitcast3A_3035 = vector.bitcast %and3A_3034 : vector<16xi32> to vector<16xf32>
      %mul3A_3036 = arith.mulf %bitcast3A_2636, %bitcast3A_3035 : vector<16xf32>
      %add3A_3037 = arith.addf %broadcast_in_dim3A_3005, %mul3A_3036 : vector<16xf32>
      %add3A_3038 = arith.constant 16 : i32
      %add3A_3039 = vector.broadcast %add3A_3038 : i32 to vector<16xi32>
      %add3A_3040 = arith.addi %iota3A, %add3A_3039 : vector<16xi32>
      %mul3A_3041 = arith.constant 8 : i32
      %mul3A_3042 = vector.broadcast %mul3A_3041 : i32 to vector<16xi32>
      %mul3A_3043 = arith.muli %add3A_3040, %mul3A_3042 : vector<16xi32>
      %add3A_3044 = arith.constant 1 : i32
      %add3A_3045 = vector.broadcast %add3A_3044 : i32 to vector<16xi32>
      %add3A_3046 = arith.addi %mul3A_3043, %add3A_3045 : vector<16xi32>
      %gather3A_3047 = arith.constant 1 : i32
      %gather3A_3048 = arith.constant 0 : i32
      %gather3A_3049 = arith.constant 0 : i32
      %gather3A_3050 = tpu.memref_slice %arg10[%gather3A_3047, %gather3A_3048, %gather3A_3049] : memref<2x1x1024xf32, #tpu.memory_space<vmem>> -> memref<1x1x1024xf32, #tpu.memory_space<vmem>>
      %gather3A_3051 = tpu.memref_squeeze %gather3A_3050 : memref<1x1x1024xf32, #tpu.memory_space<vmem>> -> memref<1024xf32, #tpu.memory_space<vmem>>
      %gather3A_3052 = tpu.vector_load_idx %gather3A_3051[%add3A_3046] : memref<1024xf32, #tpu.memory_space<vmem>>[vector<16xi32>], vector<16xf32>,
      %bitcast3A_3053 = vector.bitcast %gather3A_3052 : vector<16xf32> to vector<16xi32>
      %add3A_3054 = arith.constant 32767 : i32
      %add3A_3055 = vector.broadcast %add3A_3054 : i32 to vector<16xi32>
      %add3A_3056 = arith.addi %bitcast3A_3053, %add3A_3055 : vector<16xi32>
      %shift_right_arithmetic3A_3057 = arith.constant 16 : i32
      %shift_right_arithmetic3A_3058 = vector.broadcast %shift_right_arithmetic3A_3057 : i32 to vector<16xi32>
      %shift_right_arithmetic3A_3059 = arith.shrsi %bitcast3A_3053, %shift_right_arithmetic3A_3058 : vector<16xi32>
      %and3A_3060 = arith.constant 1 : i32
      %and3A_3061 = vector.broadcast %and3A_3060 : i32 to vector<16xi32>
      %and3A_3062 = arith.andi %shift_right_arithmetic3A_3059, %and3A_3061 : vector<16xi32>
      %add3A_3063 = arith.addi %add3A_3056, %and3A_3062 : vector<16xi32>
      %and3A_3064 = arith.constant -65536 : i32
      %and3A_3065 = vector.broadcast %and3A_3064 : i32 to vector<16xi32>
      %and3A_3066 = arith.andi %add3A_3063, %and3A_3065 : vector<16xi32>
      %bitcast3A_3067 = vector.bitcast %and3A_3066 : vector<16xi32> to vector<16xf32>
      %mul3A_3068 = arith.mulf %bitcast3A_2651, %bitcast3A_3067 : vector<16xf32>
      %add3A_3069 = arith.addf %add3A_3037, %mul3A_3068 : vector<16xf32>
      %add3A_3070 = arith.constant 32 : i32
      %add3A_3071 = vector.broadcast %add3A_3070 : i32 to vector<16xi32>
      %add3A_3072 = arith.addi %iota3A, %add3A_3071 : vector<16xi32>
      %mul3A_3073 = arith.constant 8 : i32
      %mul3A_3074 = vector.broadcast %mul3A_3073 : i32 to vector<16xi32>
      %mul3A_3075 = arith.muli %add3A_3072, %mul3A_3074 : vector<16xi32>
      %add3A_3076 = arith.constant 1 : i32
      %add3A_3077 = vector.broadcast %add3A_3076 : i32 to vector<16xi32>
      %add3A_3078 = arith.addi %mul3A_3075, %add3A_3077 : vector<16xi32>
      %gather3A_3079 = arith.constant 1 : i32
      %gather3A_3080 = arith.constant 0 : i32
      %gather3A_3081 = arith.constant 0 : i32
      %gather3A_3082 = tpu.memref_slice %arg10[%gather3A_3079, %gather3A_3080, %gather3A_3081] : memref<2x1x1024xf32, #tpu.memory_space<vmem>> -> memref<1x1x1024xf32, #tpu.memory_space<vmem>>
      %gather3A_3083 = tpu.memref_squeeze %gather3A_3082 : memref<1x1x1024xf32, #tpu.memory_space<vmem>> -> memref<1024xf32, #tpu.memory_space<vmem>>
      %gather3A_3084 = tpu.vector_load_idx %gather3A_3083[%add3A_3078] : memref<1024xf32, #tpu.memory_space<vmem>>[vector<16xi32>], vector<16xf32>,
      %bitcast3A_3085 = vector.bitcast %gather3A_3084 : vector<16xf32> to vector<16xi32>
      %add3A_3086 = arith.constant 32767 : i32
      %add3A_3087 = vector.broadcast %add3A_3086 : i32 to vector<16xi32>
      %add3A_3088 = arith.addi %bitcast3A_3085, %add3A_3087 : vector<16xi32>
      %shift_right_arithmetic3A_3089 = arith.constant 16 : i32
      %shift_right_arithmetic3A_3090 = vector.broadcast %shift_right_arithmetic3A_3089 : i32 to vector<16xi32>
      %shift_right_arithmetic3A_3091 = arith.shrsi %bitcast3A_3085, %shift_right_arithmetic3A_3090 : vector<16xi32>
      %and3A_3092 = arith.constant 1 : i32
      %and3A_3093 = vector.broadcast %and3A_3092 : i32 to vector<16xi32>
      %and3A_3094 = arith.andi %shift_right_arithmetic3A_3091, %and3A_3093 : vector<16xi32>
      %add3A_3095 = arith.addi %add3A_3088, %and3A_3094 : vector<16xi32>
      %and3A_3096 = arith.constant -65536 : i32
      %and3A_3097 = vector.broadcast %and3A_3096 : i32 to vector<16xi32>
      %and3A_3098 = arith.andi %add3A_3095, %and3A_3097 : vector<16xi32>
      %bitcast3A_3099 = vector.bitcast %and3A_3098 : vector<16xi32> to vector<16xf32>
      %mul3A_3100 = arith.mulf %bitcast3A_2666, %bitcast3A_3099 : vector<16xf32>
      %add3A_3101 = arith.addf %add3A_3069, %mul3A_3100 : vector<16xf32>
      %add3A_3102 = arith.constant 48 : i32
      %add3A_3103 = vector.broadcast %add3A_3102 : i32 to vector<16xi32>
      %add3A_3104 = arith.addi %iota3A, %add3A_3103 : vector<16xi32>
      %mul3A_3105 = arith.constant 8 : i32
      %mul3A_3106 = vector.broadcast %mul3A_3105 : i32 to vector<16xi32>
      %mul3A_3107 = arith.muli %add3A_3104, %mul3A_3106 : vector<16xi32>
      %add3A_3108 = arith.constant 1 : i32
      %add3A_3109 = vector.broadcast %add3A_3108 : i32 to vector<16xi32>
      %add3A_3110 = arith.addi %mul3A_3107, %add3A_3109 : vector<16xi32>
      %gather3A_3111 = arith.constant 1 : i32
      %gather3A_3112 = arith.constant 0 : i32
      %gather3A_3113 = arith.constant 0 : i32
      %gather3A_3114 = tpu.memref_slice %arg10[%gather3A_3111, %gather3A_3112, %gather3A_3113] : memref<2x1x1024xf32, #tpu.memory_space<vmem>> -> memref<1x1x1024xf32, #tpu.memory_space<vmem>>
      %gather3A_3115 = tpu.memref_squeeze %gather3A_3114 : memref<1x1x1024xf32, #tpu.memory_space<vmem>> -> memref<1024xf32, #tpu.memory_space<vmem>>
      %gather3A_3116 = tpu.vector_load_idx %gather3A_3115[%add3A_3110] : memref<1024xf32, #tpu.memory_space<vmem>>[vector<16xi32>], vector<16xf32>,
      %bitcast3A_3117 = vector.bitcast %gather3A_3116 : vector<16xf32> to vector<16xi32>
      %add3A_3118 = arith.constant 32767 : i32
      %add3A_3119 = vector.broadcast %add3A_3118 : i32 to vector<16xi32>
      %add3A_3120 = arith.addi %bitcast3A_3117, %add3A_3119 : vector<16xi32>
      %shift_right_arithmetic3A_3121 = arith.constant 16 : i32
      %shift_right_arithmetic3A_3122 = vector.broadcast %shift_right_arithmetic3A_3121 : i32 to vector<16xi32>
      %shift_right_arithmetic3A_3123 = arith.shrsi %bitcast3A_3117, %shift_right_arithmetic3A_3122 : vector<16xi32>
      %and3A_3124 = arith.constant 1 : i32
      %and3A_3125 = vector.broadcast %and3A_3124 : i32 to vector<16xi32>
      %and3A_3126 = arith.andi %shift_right_arithmetic3A_3123, %and3A_3125 : vector<16xi32>
      %add3A_3127 = arith.addi %add3A_3120, %and3A_3126 : vector<16xi32>
      %and3A_3128 = arith.constant -65536 : i32
      %and3A_3129 = vector.broadcast %and3A_3128 : i32 to vector<16xi32>
      %and3A_3130 = arith.andi %add3A_3127, %and3A_3129 : vector<16xi32>
      %bitcast3A_3131 = vector.bitcast %and3A_3130 : vector<16xi32> to vector<16xf32>
      %mul3A_3132 = arith.mulf %bitcast3A_2681, %bitcast3A_3131 : vector<16xf32>
      %add3A_3133 = arith.addf %add3A_3101, %mul3A_3132 : vector<16xf32>
      %add3A_3134 = arith.constant 64 : i32
      %add3A_3135 = vector.broadcast %add3A_3134 : i32 to vector<16xi32>
      %add3A_3136 = arith.addi %iota3A, %add3A_3135 : vector<16xi32>
      %mul3A_3137 = arith.constant 8 : i32
      %mul3A_3138 = vector.broadcast %mul3A_3137 : i32 to vector<16xi32>
      %mul3A_3139 = arith.muli %add3A_3136, %mul3A_3138 : vector<16xi32>
      %add3A_3140 = arith.constant 1 : i32
      %add3A_3141 = vector.broadcast %add3A_3140 : i32 to vector<16xi32>
      %add3A_3142 = arith.addi %mul3A_3139, %add3A_3141 : vector<16xi32>
      %gather3A_3143 = arith.constant 1 : i32
      %gather3A_3144 = arith.constant 0 : i32
      %gather3A_3145 = arith.constant 0 : i32
      %gather3A_3146 = tpu.memref_slice %arg10[%gather3A_3143, %gather3A_3144, %gather3A_3145] : memref<2x1x1024xf32, #tpu.memory_space<vmem>> -> memref<1x1x1024xf32, #tpu.memory_space<vmem>>
      %gather3A_3147 = tpu.memref_squeeze %gather3A_3146 : memref<1x1x1024xf32, #tpu.memory_space<vmem>> -> memref<1024xf32, #tpu.memory_space<vmem>>
      %gather3A_3148 = tpu.vector_load_idx %gather3A_3147[%add3A_3142] : memref<1024xf32, #tpu.memory_space<vmem>>[vector<16xi32>], vector<16xf32>,
      %bitcast3A_3149 = vector.bitcast %gather3A_3148 : vector<16xf32> to vector<16xi32>
      %add3A_3150 = arith.constant 32767 : i32
      %add3A_3151 = vector.broadcast %add3A_3150 : i32 to vector<16xi32>
      %add3A_3152 = arith.addi %bitcast3A_3149, %add3A_3151 : vector<16xi32>
      %shift_right_arithmetic3A_3153 = arith.constant 16 : i32
      %shift_right_arithmetic3A_3154 = vector.broadcast %shift_right_arithmetic3A_3153 : i32 to vector<16xi32>
      %shift_right_arithmetic3A_3155 = arith.shrsi %bitcast3A_3149, %shift_right_arithmetic3A_3154 : vector<16xi32>
      %and3A_3156 = arith.constant 1 : i32
      %and3A_3157 = vector.broadcast %and3A_3156 : i32 to vector<16xi32>
      %and3A_3158 = arith.andi %shift_right_arithmetic3A_3155, %and3A_3157 : vector<16xi32>
      %add3A_3159 = arith.addi %add3A_3152, %and3A_3158 : vector<16xi32>
      %and3A_3160 = arith.constant -65536 : i32
      %and3A_3161 = vector.broadcast %and3A_3160 : i32 to vector<16xi32>
      %and3A_3162 = arith.andi %add3A_3159, %and3A_3161 : vector<16xi32>
      %bitcast3A_3163 = vector.bitcast %and3A_3162 : vector<16xi32> to vector<16xf32>
      %mul3A_3164 = arith.mulf %bitcast3A_2696, %bitcast3A_3163 : vector<16xf32>
      %add3A_3165 = arith.addf %add3A_3133, %mul3A_3164 : vector<16xf32>
      %add3A_3166 = arith.constant 80 : i32
      %add3A_3167 = vector.broadcast %add3A_3166 : i32 to vector<16xi32>
      %add3A_3168 = arith.addi %iota3A, %add3A_3167 : vector<16xi32>
      %mul3A_3169 = arith.constant 8 : i32
      %mul3A_3170 = vector.broadcast %mul3A_3169 : i32 to vector<16xi32>
      %mul3A_3171 = arith.muli %add3A_3168, %mul3A_3170 : vector<16xi32>
      %add3A_3172 = arith.constant 1 : i32
      %add3A_3173 = vector.broadcast %add3A_3172 : i32 to vector<16xi32>
      %add3A_3174 = arith.addi %mul3A_3171, %add3A_3173 : vector<16xi32>
      %gather3A_3175 = arith.constant 1 : i32
      %gather3A_3176 = arith.constant 0 : i32
      %gather3A_3177 = arith.constant 0 : i32
      %gather3A_3178 = tpu.memref_slice %arg10[%gather3A_3175, %gather3A_3176, %gather3A_3177] : memref<2x1x1024xf32, #tpu.memory_space<vmem>> -> memref<1x1x1024xf32, #tpu.memory_space<vmem>>
      %gather3A_3179 = tpu.memref_squeeze %gather3A_3178 : memref<1x1x1024xf32, #tpu.memory_space<vmem>> -> memref<1024xf32, #tpu.memory_space<vmem>>
      %gather3A_3180 = tpu.vector_load_idx %gather3A_3179[%add3A_3174] : memref<1024xf32, #tpu.memory_space<vmem>>[vector<16xi32>], vector<16xf32>,
      %bitcast3A_3181 = vector.bitcast %gather3A_3180 : vector<16xf32> to vector<16xi32>
      %add3A_3182 = arith.constant 32767 : i32
      %add3A_3183 = vector.broadcast %add3A_3182 : i32 to vector<16xi32>
      %add3A_3184 = arith.addi %bitcast3A_3181, %add3A_3183 : vector<16xi32>
      %shift_right_arithmetic3A_3185 = arith.constant 16 : i32
      %shift_right_arithmetic3A_3186 = vector.broadcast %shift_right_arithmetic3A_3185 : i32 to vector<16xi32>
      %shift_right_arithmetic3A_3187 = arith.shrsi %bitcast3A_3181, %shift_right_arithmetic3A_3186 : vector<16xi32>
      %and3A_3188 = arith.constant 1 : i32
      %and3A_3189 = vector.broadcast %and3A_3188 : i32 to vector<16xi32>
      %and3A_3190 = arith.andi %shift_right_arithmetic3A_3187, %and3A_3189 : vector<16xi32>
      %add3A_3191 = arith.addi %add3A_3184, %and3A_3190 : vector<16xi32>
      %and3A_3192 = arith.constant -65536 : i32
      %and3A_3193 = vector.broadcast %and3A_3192 : i32 to vector<16xi32>
      %and3A_3194 = arith.andi %add3A_3191, %and3A_3193 : vector<16xi32>
      %bitcast3A_3195 = vector.bitcast %and3A_3194 : vector<16xi32> to vector<16xf32>
      %mul3A_3196 = arith.mulf %bitcast3A_2711, %bitcast3A_3195 : vector<16xf32>
      %add3A_3197 = arith.addf %add3A_3165, %mul3A_3196 : vector<16xf32>
      %add3A_3198 = arith.constant 96 : i32
      %add3A_3199 = vector.broadcast %add3A_3198 : i32 to vector<16xi32>
      %add3A_3200 = arith.addi %iota3A, %add3A_3199 : vector<16xi32>
      %mul3A_3201 = arith.constant 8 : i32
      %mul3A_3202 = vector.broadcast %mul3A_3201 : i32 to vector<16xi32>
      %mul3A_3203 = arith.muli %add3A_3200, %mul3A_3202 : vector<16xi32>
      %add3A_3204 = arith.constant 1 : i32
      %add3A_3205 = vector.broadcast %add3A_3204 : i32 to vector<16xi32>
      %add3A_3206 = arith.addi %mul3A_3203, %add3A_3205 : vector<16xi32>
      %gather3A_3207 = arith.constant 1 : i32
      %gather3A_3208 = arith.constant 0 : i32
      %gather3A_3209 = arith.constant 0 : i32
      %gather3A_3210 = tpu.memref_slice %arg10[%gather3A_3207, %gather3A_3208, %gather3A_3209] : memref<2x1x1024xf32, #tpu.memory_space<vmem>> -> memref<1x1x1024xf32, #tpu.memory_space<vmem>>
      %gather3A_3211 = tpu.memref_squeeze %gather3A_3210 : memref<1x1x1024xf32, #tpu.memory_space<vmem>> -> memref<1024xf32, #tpu.memory_space<vmem>>
      %gather3A_3212 = tpu.vector_load_idx %gather3A_3211[%add3A_3206] : memref<1024xf32, #tpu.memory_space<vmem>>[vector<16xi32>], vector<16xf32>,
      %bitcast3A_3213 = vector.bitcast %gather3A_3212 : vector<16xf32> to vector<16xi32>
      %add3A_3214 = arith.constant 32767 : i32
      %add3A_3215 = vector.broadcast %add3A_3214 : i32 to vector<16xi32>
      %add3A_3216 = arith.addi %bitcast3A_3213, %add3A_3215 : vector<16xi32>
      %shift_right_arithmetic3A_3217 = arith.constant 16 : i32
      %shift_right_arithmetic3A_3218 = vector.broadcast %shift_right_arithmetic3A_3217 : i32 to vector<16xi32>
      %shift_right_arithmetic3A_3219 = arith.shrsi %bitcast3A_3213, %shift_right_arithmetic3A_3218 : vector<16xi32>
      %and3A_3220 = arith.constant 1 : i32
      %and3A_3221 = vector.broadcast %and3A_3220 : i32 to vector<16xi32>
      %and3A_3222 = arith.andi %shift_right_arithmetic3A_3219, %and3A_3221 : vector<16xi32>
      %add3A_3223 = arith.addi %add3A_3216, %and3A_3222 : vector<16xi32>
      %and3A_3224 = arith.constant -65536 : i32
      %and3A_3225 = vector.broadcast %and3A_3224 : i32 to vector<16xi32>
      %and3A_3226 = arith.andi %add3A_3223, %and3A_3225 : vector<16xi32>
      %bitcast3A_3227 = vector.bitcast %and3A_3226 : vector<16xi32> to vector<16xf32>
      %mul3A_3228 = arith.mulf %bitcast3A_2726, %bitcast3A_3227 : vector<16xf32>
      %add3A_3229 = arith.addf %add3A_3197, %mul3A_3228 : vector<16xf32>
      %add3A_3230 = arith.constant 112 : i32
      %add3A_3231 = vector.broadcast %add3A_3230 : i32 to vector<16xi32>
      %add3A_3232 = arith.addi %iota3A, %add3A_3231 : vector<16xi32>
      %mul3A_3233 = arith.constant 8 : i32
      %mul3A_3234 = vector.broadcast %mul3A_3233 : i32 to vector<16xi32>
      %mul3A_3235 = arith.muli %add3A_3232, %mul3A_3234 : vector<16xi32>
      %add3A_3236 = arith.constant 1 : i32
      %add3A_3237 = vector.broadcast %add3A_3236 : i32 to vector<16xi32>
      %add3A_3238 = arith.addi %mul3A_3235, %add3A_3237 : vector<16xi32>
      %gather3A_3239 = arith.constant 1 : i32
      %gather3A_3240 = arith.constant 0 : i32
      %gather3A_3241 = arith.constant 0 : i32
      %gather3A_3242 = tpu.memref_slice %arg10[%gather3A_3239, %gather3A_3240, %gather3A_3241] : memref<2x1x1024xf32, #tpu.memory_space<vmem>> -> memref<1x1x1024xf32, #tpu.memory_space<vmem>>
      %gather3A_3243 = tpu.memref_squeeze %gather3A_3242 : memref<1x1x1024xf32, #tpu.memory_space<vmem>> -> memref<1024xf32, #tpu.memory_space<vmem>>
      %gather3A_3244 = tpu.vector_load_idx %gather3A_3243[%add3A_3238] : memref<1024xf32, #tpu.memory_space<vmem>>[vector<16xi32>], vector<16xf32>,
      %bitcast3A_3245 = vector.bitcast %gather3A_3244 : vector<16xf32> to vector<16xi32>
      %add3A_3246 = arith.constant 32767 : i32
      %add3A_3247 = vector.broadcast %add3A_3246 : i32 to vector<16xi32>
      %add3A_3248 = arith.addi %bitcast3A_3245, %add3A_3247 : vector<16xi32>
      %shift_right_arithmetic3A_3249 = arith.constant 16 : i32
      %shift_right_arithmetic3A_3250 = vector.broadcast %shift_right_arithmetic3A_3249 : i32 to vector<16xi32>
      %shift_right_arithmetic3A_3251 = arith.shrsi %bitcast3A_3245, %shift_right_arithmetic3A_3250 : vector<16xi32>
      %and3A_3252 = arith.constant 1 : i32
      %and3A_3253 = vector.broadcast %and3A_3252 : i32 to vector<16xi32>
      %and3A_3254 = arith.andi %shift_right_arithmetic3A_3251, %and3A_3253 : vector<16xi32>
      %add3A_3255 = arith.addi %add3A_3248, %and3A_3254 : vector<16xi32>
      %and3A_3256 = arith.constant -65536 : i32
      %and3A_3257 = vector.broadcast %and3A_3256 : i32 to vector<16xi32>
      %and3A_3258 = arith.andi %add3A_3255, %and3A_3257 : vector<16xi32>
      %bitcast3A_3259 = vector.bitcast %and3A_3258 : vector<16xi32> to vector<16xf32>
      %mul3A_3260 = arith.mulf %bitcast3A_2741, %bitcast3A_3259 : vector<16xf32>
      %add3A_3261 = arith.addf %add3A_3229, %mul3A_3260 : vector<16xf32>
      %reduce_sum3A_3262 = arith.constant true
      %reduce_sum3A_3263 = vector.broadcast %reduce_sum3A_3262 : i1 to vector<16xi1>
      %reduce_sum3A_3264 = tpu.scan <sum>, %add3A_3261 masked %reduce_sum3A_3263 : vector<16xf32>, vector<16xi1> -> vector<16xf32>
      %reduce_sum3A_3265 = vector.extract %reduce_sum3A_3264[15] : f32 from vector<16xf32>
      %broadcast_in_dim3A_3266 = arith.constant 0.000000e+00 : f32
      %broadcast_in_dim3A_3267 = vector.broadcast %broadcast_in_dim3A_3266 : f32 to vector<16xf32>
      %add3A_3268 = arith.constant 0 : i32
      %add3A_3269 = vector.broadcast %add3A_3268 : i32 to vector<16xi32>
      %add3A_3270 = arith.addi %iota3A, %add3A_3269 : vector<16xi32>
      %mul3A_3271 = arith.constant 8 : i32
      %mul3A_3272 = vector.broadcast %mul3A_3271 : i32 to vector<16xi32>
      %mul3A_3273 = arith.muli %add3A_3270, %mul3A_3272 : vector<16xi32>
      %add3A_3274 = arith.constant 2 : i32
      %add3A_3275 = vector.broadcast %add3A_3274 : i32 to vector<16xi32>
      %add3A_3276 = arith.addi %mul3A_3273, %add3A_3275 : vector<16xi32>
      %gather3A_3277 = arith.constant 1 : i32
      %gather3A_3278 = arith.constant 0 : i32
      %gather3A_3279 = arith.constant 0 : i32
      %gather3A_3280 = tpu.memref_slice %arg10[%gather3A_3277, %gather3A_3278, %gather3A_3279] : memref<2x1x1024xf32, #tpu.memory_space<vmem>> -> memref<1x1x1024xf32, #tpu.memory_space<vmem>>
      %gather3A_3281 = tpu.memref_squeeze %gather3A_3280 : memref<1x1x1024xf32, #tpu.memory_space<vmem>> -> memref<1024xf32, #tpu.memory_space<vmem>>
      %gather3A_3282 = tpu.vector_load_idx %gather3A_3281[%add3A_3276] : memref<1024xf32, #tpu.memory_space<vmem>>[vector<16xi32>], vector<16xf32>,
      %bitcast3A_3283 = vector.bitcast %gather3A_3282 : vector<16xf32> to vector<16xi32>
      %add3A_3284 = arith.constant 32767 : i32
      %add3A_3285 = vector.broadcast %add3A_3284 : i32 to vector<16xi32>
      %add3A_3286 = arith.addi %bitcast3A_3283, %add3A_3285 : vector<16xi32>
      %shift_right_arithmetic3A_3287 = arith.constant 16 : i32
      %shift_right_arithmetic3A_3288 = vector.broadcast %shift_right_arithmetic3A_3287 : i32 to vector<16xi32>
      %shift_right_arithmetic3A_3289 = arith.shrsi %bitcast3A_3283, %shift_right_arithmetic3A_3288 : vector<16xi32>
      %and3A_3290 = arith.constant 1 : i32
      %and3A_3291 = vector.broadcast %and3A_3290 : i32 to vector<16xi32>
      %and3A_3292 = arith.andi %shift_right_arithmetic3A_3289, %and3A_3291 : vector<16xi32>
      %add3A_3293 = arith.addi %add3A_3286, %and3A_3292 : vector<16xi32>
      %and3A_3294 = arith.constant -65536 : i32
      %and3A_3295 = vector.broadcast %and3A_3294 : i32 to vector<16xi32>
      %and3A_3296 = arith.andi %add3A_3293, %and3A_3295 : vector<16xi32>
      %bitcast3A_3297 = vector.bitcast %and3A_3296 : vector<16xi32> to vector<16xf32>
      %mul3A_3298 = arith.mulf %bitcast3A_2636, %bitcast3A_3297 : vector<16xf32>
      %add3A_3299 = arith.addf %broadcast_in_dim3A_3267, %mul3A_3298 : vector<16xf32>
      %add3A_3300 = arith.constant 16 : i32
      %add3A_3301 = vector.broadcast %add3A_3300 : i32 to vector<16xi32>
      %add3A_3302 = arith.addi %iota3A, %add3A_3301 : vector<16xi32>
      %mul3A_3303 = arith.constant 8 : i32
      %mul3A_3304 = vector.broadcast %mul3A_3303 : i32 to vector<16xi32>
      %mul3A_3305 = arith.muli %add3A_3302, %mul3A_3304 : vector<16xi32>
      %add3A_3306 = arith.constant 2 : i32
      %add3A_3307 = vector.broadcast %add3A_3306 : i32 to vector<16xi32>
      %add3A_3308 = arith.addi %mul3A_3305, %add3A_3307 : vector<16xi32>
      %gather3A_3309 = arith.constant 1 : i32
      %gather3A_3310 = arith.constant 0 : i32
      %gather3A_3311 = arith.constant 0 : i32
      %gather3A_3312 = tpu.memref_slice %arg10[%gather3A_3309, %gather3A_3310, %gather3A_3311] : memref<2x1x1024xf32, #tpu.memory_space<vmem>> -> memref<1x1x1024xf32, #tpu.memory_space<vmem>>
      %gather3A_3313 = tpu.memref_squeeze %gather3A_3312 : memref<1x1x1024xf32, #tpu.memory_space<vmem>> -> memref<1024xf32, #tpu.memory_space<vmem>>
      %gather3A_3314 = tpu.vector_load_idx %gather3A_3313[%add3A_3308] : memref<1024xf32, #tpu.memory_space<vmem>>[vector<16xi32>], vector<16xf32>,
      %bitcast3A_3315 = vector.bitcast %gather3A_3314 : vector<16xf32> to vector<16xi32>
      %add3A_3316 = arith.constant 32767 : i32
      %add3A_3317 = vector.broadcast %add3A_3316 : i32 to vector<16xi32>
      %add3A_3318 = arith.addi %bitcast3A_3315, %add3A_3317 : vector<16xi32>
      %shift_right_arithmetic3A_3319 = arith.constant 16 : i32
      %shift_right_arithmetic3A_3320 = vector.broadcast %shift_right_arithmetic3A_3319 : i32 to vector<16xi32>
      %shift_right_arithmetic3A_3321 = arith.shrsi %bitcast3A_3315, %shift_right_arithmetic3A_3320 : vector<16xi32>
      %and3A_3322 = arith.constant 1 : i32
      %and3A_3323 = vector.broadcast %and3A_3322 : i32 to vector<16xi32>
      %and3A_3324 = arith.andi %shift_right_arithmetic3A_3321, %and3A_3323 : vector<16xi32>
      %add3A_3325 = arith.addi %add3A_3318, %and3A_3324 : vector<16xi32>
      %and3A_3326 = arith.constant -65536 : i32
      %and3A_3327 = vector.broadcast %and3A_3326 : i32 to vector<16xi32>
      %and3A_3328 = arith.andi %add3A_3325, %and3A_3327 : vector<16xi32>
      %bitcast3A_3329 = vector.bitcast %and3A_3328 : vector<16xi32> to vector<16xf32>
      %mul3A_3330 = arith.mulf %bitcast3A_2651, %bitcast3A_3329 : vector<16xf32>
      %add3A_3331 = arith.addf %add3A_3299, %mul3A_3330 : vector<16xf32>
      %add3A_3332 = arith.constant 32 : i32
      %add3A_3333 = vector.broadcast %add3A_3332 : i32 to vector<16xi32>
      %add3A_3334 = arith.addi %iota3A, %add3A_3333 : vector<16xi32>
      %mul3A_3335 = arith.constant 8 : i32
      %mul3A_3336 = vector.broadcast %mul3A_3335 : i32 to vector<16xi32>
      %mul3A_3337 = arith.muli %add3A_3334, %mul3A_3336 : vector<16xi32>
      %add3A_3338 = arith.constant 2 : i32
      %add3A_3339 = vector.broadcast %add3A_3338 : i32 to vector<16xi32>
      %add3A_3340 = arith.addi %mul3A_3337, %add3A_3339 : vector<16xi32>
      %gather3A_3341 = arith.constant 1 : i32
      %gather3A_3342 = arith.constant 0 : i32
      %gather3A_3343 = arith.constant 0 : i32
      %gather3A_3344 = tpu.memref_slice %arg10[%gather3A_3341, %gather3A_3342, %gather3A_3343] : memref<2x1x1024xf32, #tpu.memory_space<vmem>> -> memref<1x1x1024xf32, #tpu.memory_space<vmem>>
      %gather3A_3345 = tpu.memref_squeeze %gather3A_3344 : memref<1x1x1024xf32, #tpu.memory_space<vmem>> -> memref<1024xf32, #tpu.memory_space<vmem>>
      %gather3A_3346 = tpu.vector_load_idx %gather3A_3345[%add3A_3340] : memref<1024xf32, #tpu.memory_space<vmem>>[vector<16xi32>], vector<16xf32>,
      %bitcast3A_3347 = vector.bitcast %gather3A_3346 : vector<16xf32> to vector<16xi32>
      %add3A_3348 = arith.constant 32767 : i32
      %add3A_3349 = vector.broadcast %add3A_3348 : i32 to vector<16xi32>
      %add3A_3350 = arith.addi %bitcast3A_3347, %add3A_3349 : vector<16xi32>
      %shift_right_arithmetic3A_3351 = arith.constant 16 : i32
      %shift_right_arithmetic3A_3352 = vector.broadcast %shift_right_arithmetic3A_3351 : i32 to vector<16xi32>
      %shift_right_arithmetic3A_3353 = arith.shrsi %bitcast3A_3347, %shift_right_arithmetic3A_3352 : vector<16xi32>
      %and3A_3354 = arith.constant 1 : i32
      %and3A_3355 = vector.broadcast %and3A_3354 : i32 to vector<16xi32>
      %and3A_3356 = arith.andi %shift_right_arithmetic3A_3353, %and3A_3355 : vector<16xi32>
      %add3A_3357 = arith.addi %add3A_3350, %and3A_3356 : vector<16xi32>
      %and3A_3358 = arith.constant -65536 : i32
      %and3A_3359 = vector.broadcast %and3A_3358 : i32 to vector<16xi32>
      %and3A_3360 = arith.andi %add3A_3357, %and3A_3359 : vector<16xi32>
      %bitcast3A_3361 = vector.bitcast %and3A_3360 : vector<16xi32> to vector<16xf32>
      %mul3A_3362 = arith.mulf %bitcast3A_2666, %bitcast3A_3361 : vector<16xf32>
      %add3A_3363 = arith.addf %add3A_3331, %mul3A_3362 : vector<16xf32>
      %add3A_3364 = arith.constant 48 : i32
      %add3A_3365 = vector.broadcast %add3A_3364 : i32 to vector<16xi32>
      %add3A_3366 = arith.addi %iota3A, %add3A_3365 : vector<16xi32>
      %mul3A_3367 = arith.constant 8 : i32
      %mul3A_3368 = vector.broadcast %mul3A_3367 : i32 to vector<16xi32>
      %mul3A_3369 = arith.muli %add3A_3366, %mul3A_3368 : vector<16xi32>
      %add3A_3370 = arith.constant 2 : i32
      %add3A_3371 = vector.broadcast %add3A_3370 : i32 to vector<16xi32>
      %add3A_3372 = arith.addi %mul3A_3369, %add3A_3371 : vector<16xi32>
      %gather3A_3373 = arith.constant 1 : i32
      %gather3A_3374 = arith.constant 0 : i32
      %gather3A_3375 = arith.constant 0 : i32
      %gather3A_3376 = tpu.memref_slice %arg10[%gather3A_3373, %gather3A_3374, %gather3A_3375] : memref<2x1x1024xf32, #tpu.memory_space<vmem>> -> memref<1x1x1024xf32, #tpu.memory_space<vmem>>
      %gather3A_3377 = tpu.memref_squeeze %gather3A_3376 : memref<1x1x1024xf32, #tpu.memory_space<vmem>> -> memref<1024xf32, #tpu.memory_space<vmem>>
      %gather3A_3378 = tpu.vector_load_idx %gather3A_3377[%add3A_3372] : memref<1024xf32, #tpu.memory_space<vmem>>[vector<16xi32>], vector<16xf32>,
      %bitcast3A_3379 = vector.bitcast %gather3A_3378 : vector<16xf32> to vector<16xi32>
      %add3A_3380 = arith.constant 32767 : i32
      %add3A_3381 = vector.broadcast %add3A_3380 : i32 to vector<16xi32>
      %add3A_3382 = arith.addi %bitcast3A_3379, %add3A_3381 : vector<16xi32>
      %shift_right_arithmetic3A_3383 = arith.constant 16 : i32
      %shift_right_arithmetic3A_3384 = vector.broadcast %shift_right_arithmetic3A_3383 : i32 to vector<16xi32>
      %shift_right_arithmetic3A_3385 = arith.shrsi %bitcast3A_3379, %shift_right_arithmetic3A_3384 : vector<16xi32>
      %and3A_3386 = arith.constant 1 : i32
      %and3A_3387 = vector.broadcast %and3A_3386 : i32 to vector<16xi32>
      %and3A_3388 = arith.andi %shift_right_arithmetic3A_3385, %and3A_3387 : vector<16xi32>
      %add3A_3389 = arith.addi %add3A_3382, %and3A_3388 : vector<16xi32>
      %and3A_3390 = arith.constant -65536 : i32
      %and3A_3391 = vector.broadcast %and3A_3390 : i32 to vector<16xi32>
      %and3A_3392 = arith.andi %add3A_3389, %and3A_3391 : vector<16xi32>
      %bitcast3A_3393 = vector.bitcast %and3A_3392 : vector<16xi32> to vector<16xf32>
      %mul3A_3394 = arith.mulf %bitcast3A_2681, %bitcast3A_3393 : vector<16xf32>
      %add3A_3395 = arith.addf %add3A_3363, %mul3A_3394 : vector<16xf32>
      %add3A_3396 = arith.constant 64 : i32
      %add3A_3397 = vector.broadcast %add3A_3396 : i32 to vector<16xi32>
      %add3A_3398 = arith.addi %iota3A, %add3A_3397 : vector<16xi32>
      %mul3A_3399 = arith.constant 8 : i32
      %mul3A_3400 = vector.broadcast %mul3A_3399 : i32 to vector<16xi32>
      %mul3A_3401 = arith.muli %add3A_3398, %mul3A_3400 : vector<16xi32>
      %add3A_3402 = arith.constant 2 : i32
      %add3A_3403 = vector.broadcast %add3A_3402 : i32 to vector<16xi32>
      %add3A_3404 = arith.addi %mul3A_3401, %add3A_3403 : vector<16xi32>
      %gather3A_3405 = arith.constant 1 : i32
      %gather3A_3406 = arith.constant 0 : i32
      %gather3A_3407 = arith.constant 0 : i32
      %gather3A_3408 = tpu.memref_slice %arg10[%gather3A_3405, %gather3A_3406, %gather3A_3407] : memref<2x1x1024xf32, #tpu.memory_space<vmem>> -> memref<1x1x1024xf32, #tpu.memory_space<vmem>>
      %gather3A_3409 = tpu.memref_squeeze %gather3A_3408 : memref<1x1x1024xf32, #tpu.memory_space<vmem>> -> memref<1024xf32, #tpu.memory_space<vmem>>
      %gather3A_3410 = tpu.vector_load_idx %gather3A_3409[%add3A_3404] : memref<1024xf32, #tpu.memory_space<vmem>>[vector<16xi32>], vector<16xf32>,
      %bitcast3A_3411 = vector.bitcast %gather3A_3410 : vector<16xf32> to vector<16xi32>
      %add3A_3412 = arith.constant 32767 : i32
      %add3A_3413 = vector.broadcast %add3A_3412 : i32 to vector<16xi32>
      %add3A_3414 = arith.addi %bitcast3A_3411, %add3A_3413 : vector<16xi32>
      %shift_right_arithmetic3A_3415 = arith.constant 16 : i32
      %shift_right_arithmetic3A_3416 = vector.broadcast %shift_right_arithmetic3A_3415 : i32 to vector<16xi32>
      %shift_right_arithmetic3A_3417 = arith.shrsi %bitcast3A_3411, %shift_right_arithmetic3A_3416 : vector<16xi32>
      %and3A_3418 = arith.constant 1 : i32
      %and3A_3419 = vector.broadcast %and3A_3418 : i32 to vector<16xi32>
      %and3A_3420 = arith.andi %shift_right_arithmetic3A_3417, %and3A_3419 : vector<16xi32>
      %add3A_3421 = arith.addi %add3A_3414, %and3A_3420 : vector<16xi32>
      %and3A_3422 = arith.constant -65536 : i32
      %and3A_3423 = vector.broadcast %and3A_3422 : i32 to vector<16xi32>
      %and3A_3424 = arith.andi %add3A_3421, %and3A_3423 : vector<16xi32>
      %bitcast3A_3425 = vector.bitcast %and3A_3424 : vector<16xi32> to vector<16xf32>
      %mul3A_3426 = arith.mulf %bitcast3A_2696, %bitcast3A_3425 : vector<16xf32>
      %add3A_3427 = arith.addf %add3A_3395, %mul3A_3426 : vector<16xf32>
      %add3A_3428 = arith.constant 80 : i32
      %add3A_3429 = vector.broadcast %add3A_3428 : i32 to vector<16xi32>
      %add3A_3430 = arith.addi %iota3A, %add3A_3429 : vector<16xi32>
      %mul3A_3431 = arith.constant 8 : i32
      %mul3A_3432 = vector.broadcast %mul3A_3431 : i32 to vector<16xi32>
      %mul3A_3433 = arith.muli %add3A_3430, %mul3A_3432 : vector<16xi32>
      %add3A_3434 = arith.constant 2 : i32
      %add3A_3435 = vector.broadcast %add3A_3434 : i32 to vector<16xi32>
      %add3A_3436 = arith.addi %mul3A_3433, %add3A_3435 : vector<16xi32>
      %gather3A_3437 = arith.constant 1 : i32
      %gather3A_3438 = arith.constant 0 : i32
      %gather3A_3439 = arith.constant 0 : i32
      %gather3A_3440 = tpu.memref_slice %arg10[%gather3A_3437, %gather3A_3438, %gather3A_3439] : memref<2x1x1024xf32, #tpu.memory_space<vmem>> -> memref<1x1x1024xf32, #tpu.memory_space<vmem>>
      %gather3A_3441 = tpu.memref_squeeze %gather3A_3440 : memref<1x1x1024xf32, #tpu.memory_space<vmem>> -> memref<1024xf32, #tpu.memory_space<vmem>>
      %gather3A_3442 = tpu.vector_load_idx %gather3A_3441[%add3A_3436] : memref<1024xf32, #tpu.memory_space<vmem>>[vector<16xi32>], vector<16xf32>,
      %bitcast3A_3443 = vector.bitcast %gather3A_3442 : vector<16xf32> to vector<16xi32>
      %add3A_3444 = arith.constant 32767 : i32
      %add3A_3445 = vector.broadcast %add3A_3444 : i32 to vector<16xi32>
      %add3A_3446 = arith.addi %bitcast3A_3443, %add3A_3445 : vector<16xi32>
      %shift_right_arithmetic3A_3447 = arith.constant 16 : i32
      %shift_right_arithmetic3A_3448 = vector.broadcast %shift_right_arithmetic3A_3447 : i32 to vector<16xi32>
      %shift_right_arithmetic3A_3449 = arith.shrsi %bitcast3A_3443, %shift_right_arithmetic3A_3448 : vector<16xi32>
      %and3A_3450 = arith.constant 1 : i32
      %and3A_3451 = vector.broadcast %and3A_3450 : i32 to vector<16xi32>
      %and3A_3452 = arith.andi %shift_right_arithmetic3A_3449, %and3A_3451 : vector<16xi32>
      %add3A_3453 = arith.addi %add3A_3446, %and3A_3452 : vector<16xi32>
      %and3A_3454 = arith.constant -65536 : i32
      %and3A_3455 = vector.broadcast %and3A_3454 : i32 to vector<16xi32>
      %and3A_3456 = arith.andi %add3A_3453, %and3A_3455 : vector<16xi32>
      %bitcast3A_3457 = vector.bitcast %and3A_3456 : vector<16xi32> to vector<16xf32>
      %mul3A_3458 = arith.mulf %bitcast3A_2711, %bitcast3A_3457 : vector<16xf32>
      %add3A_3459 = arith.addf %add3A_3427, %mul3A_3458 : vector<16xf32>
      %add3A_3460 = arith.constant 96 : i32
      %add3A_3461 = vector.broadcast %add3A_3460 : i32 to vector<16xi32>
      %add3A_3462 = arith.addi %iota3A, %add3A_3461 : vector<16xi32>
      %mul3A_3463 = arith.constant 8 : i32
      %mul3A_3464 = vector.broadcast %mul3A_3463 : i32 to vector<16xi32>
      %mul3A_3465 = arith.muli %add3A_3462, %mul3A_3464 : vector<16xi32>
      %add3A_3466 = arith.constant 2 : i32
      %add3A_3467 = vector.broadcast %add3A_3466 : i32 to vector<16xi32>
      %add3A_3468 = arith.addi %mul3A_3465, %add3A_3467 : vector<16xi32>
      %gather3A_3469 = arith.constant 1 : i32
      %gather3A_3470 = arith.constant 0 : i32
      %gather3A_3471 = arith.constant 0 : i32
      %gather3A_3472 = tpu.memref_slice %arg10[%gather3A_3469, %gather3A_3470, %gather3A_3471] : memref<2x1x1024xf32, #tpu.memory_space<vmem>> -> memref<1x1x1024xf32, #tpu.memory_space<vmem>>
      %gather3A_3473 = tpu.memref_squeeze %gather3A_3472 : memref<1x1x1024xf32, #tpu.memory_space<vmem>> -> memref<1024xf32, #tpu.memory_space<vmem>>
      %gather3A_3474 = tpu.vector_load_idx %gather3A_3473[%add3A_3468] : memref<1024xf32, #tpu.memory_space<vmem>>[vector<16xi32>], vector<16xf32>,
      %bitcast3A_3475 = vector.bitcast %gather3A_3474 : vector<16xf32> to vector<16xi32>
      %add3A_3476 = arith.constant 32767 : i32
      %add3A_3477 = vector.broadcast %add3A_3476 : i32 to vector<16xi32>
      %add3A_3478 = arith.addi %bitcast3A_3475, %add3A_3477 : vector<16xi32>
      %shift_right_arithmetic3A_3479 = arith.constant 16 : i32
      %shift_right_arithmetic3A_3480 = vector.broadcast %shift_right_arithmetic3A_3479 : i32 to vector<16xi32>
      %shift_right_arithmetic3A_3481 = arith.shrsi %bitcast3A_3475, %shift_right_arithmetic3A_3480 : vector<16xi32>
      %and3A_3482 = arith.constant 1 : i32
      %and3A_3483 = vector.broadcast %and3A_3482 : i32 to vector<16xi32>
      %and3A_3484 = arith.andi %shift_right_arithmetic3A_3481, %and3A_3483 : vector<16xi32>
      %add3A_3485 = arith.addi %add3A_3478, %and3A_3484 : vector<16xi32>
      %and3A_3486 = arith.constant -65536 : i32
      %and3A_3487 = vector.broadcast %and3A_3486 : i32 to vector<16xi32>
      %and3A_3488 = arith.andi %add3A_3485, %and3A_3487 : vector<16xi32>
      %bitcast3A_3489 = vector.bitcast %and3A_3488 : vector<16xi32> to vector<16xf32>
      %mul3A_3490 = arith.mulf %bitcast3A_2726, %bitcast3A_3489 : vector<16xf32>
      %add3A_3491 = arith.addf %add3A_3459, %mul3A_3490 : vector<16xf32>
      %add3A_3492 = arith.constant 112 : i32
      %add3A_3493 = vector.broadcast %add3A_3492 : i32 to vector<16xi32>
      %add3A_3494 = arith.addi %iota3A, %add3A_3493 : vector<16xi32>
      %mul3A_3495 = arith.constant 8 : i32
      %mul3A_3496 = vector.broadcast %mul3A_3495 : i32 to vector<16xi32>
      %mul3A_3497 = arith.muli %add3A_3494, %mul3A_3496 : vector<16xi32>
      %add3A_3498 = arith.constant 2 : i32
      %add3A_3499 = vector.broadcast %add3A_3498 : i32 to vector<16xi32>
      %add3A_3500 = arith.addi %mul3A_3497, %add3A_3499 : vector<16xi32>
      %gather3A_3501 = arith.constant 1 : i32
      %gather3A_3502 = arith.constant 0 : i32
      %gather3A_3503 = arith.constant 0 : i32
      %gather3A_3504 = tpu.memref_slice %arg10[%gather3A_3501, %gather3A_3502, %gather3A_3503] : memref<2x1x1024xf32, #tpu.memory_space<vmem>> -> memref<1x1x1024xf32, #tpu.memory_space<vmem>>
      %gather3A_3505 = tpu.memref_squeeze %gather3A_3504 : memref<1x1x1024xf32, #tpu.memory_space<vmem>> -> memref<1024xf32, #tpu.memory_space<vmem>>
      %gather3A_3506 = tpu.vector_load_idx %gather3A_3505[%add3A_3500] : memref<1024xf32, #tpu.memory_space<vmem>>[vector<16xi32>], vector<16xf32>,
      %bitcast3A_3507 = vector.bitcast %gather3A_3506 : vector<16xf32> to vector<16xi32>
      %add3A_3508 = arith.constant 32767 : i32
      %add3A_3509 = vector.broadcast %add3A_3508 : i32 to vector<16xi32>
      %add3A_3510 = arith.addi %bitcast3A_3507, %add3A_3509 : vector<16xi32>
      %shift_right_arithmetic3A_3511 = arith.constant 16 : i32
      %shift_right_arithmetic3A_3512 = vector.broadcast %shift_right_arithmetic3A_3511 : i32 to vector<16xi32>
      %shift_right_arithmetic3A_3513 = arith.shrsi %bitcast3A_3507, %shift_right_arithmetic3A_3512 : vector<16xi32>
      %and3A_3514 = arith.constant 1 : i32
      %and3A_3515 = vector.broadcast %and3A_3514 : i32 to vector<16xi32>
      %and3A_3516 = arith.andi %shift_right_arithmetic3A_3513, %and3A_3515 : vector<16xi32>
      %add3A_3517 = arith.addi %add3A_3510, %and3A_3516 : vector<16xi32>
      %and3A_3518 = arith.constant -65536 : i32
      %and3A_3519 = vector.broadcast %and3A_3518 : i32 to vector<16xi32>
      %and3A_3520 = arith.andi %add3A_3517, %and3A_3519 : vector<16xi32>
      %bitcast3A_3521 = vector.bitcast %and3A_3520 : vector<16xi32> to vector<16xf32>
      %mul3A_3522 = arith.mulf %bitcast3A_2741, %bitcast3A_3521 : vector<16xf32>
      %add3A_3523 = arith.addf %add3A_3491, %mul3A_3522 : vector<16xf32>
      %reduce_sum3A_3524 = arith.constant true
      %reduce_sum3A_3525 = vector.broadcast %reduce_sum3A_3524 : i1 to vector<16xi1>
      %reduce_sum3A_3526 = tpu.scan <sum>, %add3A_3523 masked %reduce_sum3A_3525 : vector<16xf32>, vector<16xi1> -> vector<16xf32>
      %reduce_sum3A_3527 = vector.extract %reduce_sum3A_3526[15] : f32 from vector<16xf32>
      %broadcast_in_dim3A_3528 = arith.constant 0.000000e+00 : f32
      %broadcast_in_dim3A_3529 = vector.broadcast %broadcast_in_dim3A_3528 : f32 to vector<16xf32>
      %add3A_3530 = arith.constant 0 : i32
      %add3A_3531 = vector.broadcast %add3A_3530 : i32 to vector<16xi32>
      %add3A_3532 = arith.addi %iota3A, %add3A_3531 : vector<16xi32>
      %mul3A_3533 = arith.constant 8 : i32
      %mul3A_3534 = vector.broadcast %mul3A_3533 : i32 to vector<16xi32>
      %mul3A_3535 = arith.muli %add3A_3532, %mul3A_3534 : vector<16xi32>
      %add3A_3536 = arith.constant 3 : i32
      %add3A_3537 = vector.broadcast %add3A_3536 : i32 to vector<16xi32>
      %add3A_3538 = arith.addi %mul3A_3535, %add3A_3537 : vector<16xi32>
      %gather3A_3539 = arith.constant 1 : i32
      %gather3A_3540 = arith.constant 0 : i32
      %gather3A_3541 = arith.constant 0 : i32
      %gather3A_3542 = tpu.memref_slice %arg10[%gather3A_3539, %gather3A_3540, %gather3A_3541] : memref<2x1x1024xf32, #tpu.memory_space<vmem>> -> memref<1x1x1024xf32, #tpu.memory_space<vmem>>
      %gather3A_3543 = tpu.memref_squeeze %gather3A_3542 : memref<1x1x1024xf32, #tpu.memory_space<vmem>> -> memref<1024xf32, #tpu.memory_space<vmem>>
      %gather3A_3544 = tpu.vector_load_idx %gather3A_3543[%add3A_3538] : memref<1024xf32, #tpu.memory_space<vmem>>[vector<16xi32>], vector<16xf32>,
      %bitcast3A_3545 = vector.bitcast %gather3A_3544 : vector<16xf32> to vector<16xi32>
      %add3A_3546 = arith.constant 32767 : i32
      %add3A_3547 = vector.broadcast %add3A_3546 : i32 to vector<16xi32>
      %add3A_3548 = arith.addi %bitcast3A_3545, %add3A_3547 : vector<16xi32>
      %shift_right_arithmetic3A_3549 = arith.constant 16 : i32
      %shift_right_arithmetic3A_3550 = vector.broadcast %shift_right_arithmetic3A_3549 : i32 to vector<16xi32>
      %shift_right_arithmetic3A_3551 = arith.shrsi %bitcast3A_3545, %shift_right_arithmetic3A_3550 : vector<16xi32>
      %and3A_3552 = arith.constant 1 : i32
      %and3A_3553 = vector.broadcast %and3A_3552 : i32 to vector<16xi32>
      %and3A_3554 = arith.andi %shift_right_arithmetic3A_3551, %and3A_3553 : vector<16xi32>
      %add3A_3555 = arith.addi %add3A_3548, %and3A_3554 : vector<16xi32>
      %and3A_3556 = arith.constant -65536 : i32
      %and3A_3557 = vector.broadcast %and3A_3556 : i32 to vector<16xi32>
      %and3A_3558 = arith.andi %add3A_3555, %and3A_3557 : vector<16xi32>
      %bitcast3A_3559 = vector.bitcast %and3A_3558 : vector<16xi32> to vector<16xf32>
      %mul3A_3560 = arith.mulf %bitcast3A_2636, %bitcast3A_3559 : vector<16xf32>
      %add3A_3561 = arith.addf %broadcast_in_dim3A_3529, %mul3A_3560 : vector<16xf32>
      %add3A_3562 = arith.constant 16 : i32
      %add3A_3563 = vector.broadcast %add3A_3562 : i32 to vector<16xi32>
      %add3A_3564 = arith.addi %iota3A, %add3A_3563 : vector<16xi32>
      %mul3A_3565 = arith.constant 8 : i32
      %mul3A_3566 = vector.broadcast %mul3A_3565 : i32 to vector<16xi32>
      %mul3A_3567 = arith.muli %add3A_3564, %mul3A_3566 : vector<16xi32>
      %add3A_3568 = arith.constant 3 : i32
      %add3A_3569 = vector.broadcast %add3A_3568 : i32 to vector<16xi32>
      %add3A_3570 = arith.addi %mul3A_3567, %add3A_3569 : vector<16xi32>
      %gather3A_3571 = arith.constant 1 : i32
      %gather3A_3572 = arith.constant 0 : i32
      %gather3A_3573 = arith.constant 0 : i32
      %gather3A_3574 = tpu.memref_slice %arg10[%gather3A_3571, %gather3A_3572, %gather3A_3573] : memref<2x1x1024xf32, #tpu.memory_space<vmem>> -> memref<1x1x1024xf32, #tpu.memory_space<vmem>>
      %gather3A_3575 = tpu.memref_squeeze %gather3A_3574 : memref<1x1x1024xf32, #tpu.memory_space<vmem>> -> memref<1024xf32, #tpu.memory_space<vmem>>
      %gather3A_3576 = tpu.vector_load_idx %gather3A_3575[%add3A_3570] : memref<1024xf32, #tpu.memory_space<vmem>>[vector<16xi32>], vector<16xf32>,
      %bitcast3A_3577 = vector.bitcast %gather3A_3576 : vector<16xf32> to vector<16xi32>
      %add3A_3578 = arith.constant 32767 : i32
      %add3A_3579 = vector.broadcast %add3A_3578 : i32 to vector<16xi32>
      %add3A_3580 = arith.addi %bitcast3A_3577, %add3A_3579 : vector<16xi32>
      %shift_right_arithmetic3A_3581 = arith.constant 16 : i32
      %shift_right_arithmetic3A_3582 = vector.broadcast %shift_right_arithmetic3A_3581 : i32 to vector<16xi32>
      %shift_right_arithmetic3A_3583 = arith.shrsi %bitcast3A_3577, %shift_right_arithmetic3A_3582 : vector<16xi32>
      %and3A_3584 = arith.constant 1 : i32
      %and3A_3585 = vector.broadcast %and3A_3584 : i32 to vector<16xi32>
      %and3A_3586 = arith.andi %shift_right_arithmetic3A_3583, %and3A_3585 : vector<16xi32>
      %add3A_3587 = arith.addi %add3A_3580, %and3A_3586 : vector<16xi32>
      %and3A_3588 = arith.constant -65536 : i32
      %and3A_3589 = vector.broadcast %and3A_3588 : i32 to vector<16xi32>
      %and3A_3590 = arith.andi %add3A_3587, %and3A_3589 : vector<16xi32>
      %bitcast3A_3591 = vector.bitcast %and3A_3590 : vector<16xi32> to vector<16xf32>
      %mul3A_3592 = arith.mulf %bitcast3A_2651, %bitcast3A_3591 : vector<16xf32>
      %add3A_3593 = arith.addf %add3A_3561, %mul3A_3592 : vector<16xf32>
      %add3A_3594 = arith.constant 32 : i32
      %add3A_3595 = vector.broadcast %add3A_3594 : i32 to vector<16xi32>
      %add3A_3596 = arith.addi %iota3A, %add3A_3595 : vector<16xi32>
      %mul3A_3597 = arith.constant 8 : i32
      %mul3A_3598 = vector.broadcast %mul3A_3597 : i32 to vector<16xi32>
      %mul3A_3599 = arith.muli %add3A_3596, %mul3A_3598 : vector<16xi32>
      %add3A_3600 = arith.constant 3 : i32
      %add3A_3601 = vector.broadcast %add3A_3600 : i32 to vector<16xi32>
      %add3A_3602 = arith.addi %mul3A_3599, %add3A_3601 : vector<16xi32>
      %gather3A_3603 = arith.constant 1 : i32
      %gather3A_3604 = arith.constant 0 : i32
      %gather3A_3605 = arith.constant 0 : i32
      %gather3A_3606 = tpu.memref_slice %arg10[%gather3A_3603, %gather3A_3604, %gather3A_3605] : memref<2x1x1024xf32, #tpu.memory_space<vmem>> -> memref<1x1x1024xf32, #tpu.memory_space<vmem>>
      %gather3A_3607 = tpu.memref_squeeze %gather3A_3606 : memref<1x1x1024xf32, #tpu.memory_space<vmem>> -> memref<1024xf32, #tpu.memory_space<vmem>>
      %gather3A_3608 = tpu.vector_load_idx %gather3A_3607[%add3A_3602] : memref<1024xf32, #tpu.memory_space<vmem>>[vector<16xi32>], vector<16xf32>,
      %bitcast3A_3609 = vector.bitcast %gather3A_3608 : vector<16xf32> to vector<16xi32>
      %add3A_3610 = arith.constant 32767 : i32
      %add3A_3611 = vector.broadcast %add3A_3610 : i32 to vector<16xi32>
      %add3A_3612 = arith.addi %bitcast3A_3609, %add3A_3611 : vector<16xi32>
      %shift_right_arithmetic3A_3613 = arith.constant 16 : i32
      %shift_right_arithmetic3A_3614 = vector.broadcast %shift_right_arithmetic3A_3613 : i32 to vector<16xi32>
      %shift_right_arithmetic3A_3615 = arith.shrsi %bitcast3A_3609, %shift_right_arithmetic3A_3614 : vector<16xi32>
      %and3A_3616 = arith.constant 1 : i32
      %and3A_3617 = vector.broadcast %and3A_3616 : i32 to vector<16xi32>
      %and3A_3618 = arith.andi %shift_right_arithmetic3A_3615, %and3A_3617 : vector<16xi32>
      %add3A_3619 = arith.addi %add3A_3612, %and3A_3618 : vector<16xi32>
      %and3A_3620 = arith.constant -65536 : i32
      %and3A_3621 = vector.broadcast %and3A_3620 : i32 to vector<16xi32>
      %and3A_3622 = arith.andi %add3A_3619, %and3A_3621 : vector<16xi32>
      %bitcast3A_3623 = vector.bitcast %and3A_3622 : vector<16xi32> to vector<16xf32>
      %mul3A_3624 = arith.mulf %bitcast3A_2666, %bitcast3A_3623 : vector<16xf32>
      %add3A_3625 = arith.addf %add3A_3593, %mul3A_3624 : vector<16xf32>
      %add3A_3626 = arith.constant 48 : i32
      %add3A_3627 = vector.broadcast %add3A_3626 : i32 to vector<16xi32>
      %add3A_3628 = arith.addi %iota3A, %add3A_3627 : vector<16xi32>
      %mul3A_3629 = arith.constant 8 : i32
      %mul3A_3630 = vector.broadcast %mul3A_3629 : i32 to vector<16xi32>
      %mul3A_3631 = arith.muli %add3A_3628, %mul3A_3630 : vector<16xi32>
      %add3A_3632 = arith.constant 3 : i32
      %add3A_3633 = vector.broadcast %add3A_3632 : i32 to vector<16xi32>
      %add3A_3634 = arith.addi %mul3A_3631, %add3A_3633 : vector<16xi32>
      %gather3A_3635 = arith.constant 1 : i32
      %gather3A_3636 = arith.constant 0 : i32
      %gather3A_3637 = arith.constant 0 : i32
      %gather3A_3638 = tpu.memref_slice %arg10[%gather3A_3635, %gather3A_3636, %gather3A_3637] : memref<2x1x1024xf32, #tpu.memory_space<vmem>> -> memref<1x1x1024xf32, #tpu.memory_space<vmem>>
      %gather3A_3639 = tpu.memref_squeeze %gather3A_3638 : memref<1x1x1024xf32, #tpu.memory_space<vmem>> -> memref<1024xf32, #tpu.memory_space<vmem>>
      %gather3A_3640 = tpu.vector_load_idx %gather3A_3639[%add3A_3634] : memref<1024xf32, #tpu.memory_space<vmem>>[vector<16xi32>], vector<16xf32>,
      %bitcast3A_3641 = vector.bitcast %gather3A_3640 : vector<16xf32> to vector<16xi32>
      %add3A_3642 = arith.constant 32767 : i32
      %add3A_3643 = vector.broadcast %add3A_3642 : i32 to vector<16xi32>
      %add3A_3644 = arith.addi %bitcast3A_3641, %add3A_3643 : vector<16xi32>
      %shift_right_arithmetic3A_3645 = arith.constant 16 : i32
      %shift_right_arithmetic3A_3646 = vector.broadcast %shift_right_arithmetic3A_3645 : i32 to vector<16xi32>
      %shift_right_arithmetic3A_3647 = arith.shrsi %bitcast3A_3641, %shift_right_arithmetic3A_3646 : vector<16xi32>
      %and3A_3648 = arith.constant 1 : i32
      %and3A_3649 = vector.broadcast %and3A_3648 : i32 to vector<16xi32>
      %and3A_3650 = arith.andi %shift_right_arithmetic3A_3647, %and3A_3649 : vector<16xi32>
      %add3A_3651 = arith.addi %add3A_3644, %and3A_3650 : vector<16xi32>
      %and3A_3652 = arith.constant -65536 : i32
      %and3A_3653 = vector.broadcast %and3A_3652 : i32 to vector<16xi32>
      %and3A_3654 = arith.andi %add3A_3651, %and3A_3653 : vector<16xi32>
      %bitcast3A_3655 = vector.bitcast %and3A_3654 : vector<16xi32> to vector<16xf32>
      %mul3A_3656 = arith.mulf %bitcast3A_2681, %bitcast3A_3655 : vector<16xf32>
      %add3A_3657 = arith.addf %add3A_3625, %mul3A_3656 : vector<16xf32>
      %add3A_3658 = arith.constant 64 : i32
      %add3A_3659 = vector.broadcast %add3A_3658 : i32 to vector<16xi32>
      %add3A_3660 = arith.addi %iota3A, %add3A_3659 : vector<16xi32>
      %mul3A_3661 = arith.constant 8 : i32
      %mul3A_3662 = vector.broadcast %mul3A_3661 : i32 to vector<16xi32>
      %mul3A_3663 = arith.muli %add3A_3660, %mul3A_3662 : vector<16xi32>
      %add3A_3664 = arith.constant 3 : i32
      %add3A_3665 = vector.broadcast %add3A_3664 : i32 to vector<16xi32>
      %add3A_3666 = arith.addi %mul3A_3663, %add3A_3665 : vector<16xi32>
      %gather3A_3667 = arith.constant 1 : i32
      %gather3A_3668 = arith.constant 0 : i32
      %gather3A_3669 = arith.constant 0 : i32
      %gather3A_3670 = tpu.memref_slice %arg10[%gather3A_3667, %gather3A_3668, %gather3A_3669] : memref<2x1x1024xf32, #tpu.memory_space<vmem>> -> memref<1x1x1024xf32, #tpu.memory_space<vmem>>
      %gather3A_3671 = tpu.memref_squeeze %gather3A_3670 : memref<1x1x1024xf32, #tpu.memory_space<vmem>> -> memref<1024xf32, #tpu.memory_space<vmem>>
      %gather3A_3672 = tpu.vector_load_idx %gather3A_3671[%add3A_3666] : memref<1024xf32, #tpu.memory_space<vmem>>[vector<16xi32>], vector<16xf32>,
      %bitcast3A_3673 = vector.bitcast %gather3A_3672 : vector<16xf32> to vector<16xi32>
      %add3A_3674 = arith.constant 32767 : i32
      %add3A_3675 = vector.broadcast %add3A_3674 : i32 to vector<16xi32>
      %add3A_3676 = arith.addi %bitcast3A_3673, %add3A_3675 : vector<16xi32>
      %shift_right_arithmetic3A_3677 = arith.constant 16 : i32
      %shift_right_arithmetic3A_3678 = vector.broadcast %shift_right_arithmetic3A_3677 : i32 to vector<16xi32>
      %shift_right_arithmetic3A_3679 = arith.shrsi %bitcast3A_3673, %shift_right_arithmetic3A_3678 : vector<16xi32>
      %and3A_3680 = arith.constant 1 : i32
      %and3A_3681 = vector.broadcast %and3A_3680 : i32 to vector<16xi32>
      %and3A_3682 = arith.andi %shift_right_arithmetic3A_3679, %and3A_3681 : vector<16xi32>
      %add3A_3683 = arith.addi %add3A_3676, %and3A_3682 : vector<16xi32>
      %and3A_3684 = arith.constant -65536 : i32
      %and3A_3685 = vector.broadcast %and3A_3684 : i32 to vector<16xi32>
      %and3A_3686 = arith.andi %add3A_3683, %and3A_3685 : vector<16xi32>
      %bitcast3A_3687 = vector.bitcast %and3A_3686 : vector<16xi32> to vector<16xf32>
      %mul3A_3688 = arith.mulf %bitcast3A_2696, %bitcast3A_3687 : vector<16xf32>
      %add3A_3689 = arith.addf %add3A_3657, %mul3A_3688 : vector<16xf32>
      %add3A_3690 = arith.constant 80 : i32
      %add3A_3691 = vector.broadcast %add3A_3690 : i32 to vector<16xi32>
      %add3A_3692 = arith.addi %iota3A, %add3A_3691 : vector<16xi32>
      %mul3A_3693 = arith.constant 8 : i32
      %mul3A_3694 = vector.broadcast %mul3A_3693 : i32 to vector<16xi32>
      %mul3A_3695 = arith.muli %add3A_3692, %mul3A_3694 : vector<16xi32>
      %add3A_3696 = arith.constant 3 : i32
      %add3A_3697 = vector.broadcast %add3A_3696 : i32 to vector<16xi32>
      %add3A_3698 = arith.addi %mul3A_3695, %add3A_3697 : vector<16xi32>
      %gather3A_3699 = arith.constant 1 : i32
      %gather3A_3700 = arith.constant 0 : i32
      %gather3A_3701 = arith.constant 0 : i32
      %gather3A_3702 = tpu.memref_slice %arg10[%gather3A_3699, %gather3A_3700, %gather3A_3701] : memref<2x1x1024xf32, #tpu.memory_space<vmem>> -> memref<1x1x1024xf32, #tpu.memory_space<vmem>>
      %gather3A_3703 = tpu.memref_squeeze %gather3A_3702 : memref<1x1x1024xf32, #tpu.memory_space<vmem>> -> memref<1024xf32, #tpu.memory_space<vmem>>
      %gather3A_3704 = tpu.vector_load_idx %gather3A_3703[%add3A_3698] : memref<1024xf32, #tpu.memory_space<vmem>>[vector<16xi32>], vector<16xf32>,
      %bitcast3A_3705 = vector.bitcast %gather3A_3704 : vector<16xf32> to vector<16xi32>
      %add3A_3706 = arith.constant 32767 : i32
      %add3A_3707 = vector.broadcast %add3A_3706 : i32 to vector<16xi32>
      %add3A_3708 = arith.addi %bitcast3A_3705, %add3A_3707 : vector<16xi32>
      %shift_right_arithmetic3A_3709 = arith.constant 16 : i32
      %shift_right_arithmetic3A_3710 = vector.broadcast %shift_right_arithmetic3A_3709 : i32 to vector<16xi32>
      %shift_right_arithmetic3A_3711 = arith.shrsi %bitcast3A_3705, %shift_right_arithmetic3A_3710 : vector<16xi32>
      %and3A_3712 = arith.constant 1 : i32
      %and3A_3713 = vector.broadcast %and3A_3712 : i32 to vector<16xi32>
      %and3A_3714 = arith.andi %shift_right_arithmetic3A_3711, %and3A_3713 : vector<16xi32>
      %add3A_3715 = arith.addi %add3A_3708, %and3A_3714 : vector<16xi32>
      %and3A_3716 = arith.constant -65536 : i32
      %and3A_3717 = vector.broadcast %and3A_3716 : i32 to vector<16xi32>
      %and3A_3718 = arith.andi %add3A_3715, %and3A_3717 : vector<16xi32>
      %bitcast3A_3719 = vector.bitcast %and3A_3718 : vector<16xi32> to vector<16xf32>
      %mul3A_3720 = arith.mulf %bitcast3A_2711, %bitcast3A_3719 : vector<16xf32>
      %add3A_3721 = arith.addf %add3A_3689, %mul3A_3720 : vector<16xf32>
      %add3A_3722 = arith.constant 96 : i32
      %add3A_3723 = vector.broadcast %add3A_3722 : i32 to vector<16xi32>
      %add3A_3724 = arith.addi %iota3A, %add3A_3723 : vector<16xi32>
      %mul3A_3725 = arith.constant 8 : i32
      %mul3A_3726 = vector.broadcast %mul3A_3725 : i32 to vector<16xi32>
      %mul3A_3727 = arith.muli %add3A_3724, %mul3A_3726 : vector<16xi32>
      %add3A_3728 = arith.constant 3 : i32
      %add3A_3729 = vector.broadcast %add3A_3728 : i32 to vector<16xi32>
      %add3A_3730 = arith.addi %mul3A_3727, %add3A_3729 : vector<16xi32>
      %gather3A_3731 = arith.constant 1 : i32
      %gather3A_3732 = arith.constant 0 : i32
      %gather3A_3733 = arith.constant 0 : i32
      %gather3A_3734 = tpu.memref_slice %arg10[%gather3A_3731, %gather3A_3732, %gather3A_3733] : memref<2x1x1024xf32, #tpu.memory_space<vmem>> -> memref<1x1x1024xf32, #tpu.memory_space<vmem>>
      %gather3A_3735 = tpu.memref_squeeze %gather3A_3734 : memref<1x1x1024xf32, #tpu.memory_space<vmem>> -> memref<1024xf32, #tpu.memory_space<vmem>>
      %gather3A_3736 = tpu.vector_load_idx %gather3A_3735[%add3A_3730] : memref<1024xf32, #tpu.memory_space<vmem>>[vector<16xi32>], vector<16xf32>,
      %bitcast3A_3737 = vector.bitcast %gather3A_3736 : vector<16xf32> to vector<16xi32>
      %add3A_3738 = arith.constant 32767 : i32
      %add3A_3739 = vector.broadcast %add3A_3738 : i32 to vector<16xi32>
      %add3A_3740 = arith.addi %bitcast3A_3737, %add3A_3739 : vector<16xi32>
      %shift_right_arithmetic3A_3741 = arith.constant 16 : i32
      %shift_right_arithmetic3A_3742 = vector.broadcast %shift_right_arithmetic3A_3741 : i32 to vector<16xi32>
      %shift_right_arithmetic3A_3743 = arith.shrsi %bitcast3A_3737, %shift_right_arithmetic3A_3742 : vector<16xi32>
      %and3A_3744 = arith.constant 1 : i32
      %and3A_3745 = vector.broadcast %and3A_3744 : i32 to vector<16xi32>
      %and3A_3746 = arith.andi %shift_right_arithmetic3A_3743, %and3A_3745 : vector<16xi32>
      %add3A_3747 = arith.addi %add3A_3740, %and3A_3746 : vector<16xi32>
      %and3A_3748 = arith.constant -65536 : i32
      %and3A_3749 = vector.broadcast %and3A_3748 : i32 to vector<16xi32>
      %and3A_3750 = arith.andi %add3A_3747, %and3A_3749 : vector<16xi32>
      %bitcast3A_3751 = vector.bitcast %and3A_3750 : vector<16xi32> to vector<16xf32>
      %mul3A_3752 = arith.mulf %bitcast3A_2726, %bitcast3A_3751 : vector<16xf32>
      %add3A_3753 = arith.addf %add3A_3721, %mul3A_3752 : vector<16xf32>
      %add3A_3754 = arith.constant 112 : i32
      %add3A_3755 = vector.broadcast %add3A_3754 : i32 to vector<16xi32>
      %add3A_3756 = arith.addi %iota3A, %add3A_3755 : vector<16xi32>
      %mul3A_3757 = arith.constant 8 : i32
      %mul3A_3758 = vector.broadcast %mul3A_3757 : i32 to vector<16xi32>
      %mul3A_3759 = arith.muli %add3A_3756, %mul3A_3758 : vector<16xi32>
      %add3A_3760 = arith.constant 3 : i32
      %add3A_3761 = vector.broadcast %add3A_3760 : i32 to vector<16xi32>
      %add3A_3762 = arith.addi %mul3A_3759, %add3A_3761 : vector<16xi32>
      %gather3A_3763 = arith.constant 1 : i32
      %gather3A_3764 = arith.constant 0 : i32
      %gather3A_3765 = arith.constant 0 : i32
      %gather3A_3766 = tpu.memref_slice %arg10[%gather3A_3763, %gather3A_3764, %gather3A_3765] : memref<2x1x1024xf32, #tpu.memory_space<vmem>> -> memref<1x1x1024xf32, #tpu.memory_space<vmem>>
      %gather3A_3767 = tpu.memref_squeeze %gather3A_3766 : memref<1x1x1024xf32, #tpu.memory_space<vmem>> -> memref<1024xf32, #tpu.memory_space<vmem>>
      %gather3A_3768 = tpu.vector_load_idx %gather3A_3767[%add3A_3762] : memref<1024xf32, #tpu.memory_space<vmem>>[vector<16xi32>], vector<16xf32>,
      %bitcast3A_3769 = vector.bitcast %gather3A_3768 : vector<16xf32> to vector<16xi32>
      %add3A_3770 = arith.constant 32767 : i32
      %add3A_3771 = vector.broadcast %add3A_3770 : i32 to vector<16xi32>
      %add3A_3772 = arith.addi %bitcast3A_3769, %add3A_3771 : vector<16xi32>
      %shift_right_arithmetic3A_3773 = arith.constant 16 : i32
      %shift_right_arithmetic3A_3774 = vector.broadcast %shift_right_arithmetic3A_3773 : i32 to vector<16xi32>
      %shift_right_arithmetic3A_3775 = arith.shrsi %bitcast3A_3769, %shift_right_arithmetic3A_3774 : vector<16xi32>
      %and3A_3776 = arith.constant 1 : i32
      %and3A_3777 = vector.broadcast %and3A_3776 : i32 to vector<16xi32>
      %and3A_3778 = arith.andi %shift_right_arithmetic3A_3775, %and3A_3777 : vector<16xi32>
      %add3A_3779 = arith.addi %add3A_3772, %and3A_3778 : vector<16xi32>
      %and3A_3780 = arith.constant -65536 : i32
      %and3A_3781 = vector.broadcast %and3A_3780 : i32 to vector<16xi32>
      %and3A_3782 = arith.andi %add3A_3779, %and3A_3781 : vector<16xi32>
      %bitcast3A_3783 = vector.bitcast %and3A_3782 : vector<16xi32> to vector<16xf32>
      %mul3A_3784 = arith.mulf %bitcast3A_2741, %bitcast3A_3783 : vector<16xf32>
      %add3A_3785 = arith.addf %add3A_3753, %mul3A_3784 : vector<16xf32>
      %reduce_sum3A_3786 = arith.constant true
      %reduce_sum3A_3787 = vector.broadcast %reduce_sum3A_3786 : i1 to vector<16xi1>
      %reduce_sum3A_3788 = tpu.scan <sum>, %add3A_3785 masked %reduce_sum3A_3787 : vector<16xf32>, vector<16xi1> -> vector<16xf32>
      %reduce_sum3A_3789 = vector.extract %reduce_sum3A_3788[15] : f32 from vector<16xf32>
      %broadcast_in_dim3A_3790 = arith.constant 0.000000e+00 : f32
      %broadcast_in_dim3A_3791 = vector.broadcast %broadcast_in_dim3A_3790 : f32 to vector<16xf32>
      %add3A_3792 = arith.constant 0 : i32
      %add3A_3793 = vector.broadcast %add3A_3792 : i32 to vector<16xi32>
      %add3A_3794 = arith.addi %iota3A, %add3A_3793 : vector<16xi32>
      %mul3A_3795 = arith.constant 8 : i32
      %mul3A_3796 = vector.broadcast %mul3A_3795 : i32 to vector<16xi32>
      %mul3A_3797 = arith.muli %add3A_3794, %mul3A_3796 : vector<16xi32>
      %add3A_3798 = arith.constant 4 : i32
      %add3A_3799 = vector.broadcast %add3A_3798 : i32 to vector<16xi32>
      %add3A_3800 = arith.addi %mul3A_3797, %add3A_3799 : vector<16xi32>
      %gather3A_3801 = arith.constant 1 : i32
      %gather3A_3802 = arith.constant 0 : i32
      %gather3A_3803 = arith.constant 0 : i32
      %gather3A_3804 = tpu.memref_slice %arg10[%gather3A_3801, %gather3A_3802, %gather3A_3803] : memref<2x1x1024xf32, #tpu.memory_space<vmem>> -> memref<1x1x1024xf32, #tpu.memory_space<vmem>>
      %gather3A_3805 = tpu.memref_squeeze %gather3A_3804 : memref<1x1x1024xf32, #tpu.memory_space<vmem>> -> memref<1024xf32, #tpu.memory_space<vmem>>
      %gather3A_3806 = tpu.vector_load_idx %gather3A_3805[%add3A_3800] : memref<1024xf32, #tpu.memory_space<vmem>>[vector<16xi32>], vector<16xf32>,
      %bitcast3A_3807 = vector.bitcast %gather3A_3806 : vector<16xf32> to vector<16xi32>
      %add3A_3808 = arith.constant 32767 : i32
      %add3A_3809 = vector.broadcast %add3A_3808 : i32 to vector<16xi32>
      %add3A_3810 = arith.addi %bitcast3A_3807, %add3A_3809 : vector<16xi32>
      %shift_right_arithmetic3A_3811 = arith.constant 16 : i32
      %shift_right_arithmetic3A_3812 = vector.broadcast %shift_right_arithmetic3A_3811 : i32 to vector<16xi32>
      %shift_right_arithmetic3A_3813 = arith.shrsi %bitcast3A_3807, %shift_right_arithmetic3A_3812 : vector<16xi32>
      %and3A_3814 = arith.constant 1 : i32
      %and3A_3815 = vector.broadcast %and3A_3814 : i32 to vector<16xi32>
      %and3A_3816 = arith.andi %shift_right_arithmetic3A_3813, %and3A_3815 : vector<16xi32>
      %add3A_3817 = arith.addi %add3A_3810, %and3A_3816 : vector<16xi32>
      %and3A_3818 = arith.constant -65536 : i32
      %and3A_3819 = vector.broadcast %and3A_3818 : i32 to vector<16xi32>
      %and3A_3820 = arith.andi %add3A_3817, %and3A_3819 : vector<16xi32>
      %bitcast3A_3821 = vector.bitcast %and3A_3820 : vector<16xi32> to vector<16xf32>
      %mul3A_3822 = arith.mulf %bitcast3A_2636, %bitcast3A_3821 : vector<16xf32>
      %add3A_3823 = arith.addf %broadcast_in_dim3A_3791, %mul3A_3822 : vector<16xf32>
      %add3A_3824 = arith.constant 16 : i32
      %add3A_3825 = vector.broadcast %add3A_3824 : i32 to vector<16xi32>
      %add3A_3826 = arith.addi %iota3A, %add3A_3825 : vector<16xi32>
      %mul3A_3827 = arith.constant 8 : i32
      %mul3A_3828 = vector.broadcast %mul3A_3827 : i32 to vector<16xi32>
      %mul3A_3829 = arith.muli %add3A_3826, %mul3A_3828 : vector<16xi32>
      %add3A_3830 = arith.constant 4 : i32
      %add3A_3831 = vector.broadcast %add3A_3830 : i32 to vector<16xi32>
      %add3A_3832 = arith.addi %mul3A_3829, %add3A_3831 : vector<16xi32>
      %gather3A_3833 = arith.constant 1 : i32
      %gather3A_3834 = arith.constant 0 : i32
      %gather3A_3835 = arith.constant 0 : i32
      %gather3A_3836 = tpu.memref_slice %arg10[%gather3A_3833, %gather3A_3834, %gather3A_3835] : memref<2x1x1024xf32, #tpu.memory_space<vmem>> -> memref<1x1x1024xf32, #tpu.memory_space<vmem>>
      %gather3A_3837 = tpu.memref_squeeze %gather3A_3836 : memref<1x1x1024xf32, #tpu.memory_space<vmem>> -> memref<1024xf32, #tpu.memory_space<vmem>>
      %gather3A_3838 = tpu.vector_load_idx %gather3A_3837[%add3A_3832] : memref<1024xf32, #tpu.memory_space<vmem>>[vector<16xi32>], vector<16xf32>,
      %bitcast3A_3839 = vector.bitcast %gather3A_3838 : vector<16xf32> to vector<16xi32>
      %add3A_3840 = arith.constant 32767 : i32
      %add3A_3841 = vector.broadcast %add3A_3840 : i32 to vector<16xi32>
      %add3A_3842 = arith.addi %bitcast3A_3839, %add3A_3841 : vector<16xi32>
      %shift_right_arithmetic3A_3843 = arith.constant 16 : i32
      %shift_right_arithmetic3A_3844 = vector.broadcast %shift_right_arithmetic3A_3843 : i32 to vector<16xi32>
      %shift_right_arithmetic3A_3845 = arith.shrsi %bitcast3A_3839, %shift_right_arithmetic3A_3844 : vector<16xi32>
      %and3A_3846 = arith.constant 1 : i32
      %and3A_3847 = vector.broadcast %and3A_3846 : i32 to vector<16xi32>
      %and3A_3848 = arith.andi %shift_right_arithmetic3A_3845, %and3A_3847 : vector<16xi32>
      %add3A_3849 = arith.addi %add3A_3842, %and3A_3848 : vector<16xi32>
      %and3A_3850 = arith.constant -65536 : i32
      %and3A_3851 = vector.broadcast %and3A_3850 : i32 to vector<16xi32>
      %and3A_3852 = arith.andi %add3A_3849, %and3A_3851 : vector<16xi32>
      %bitcast3A_3853 = vector.bitcast %and3A_3852 : vector<16xi32> to vector<16xf32>
      %mul3A_3854 = arith.mulf %bitcast3A_2651, %bitcast3A_3853 : vector<16xf32>
      %add3A_3855 = arith.addf %add3A_3823, %mul3A_3854 : vector<16xf32>
      %add3A_3856 = arith.constant 32 : i32
      %add3A_3857 = vector.broadcast %add3A_3856 : i32 to vector<16xi32>
      %add3A_3858 = arith.addi %iota3A, %add3A_3857 : vector<16xi32>
      %mul3A_3859 = arith.constant 8 : i32
      %mul3A_3860 = vector.broadcast %mul3A_3859 : i32 to vector<16xi32>
      %mul3A_3861 = arith.muli %add3A_3858, %mul3A_3860 : vector<16xi32>
      %add3A_3862 = arith.constant 4 : i32
      %add3A_3863 = vector.broadcast %add3A_3862 : i32 to vector<16xi32>
      %add3A_3864 = arith.addi %mul3A_3861, %add3A_3863 : vector<16xi32>
      %gather3A_3865 = arith.constant 1 : i32
      %gather3A_3866 = arith.constant 0 : i32
      %gather3A_3867 = arith.constant 0 : i32
      %gather3A_3868 = tpu.memref_slice %arg10[%gather3A_3865, %gather3A_3866, %gather3A_3867] : memref<2x1x1024xf32, #tpu.memory_space<vmem>> -> memref<1x1x1024xf32, #tpu.memory_space<vmem>>
      %gather3A_3869 = tpu.memref_squeeze %gather3A_3868 : memref<1x1x1024xf32, #tpu.memory_space<vmem>> -> memref<1024xf32, #tpu.memory_space<vmem>>
      %gather3A_3870 = tpu.vector_load_idx %gather3A_3869[%add3A_3864] : memref<1024xf32, #tpu.memory_space<vmem>>[vector<16xi32>], vector<16xf32>,
      %bitcast3A_3871 = vector.bitcast %gather3A_3870 : vector<16xf32> to vector<16xi32>
      %add3A_3872 = arith.constant 32767 : i32
      %add3A_3873 = vector.broadcast %add3A_3872 : i32 to vector<16xi32>
      %add3A_3874 = arith.addi %bitcast3A_3871, %add3A_3873 : vector<16xi32>
      %shift_right_arithmetic3A_3875 = arith.constant 16 : i32
      %shift_right_arithmetic3A_3876 = vector.broadcast %shift_right_arithmetic3A_3875 : i32 to vector<16xi32>
      %shift_right_arithmetic3A_3877 = arith.shrsi %bitcast3A_3871, %shift_right_arithmetic3A_3876 : vector<16xi32>
      %and3A_3878 = arith.constant 1 : i32
      %and3A_3879 = vector.broadcast %and3A_3878 : i32 to vector<16xi32>
      %and3A_3880 = arith.andi %shift_right_arithmetic3A_3877, %and3A_3879 : vector<16xi32>
      %add3A_3881 = arith.addi %add3A_3874, %and3A_3880 : vector<16xi32>
      %and3A_3882 = arith.constant -65536 : i32
      %and3A_3883 = vector.broadcast %and3A_3882 : i32 to vector<16xi32>
      %and3A_3884 = arith.andi %add3A_3881, %and3A_3883 : vector<16xi32>
      %bitcast3A_3885 = vector.bitcast %and3A_3884 : vector<16xi32> to vector<16xf32>
      %mul3A_3886 = arith.mulf %bitcast3A_2666, %bitcast3A_3885 : vector<16xf32>
      %add3A_3887 = arith.addf %add3A_3855, %mul3A_3886 : vector<16xf32>
      %add3A_3888 = arith.constant 48 : i32
      %add3A_3889 = vector.broadcast %add3A_3888 : i32 to vector<16xi32>
      %add3A_3890 = arith.addi %iota3A, %add3A_3889 : vector<16xi32>
      %mul3A_3891 = arith.constant 8 : i32
      %mul3A_3892 = vector.broadcast %mul3A_3891 : i32 to vector<16xi32>
      %mul3A_3893 = arith.muli %add3A_3890, %mul3A_3892 : vector<16xi32>
      %add3A_3894 = arith.constant 4 : i32
      %add3A_3895 = vector.broadcast %add3A_3894 : i32 to vector<16xi32>
      %add3A_3896 = arith.addi %mul3A_3893, %add3A_3895 : vector<16xi32>
      %gather3A_3897 = arith.constant 1 : i32
      %gather3A_3898 = arith.constant 0 : i32
      %gather3A_3899 = arith.constant 0 : i32
      %gather3A_3900 = tpu.memref_slice %arg10[%gather3A_3897, %gather3A_3898, %gather3A_3899] : memref<2x1x1024xf32, #tpu.memory_space<vmem>> -> memref<1x1x1024xf32, #tpu.memory_space<vmem>>
      %gather3A_3901 = tpu.memref_squeeze %gather3A_3900 : memref<1x1x1024xf32, #tpu.memory_space<vmem>> -> memref<1024xf32, #tpu.memory_space<vmem>>
      %gather3A_3902 = tpu.vector_load_idx %gather3A_3901[%add3A_3896] : memref<1024xf32, #tpu.memory_space<vmem>>[vector<16xi32>], vector<16xf32>,
      %bitcast3A_3903 = vector.bitcast %gather3A_3902 : vector<16xf32> to vector<16xi32>
      %add3A_3904 = arith.constant 32767 : i32
      %add3A_3905 = vector.broadcast %add3A_3904 : i32 to vector<16xi32>
      %add3A_3906 = arith.addi %bitcast3A_3903, %add3A_3905 : vector<16xi32>
      %shift_right_arithmetic3A_3907 = arith.constant 16 : i32
      %shift_right_arithmetic3A_3908 = vector.broadcast %shift_right_arithmetic3A_3907 : i32 to vector<16xi32>
      %shift_right_arithmetic3A_3909 = arith.shrsi %bitcast3A_3903, %shift_right_arithmetic3A_3908 : vector<16xi32>
      %and3A_3910 = arith.constant 1 : i32
      %and3A_3911 = vector.broadcast %and3A_3910 : i32 to vector<16xi32>
      %and3A_3912 = arith.andi %shift_right_arithmetic3A_3909, %and3A_3911 : vector<16xi32>
      %add3A_3913 = arith.addi %add3A_3906, %and3A_3912 : vector<16xi32>
      %and3A_3914 = arith.constant -65536 : i32
      %and3A_3915 = vector.broadcast %and3A_3914 : i32 to vector<16xi32>
      %and3A_3916 = arith.andi %add3A_3913, %and3A_3915 : vector<16xi32>
      %bitcast3A_3917 = vector.bitcast %and3A_3916 : vector<16xi32> to vector<16xf32>
      %mul3A_3918 = arith.mulf %bitcast3A_2681, %bitcast3A_3917 : vector<16xf32>
      %add3A_3919 = arith.addf %add3A_3887, %mul3A_3918 : vector<16xf32>
      %add3A_3920 = arith.constant 64 : i32
      %add3A_3921 = vector.broadcast %add3A_3920 : i32 to vector<16xi32>
      %add3A_3922 = arith.addi %iota3A, %add3A_3921 : vector<16xi32>
      %mul3A_3923 = arith.constant 8 : i32
      %mul3A_3924 = vector.broadcast %mul3A_3923 : i32 to vector<16xi32>
      %mul3A_3925 = arith.muli %add3A_3922, %mul3A_3924 : vector<16xi32>
      %add3A_3926 = arith.constant 4 : i32
      %add3A_3927 = vector.broadcast %add3A_3926 : i32 to vector<16xi32>
      %add3A_3928 = arith.addi %mul3A_3925, %add3A_3927 : vector<16xi32>
      %gather3A_3929 = arith.constant 1 : i32
      %gather3A_3930 = arith.constant 0 : i32
      %gather3A_3931 = arith.constant 0 : i32
      %gather3A_3932 = tpu.memref_slice %arg10[%gather3A_3929, %gather3A_3930, %gather3A_3931] : memref<2x1x1024xf32, #tpu.memory_space<vmem>> -> memref<1x1x1024xf32, #tpu.memory_space<vmem>>
      %gather3A_3933 = tpu.memref_squeeze %gather3A_3932 : memref<1x1x1024xf32, #tpu.memory_space<vmem>> -> memref<1024xf32, #tpu.memory_space<vmem>>
      %gather3A_3934 = tpu.vector_load_idx %gather3A_3933[%add3A_3928] : memref<1024xf32, #tpu.memory_space<vmem>>[vector<16xi32>], vector<16xf32>,
      %bitcast3A_3935 = vector.bitcast %gather3A_3934 : vector<16xf32> to vector<16xi32>
      %add3A_3936 = arith.constant 32767 : i32
      %add3A_3937 = vector.broadcast %add3A_3936 : i32 to vector<16xi32>
      %add3A_3938 = arith.addi %bitcast3A_3935, %add3A_3937 : vector<16xi32>
      %shift_right_arithmetic3A_3939 = arith.constant 16 : i32
      %shift_right_arithmetic3A_3940 = vector.broadcast %shift_right_arithmetic3A_3939 : i32 to vector<16xi32>
      %shift_right_arithmetic3A_3941 = arith.shrsi %bitcast3A_3935, %shift_right_arithmetic3A_3940 : vector<16xi32>
      %and3A_3942 = arith.constant 1 : i32
      %and3A_3943 = vector.broadcast %and3A_3942 : i32 to vector<16xi32>
      %and3A_3944 = arith.andi %shift_right_arithmetic3A_3941, %and3A_3943 : vector<16xi32>
      %add3A_3945 = arith.addi %add3A_3938, %and3A_3944 : vector<16xi32>
      %and3A_3946 = arith.constant -65536 : i32
      %and3A_3947 = vector.broadcast %and3A_3946 : i32 to vector<16xi32>
      %and3A_3948 = arith.andi %add3A_3945, %and3A_3947 : vector<16xi32>
      %bitcast3A_3949 = vector.bitcast %and3A_3948 : vector<16xi32> to vector<16xf32>
      %mul3A_3950 = arith.mulf %bitcast3A_2696, %bitcast3A_3949 : vector<16xf32>
      %add3A_3951 = arith.addf %add3A_3919, %mul3A_3950 : vector<16xf32>
      %add3A_3952 = arith.constant 80 : i32
      %add3A_3953 = vector.broadcast %add3A_3952 : i32 to vector<16xi32>
      %add3A_3954 = arith.addi %iota3A, %add3A_3953 : vector<16xi32>
      %mul3A_3955 = arith.constant 8 : i32
      %mul3A_3956 = vector.broadcast %mul3A_3955 : i32 to vector<16xi32>
      %mul3A_3957 = arith.muli %add3A_3954, %mul3A_3956 : vector<16xi32>
      %add3A_3958 = arith.constant 4 : i32
      %add3A_3959 = vector.broadcast %add3A_3958 : i32 to vector<16xi32>
      %add3A_3960 = arith.addi %mul3A_3957, %add3A_3959 : vector<16xi32>
      %gather3A_3961 = arith.constant 1 : i32
      %gather3A_3962 = arith.constant 0 : i32
      %gather3A_3963 = arith.constant 0 : i32
      %gather3A_3964 = tpu.memref_slice %arg10[%gather3A_3961, %gather3A_3962, %gather3A_3963] : memref<2x1x1024xf32, #tpu.memory_space<vmem>> -> memref<1x1x1024xf32, #tpu.memory_space<vmem>>
      %gather3A_3965 = tpu.memref_squeeze %gather3A_3964 : memref<1x1x1024xf32, #tpu.memory_space<vmem>> -> memref<1024xf32, #tpu.memory_space<vmem>>
      %gather3A_3966 = tpu.vector_load_idx %gather3A_3965[%add3A_3960] : memref<1024xf32, #tpu.memory_space<vmem>>[vector<16xi32>], vector<16xf32>,
      %bitcast3A_3967 = vector.bitcast %gather3A_3966 : vector<16xf32> to vector<16xi32>
      %add3A_3968 = arith.constant 32767 : i32
      %add3A_3969 = vector.broadcast %add3A_3968 : i32 to vector<16xi32>
      %add3A_3970 = arith.addi %bitcast3A_3967, %add3A_3969 : vector<16xi32>
      %shift_right_arithmetic3A_3971 = arith.constant 16 : i32
      %shift_right_arithmetic3A_3972 = vector.broadcast %shift_right_arithmetic3A_3971 : i32 to vector<16xi32>
      %shift_right_arithmetic3A_3973 = arith.shrsi %bitcast3A_3967, %shift_right_arithmetic3A_3972 : vector<16xi32>
      %and3A_3974 = arith.constant 1 : i32
      %and3A_3975 = vector.broadcast %and3A_3974 : i32 to vector<16xi32>
      %and3A_3976 = arith.andi %shift_right_arithmetic3A_3973, %and3A_3975 : vector<16xi32>
      %add3A_3977 = arith.addi %add3A_3970, %and3A_3976 : vector<16xi32>
      %and3A_3978 = arith.constant -65536 : i32
      %and3A_3979 = vector.broadcast %and3A_3978 : i32 to vector<16xi32>
      %and3A_3980 = arith.andi %add3A_3977, %and3A_3979 : vector<16xi32>
      %bitcast3A_3981 = vector.bitcast %and3A_3980 : vector<16xi32> to vector<16xf32>
      %mul3A_3982 = arith.mulf %bitcast3A_2711, %bitcast3A_3981 : vector<16xf32>
      %add3A_3983 = arith.addf %add3A_3951, %mul3A_3982 : vector<16xf32>
      %add3A_3984 = arith.constant 96 : i32
      %add3A_3985 = vector.broadcast %add3A_3984 : i32 to vector<16xi32>
      %add3A_3986 = arith.addi %iota3A, %add3A_3985 : vector<16xi32>
      %mul3A_3987 = arith.constant 8 : i32
      %mul3A_3988 = vector.broadcast %mul3A_3987 : i32 to vector<16xi32>
      %mul3A_3989 = arith.muli %add3A_3986, %mul3A_3988 : vector<16xi32>
      %add3A_3990 = arith.constant 4 : i32
      %add3A_3991 = vector.broadcast %add3A_3990 : i32 to vector<16xi32>
      %add3A_3992 = arith.addi %mul3A_3989, %add3A_3991 : vector<16xi32>
      %gather3A_3993 = arith.constant 1 : i32
      %gather3A_3994 = arith.constant 0 : i32
      %gather3A_3995 = arith.constant 0 : i32
      %gather3A_3996 = tpu.memref_slice %arg10[%gather3A_3993, %gather3A_3994, %gather3A_3995] : memref<2x1x1024xf32, #tpu.memory_space<vmem>> -> memref<1x1x1024xf32, #tpu.memory_space<vmem>>
      %gather3A_3997 = tpu.memref_squeeze %gather3A_3996 : memref<1x1x1024xf32, #tpu.memory_space<vmem>> -> memref<1024xf32, #tpu.memory_space<vmem>>
      %gather3A_3998 = tpu.vector_load_idx %gather3A_3997[%add3A_3992] : memref<1024xf32, #tpu.memory_space<vmem>>[vector<16xi32>], vector<16xf32>,
      %bitcast3A_3999 = vector.bitcast %gather3A_3998 : vector<16xf32> to vector<16xi32>
      %add3A_4000 = arith.constant 32767 : i32
      %add3A_4001 = vector.broadcast %add3A_4000 : i32 to vector<16xi32>
      %add3A_4002 = arith.addi %bitcast3A_3999, %add3A_4001 : vector<16xi32>
      %shift_right_arithmetic3A_4003 = arith.constant 16 : i32
      %shift_right_arithmetic3A_4004 = vector.broadcast %shift_right_arithmetic3A_4003 : i32 to vector<16xi32>
      %shift_right_arithmetic3A_4005 = arith.shrsi %bitcast3A_3999, %shift_right_arithmetic3A_4004 : vector<16xi32>
      %and3A_4006 = arith.constant 1 : i32
      %and3A_4007 = vector.broadcast %and3A_4006 : i32 to vector<16xi32>
      %and3A_4008 = arith.andi %shift_right_arithmetic3A_4005, %and3A_4007 : vector<16xi32>
      %add3A_4009 = arith.addi %add3A_4002, %and3A_4008 : vector<16xi32>
      %and3A_4010 = arith.constant -65536 : i32
      %and3A_4011 = vector.broadcast %and3A_4010 : i32 to vector<16xi32>
      %and3A_4012 = arith.andi %add3A_4009, %and3A_4011 : vector<16xi32>
      %bitcast3A_4013 = vector.bitcast %and3A_4012 : vector<16xi32> to vector<16xf32>
      %mul3A_4014 = arith.mulf %bitcast3A_2726, %bitcast3A_4013 : vector<16xf32>
      %add3A_4015 = arith.addf %add3A_3983, %mul3A_4014 : vector<16xf32>
      %add3A_4016 = arith.constant 112 : i32
      %add3A_4017 = vector.broadcast %add3A_4016 : i32 to vector<16xi32>
      %add3A_4018 = arith.addi %iota3A, %add3A_4017 : vector<16xi32>
      %mul3A_4019 = arith.constant 8 : i32
      %mul3A_4020 = vector.broadcast %mul3A_4019 : i32 to vector<16xi32>
      %mul3A_4021 = arith.muli %add3A_4018, %mul3A_4020 : vector<16xi32>
      %add3A_4022 = arith.constant 4 : i32
      %add3A_4023 = vector.broadcast %add3A_4022 : i32 to vector<16xi32>
      %add3A_4024 = arith.addi %mul3A_4021, %add3A_4023 : vector<16xi32>
      %gather3A_4025 = arith.constant 1 : i32
      %gather3A_4026 = arith.constant 0 : i32
      %gather3A_4027 = arith.constant 0 : i32
      %gather3A_4028 = tpu.memref_slice %arg10[%gather3A_4025, %gather3A_4026, %gather3A_4027] : memref<2x1x1024xf32, #tpu.memory_space<vmem>> -> memref<1x1x1024xf32, #tpu.memory_space<vmem>>
      %gather3A_4029 = tpu.memref_squeeze %gather3A_4028 : memref<1x1x1024xf32, #tpu.memory_space<vmem>> -> memref<1024xf32, #tpu.memory_space<vmem>>
      %gather3A_4030 = tpu.vector_load_idx %gather3A_4029[%add3A_4024] : memref<1024xf32, #tpu.memory_space<vmem>>[vector<16xi32>], vector<16xf32>,
      %bitcast3A_4031 = vector.bitcast %gather3A_4030 : vector<16xf32> to vector<16xi32>
      %add3A_4032 = arith.constant 32767 : i32
      %add3A_4033 = vector.broadcast %add3A_4032 : i32 to vector<16xi32>
      %add3A_4034 = arith.addi %bitcast3A_4031, %add3A_4033 : vector<16xi32>
      %shift_right_arithmetic3A_4035 = arith.constant 16 : i32
      %shift_right_arithmetic3A_4036 = vector.broadcast %shift_right_arithmetic3A_4035 : i32 to vector<16xi32>
      %shift_right_arithmetic3A_4037 = arith.shrsi %bitcast3A_4031, %shift_right_arithmetic3A_4036 : vector<16xi32>
      %and3A_4038 = arith.constant 1 : i32
      %and3A_4039 = vector.broadcast %and3A_4038 : i32 to vector<16xi32>
      %and3A_4040 = arith.andi %shift_right_arithmetic3A_4037, %and3A_4039 : vector<16xi32>
      %add3A_4041 = arith.addi %add3A_4034, %and3A_4040 : vector<16xi32>
      %and3A_4042 = arith.constant -65536 : i32
      %and3A_4043 = vector.broadcast %and3A_4042 : i32 to vector<16xi32>
      %and3A_4044 = arith.andi %add3A_4041, %and3A_4043 : vector<16xi32>
      %bitcast3A_4045 = vector.bitcast %and3A_4044 : vector<16xi32> to vector<16xf32>
      %mul3A_4046 = arith.mulf %bitcast3A_2741, %bitcast3A_4045 : vector<16xf32>
      %add3A_4047 = arith.addf %add3A_4015, %mul3A_4046 : vector<16xf32>
      %reduce_sum3A_4048 = arith.constant true
      %reduce_sum3A_4049 = vector.broadcast %reduce_sum3A_4048 : i1 to vector<16xi1>
      %reduce_sum3A_4050 = tpu.scan <sum>, %add3A_4047 masked %reduce_sum3A_4049 : vector<16xf32>, vector<16xi1> -> vector<16xf32>
      %reduce_sum3A_4051 = vector.extract %reduce_sum3A_4050[15] : f32 from vector<16xf32>
      %broadcast_in_dim3A_4052 = arith.constant 0.000000e+00 : f32
      %broadcast_in_dim3A_4053 = vector.broadcast %broadcast_in_dim3A_4052 : f32 to vector<16xf32>
      %add3A_4054 = arith.constant 0 : i32
      %add3A_4055 = vector.broadcast %add3A_4054 : i32 to vector<16xi32>
      %add3A_4056 = arith.addi %iota3A, %add3A_4055 : vector<16xi32>
      %mul3A_4057 = arith.constant 8 : i32
      %mul3A_4058 = vector.broadcast %mul3A_4057 : i32 to vector<16xi32>
      %mul3A_4059 = arith.muli %add3A_4056, %mul3A_4058 : vector<16xi32>
      %add3A_4060 = arith.constant 5 : i32
      %add3A_4061 = vector.broadcast %add3A_4060 : i32 to vector<16xi32>
      %add3A_4062 = arith.addi %mul3A_4059, %add3A_4061 : vector<16xi32>
      %gather3A_4063 = arith.constant 1 : i32
      %gather3A_4064 = arith.constant 0 : i32
      %gather3A_4065 = arith.constant 0 : i32
      %gather3A_4066 = tpu.memref_slice %arg10[%gather3A_4063, %gather3A_4064, %gather3A_4065] : memref<2x1x1024xf32, #tpu.memory_space<vmem>> -> memref<1x1x1024xf32, #tpu.memory_space<vmem>>
      %gather3A_4067 = tpu.memref_squeeze %gather3A_4066 : memref<1x1x1024xf32, #tpu.memory_space<vmem>> -> memref<1024xf32, #tpu.memory_space<vmem>>
      %gather3A_4068 = tpu.vector_load_idx %gather3A_4067[%add3A_4062] : memref<1024xf32, #tpu.memory_space<vmem>>[vector<16xi32>], vector<16xf32>,
      %bitcast3A_4069 = vector.bitcast %gather3A_4068 : vector<16xf32> to vector<16xi32>
      %add3A_4070 = arith.constant 32767 : i32
      %add3A_4071 = vector.broadcast %add3A_4070 : i32 to vector<16xi32>
      %add3A_4072 = arith.addi %bitcast3A_4069, %add3A_4071 : vector<16xi32>
      %shift_right_arithmetic3A_4073 = arith.constant 16 : i32
      %shift_right_arithmetic3A_4074 = vector.broadcast %shift_right_arithmetic3A_4073 : i32 to vector<16xi32>
      %shift_right_arithmetic3A_4075 = arith.shrsi %bitcast3A_4069, %shift_right_arithmetic3A_4074 : vector<16xi32>
      %and3A_4076 = arith.constant 1 : i32
      %and3A_4077 = vector.broadcast %and3A_4076 : i32 to vector<16xi32>
      %and3A_4078 = arith.andi %shift_right_arithmetic3A_4075, %and3A_4077 : vector<16xi32>
      %add3A_4079 = arith.addi %add3A_4072, %and3A_4078 : vector<16xi32>
      %and3A_4080 = arith.constant -65536 : i32
      %and3A_4081 = vector.broadcast %and3A_4080 : i32 to vector<16xi32>
      %and3A_4082 = arith.andi %add3A_4079, %and3A_4081 : vector<16xi32>
      %bitcast3A_4083 = vector.bitcast %and3A_4082 : vector<16xi32> to vector<16xf32>
      %mul3A_4084 = arith.mulf %bitcast3A_2636, %bitcast3A_4083 : vector<16xf32>
      %add3A_4085 = arith.addf %broadcast_in_dim3A_4053, %mul3A_4084 : vector<16xf32>
      %add3A_4086 = arith.constant 16 : i32
      %add3A_4087 = vector.broadcast %add3A_4086 : i32 to vector<16xi32>
      %add3A_4088 = arith.addi %iota3A, %add3A_4087 : vector<16xi32>
      %mul3A_4089 = arith.constant 8 : i32
      %mul3A_4090 = vector.broadcast %mul3A_4089 : i32 to vector<16xi32>
      %mul3A_4091 = arith.muli %add3A_4088, %mul3A_4090 : vector<16xi32>
      %add3A_4092 = arith.constant 5 : i32
      %add3A_4093 = vector.broadcast %add3A_4092 : i32 to vector<16xi32>
      %add3A_4094 = arith.addi %mul3A_4091, %add3A_4093 : vector<16xi32>
      %gather3A_4095 = arith.constant 1 : i32
      %gather3A_4096 = arith.constant 0 : i32
      %gather3A_4097 = arith.constant 0 : i32
      %gather3A_4098 = tpu.memref_slice %arg10[%gather3A_4095, %gather3A_4096, %gather3A_4097] : memref<2x1x1024xf32, #tpu.memory_space<vmem>> -> memref<1x1x1024xf32, #tpu.memory_space<vmem>>
      %gather3A_4099 = tpu.memref_squeeze %gather3A_4098 : memref<1x1x1024xf32, #tpu.memory_space<vmem>> -> memref<1024xf32, #tpu.memory_space<vmem>>
      %gather3A_4100 = tpu.vector_load_idx %gather3A_4099[%add3A_4094] : memref<1024xf32, #tpu.memory_space<vmem>>[vector<16xi32>], vector<16xf32>,
      %bitcast3A_4101 = vector.bitcast %gather3A_4100 : vector<16xf32> to vector<16xi32>
      %add3A_4102 = arith.constant 32767 : i32
      %add3A_4103 = vector.broadcast %add3A_4102 : i32 to vector<16xi32>
      %add3A_4104 = arith.addi %bitcast3A_4101, %add3A_4103 : vector<16xi32>
      %shift_right_arithmetic3A_4105 = arith.constant 16 : i32
      %shift_right_arithmetic3A_4106 = vector.broadcast %shift_right_arithmetic3A_4105 : i32 to vector<16xi32>
      %shift_right_arithmetic3A_4107 = arith.shrsi %bitcast3A_4101, %shift_right_arithmetic3A_4106 : vector<16xi32>
      %and3A_4108 = arith.constant 1 : i32
      %and3A_4109 = vector.broadcast %and3A_4108 : i32 to vector<16xi32>
      %and3A_4110 = arith.andi %shift_right_arithmetic3A_4107, %and3A_4109 : vector<16xi32>
      %add3A_4111 = arith.addi %add3A_4104, %and3A_4110 : vector<16xi32>
      %and3A_4112 = arith.constant -65536 : i32
      %and3A_4113 = vector.broadcast %and3A_4112 : i32 to vector<16xi32>
      %and3A_4114 = arith.andi %add3A_4111, %and3A_4113 : vector<16xi32>
      %bitcast3A_4115 = vector.bitcast %and3A_4114 : vector<16xi32> to vector<16xf32>
      %mul3A_4116 = arith.mulf %bitcast3A_2651, %bitcast3A_4115 : vector<16xf32>
      %add3A_4117 = arith.addf %add3A_4085, %mul3A_4116 : vector<16xf32>
      %add3A_4118 = arith.constant 32 : i32
      %add3A_4119 = vector.broadcast %add3A_4118 : i32 to vector<16xi32>
      %add3A_4120 = arith.addi %iota3A, %add3A_4119 : vector<16xi32>
      %mul3A_4121 = arith.constant 8 : i32
      %mul3A_4122 = vector.broadcast %mul3A_4121 : i32 to vector<16xi32>
      %mul3A_4123 = arith.muli %add3A_4120, %mul3A_4122 : vector<16xi32>
      %add3A_4124 = arith.constant 5 : i32
      %add3A_4125 = vector.broadcast %add3A_4124 : i32 to vector<16xi32>
      %add3A_4126 = arith.addi %mul3A_4123, %add3A_4125 : vector<16xi32>
      %gather3A_4127 = arith.constant 1 : i32
      %gather3A_4128 = arith.constant 0 : i32
      %gather3A_4129 = arith.constant 0 : i32
      %gather3A_4130 = tpu.memref_slice %arg10[%gather3A_4127, %gather3A_4128, %gather3A_4129] : memref<2x1x1024xf32, #tpu.memory_space<vmem>> -> memref<1x1x1024xf32, #tpu.memory_space<vmem>>
      %gather3A_4131 = tpu.memref_squeeze %gather3A_4130 : memref<1x1x1024xf32, #tpu.memory_space<vmem>> -> memref<1024xf32, #tpu.memory_space<vmem>>
      %gather3A_4132 = tpu.vector_load_idx %gather3A_4131[%add3A_4126] : memref<1024xf32, #tpu.memory_space<vmem>>[vector<16xi32>], vector<16xf32>,
      %bitcast3A_4133 = vector.bitcast %gather3A_4132 : vector<16xf32> to vector<16xi32>
      %add3A_4134 = arith.constant 32767 : i32
      %add3A_4135 = vector.broadcast %add3A_4134 : i32 to vector<16xi32>
      %add3A_4136 = arith.addi %bitcast3A_4133, %add3A_4135 : vector<16xi32>
      %shift_right_arithmetic3A_4137 = arith.constant 16 : i32
      %shift_right_arithmetic3A_4138 = vector.broadcast %shift_right_arithmetic3A_4137 : i32 to vector<16xi32>
      %shift_right_arithmetic3A_4139 = arith.shrsi %bitcast3A_4133, %shift_right_arithmetic3A_4138 : vector<16xi32>
      %and3A_4140 = arith.constant 1 : i32
      %and3A_4141 = vector.broadcast %and3A_4140 : i32 to vector<16xi32>
      %and3A_4142 = arith.andi %shift_right_arithmetic3A_4139, %and3A_4141 : vector<16xi32>
      %add3A_4143 = arith.addi %add3A_4136, %and3A_4142 : vector<16xi32>
      %and3A_4144 = arith.constant -65536 : i32
      %and3A_4145 = vector.broadcast %and3A_4144 : i32 to vector<16xi32>
      %and3A_4146 = arith.andi %add3A_4143, %and3A_4145 : vector<16xi32>
      %bitcast3A_4147 = vector.bitcast %and3A_4146 : vector<16xi32> to vector<16xf32>
      %mul3A_4148 = arith.mulf %bitcast3A_2666, %bitcast3A_4147 : vector<16xf32>
      %add3A_4149 = arith.addf %add3A_4117, %mul3A_4148 : vector<16xf32>
      %add3A_4150 = arith.constant 48 : i32
      %add3A_4151 = vector.broadcast %add3A_4150 : i32 to vector<16xi32>
      %add3A_4152 = arith.addi %iota3A, %add3A_4151 : vector<16xi32>
      %mul3A_4153 = arith.constant 8 : i32
      %mul3A_4154 = vector.broadcast %mul3A_4153 : i32 to vector<16xi32>
      %mul3A_4155 = arith.muli %add3A_4152, %mul3A_4154 : vector<16xi32>
      %add3A_4156 = arith.constant 5 : i32
      %add3A_4157 = vector.broadcast %add3A_4156 : i32 to vector<16xi32>
      %add3A_4158 = arith.addi %mul3A_4155, %add3A_4157 : vector<16xi32>
      %gather3A_4159 = arith.constant 1 : i32
      %gather3A_4160 = arith.constant 0 : i32
      %gather3A_4161 = arith.constant 0 : i32
      %gather3A_4162 = tpu.memref_slice %arg10[%gather3A_4159, %gather3A_4160, %gather3A_4161] : memref<2x1x1024xf32, #tpu.memory_space<vmem>> -> memref<1x1x1024xf32, #tpu.memory_space<vmem>>
      %gather3A_4163 = tpu.memref_squeeze %gather3A_4162 : memref<1x1x1024xf32, #tpu.memory_space<vmem>> -> memref<1024xf32, #tpu.memory_space<vmem>>
      %gather3A_4164 = tpu.vector_load_idx %gather3A_4163[%add3A_4158] : memref<1024xf32, #tpu.memory_space<vmem>>[vector<16xi32>], vector<16xf32>,
      %bitcast3A_4165 = vector.bitcast %gather3A_4164 : vector<16xf32> to vector<16xi32>
      %add3A_4166 = arith.constant 32767 : i32
      %add3A_4167 = vector.broadcast %add3A_4166 : i32 to vector<16xi32>
      %add3A_4168 = arith.addi %bitcast3A_4165, %add3A_4167 : vector<16xi32>
      %shift_right_arithmetic3A_4169 = arith.constant 16 : i32
      %shift_right_arithmetic3A_4170 = vector.broadcast %shift_right_arithmetic3A_4169 : i32 to vector<16xi32>
      %shift_right_arithmetic3A_4171 = arith.shrsi %bitcast3A_4165, %shift_right_arithmetic3A_4170 : vector<16xi32>
      %and3A_4172 = arith.constant 1 : i32
      %and3A_4173 = vector.broadcast %and3A_4172 : i32 to vector<16xi32>
      %and3A_4174 = arith.andi %shift_right_arithmetic3A_4171, %and3A_4173 : vector<16xi32>
      %add3A_4175 = arith.addi %add3A_4168, %and3A_4174 : vector<16xi32>
      %and3A_4176 = arith.constant -65536 : i32
      %and3A_4177 = vector.broadcast %and3A_4176 : i32 to vector<16xi32>
      %and3A_4178 = arith.andi %add3A_4175, %and3A_4177 : vector<16xi32>
      %bitcast3A_4179 = vector.bitcast %and3A_4178 : vector<16xi32> to vector<16xf32>
      %mul3A_4180 = arith.mulf %bitcast3A_2681, %bitcast3A_4179 : vector<16xf32>
      %add3A_4181 = arith.addf %add3A_4149, %mul3A_4180 : vector<16xf32>
      %add3A_4182 = arith.constant 64 : i32
      %add3A_4183 = vector.broadcast %add3A_4182 : i32 to vector<16xi32>
      %add3A_4184 = arith.addi %iota3A, %add3A_4183 : vector<16xi32>
      %mul3A_4185 = arith.constant 8 : i32
      %mul3A_4186 = vector.broadcast %mul3A_4185 : i32 to vector<16xi32>
      %mul3A_4187 = arith.muli %add3A_4184, %mul3A_4186 : vector<16xi32>
      %add3A_4188 = arith.constant 5 : i32
      %add3A_4189 = vector.broadcast %add3A_4188 : i32 to vector<16xi32>
      %add3A_4190 = arith.addi %mul3A_4187, %add3A_4189 : vector<16xi32>
      %gather3A_4191 = arith.constant 1 : i32
      %gather3A_4192 = arith.constant 0 : i32
      %gather3A_4193 = arith.constant 0 : i32
      %gather3A_4194 = tpu.memref_slice %arg10[%gather3A_4191, %gather3A_4192, %gather3A_4193] : memref<2x1x1024xf32, #tpu.memory_space<vmem>> -> memref<1x1x1024xf32, #tpu.memory_space<vmem>>
      %gather3A_4195 = tpu.memref_squeeze %gather3A_4194 : memref<1x1x1024xf32, #tpu.memory_space<vmem>> -> memref<1024xf32, #tpu.memory_space<vmem>>
      %gather3A_4196 = tpu.vector_load_idx %gather3A_4195[%add3A_4190] : memref<1024xf32, #tpu.memory_space<vmem>>[vector<16xi32>], vector<16xf32>,
      %bitcast3A_4197 = vector.bitcast %gather3A_4196 : vector<16xf32> to vector<16xi32>
      %add3A_4198 = arith.constant 32767 : i32
      %add3A_4199 = vector.broadcast %add3A_4198 : i32 to vector<16xi32>
      %add3A_4200 = arith.addi %bitcast3A_4197, %add3A_4199 : vector<16xi32>
      %shift_right_arithmetic3A_4201 = arith.constant 16 : i32
      %shift_right_arithmetic3A_4202 = vector.broadcast %shift_right_arithmetic3A_4201 : i32 to vector<16xi32>
      %shift_right_arithmetic3A_4203 = arith.shrsi %bitcast3A_4197, %shift_right_arithmetic3A_4202 : vector<16xi32>
      %and3A_4204 = arith.constant 1 : i32
      %and3A_4205 = vector.broadcast %and3A_4204 : i32 to vector<16xi32>
      %and3A_4206 = arith.andi %shift_right_arithmetic3A_4203, %and3A_4205 : vector<16xi32>
      %add3A_4207 = arith.addi %add3A_4200, %and3A_4206 : vector<16xi32>
      %and3A_4208 = arith.constant -65536 : i32
      %and3A_4209 = vector.broadcast %and3A_4208 : i32 to vector<16xi32>
      %and3A_4210 = arith.andi %add3A_4207, %and3A_4209 : vector<16xi32>
      %bitcast3A_4211 = vector.bitcast %and3A_4210 : vector<16xi32> to vector<16xf32>
      %mul3A_4212 = arith.mulf %bitcast3A_2696, %bitcast3A_4211 : vector<16xf32>
      %add3A_4213 = arith.addf %add3A_4181, %mul3A_4212 : vector<16xf32>
      %add3A_4214 = arith.constant 80 : i32
      %add3A_4215 = vector.broadcast %add3A_4214 : i32 to vector<16xi32>
      %add3A_4216 = arith.addi %iota3A, %add3A_4215 : vector<16xi32>
      %mul3A_4217 = arith.constant 8 : i32
      %mul3A_4218 = vector.broadcast %mul3A_4217 : i32 to vector<16xi32>
      %mul3A_4219 = arith.muli %add3A_4216, %mul3A_4218 : vector<16xi32>
      %add3A_4220 = arith.constant 5 : i32
      %add3A_4221 = vector.broadcast %add3A_4220 : i32 to vector<16xi32>
      %add3A_4222 = arith.addi %mul3A_4219, %add3A_4221 : vector<16xi32>
      %gather3A_4223 = arith.constant 1 : i32
      %gather3A_4224 = arith.constant 0 : i32
      %gather3A_4225 = arith.constant 0 : i32
      %gather3A_4226 = tpu.memref_slice %arg10[%gather3A_4223, %gather3A_4224, %gather3A_4225] : memref<2x1x1024xf32, #tpu.memory_space<vmem>> -> memref<1x1x1024xf32, #tpu.memory_space<vmem>>
      %gather3A_4227 = tpu.memref_squeeze %gather3A_4226 : memref<1x1x1024xf32, #tpu.memory_space<vmem>> -> memref<1024xf32, #tpu.memory_space<vmem>>
      %gather3A_4228 = tpu.vector_load_idx %gather3A_4227[%add3A_4222] : memref<1024xf32, #tpu.memory_space<vmem>>[vector<16xi32>], vector<16xf32>,
      %bitcast3A_4229 = vector.bitcast %gather3A_4228 : vector<16xf32> to vector<16xi32>
      %add3A_4230 = arith.constant 32767 : i32
      %add3A_4231 = vector.broadcast %add3A_4230 : i32 to vector<16xi32>
      %add3A_4232 = arith.addi %bitcast3A_4229, %add3A_4231 : vector<16xi32>
      %shift_right_arithmetic3A_4233 = arith.constant 16 : i32
      %shift_right_arithmetic3A_4234 = vector.broadcast %shift_right_arithmetic3A_4233 : i32 to vector<16xi32>
      %shift_right_arithmetic3A_4235 = arith.shrsi %bitcast3A_4229, %shift_right_arithmetic3A_4234 : vector<16xi32>
      %and3A_4236 = arith.constant 1 : i32
      %and3A_4237 = vector.broadcast %and3A_4236 : i32 to vector<16xi32>
      %and3A_4238 = arith.andi %shift_right_arithmetic3A_4235, %and3A_4237 : vector<16xi32>
      %add3A_4239 = arith.addi %add3A_4232, %and3A_4238 : vector<16xi32>
      %and3A_4240 = arith.constant -65536 : i32
      %and3A_4241 = vector.broadcast %and3A_4240 : i32 to vector<16xi32>
      %and3A_4242 = arith.andi %add3A_4239, %and3A_4241 : vector<16xi32>
      %bitcast3A_4243 = vector.bitcast %and3A_4242 : vector<16xi32> to vector<16xf32>
      %mul3A_4244 = arith.mulf %bitcast3A_2711, %bitcast3A_4243 : vector<16xf32>
      %add3A_4245 = arith.addf %add3A_4213, %mul3A_4244 : vector<16xf32>
      %add3A_4246 = arith.constant 96 : i32
      %add3A_4247 = vector.broadcast %add3A_4246 : i32 to vector<16xi32>
      %add3A_4248 = arith.addi %iota3A, %add3A_4247 : vector<16xi32>
      %mul3A_4249 = arith.constant 8 : i32
      %mul3A_4250 = vector.broadcast %mul3A_4249 : i32 to vector<16xi32>
      %mul3A_4251 = arith.muli %add3A_4248, %mul3A_4250 : vector<16xi32>
      %add3A_4252 = arith.constant 5 : i32
      %add3A_4253 = vector.broadcast %add3A_4252 : i32 to vector<16xi32>
      %add3A_4254 = arith.addi %mul3A_4251, %add3A_4253 : vector<16xi32>
      %gather3A_4255 = arith.constant 1 : i32
      %gather3A_4256 = arith.constant 0 : i32
      %gather3A_4257 = arith.constant 0 : i32
      %gather3A_4258 = tpu.memref_slice %arg10[%gather3A_4255, %gather3A_4256, %gather3A_4257] : memref<2x1x1024xf32, #tpu.memory_space<vmem>> -> memref<1x1x1024xf32, #tpu.memory_space<vmem>>
      %gather3A_4259 = tpu.memref_squeeze %gather3A_4258 : memref<1x1x1024xf32, #tpu.memory_space<vmem>> -> memref<1024xf32, #tpu.memory_space<vmem>>
      %gather3A_4260 = tpu.vector_load_idx %gather3A_4259[%add3A_4254] : memref<1024xf32, #tpu.memory_space<vmem>>[vector<16xi32>], vector<16xf32>,
      %bitcast3A_4261 = vector.bitcast %gather3A_4260 : vector<16xf32> to vector<16xi32>
      %add3A_4262 = arith.constant 32767 : i32
      %add3A_4263 = vector.broadcast %add3A_4262 : i32 to vector<16xi32>
      %add3A_4264 = arith.addi %bitcast3A_4261, %add3A_4263 : vector<16xi32>
      %shift_right_arithmetic3A_4265 = arith.constant 16 : i32
      %shift_right_arithmetic3A_4266 = vector.broadcast %shift_right_arithmetic3A_4265 : i32 to vector<16xi32>
      %shift_right_arithmetic3A_4267 = arith.shrsi %bitcast3A_4261, %shift_right_arithmetic3A_4266 : vector<16xi32>
      %and3A_4268 = arith.constant 1 : i32
      %and3A_4269 = vector.broadcast %and3A_4268 : i32 to vector<16xi32>
      %and3A_4270 = arith.andi %shift_right_arithmetic3A_4267, %and3A_4269 : vector<16xi32>
      %add3A_4271 = arith.addi %add3A_4264, %and3A_4270 : vector<16xi32>
      %and3A_4272 = arith.constant -65536 : i32
      %and3A_4273 = vector.broadcast %and3A_4272 : i32 to vector<16xi32>
      %and3A_4274 = arith.andi %add3A_4271, %and3A_4273 : vector<16xi32>
      %bitcast3A_4275 = vector.bitcast %and3A_4274 : vector<16xi32> to vector<16xf32>
      %mul3A_4276 = arith.mulf %bitcast3A_2726, %bitcast3A_4275 : vector<16xf32>
      %add3A_4277 = arith.addf %add3A_4245, %mul3A_4276 : vector<16xf32>
      %add3A_4278 = arith.constant 112 : i32
      %add3A_4279 = vector.broadcast %add3A_4278 : i32 to vector<16xi32>
      %add3A_4280 = arith.addi %iota3A, %add3A_4279 : vector<16xi32>
      %mul3A_4281 = arith.constant 8 : i32
      %mul3A_4282 = vector.broadcast %mul3A_4281 : i32 to vector<16xi32>
      %mul3A_4283 = arith.muli %add3A_4280, %mul3A_4282 : vector<16xi32>
      %add3A_4284 = arith.constant 5 : i32
      %add3A_4285 = vector.broadcast %add3A_4284 : i32 to vector<16xi32>
      %add3A_4286 = arith.addi %mul3A_4283, %add3A_4285 : vector<16xi32>
      %gather3A_4287 = arith.constant 1 : i32
      %gather3A_4288 = arith.constant 0 : i32
      %gather3A_4289 = arith.constant 0 : i32
      %gather3A_4290 = tpu.memref_slice %arg10[%gather3A_4287, %gather3A_4288, %gather3A_4289] : memref<2x1x1024xf32, #tpu.memory_space<vmem>> -> memref<1x1x1024xf32, #tpu.memory_space<vmem>>
      %gather3A_4291 = tpu.memref_squeeze %gather3A_4290 : memref<1x1x1024xf32, #tpu.memory_space<vmem>> -> memref<1024xf32, #tpu.memory_space<vmem>>
      %gather3A_4292 = tpu.vector_load_idx %gather3A_4291[%add3A_4286] : memref<1024xf32, #tpu.memory_space<vmem>>[vector<16xi32>], vector<16xf32>,
      %bitcast3A_4293 = vector.bitcast %gather3A_4292 : vector<16xf32> to vector<16xi32>
      %add3A_4294 = arith.constant 32767 : i32
      %add3A_4295 = vector.broadcast %add3A_4294 : i32 to vector<16xi32>
      %add3A_4296 = arith.addi %bitcast3A_4293, %add3A_4295 : vector<16xi32>
      %shift_right_arithmetic3A_4297 = arith.constant 16 : i32
      %shift_right_arithmetic3A_4298 = vector.broadcast %shift_right_arithmetic3A_4297 : i32 to vector<16xi32>
      %shift_right_arithmetic3A_4299 = arith.shrsi %bitcast3A_4293, %shift_right_arithmetic3A_4298 : vector<16xi32>
      %and3A_4300 = arith.constant 1 : i32
      %and3A_4301 = vector.broadcast %and3A_4300 : i32 to vector<16xi32>
      %and3A_4302 = arith.andi %shift_right_arithmetic3A_4299, %and3A_4301 : vector<16xi32>
      %add3A_4303 = arith.addi %add3A_4296, %and3A_4302 : vector<16xi32>
      %and3A_4304 = arith.constant -65536 : i32
      %and3A_4305 = vector.broadcast %and3A_4304 : i32 to vector<16xi32>
      %and3A_4306 = arith.andi %add3A_4303, %and3A_4305 : vector<16xi32>
      %bitcast3A_4307 = vector.bitcast %and3A_4306 : vector<16xi32> to vector<16xf32>
      %mul3A_4308 = arith.mulf %bitcast3A_2741, %bitcast3A_4307 : vector<16xf32>
      %add3A_4309 = arith.addf %add3A_4277, %mul3A_4308 : vector<16xf32>
      %reduce_sum3A_4310 = arith.constant true
      %reduce_sum3A_4311 = vector.broadcast %reduce_sum3A_4310 : i1 to vector<16xi1>
      %reduce_sum3A_4312 = tpu.scan <sum>, %add3A_4309 masked %reduce_sum3A_4311 : vector<16xf32>, vector<16xi1> -> vector<16xf32>
      %reduce_sum3A_4313 = vector.extract %reduce_sum3A_4312[15] : f32 from vector<16xf32>
      %broadcast_in_dim3A_4314 = arith.constant 0.000000e+00 : f32
      %broadcast_in_dim3A_4315 = vector.broadcast %broadcast_in_dim3A_4314 : f32 to vector<16xf32>
      %add3A_4316 = arith.constant 0 : i32
      %add3A_4317 = vector.broadcast %add3A_4316 : i32 to vector<16xi32>
      %add3A_4318 = arith.addi %iota3A, %add3A_4317 : vector<16xi32>
      %mul3A_4319 = arith.constant 8 : i32
      %mul3A_4320 = vector.broadcast %mul3A_4319 : i32 to vector<16xi32>
      %mul3A_4321 = arith.muli %add3A_4318, %mul3A_4320 : vector<16xi32>
      %add3A_4322 = arith.constant 6 : i32
      %add3A_4323 = vector.broadcast %add3A_4322 : i32 to vector<16xi32>
      %add3A_4324 = arith.addi %mul3A_4321, %add3A_4323 : vector<16xi32>
      %gather3A_4325 = arith.constant 1 : i32
      %gather3A_4326 = arith.constant 0 : i32
      %gather3A_4327 = arith.constant 0 : i32
      %gather3A_4328 = tpu.memref_slice %arg10[%gather3A_4325, %gather3A_4326, %gather3A_4327] : memref<2x1x1024xf32, #tpu.memory_space<vmem>> -> memref<1x1x1024xf32, #tpu.memory_space<vmem>>
      %gather3A_4329 = tpu.memref_squeeze %gather3A_4328 : memref<1x1x1024xf32, #tpu.memory_space<vmem>> -> memref<1024xf32, #tpu.memory_space<vmem>>
      %gather3A_4330 = tpu.vector_load_idx %gather3A_4329[%add3A_4324] : memref<1024xf32, #tpu.memory_space<vmem>>[vector<16xi32>], vector<16xf32>,
      %bitcast3A_4331 = vector.bitcast %gather3A_4330 : vector<16xf32> to vector<16xi32>
      %add3A_4332 = arith.constant 32767 : i32
      %add3A_4333 = vector.broadcast %add3A_4332 : i32 to vector<16xi32>
      %add3A_4334 = arith.addi %bitcast3A_4331, %add3A_4333 : vector<16xi32>
      %shift_right_arithmetic3A_4335 = arith.constant 16 : i32
      %shift_right_arithmetic3A_4336 = vector.broadcast %shift_right_arithmetic3A_4335 : i32 to vector<16xi32>
      %shift_right_arithmetic3A_4337 = arith.shrsi %bitcast3A_4331, %shift_right_arithmetic3A_4336 : vector<16xi32>
      %and3A_4338 = arith.constant 1 : i32
      %and3A_4339 = vector.broadcast %and3A_4338 : i32 to vector<16xi32>
      %and3A_4340 = arith.andi %shift_right_arithmetic3A_4337, %and3A_4339 : vector<16xi32>
      %add3A_4341 = arith.addi %add3A_4334, %and3A_4340 : vector<16xi32>
      %and3A_4342 = arith.constant -65536 : i32
      %and3A_4343 = vector.broadcast %and3A_4342 : i32 to vector<16xi32>
      %and3A_4344 = arith.andi %add3A_4341, %and3A_4343 : vector<16xi32>
      %bitcast3A_4345 = vector.bitcast %and3A_4344 : vector<16xi32> to vector<16xf32>
      %mul3A_4346 = arith.mulf %bitcast3A_2636, %bitcast3A_4345 : vector<16xf32>
      %add3A_4347 = arith.addf %broadcast_in_dim3A_4315, %mul3A_4346 : vector<16xf32>
      %add3A_4348 = arith.constant 16 : i32
      %add3A_4349 = vector.broadcast %add3A_4348 : i32 to vector<16xi32>
      %add3A_4350 = arith.addi %iota3A, %add3A_4349 : vector<16xi32>
      %mul3A_4351 = arith.constant 8 : i32
      %mul3A_4352 = vector.broadcast %mul3A_4351 : i32 to vector<16xi32>
      %mul3A_4353 = arith.muli %add3A_4350, %mul3A_4352 : vector<16xi32>
      %add3A_4354 = arith.constant 6 : i32
      %add3A_4355 = vector.broadcast %add3A_4354 : i32 to vector<16xi32>
      %add3A_4356 = arith.addi %mul3A_4353, %add3A_4355 : vector<16xi32>
      %gather3A_4357 = arith.constant 1 : i32
      %gather3A_4358 = arith.constant 0 : i32
      %gather3A_4359 = arith.constant 0 : i32
      %gather3A_4360 = tpu.memref_slice %arg10[%gather3A_4357, %gather3A_4358, %gather3A_4359] : memref<2x1x1024xf32, #tpu.memory_space<vmem>> -> memref<1x1x1024xf32, #tpu.memory_space<vmem>>
      %gather3A_4361 = tpu.memref_squeeze %gather3A_4360 : memref<1x1x1024xf32, #tpu.memory_space<vmem>> -> memref<1024xf32, #tpu.memory_space<vmem>>
      %gather3A_4362 = tpu.vector_load_idx %gather3A_4361[%add3A_4356] : memref<1024xf32, #tpu.memory_space<vmem>>[vector<16xi32>], vector<16xf32>,
      %bitcast3A_4363 = vector.bitcast %gather3A_4362 : vector<16xf32> to vector<16xi32>
      %add3A_4364 = arith.constant 32767 : i32
      %add3A_4365 = vector.broadcast %add3A_4364 : i32 to vector<16xi32>
      %add3A_4366 = arith.addi %bitcast3A_4363, %add3A_4365 : vector<16xi32>
      %shift_right_arithmetic3A_4367 = arith.constant 16 : i32
      %shift_right_arithmetic3A_4368 = vector.broadcast %shift_right_arithmetic3A_4367 : i32 to vector<16xi32>
      %shift_right_arithmetic3A_4369 = arith.shrsi %bitcast3A_4363, %shift_right_arithmetic3A_4368 : vector<16xi32>
      %and3A_4370 = arith.constant 1 : i32
      %and3A_4371 = vector.broadcast %and3A_4370 : i32 to vector<16xi32>
      %and3A_4372 = arith.andi %shift_right_arithmetic3A_4369, %and3A_4371 : vector<16xi32>
      %add3A_4373 = arith.addi %add3A_4366, %and3A_4372 : vector<16xi32>
      %and3A_4374 = arith.constant -65536 : i32
      %and3A_4375 = vector.broadcast %and3A_4374 : i32 to vector<16xi32>
      %and3A_4376 = arith.andi %add3A_4373, %and3A_4375 : vector<16xi32>
      %bitcast3A_4377 = vector.bitcast %and3A_4376 : vector<16xi32> to vector<16xf32>
      %mul3A_4378 = arith.mulf %bitcast3A_2651, %bitcast3A_4377 : vector<16xf32>
      %add3A_4379 = arith.addf %add3A_4347, %mul3A_4378 : vector<16xf32>
      %add3A_4380 = arith.constant 32 : i32
      %add3A_4381 = vector.broadcast %add3A_4380 : i32 to vector<16xi32>
      %add3A_4382 = arith.addi %iota3A, %add3A_4381 : vector<16xi32>
      %mul3A_4383 = arith.constant 8 : i32
      %mul3A_4384 = vector.broadcast %mul3A_4383 : i32 to vector<16xi32>
      %mul3A_4385 = arith.muli %add3A_4382, %mul3A_4384 : vector<16xi32>
      %add3A_4386 = arith.constant 6 : i32
      %add3A_4387 = vector.broadcast %add3A_4386 : i32 to vector<16xi32>
      %add3A_4388 = arith.addi %mul3A_4385, %add3A_4387 : vector<16xi32>
      %gather3A_4389 = arith.constant 1 : i32
      %gather3A_4390 = arith.constant 0 : i32
      %gather3A_4391 = arith.constant 0 : i32
      %gather3A_4392 = tpu.memref_slice %arg10[%gather3A_4389, %gather3A_4390, %gather3A_4391] : memref<2x1x1024xf32, #tpu.memory_space<vmem>> -> memref<1x1x1024xf32, #tpu.memory_space<vmem>>
      %gather3A_4393 = tpu.memref_squeeze %gather3A_4392 : memref<1x1x1024xf32, #tpu.memory_space<vmem>> -> memref<1024xf32, #tpu.memory_space<vmem>>
      %gather3A_4394 = tpu.vector_load_idx %gather3A_4393[%add3A_4388] : memref<1024xf32, #tpu.memory_space<vmem>>[vector<16xi32>], vector<16xf32>,
      %bitcast3A_4395 = vector.bitcast %gather3A_4394 : vector<16xf32> to vector<16xi32>
      %add3A_4396 = arith.constant 32767 : i32
      %add3A_4397 = vector.broadcast %add3A_4396 : i32 to vector<16xi32>
      %add3A_4398 = arith.addi %bitcast3A_4395, %add3A_4397 : vector<16xi32>
      %shift_right_arithmetic3A_4399 = arith.constant 16 : i32
      %shift_right_arithmetic3A_4400 = vector.broadcast %shift_right_arithmetic3A_4399 : i32 to vector<16xi32>
      %shift_right_arithmetic3A_4401 = arith.shrsi %bitcast3A_4395, %shift_right_arithmetic3A_4400 : vector<16xi32>
      %and3A_4402 = arith.constant 1 : i32
      %and3A_4403 = vector.broadcast %and3A_4402 : i32 to vector<16xi32>
      %and3A_4404 = arith.andi %shift_right_arithmetic3A_4401, %and3A_4403 : vector<16xi32>
      %add3A_4405 = arith.addi %add3A_4398, %and3A_4404 : vector<16xi32>
      %and3A_4406 = arith.constant -65536 : i32
      %and3A_4407 = vector.broadcast %and3A_4406 : i32 to vector<16xi32>
      %and3A_4408 = arith.andi %add3A_4405, %and3A_4407 : vector<16xi32>
      %bitcast3A_4409 = vector.bitcast %and3A_4408 : vector<16xi32> to vector<16xf32>
      %mul3A_4410 = arith.mulf %bitcast3A_2666, %bitcast3A_4409 : vector<16xf32>
      %add3A_4411 = arith.addf %add3A_4379, %mul3A_4410 : vector<16xf32>
      %add3A_4412 = arith.constant 48 : i32
      %add3A_4413 = vector.broadcast %add3A_4412 : i32 to vector<16xi32>
      %add3A_4414 = arith.addi %iota3A, %add3A_4413 : vector<16xi32>
      %mul3A_4415 = arith.constant 8 : i32
      %mul3A_4416 = vector.broadcast %mul3A_4415 : i32 to vector<16xi32>
      %mul3A_4417 = arith.muli %add3A_4414, %mul3A_4416 : vector<16xi32>
      %add3A_4418 = arith.constant 6 : i32
      %add3A_4419 = vector.broadcast %add3A_4418 : i32 to vector<16xi32>
      %add3A_4420 = arith.addi %mul3A_4417, %add3A_4419 : vector<16xi32>
      %gather3A_4421 = arith.constant 1 : i32
      %gather3A_4422 = arith.constant 0 : i32
      %gather3A_4423 = arith.constant 0 : i32
      %gather3A_4424 = tpu.memref_slice %arg10[%gather3A_4421, %gather3A_4422, %gather3A_4423] : memref<2x1x1024xf32, #tpu.memory_space<vmem>> -> memref<1x1x1024xf32, #tpu.memory_space<vmem>>
      %gather3A_4425 = tpu.memref_squeeze %gather3A_4424 : memref<1x1x1024xf32, #tpu.memory_space<vmem>> -> memref<1024xf32, #tpu.memory_space<vmem>>
      %gather3A_4426 = tpu.vector_load_idx %gather3A_4425[%add3A_4420] : memref<1024xf32, #tpu.memory_space<vmem>>[vector<16xi32>], vector<16xf32>,
      %bitcast3A_4427 = vector.bitcast %gather3A_4426 : vector<16xf32> to vector<16xi32>
      %add3A_4428 = arith.constant 32767 : i32
      %add3A_4429 = vector.broadcast %add3A_4428 : i32 to vector<16xi32>
      %add3A_4430 = arith.addi %bitcast3A_4427, %add3A_4429 : vector<16xi32>
      %shift_right_arithmetic3A_4431 = arith.constant 16 : i32
      %shift_right_arithmetic3A_4432 = vector.broadcast %shift_right_arithmetic3A_4431 : i32 to vector<16xi32>
      %shift_right_arithmetic3A_4433 = arith.shrsi %bitcast3A_4427, %shift_right_arithmetic3A_4432 : vector<16xi32>
      %and3A_4434 = arith.constant 1 : i32
      %and3A_4435 = vector.broadcast %and3A_4434 : i32 to vector<16xi32>
      %and3A_4436 = arith.andi %shift_right_arithmetic3A_4433, %and3A_4435 : vector<16xi32>
      %add3A_4437 = arith.addi %add3A_4430, %and3A_4436 : vector<16xi32>
      %and3A_4438 = arith.constant -65536 : i32
      %and3A_4439 = vector.broadcast %and3A_4438 : i32 to vector<16xi32>
      %and3A_4440 = arith.andi %add3A_4437, %and3A_4439 : vector<16xi32>
      %bitcast3A_4441 = vector.bitcast %and3A_4440 : vector<16xi32> to vector<16xf32>
      %mul3A_4442 = arith.mulf %bitcast3A_2681, %bitcast3A_4441 : vector<16xf32>
      %add3A_4443 = arith.addf %add3A_4411, %mul3A_4442 : vector<16xf32>
      %add3A_4444 = arith.constant 64 : i32
      %add3A_4445 = vector.broadcast %add3A_4444 : i32 to vector<16xi32>
      %add3A_4446 = arith.addi %iota3A, %add3A_4445 : vector<16xi32>
      %mul3A_4447 = arith.constant 8 : i32
      %mul3A_4448 = vector.broadcast %mul3A_4447 : i32 to vector<16xi32>
      %mul3A_4449 = arith.muli %add3A_4446, %mul3A_4448 : vector<16xi32>
      %add3A_4450 = arith.constant 6 : i32
      %add3A_4451 = vector.broadcast %add3A_4450 : i32 to vector<16xi32>
      %add3A_4452 = arith.addi %mul3A_4449, %add3A_4451 : vector<16xi32>
      %gather3A_4453 = arith.constant 1 : i32
      %gather3A_4454 = arith.constant 0 : i32
      %gather3A_4455 = arith.constant 0 : i32
      %gather3A_4456 = tpu.memref_slice %arg10[%gather3A_4453, %gather3A_4454, %gather3A_4455] : memref<2x1x1024xf32, #tpu.memory_space<vmem>> -> memref<1x1x1024xf32, #tpu.memory_space<vmem>>
      %gather3A_4457 = tpu.memref_squeeze %gather3A_4456 : memref<1x1x1024xf32, #tpu.memory_space<vmem>> -> memref<1024xf32, #tpu.memory_space<vmem>>
      %gather3A_4458 = tpu.vector_load_idx %gather3A_4457[%add3A_4452] : memref<1024xf32, #tpu.memory_space<vmem>>[vector<16xi32>], vector<16xf32>,
      %bitcast3A_4459 = vector.bitcast %gather3A_4458 : vector<16xf32> to vector<16xi32>
      %add3A_4460 = arith.constant 32767 : i32
      %add3A_4461 = vector.broadcast %add3A_4460 : i32 to vector<16xi32>
      %add3A_4462 = arith.addi %bitcast3A_4459, %add3A_4461 : vector<16xi32>
      %shift_right_arithmetic3A_4463 = arith.constant 16 : i32
      %shift_right_arithmetic3A_4464 = vector.broadcast %shift_right_arithmetic3A_4463 : i32 to vector<16xi32>
      %shift_right_arithmetic3A_4465 = arith.shrsi %bitcast3A_4459, %shift_right_arithmetic3A_4464 : vector<16xi32>
      %and3A_4466 = arith.constant 1 : i32
      %and3A_4467 = vector.broadcast %and3A_4466 : i32 to vector<16xi32>
      %and3A_4468 = arith.andi %shift_right_arithmetic3A_4465, %and3A_4467 : vector<16xi32>
      %add3A_4469 = arith.addi %add3A_4462, %and3A_4468 : vector<16xi32>
      %and3A_4470 = arith.constant -65536 : i32
      %and3A_4471 = vector.broadcast %and3A_4470 : i32 to vector<16xi32>
      %and3A_4472 = arith.andi %add3A_4469, %and3A_4471 : vector<16xi32>
      %bitcast3A_4473 = vector.bitcast %and3A_4472 : vector<16xi32> to vector<16xf32>
      %mul3A_4474 = arith.mulf %bitcast3A_2696, %bitcast3A_4473 : vector<16xf32>
      %add3A_4475 = arith.addf %add3A_4443, %mul3A_4474 : vector<16xf32>
      %add3A_4476 = arith.constant 80 : i32
      %add3A_4477 = vector.broadcast %add3A_4476 : i32 to vector<16xi32>
      %add3A_4478 = arith.addi %iota3A, %add3A_4477 : vector<16xi32>
      %mul3A_4479 = arith.constant 8 : i32
      %mul3A_4480 = vector.broadcast %mul3A_4479 : i32 to vector<16xi32>
      %mul3A_4481 = arith.muli %add3A_4478, %mul3A_4480 : vector<16xi32>
      %add3A_4482 = arith.constant 6 : i32
      %add3A_4483 = vector.broadcast %add3A_4482 : i32 to vector<16xi32>
      %add3A_4484 = arith.addi %mul3A_4481, %add3A_4483 : vector<16xi32>
      %gather3A_4485 = arith.constant 1 : i32
      %gather3A_4486 = arith.constant 0 : i32
      %gather3A_4487 = arith.constant 0 : i32
      %gather3A_4488 = tpu.memref_slice %arg10[%gather3A_4485, %gather3A_4486, %gather3A_4487] : memref<2x1x1024xf32, #tpu.memory_space<vmem>> -> memref<1x1x1024xf32, #tpu.memory_space<vmem>>
      %gather3A_4489 = tpu.memref_squeeze %gather3A_4488 : memref<1x1x1024xf32, #tpu.memory_space<vmem>> -> memref<1024xf32, #tpu.memory_space<vmem>>
      %gather3A_4490 = tpu.vector_load_idx %gather3A_4489[%add3A_4484] : memref<1024xf32, #tpu.memory_space<vmem>>[vector<16xi32>], vector<16xf32>,
      %bitcast3A_4491 = vector.bitcast %gather3A_4490 : vector<16xf32> to vector<16xi32>
      %add3A_4492 = arith.constant 32767 : i32
      %add3A_4493 = vector.broadcast %add3A_4492 : i32 to vector<16xi32>
      %add3A_4494 = arith.addi %bitcast3A_4491, %add3A_4493 : vector<16xi32>
      %shift_right_arithmetic3A_4495 = arith.constant 16 : i32
      %shift_right_arithmetic3A_4496 = vector.broadcast %shift_right_arithmetic3A_4495 : i32 to vector<16xi32>
      %shift_right_arithmetic3A_4497 = arith.shrsi %bitcast3A_4491, %shift_right_arithmetic3A_4496 : vector<16xi32>
      %and3A_4498 = arith.constant 1 : i32
      %and3A_4499 = vector.broadcast %and3A_4498 : i32 to vector<16xi32>
      %and3A_4500 = arith.andi %shift_right_arithmetic3A_4497, %and3A_4499 : vector<16xi32>
      %add3A_4501 = arith.addi %add3A_4494, %and3A_4500 : vector<16xi32>
      %and3A_4502 = arith.constant -65536 : i32
      %and3A_4503 = vector.broadcast %and3A_4502 : i32 to vector<16xi32>
      %and3A_4504 = arith.andi %add3A_4501, %and3A_4503 : vector<16xi32>
      %bitcast3A_4505 = vector.bitcast %and3A_4504 : vector<16xi32> to vector<16xf32>
      %mul3A_4506 = arith.mulf %bitcast3A_2711, %bitcast3A_4505 : vector<16xf32>
      %add3A_4507 = arith.addf %add3A_4475, %mul3A_4506 : vector<16xf32>
      %add3A_4508 = arith.constant 96 : i32
      %add3A_4509 = vector.broadcast %add3A_4508 : i32 to vector<16xi32>
      %add3A_4510 = arith.addi %iota3A, %add3A_4509 : vector<16xi32>
      %mul3A_4511 = arith.constant 8 : i32
      %mul3A_4512 = vector.broadcast %mul3A_4511 : i32 to vector<16xi32>
      %mul3A_4513 = arith.muli %add3A_4510, %mul3A_4512 : vector<16xi32>
      %add3A_4514 = arith.constant 6 : i32
      %add3A_4515 = vector.broadcast %add3A_4514 : i32 to vector<16xi32>
      %add3A_4516 = arith.addi %mul3A_4513, %add3A_4515 : vector<16xi32>
      %gather3A_4517 = arith.constant 1 : i32
      %gather3A_4518 = arith.constant 0 : i32
      %gather3A_4519 = arith.constant 0 : i32
      %gather3A_4520 = tpu.memref_slice %arg10[%gather3A_4517, %gather3A_4518, %gather3A_4519] : memref<2x1x1024xf32, #tpu.memory_space<vmem>> -> memref<1x1x1024xf32, #tpu.memory_space<vmem>>
      %gather3A_4521 = tpu.memref_squeeze %gather3A_4520 : memref<1x1x1024xf32, #tpu.memory_space<vmem>> -> memref<1024xf32, #tpu.memory_space<vmem>>
      %gather3A_4522 = tpu.vector_load_idx %gather3A_4521[%add3A_4516] : memref<1024xf32, #tpu.memory_space<vmem>>[vector<16xi32>], vector<16xf32>,
      %bitcast3A_4523 = vector.bitcast %gather3A_4522 : vector<16xf32> to vector<16xi32>
      %add3A_4524 = arith.constant 32767 : i32
      %add3A_4525 = vector.broadcast %add3A_4524 : i32 to vector<16xi32>
      %add3A_4526 = arith.addi %bitcast3A_4523, %add3A_4525 : vector<16xi32>
      %shift_right_arithmetic3A_4527 = arith.constant 16 : i32
      %shift_right_arithmetic3A_4528 = vector.broadcast %shift_right_arithmetic3A_4527 : i32 to vector<16xi32>
      %shift_right_arithmetic3A_4529 = arith.shrsi %bitcast3A_4523, %shift_right_arithmetic3A_4528 : vector<16xi32>
      %and3A_4530 = arith.constant 1 : i32
      %and3A_4531 = vector.broadcast %and3A_4530 : i32 to vector<16xi32>
      %and3A_4532 = arith.andi %shift_right_arithmetic3A_4529, %and3A_4531 : vector<16xi32>
      %add3A_4533 = arith.addi %add3A_4526, %and3A_4532 : vector<16xi32>
      %and3A_4534 = arith.constant -65536 : i32
      %and3A_4535 = vector.broadcast %and3A_4534 : i32 to vector<16xi32>
      %and3A_4536 = arith.andi %add3A_4533, %and3A_4535 : vector<16xi32>
      %bitcast3A_4537 = vector.bitcast %and3A_4536 : vector<16xi32> to vector<16xf32>
      %mul3A_4538 = arith.mulf %bitcast3A_2726, %bitcast3A_4537 : vector<16xf32>
      %add3A_4539 = arith.addf %add3A_4507, %mul3A_4538 : vector<16xf32>
      %add3A_4540 = arith.constant 112 : i32
      %add3A_4541 = vector.broadcast %add3A_4540 : i32 to vector<16xi32>
      %add3A_4542 = arith.addi %iota3A, %add3A_4541 : vector<16xi32>
      %mul3A_4543 = arith.constant 8 : i32
      %mul3A_4544 = vector.broadcast %mul3A_4543 : i32 to vector<16xi32>
      %mul3A_4545 = arith.muli %add3A_4542, %mul3A_4544 : vector<16xi32>
      %add3A_4546 = arith.constant 6 : i32
      %add3A_4547 = vector.broadcast %add3A_4546 : i32 to vector<16xi32>
      %add3A_4548 = arith.addi %mul3A_4545, %add3A_4547 : vector<16xi32>
      %gather3A_4549 = arith.constant 1 : i32
      %gather3A_4550 = arith.constant 0 : i32
      %gather3A_4551 = arith.constant 0 : i32
      %gather3A_4552 = tpu.memref_slice %arg10[%gather3A_4549, %gather3A_4550, %gather3A_4551] : memref<2x1x1024xf32, #tpu.memory_space<vmem>> -> memref<1x1x1024xf32, #tpu.memory_space<vmem>>
      %gather3A_4553 = tpu.memref_squeeze %gather3A_4552 : memref<1x1x1024xf32, #tpu.memory_space<vmem>> -> memref<1024xf32, #tpu.memory_space<vmem>>
      %gather3A_4554 = tpu.vector_load_idx %gather3A_4553[%add3A_4548] : memref<1024xf32, #tpu.memory_space<vmem>>[vector<16xi32>], vector<16xf32>,
      %bitcast3A_4555 = vector.bitcast %gather3A_4554 : vector<16xf32> to vector<16xi32>
      %add3A_4556 = arith.constant 32767 : i32
      %add3A_4557 = vector.broadcast %add3A_4556 : i32 to vector<16xi32>
      %add3A_4558 = arith.addi %bitcast3A_4555, %add3A_4557 : vector<16xi32>
      %shift_right_arithmetic3A_4559 = arith.constant 16 : i32
      %shift_right_arithmetic3A_4560 = vector.broadcast %shift_right_arithmetic3A_4559 : i32 to vector<16xi32>
      %shift_right_arithmetic3A_4561 = arith.shrsi %bitcast3A_4555, %shift_right_arithmetic3A_4560 : vector<16xi32>
      %and3A_4562 = arith.constant 1 : i32
      %and3A_4563 = vector.broadcast %and3A_4562 : i32 to vector<16xi32>
      %and3A_4564 = arith.andi %shift_right_arithmetic3A_4561, %and3A_4563 : vector<16xi32>
      %add3A_4565 = arith.addi %add3A_4558, %and3A_4564 : vector<16xi32>
      %and3A_4566 = arith.constant -65536 : i32
      %and3A_4567 = vector.broadcast %and3A_4566 : i32 to vector<16xi32>
      %and3A_4568 = arith.andi %add3A_4565, %and3A_4567 : vector<16xi32>
      %bitcast3A_4569 = vector.bitcast %and3A_4568 : vector<16xi32> to vector<16xf32>
      %mul3A_4570 = arith.mulf %bitcast3A_2741, %bitcast3A_4569 : vector<16xf32>
      %add3A_4571 = arith.addf %add3A_4539, %mul3A_4570 : vector<16xf32>
      %reduce_sum3A_4572 = arith.constant true
      %reduce_sum3A_4573 = vector.broadcast %reduce_sum3A_4572 : i1 to vector<16xi1>
      %reduce_sum3A_4574 = tpu.scan <sum>, %add3A_4571 masked %reduce_sum3A_4573 : vector<16xf32>, vector<16xi1> -> vector<16xf32>
      %reduce_sum3A_4575 = vector.extract %reduce_sum3A_4574[15] : f32 from vector<16xf32>
      %broadcast_in_dim3A_4576 = arith.constant 0.000000e+00 : f32
      %broadcast_in_dim3A_4577 = vector.broadcast %broadcast_in_dim3A_4576 : f32 to vector<16xf32>
      %add3A_4578 = arith.constant 0 : i32
      %add3A_4579 = vector.broadcast %add3A_4578 : i32 to vector<16xi32>
      %add3A_4580 = arith.addi %iota3A, %add3A_4579 : vector<16xi32>
      %mul3A_4581 = arith.constant 8 : i32
      %mul3A_4582 = vector.broadcast %mul3A_4581 : i32 to vector<16xi32>
      %mul3A_4583 = arith.muli %add3A_4580, %mul3A_4582 : vector<16xi32>
      %add3A_4584 = arith.constant 7 : i32
      %add3A_4585 = vector.broadcast %add3A_4584 : i32 to vector<16xi32>
      %add3A_4586 = arith.addi %mul3A_4583, %add3A_4585 : vector<16xi32>
      %gather3A_4587 = arith.constant 1 : i32
      %gather3A_4588 = arith.constant 0 : i32
      %gather3A_4589 = arith.constant 0 : i32
      %gather3A_4590 = tpu.memref_slice %arg10[%gather3A_4587, %gather3A_4588, %gather3A_4589] : memref<2x1x1024xf32, #tpu.memory_space<vmem>> -> memref<1x1x1024xf32, #tpu.memory_space<vmem>>
      %gather3A_4591 = tpu.memref_squeeze %gather3A_4590 : memref<1x1x1024xf32, #tpu.memory_space<vmem>> -> memref<1024xf32, #tpu.memory_space<vmem>>
      %gather3A_4592 = tpu.vector_load_idx %gather3A_4591[%add3A_4586] : memref<1024xf32, #tpu.memory_space<vmem>>[vector<16xi32>], vector<16xf32>,
      %bitcast3A_4593 = vector.bitcast %gather3A_4592 : vector<16xf32> to vector<16xi32>
      %add3A_4594 = arith.constant 32767 : i32
      %add3A_4595 = vector.broadcast %add3A_4594 : i32 to vector<16xi32>
      %add3A_4596 = arith.addi %bitcast3A_4593, %add3A_4595 : vector<16xi32>
      %shift_right_arithmetic3A_4597 = arith.constant 16 : i32
      %shift_right_arithmetic3A_4598 = vector.broadcast %shift_right_arithmetic3A_4597 : i32 to vector<16xi32>
      %shift_right_arithmetic3A_4599 = arith.shrsi %bitcast3A_4593, %shift_right_arithmetic3A_4598 : vector<16xi32>
      %and3A_4600 = arith.constant 1 : i32
      %and3A_4601 = vector.broadcast %and3A_4600 : i32 to vector<16xi32>
      %and3A_4602 = arith.andi %shift_right_arithmetic3A_4599, %and3A_4601 : vector<16xi32>
      %add3A_4603 = arith.addi %add3A_4596, %and3A_4602 : vector<16xi32>
      %and3A_4604 = arith.constant -65536 : i32
      %and3A_4605 = vector.broadcast %and3A_4604 : i32 to vector<16xi32>
      %and3A_4606 = arith.andi %add3A_4603, %and3A_4605 : vector<16xi32>
      %bitcast3A_4607 = vector.bitcast %and3A_4606 : vector<16xi32> to vector<16xf32>
      %mul3A_4608 = arith.mulf %bitcast3A_2636, %bitcast3A_4607 : vector<16xf32>
      %add3A_4609 = arith.addf %broadcast_in_dim3A_4577, %mul3A_4608 : vector<16xf32>
      %add3A_4610 = arith.constant 16 : i32
      %add3A_4611 = vector.broadcast %add3A_4610 : i32 to vector<16xi32>
      %add3A_4612 = arith.addi %iota3A, %add3A_4611 : vector<16xi32>
      %mul3A_4613 = arith.constant 8 : i32
      %mul3A_4614 = vector.broadcast %mul3A_4613 : i32 to vector<16xi32>
      %mul3A_4615 = arith.muli %add3A_4612, %mul3A_4614 : vector<16xi32>
      %add3A_4616 = arith.constant 7 : i32
      %add3A_4617 = vector.broadcast %add3A_4616 : i32 to vector<16xi32>
      %add3A_4618 = arith.addi %mul3A_4615, %add3A_4617 : vector<16xi32>
      %gather3A_4619 = arith.constant 1 : i32
      %gather3A_4620 = arith.constant 0 : i32
      %gather3A_4621 = arith.constant 0 : i32
      %gather3A_4622 = tpu.memref_slice %arg10[%gather3A_4619, %gather3A_4620, %gather3A_4621] : memref<2x1x1024xf32, #tpu.memory_space<vmem>> -> memref<1x1x1024xf32, #tpu.memory_space<vmem>>
      %gather3A_4623 = tpu.memref_squeeze %gather3A_4622 : memref<1x1x1024xf32, #tpu.memory_space<vmem>> -> memref<1024xf32, #tpu.memory_space<vmem>>
      %gather3A_4624 = tpu.vector_load_idx %gather3A_4623[%add3A_4618] : memref<1024xf32, #tpu.memory_space<vmem>>[vector<16xi32>], vector<16xf32>,
      %bitcast3A_4625 = vector.bitcast %gather3A_4624 : vector<16xf32> to vector<16xi32>
      %add3A_4626 = arith.constant 32767 : i32
      %add3A_4627 = vector.broadcast %add3A_4626 : i32 to vector<16xi32>
      %add3A_4628 = arith.addi %bitcast3A_4625, %add3A_4627 : vector<16xi32>
      %shift_right_arithmetic3A_4629 = arith.constant 16 : i32
      %shift_right_arithmetic3A_4630 = vector.broadcast %shift_right_arithmetic3A_4629 : i32 to vector<16xi32>
      %shift_right_arithmetic3A_4631 = arith.shrsi %bitcast3A_4625, %shift_right_arithmetic3A_4630 : vector<16xi32>
      %and3A_4632 = arith.constant 1 : i32
      %and3A_4633 = vector.broadcast %and3A_4632 : i32 to vector<16xi32>
      %and3A_4634 = arith.andi %shift_right_arithmetic3A_4631, %and3A_4633 : vector<16xi32>
      %add3A_4635 = arith.addi %add3A_4628, %and3A_4634 : vector<16xi32>
      %and3A_4636 = arith.constant -65536 : i32
      %and3A_4637 = vector.broadcast %and3A_4636 : i32 to vector<16xi32>
      %and3A_4638 = arith.andi %add3A_4635, %and3A_4637 : vector<16xi32>
      %bitcast3A_4639 = vector.bitcast %and3A_4638 : vector<16xi32> to vector<16xf32>
      %mul3A_4640 = arith.mulf %bitcast3A_2651, %bitcast3A_4639 : vector<16xf32>
      %add3A_4641 = arith.addf %add3A_4609, %mul3A_4640 : vector<16xf32>
      %add3A_4642 = arith.constant 32 : i32
      %add3A_4643 = vector.broadcast %add3A_4642 : i32 to vector<16xi32>
      %add3A_4644 = arith.addi %iota3A, %add3A_4643 : vector<16xi32>
      %mul3A_4645 = arith.constant 8 : i32
      %mul3A_4646 = vector.broadcast %mul3A_4645 : i32 to vector<16xi32>
      %mul3A_4647 = arith.muli %add3A_4644, %mul3A_4646 : vector<16xi32>
      %add3A_4648 = arith.constant 7 : i32
      %add3A_4649 = vector.broadcast %add3A_4648 : i32 to vector<16xi32>
      %add3A_4650 = arith.addi %mul3A_4647, %add3A_4649 : vector<16xi32>
      %gather3A_4651 = arith.constant 1 : i32
      %gather3A_4652 = arith.constant 0 : i32
      %gather3A_4653 = arith.constant 0 : i32
      %gather3A_4654 = tpu.memref_slice %arg10[%gather3A_4651, %gather3A_4652, %gather3A_4653] : memref<2x1x1024xf32, #tpu.memory_space<vmem>> -> memref<1x1x1024xf32, #tpu.memory_space<vmem>>
      %gather3A_4655 = tpu.memref_squeeze %gather3A_4654 : memref<1x1x1024xf32, #tpu.memory_space<vmem>> -> memref<1024xf32, #tpu.memory_space<vmem>>
      %gather3A_4656 = tpu.vector_load_idx %gather3A_4655[%add3A_4650] : memref<1024xf32, #tpu.memory_space<vmem>>[vector<16xi32>], vector<16xf32>,
      %bitcast3A_4657 = vector.bitcast %gather3A_4656 : vector<16xf32> to vector<16xi32>
      %add3A_4658 = arith.constant 32767 : i32
      %add3A_4659 = vector.broadcast %add3A_4658 : i32 to vector<16xi32>
      %add3A_4660 = arith.addi %bitcast3A_4657, %add3A_4659 : vector<16xi32>
      %shift_right_arithmetic3A_4661 = arith.constant 16 : i32
      %shift_right_arithmetic3A_4662 = vector.broadcast %shift_right_arithmetic3A_4661 : i32 to vector<16xi32>
      %shift_right_arithmetic3A_4663 = arith.shrsi %bitcast3A_4657, %shift_right_arithmetic3A_4662 : vector<16xi32>
      %and3A_4664 = arith.constant 1 : i32
      %and3A_4665 = vector.broadcast %and3A_4664 : i32 to vector<16xi32>
      %and3A_4666 = arith.andi %shift_right_arithmetic3A_4663, %and3A_4665 : vector<16xi32>
      %add3A_4667 = arith.addi %add3A_4660, %and3A_4666 : vector<16xi32>
      %and3A_4668 = arith.constant -65536 : i32
      %and3A_4669 = vector.broadcast %and3A_4668 : i32 to vector<16xi32>
      %and3A_4670 = arith.andi %add3A_4667, %and3A_4669 : vector<16xi32>
      %bitcast3A_4671 = vector.bitcast %and3A_4670 : vector<16xi32> to vector<16xf32>
      %mul3A_4672 = arith.mulf %bitcast3A_2666, %bitcast3A_4671 : vector<16xf32>
      %add3A_4673 = arith.addf %add3A_4641, %mul3A_4672 : vector<16xf32>
      %add3A_4674 = arith.constant 48 : i32
      %add3A_4675 = vector.broadcast %add3A_4674 : i32 to vector<16xi32>
      %add3A_4676 = arith.addi %iota3A, %add3A_4675 : vector<16xi32>
      %mul3A_4677 = arith.constant 8 : i32
      %mul3A_4678 = vector.broadcast %mul3A_4677 : i32 to vector<16xi32>
      %mul3A_4679 = arith.muli %add3A_4676, %mul3A_4678 : vector<16xi32>
      %add3A_4680 = arith.constant 7 : i32
      %add3A_4681 = vector.broadcast %add3A_4680 : i32 to vector<16xi32>
      %add3A_4682 = arith.addi %mul3A_4679, %add3A_4681 : vector<16xi32>
      %gather3A_4683 = arith.constant 1 : i32
      %gather3A_4684 = arith.constant 0 : i32
      %gather3A_4685 = arith.constant 0 : i32
      %gather3A_4686 = tpu.memref_slice %arg10[%gather3A_4683, %gather3A_4684, %gather3A_4685] : memref<2x1x1024xf32, #tpu.memory_space<vmem>> -> memref<1x1x1024xf32, #tpu.memory_space<vmem>>
      %gather3A_4687 = tpu.memref_squeeze %gather3A_4686 : memref<1x1x1024xf32, #tpu.memory_space<vmem>> -> memref<1024xf32, #tpu.memory_space<vmem>>
      %gather3A_4688 = tpu.vector_load_idx %gather3A_4687[%add3A_4682] : memref<1024xf32, #tpu.memory_space<vmem>>[vector<16xi32>], vector<16xf32>,
      %bitcast3A_4689 = vector.bitcast %gather3A_4688 : vector<16xf32> to vector<16xi32>
      %add3A_4690 = arith.constant 32767 : i32
      %add3A_4691 = vector.broadcast %add3A_4690 : i32 to vector<16xi32>
      %add3A_4692 = arith.addi %bitcast3A_4689, %add3A_4691 : vector<16xi32>
      %shift_right_arithmetic3A_4693 = arith.constant 16 : i32
      %shift_right_arithmetic3A_4694 = vector.broadcast %shift_right_arithmetic3A_4693 : i32 to vector<16xi32>
      %shift_right_arithmetic3A_4695 = arith.shrsi %bitcast3A_4689, %shift_right_arithmetic3A_4694 : vector<16xi32>
      %and3A_4696 = arith.constant 1 : i32
      %and3A_4697 = vector.broadcast %and3A_4696 : i32 to vector<16xi32>
      %and3A_4698 = arith.andi %shift_right_arithmetic3A_4695, %and3A_4697 : vector<16xi32>
      %add3A_4699 = arith.addi %add3A_4692, %and3A_4698 : vector<16xi32>
      %and3A_4700 = arith.constant -65536 : i32
      %and3A_4701 = vector.broadcast %and3A_4700 : i32 to vector<16xi32>
      %and3A_4702 = arith.andi %add3A_4699, %and3A_4701 : vector<16xi32>
      %bitcast3A_4703 = vector.bitcast %and3A_4702 : vector<16xi32> to vector<16xf32>
      %mul3A_4704 = arith.mulf %bitcast3A_2681, %bitcast3A_4703 : vector<16xf32>
      %add3A_4705 = arith.addf %add3A_4673, %mul3A_4704 : vector<16xf32>
      %add3A_4706 = arith.constant 64 : i32
      %add3A_4707 = vector.broadcast %add3A_4706 : i32 to vector<16xi32>
      %add3A_4708 = arith.addi %iota3A, %add3A_4707 : vector<16xi32>
      %mul3A_4709 = arith.constant 8 : i32
      %mul3A_4710 = vector.broadcast %mul3A_4709 : i32 to vector<16xi32>
      %mul3A_4711 = arith.muli %add3A_4708, %mul3A_4710 : vector<16xi32>
      %add3A_4712 = arith.constant 7 : i32
      %add3A_4713 = vector.broadcast %add3A_4712 : i32 to vector<16xi32>
      %add3A_4714 = arith.addi %mul3A_4711, %add3A_4713 : vector<16xi32>
      %gather3A_4715 = arith.constant 1 : i32
      %gather3A_4716 = arith.constant 0 : i32
      %gather3A_4717 = arith.constant 0 : i32
      %gather3A_4718 = tpu.memref_slice %arg10[%gather3A_4715, %gather3A_4716, %gather3A_4717] : memref<2x1x1024xf32, #tpu.memory_space<vmem>> -> memref<1x1x1024xf32, #tpu.memory_space<vmem>>
      %gather3A_4719 = tpu.memref_squeeze %gather3A_4718 : memref<1x1x1024xf32, #tpu.memory_space<vmem>> -> memref<1024xf32, #tpu.memory_space<vmem>>
      %gather3A_4720 = tpu.vector_load_idx %gather3A_4719[%add3A_4714] : memref<1024xf32, #tpu.memory_space<vmem>>[vector<16xi32>], vector<16xf32>,
      %bitcast3A_4721 = vector.bitcast %gather3A_4720 : vector<16xf32> to vector<16xi32>
      %add3A_4722 = arith.constant 32767 : i32
      %add3A_4723 = vector.broadcast %add3A_4722 : i32 to vector<16xi32>
      %add3A_4724 = arith.addi %bitcast3A_4721, %add3A_4723 : vector<16xi32>
      %shift_right_arithmetic3A_4725 = arith.constant 16 : i32
      %shift_right_arithmetic3A_4726 = vector.broadcast %shift_right_arithmetic3A_4725 : i32 to vector<16xi32>
      %shift_right_arithmetic3A_4727 = arith.shrsi %bitcast3A_4721, %shift_right_arithmetic3A_4726 : vector<16xi32>
      %and3A_4728 = arith.constant 1 : i32
      %and3A_4729 = vector.broadcast %and3A_4728 : i32 to vector<16xi32>
      %and3A_4730 = arith.andi %shift_right_arithmetic3A_4727, %and3A_4729 : vector<16xi32>
      %add3A_4731 = arith.addi %add3A_4724, %and3A_4730 : vector<16xi32>
      %and3A_4732 = arith.constant -65536 : i32
      %and3A_4733 = vector.broadcast %and3A_4732 : i32 to vector<16xi32>
      %and3A_4734 = arith.andi %add3A_4731, %and3A_4733 : vector<16xi32>
      %bitcast3A_4735 = vector.bitcast %and3A_4734 : vector<16xi32> to vector<16xf32>
      %mul3A_4736 = arith.mulf %bitcast3A_2696, %bitcast3A_4735 : vector<16xf32>
      %add3A_4737 = arith.addf %add3A_4705, %mul3A_4736 : vector<16xf32>
      %add3A_4738 = arith.constant 80 : i32
      %add3A_4739 = vector.broadcast %add3A_4738 : i32 to vector<16xi32>
      %add3A_4740 = arith.addi %iota3A, %add3A_4739 : vector<16xi32>
      %mul3A_4741 = arith.constant 8 : i32
      %mul3A_4742 = vector.broadcast %mul3A_4741 : i32 to vector<16xi32>
      %mul3A_4743 = arith.muli %add3A_4740, %mul3A_4742 : vector<16xi32>
      %add3A_4744 = arith.constant 7 : i32
      %add3A_4745 = vector.broadcast %add3A_4744 : i32 to vector<16xi32>
      %add3A_4746 = arith.addi %mul3A_4743, %add3A_4745 : vector<16xi32>
      %gather3A_4747 = arith.constant 1 : i32
      %gather3A_4748 = arith.constant 0 : i32
      %gather3A_4749 = arith.constant 0 : i32
      %gather3A_4750 = tpu.memref_slice %arg10[%gather3A_4747, %gather3A_4748, %gather3A_4749] : memref<2x1x1024xf32, #tpu.memory_space<vmem>> -> memref<1x1x1024xf32, #tpu.memory_space<vmem>>
      %gather3A_4751 = tpu.memref_squeeze %gather3A_4750 : memref<1x1x1024xf32, #tpu.memory_space<vmem>> -> memref<1024xf32, #tpu.memory_space<vmem>>
      %gather3A_4752 = tpu.vector_load_idx %gather3A_4751[%add3A_4746] : memref<1024xf32, #tpu.memory_space<vmem>>[vector<16xi32>], vector<16xf32>,
      %bitcast3A_4753 = vector.bitcast %gather3A_4752 : vector<16xf32> to vector<16xi32>
      %add3A_4754 = arith.constant 32767 : i32
      %add3A_4755 = vector.broadcast %add3A_4754 : i32 to vector<16xi32>
      %add3A_4756 = arith.addi %bitcast3A_4753, %add3A_4755 : vector<16xi32>
      %shift_right_arithmetic3A_4757 = arith.constant 16 : i32
      %shift_right_arithmetic3A_4758 = vector.broadcast %shift_right_arithmetic3A_4757 : i32 to vector<16xi32>
      %shift_right_arithmetic3A_4759 = arith.shrsi %bitcast3A_4753, %shift_right_arithmetic3A_4758 : vector<16xi32>
      %and3A_4760 = arith.constant 1 : i32
      %and3A_4761 = vector.broadcast %and3A_4760 : i32 to vector<16xi32>
      %and3A_4762 = arith.andi %shift_right_arithmetic3A_4759, %and3A_4761 : vector<16xi32>
      %add3A_4763 = arith.addi %add3A_4756, %and3A_4762 : vector<16xi32>
      %and3A_4764 = arith.constant -65536 : i32
      %and3A_4765 = vector.broadcast %and3A_4764 : i32 to vector<16xi32>
      %and3A_4766 = arith.andi %add3A_4763, %and3A_4765 : vector<16xi32>
      %bitcast3A_4767 = vector.bitcast %and3A_4766 : vector<16xi32> to vector<16xf32>
      %mul3A_4768 = arith.mulf %bitcast3A_2711, %bitcast3A_4767 : vector<16xf32>
      %add3A_4769 = arith.addf %add3A_4737, %mul3A_4768 : vector<16xf32>
      %add3A_4770 = arith.constant 96 : i32
      %add3A_4771 = vector.broadcast %add3A_4770 : i32 to vector<16xi32>
      %add3A_4772 = arith.addi %iota3A, %add3A_4771 : vector<16xi32>
      %mul3A_4773 = arith.constant 8 : i32
      %mul3A_4774 = vector.broadcast %mul3A_4773 : i32 to vector<16xi32>
      %mul3A_4775 = arith.muli %add3A_4772, %mul3A_4774 : vector<16xi32>
      %add3A_4776 = arith.constant 7 : i32
      %add3A_4777 = vector.broadcast %add3A_4776 : i32 to vector<16xi32>
      %add3A_4778 = arith.addi %mul3A_4775, %add3A_4777 : vector<16xi32>
      %gather3A_4779 = arith.constant 1 : i32
      %gather3A_4780 = arith.constant 0 : i32
      %gather3A_4781 = arith.constant 0 : i32
      %gather3A_4782 = tpu.memref_slice %arg10[%gather3A_4779, %gather3A_4780, %gather3A_4781] : memref<2x1x1024xf32, #tpu.memory_space<vmem>> -> memref<1x1x1024xf32, #tpu.memory_space<vmem>>
      %gather3A_4783 = tpu.memref_squeeze %gather3A_4782 : memref<1x1x1024xf32, #tpu.memory_space<vmem>> -> memref<1024xf32, #tpu.memory_space<vmem>>
      %gather3A_4784 = tpu.vector_load_idx %gather3A_4783[%add3A_4778] : memref<1024xf32, #tpu.memory_space<vmem>>[vector<16xi32>], vector<16xf32>,
      %bitcast3A_4785 = vector.bitcast %gather3A_4784 : vector<16xf32> to vector<16xi32>
      %add3A_4786 = arith.constant 32767 : i32
      %add3A_4787 = vector.broadcast %add3A_4786 : i32 to vector<16xi32>
      %add3A_4788 = arith.addi %bitcast3A_4785, %add3A_4787 : vector<16xi32>
      %shift_right_arithmetic3A_4789 = arith.constant 16 : i32
      %shift_right_arithmetic3A_4790 = vector.broadcast %shift_right_arithmetic3A_4789 : i32 to vector<16xi32>
      %shift_right_arithmetic3A_4791 = arith.shrsi %bitcast3A_4785, %shift_right_arithmetic3A_4790 : vector<16xi32>
      %and3A_4792 = arith.constant 1 : i32
      %and3A_4793 = vector.broadcast %and3A_4792 : i32 to vector<16xi32>
      %and3A_4794 = arith.andi %shift_right_arithmetic3A_4791, %and3A_4793 : vector<16xi32>
      %add3A_4795 = arith.addi %add3A_4788, %and3A_4794 : vector<16xi32>
      %and3A_4796 = arith.constant -65536 : i32
      %and3A_4797 = vector.broadcast %and3A_4796 : i32 to vector<16xi32>
      %and3A_4798 = arith.andi %add3A_4795, %and3A_4797 : vector<16xi32>
      %bitcast3A_4799 = vector.bitcast %and3A_4798 : vector<16xi32> to vector<16xf32>
      %mul3A_4800 = arith.mulf %bitcast3A_2726, %bitcast3A_4799 : vector<16xf32>
      %add3A_4801 = arith.addf %add3A_4769, %mul3A_4800 : vector<16xf32>
      %add3A_4802 = arith.constant 112 : i32
      %add3A_4803 = vector.broadcast %add3A_4802 : i32 to vector<16xi32>
      %add3A_4804 = arith.addi %iota3A, %add3A_4803 : vector<16xi32>
      %mul3A_4805 = arith.constant 8 : i32
      %mul3A_4806 = vector.broadcast %mul3A_4805 : i32 to vector<16xi32>
      %mul3A_4807 = arith.muli %add3A_4804, %mul3A_4806 : vector<16xi32>
      %add3A_4808 = arith.constant 7 : i32
      %add3A_4809 = vector.broadcast %add3A_4808 : i32 to vector<16xi32>
      %add3A_4810 = arith.addi %mul3A_4807, %add3A_4809 : vector<16xi32>
      %gather3A_4811 = arith.constant 1 : i32
      %gather3A_4812 = arith.constant 0 : i32
      %gather3A_4813 = arith.constant 0 : i32
      %gather3A_4814 = tpu.memref_slice %arg10[%gather3A_4811, %gather3A_4812, %gather3A_4813] : memref<2x1x1024xf32, #tpu.memory_space<vmem>> -> memref<1x1x1024xf32, #tpu.memory_space<vmem>>
      %gather3A_4815 = tpu.memref_squeeze %gather3A_4814 : memref<1x1x1024xf32, #tpu.memory_space<vmem>> -> memref<1024xf32, #tpu.memory_space<vmem>>
      %gather3A_4816 = tpu.vector_load_idx %gather3A_4815[%add3A_4810] : memref<1024xf32, #tpu.memory_space<vmem>>[vector<16xi32>], vector<16xf32>,
      %bitcast3A_4817 = vector.bitcast %gather3A_4816 : vector<16xf32> to vector<16xi32>
      %add3A_4818 = arith.constant 32767 : i32
      %add3A_4819 = vector.broadcast %add3A_4818 : i32 to vector<16xi32>
      %add3A_4820 = arith.addi %bitcast3A_4817, %add3A_4819 : vector<16xi32>
      %shift_right_arithmetic3A_4821 = arith.constant 16 : i32
      %shift_right_arithmetic3A_4822 = vector.broadcast %shift_right_arithmetic3A_4821 : i32 to vector<16xi32>
      %shift_right_arithmetic3A_4823 = arith.shrsi %bitcast3A_4817, %shift_right_arithmetic3A_4822 : vector<16xi32>
      %and3A_4824 = arith.constant 1 : i32
      %and3A_4825 = vector.broadcast %and3A_4824 : i32 to vector<16xi32>
      %and3A_4826 = arith.andi %shift_right_arithmetic3A_4823, %and3A_4825 : vector<16xi32>
      %add3A_4827 = arith.addi %add3A_4820, %and3A_4826 : vector<16xi32>
      %and3A_4828 = arith.constant -65536 : i32
      %and3A_4829 = vector.broadcast %and3A_4828 : i32 to vector<16xi32>
      %and3A_4830 = arith.andi %add3A_4827, %and3A_4829 : vector<16xi32>
      %bitcast3A_4831 = vector.bitcast %and3A_4830 : vector<16xi32> to vector<16xf32>
      %mul3A_4832 = arith.mulf %bitcast3A_2741, %bitcast3A_4831 : vector<16xf32>
      %add3A_4833 = arith.addf %add3A_4801, %mul3A_4832 : vector<16xf32>
      %reduce_sum3A_4834 = arith.constant true
      %reduce_sum3A_4835 = vector.broadcast %reduce_sum3A_4834 : i1 to vector<16xi1>
      %reduce_sum3A_4836 = tpu.scan <sum>, %add3A_4833 masked %reduce_sum3A_4835 : vector<16xf32>, vector<16xi1> -> vector<16xf32>
      %reduce_sum3A_4837 = vector.extract %reduce_sum3A_4836[15] : f32 from vector<16xf32>
      %gt3A_4838 = arith.cmpf ogt, %reduce_sum3A_3265, %reduce_sum3A_3003 : f32
      %select_n3A_4839 = arith.select %gt3A_4838, %reduce_sum3A_3265, %reduce_sum3A_3003 : f32
      %jit3A_4840 = arith.constant 1 : i32
      %jit3A_4841 = arith.constant 0 : i32
      %select_n3A_4842 = arith.select %gt3A_4838, %jit3A_4840, %jit3A_4841 : i32
      %gt3A_4843 = arith.cmpf ogt, %reduce_sum3A_3527, %select_n3A_4839 : f32
      %select_n3A_4844 = arith.select %gt3A_4843, %reduce_sum3A_3527, %select_n3A_4839 : f32
      %jit3A_4845 = arith.constant 2 : i32
      %select_n3A_4846 = arith.select %gt3A_4843, %jit3A_4845, %select_n3A_4842 : i32
      %gt3A_4847 = arith.cmpf ogt, %reduce_sum3A_3789, %select_n3A_4844 : f32
      %select_n3A_4848 = arith.select %gt3A_4847, %reduce_sum3A_3789, %select_n3A_4844 : f32
      %jit3A_4849 = arith.constant 3 : i32
      %select_n3A_4850 = arith.select %gt3A_4847, %jit3A_4849, %select_n3A_4846 : i32
      %gt3A_4851 = arith.cmpf ogt, %reduce_sum3A_4051, %select_n3A_4848 : f32
      %select_n3A_4852 = arith.select %gt3A_4851, %reduce_sum3A_4051, %select_n3A_4848 : f32
      %jit3A_4853 = arith.constant 4 : i32
      %select_n3A_4854 = arith.select %gt3A_4851, %jit3A_4853, %select_n3A_4850 : i32
      %gt3A_4855 = arith.cmpf ogt, %reduce_sum3A_4313, %select_n3A_4852 : f32
      %select_n3A_4856 = arith.select %gt3A_4855, %reduce_sum3A_4313, %select_n3A_4852 : f32
      %jit3A_4857 = arith.constant 5 : i32
      %select_n3A_4858 = arith.select %gt3A_4855, %jit3A_4857, %select_n3A_4854 : i32
      %gt3A_4859 = arith.cmpf ogt, %reduce_sum3A_4575, %select_n3A_4856 : f32
      %select_n3A_4860 = arith.select %gt3A_4859, %reduce_sum3A_4575, %select_n3A_4856 : f32
      %jit3A_4861 = arith.constant 6 : i32
      %select_n3A_4862 = arith.select %gt3A_4859, %jit3A_4861, %select_n3A_4858 : i32
      %gt3A_4863 = arith.cmpf ogt, %reduce_sum3A_4837, %select_n3A_4860 : f32
      %select_n3A_4864 = arith.select %gt3A_4863, %reduce_sum3A_4837, %select_n3A_4860 : f32
      %jit3A_4865 = arith.constant 7 : i32
      %select_n3A_4866 = arith.select %gt3A_4863, %jit3A_4865, %select_n3A_4862 : i32
      %add3A_4867 = arith.constant 0 : i32
      %add3A_4868 = vector.broadcast %add3A_4867 : i32 to vector<16xi32>
      %add3A_4869 = arith.addi %iota3A, %add3A_4868 : vector<16xi32>
      %mul3A_4870 = arith.constant 8 : i32
      %mul3A_4871 = vector.broadcast %mul3A_4870 : i32 to vector<16xi32>
      %mul3A_4872 = arith.muli %add3A_4869, %mul3A_4871 : vector<16xi32>
      %add3A_4873 = vector.broadcast %select_n3A_4866 : i32 to vector<16xi32>
      %add3A_4874 = arith.addi %mul3A_4872, %add3A_4873 : vector<16xi32>
      %gather3A_4875 = arith.constant 1 : i32
      %gather3A_4876 = arith.constant 0 : i32
      %gather3A_4877 = arith.constant 0 : i32
      %gather3A_4878 = tpu.memref_slice %arg10[%gather3A_4875, %gather3A_4876, %gather3A_4877] : memref<2x1x1024xf32, #tpu.memory_space<vmem>> -> memref<1x1x1024xf32, #tpu.memory_space<vmem>>
      %gather3A_4879 = tpu.memref_squeeze %gather3A_4878 : memref<1x1x1024xf32, #tpu.memory_space<vmem>> -> memref<1024xf32, #tpu.memory_space<vmem>>
      %gather3A_4880 = tpu.vector_load_idx %gather3A_4879[%add3A_4874] : memref<1024xf32, #tpu.memory_space<vmem>>[vector<16xi32>], vector<16xf32>,
      %swap3A_4881 = arith.index_cast %add3A_2601 : i32 to index
      %swap3A_4882 = arith.constant 0 : index
      %swap3A_4883 = tpu.vector_load %arg11[%swap3A_4881, %swap3A_4882] {strides = array<i32>} : memref<128x128xf32, #tpu.memory_space<vmem>>, vector<16xf32>,
      tpu.vector_store %arg11[%swap3A_4881, %swap3A_4882], %gather3A_4880 {strides = array<i32>} : memref<128x128xf32, #tpu.memory_space<vmem>>, vector<16xf32>,
      %add3A_4884 = arith.constant 16 : i32
      %add3A_4885 = vector.broadcast %add3A_4884 : i32 to vector<16xi32>
      %add3A_4886 = arith.addi %iota3A, %add3A_4885 : vector<16xi32>
      %mul3A_4887 = arith.constant 8 : i32
      %mul3A_4888 = vector.broadcast %mul3A_4887 : i32 to vector<16xi32>
      %mul3A_4889 = arith.muli %add3A_4886, %mul3A_4888 : vector<16xi32>
      %add3A_4890 = vector.broadcast %select_n3A_4866 : i32 to vector<16xi32>
      %add3A_4891 = arith.addi %mul3A_4889, %add3A_4890 : vector<16xi32>
      %gather3A_4892 = arith.constant 1 : i32
      %gather3A_4893 = arith.constant 0 : i32
      %gather3A_4894 = arith.constant 0 : i32
      %gather3A_4895 = tpu.memref_slice %arg10[%gather3A_4892, %gather3A_4893, %gather3A_4894] : memref<2x1x1024xf32, #tpu.memory_space<vmem>> -> memref<1x1x1024xf32, #tpu.memory_space<vmem>>
      %gather3A_4896 = tpu.memref_squeeze %gather3A_4895 : memref<1x1x1024xf32, #tpu.memory_space<vmem>> -> memref<1024xf32, #tpu.memory_space<vmem>>
      %gather3A_4897 = tpu.vector_load_idx %gather3A_4896[%add3A_4891] : memref<1024xf32, #tpu.memory_space<vmem>>[vector<16xi32>], vector<16xf32>,
      %swap3A_4898 = arith.index_cast %add3A_2601 : i32 to index
      %swap3A_4899 = arith.constant 16 : index
      %swap3A_4900 = tpu.vector_load %arg11[%swap3A_4898, %swap3A_4899] {strides = array<i32>} : memref<128x128xf32, #tpu.memory_space<vmem>>, vector<16xf32>,
      tpu.vector_store %arg11[%swap3A_4898, %swap3A_4899], %gather3A_4897 {strides = array<i32>} : memref<128x128xf32, #tpu.memory_space<vmem>>, vector<16xf32>,
      %add3A_4901 = arith.constant 32 : i32
      %add3A_4902 = vector.broadcast %add3A_4901 : i32 to vector<16xi32>
      %add3A_4903 = arith.addi %iota3A, %add3A_4902 : vector<16xi32>
      %mul3A_4904 = arith.constant 8 : i32
      %mul3A_4905 = vector.broadcast %mul3A_4904 : i32 to vector<16xi32>
      %mul3A_4906 = arith.muli %add3A_4903, %mul3A_4905 : vector<16xi32>
      %add3A_4907 = vector.broadcast %select_n3A_4866 : i32 to vector<16xi32>
      %add3A_4908 = arith.addi %mul3A_4906, %add3A_4907 : vector<16xi32>
      %gather3A_4909 = arith.constant 1 : i32
      %gather3A_4910 = arith.constant 0 : i32
      %gather3A_4911 = arith.constant 0 : i32
      %gather3A_4912 = tpu.memref_slice %arg10[%gather3A_4909, %gather3A_4910, %gather3A_4911] : memref<2x1x1024xf32, #tpu.memory_space<vmem>> -> memref<1x1x1024xf32, #tpu.memory_space<vmem>>
      %gather3A_4913 = tpu.memref_squeeze %gather3A_4912 : memref<1x1x1024xf32, #tpu.memory_space<vmem>> -> memref<1024xf32, #tpu.memory_space<vmem>>
      %gather3A_4914 = tpu.vector_load_idx %gather3A_4913[%add3A_4908] : memref<1024xf32, #tpu.memory_space<vmem>>[vector<16xi32>], vector<16xf32>,
      %swap3A_4915 = arith.index_cast %add3A_2601 : i32 to index
      %swap3A_4916 = arith.constant 32 : index
      %swap3A_4917 = tpu.vector_load %arg11[%swap3A_4915, %swap3A_4916] {strides = array<i32>} : memref<128x128xf32, #tpu.memory_space<vmem>>, vector<16xf32>,
      tpu.vector_store %arg11[%swap3A_4915, %swap3A_4916], %gather3A_4914 {strides = array<i32>} : memref<128x128xf32, #tpu.memory_space<vmem>>, vector<16xf32>,
      %add3A_4918 = arith.constant 48 : i32
      %add3A_4919 = vector.broadcast %add3A_4918 : i32 to vector<16xi32>
      %add3A_4920 = arith.addi %iota3A, %add3A_4919 : vector<16xi32>
      %mul3A_4921 = arith.constant 8 : i32
      %mul3A_4922 = vector.broadcast %mul3A_4921 : i32 to vector<16xi32>
      %mul3A_4923 = arith.muli %add3A_4920, %mul3A_4922 : vector<16xi32>
      %add3A_4924 = vector.broadcast %select_n3A_4866 : i32 to vector<16xi32>
      %add3A_4925 = arith.addi %mul3A_4923, %add3A_4924 : vector<16xi32>
      %gather3A_4926 = arith.constant 1 : i32
      %gather3A_4927 = arith.constant 0 : i32
      %gather3A_4928 = arith.constant 0 : i32
      %gather3A_4929 = tpu.memref_slice %arg10[%gather3A_4926, %gather3A_4927, %gather3A_4928] : memref<2x1x1024xf32, #tpu.memory_space<vmem>> -> memref<1x1x1024xf32, #tpu.memory_space<vmem>>
      %gather3A_4930 = tpu.memref_squeeze %gather3A_4929 : memref<1x1x1024xf32, #tpu.memory_space<vmem>> -> memref<1024xf32, #tpu.memory_space<vmem>>
      %gather3A_4931 = tpu.vector_load_idx %gather3A_4930[%add3A_4925] : memref<1024xf32, #tpu.memory_space<vmem>>[vector<16xi32>], vector<16xf32>,
      %swap3A_4932 = arith.index_cast %add3A_2601 : i32 to index
      %swap3A_4933 = arith.constant 48 : index
      %swap3A_4934 = tpu.vector_load %arg11[%swap3A_4932, %swap3A_4933] {strides = array<i32>} : memref<128x128xf32, #tpu.memory_space<vmem>>, vector<16xf32>,
      tpu.vector_store %arg11[%swap3A_4932, %swap3A_4933], %gather3A_4931 {strides = array<i32>} : memref<128x128xf32, #tpu.memory_space<vmem>>, vector<16xf32>,
      %add3A_4935 = arith.constant 64 : i32
      %add3A_4936 = vector.broadcast %add3A_4935 : i32 to vector<16xi32>
      %add3A_4937 = arith.addi %iota3A, %add3A_4936 : vector<16xi32>
      %mul3A_4938 = arith.constant 8 : i32
      %mul3A_4939 = vector.broadcast %mul3A_4938 : i32 to vector<16xi32>
      %mul3A_4940 = arith.muli %add3A_4937, %mul3A_4939 : vector<16xi32>
      %add3A_4941 = vector.broadcast %select_n3A_4866 : i32 to vector<16xi32>
      %add3A_4942 = arith.addi %mul3A_4940, %add3A_4941 : vector<16xi32>
      %gather3A_4943 = arith.constant 1 : i32
      %gather3A_4944 = arith.constant 0 : i32
      %gather3A_4945 = arith.constant 0 : i32
      %gather3A_4946 = tpu.memref_slice %arg10[%gather3A_4943, %gather3A_4944, %gather3A_4945] : memref<2x1x1024xf32, #tpu.memory_space<vmem>> -> memref<1x1x1024xf32, #tpu.memory_space<vmem>>
      %gather3A_4947 = tpu.memref_squeeze %gather3A_4946 : memref<1x1x1024xf32, #tpu.memory_space<vmem>> -> memref<1024xf32, #tpu.memory_space<vmem>>
      %gather3A_4948 = tpu.vector_load_idx %gather3A_4947[%add3A_4942] : memref<1024xf32, #tpu.memory_space<vmem>>[vector<16xi32>], vector<16xf32>,
      %swap3A_4949 = arith.index_cast %add3A_2601 : i32 to index
      %swap3A_4950 = arith.constant 64 : index
      %swap3A_4951 = tpu.vector_load %arg11[%swap3A_4949, %swap3A_4950] {strides = array<i32>} : memref<128x128xf32, #tpu.memory_space<vmem>>, vector<16xf32>,
      tpu.vector_store %arg11[%swap3A_4949, %swap3A_4950], %gather3A_4948 {strides = array<i32>} : memref<128x128xf32, #tpu.memory_space<vmem>>, vector<16xf32>,
      %add3A_4952 = arith.constant 80 : i32
      %add3A_4953 = vector.broadcast %add3A_4952 : i32 to vector<16xi32>
      %add3A_4954 = arith.addi %iota3A, %add3A_4953 : vector<16xi32>
      %mul3A_4955 = arith.constant 8 : i32
      %mul3A_4956 = vector.broadcast %mul3A_4955 : i32 to vector<16xi32>
      %mul3A_4957 = arith.muli %add3A_4954, %mul3A_4956 : vector<16xi32>
      %add3A_4958 = vector.broadcast %select_n3A_4866 : i32 to vector<16xi32>
      %add3A_4959 = arith.addi %mul3A_4957, %add3A_4958 : vector<16xi32>
      %gather3A_4960 = arith.constant 1 : i32
      %gather3A_4961 = arith.constant 0 : i32
      %gather3A_4962 = arith.constant 0 : i32
      %gather3A_4963 = tpu.memref_slice %arg10[%gather3A_4960, %gather3A_4961, %gather3A_4962] : memref<2x1x1024xf32, #tpu.memory_space<vmem>> -> memref<1x1x1024xf32, #tpu.memory_space<vmem>>
      %gather3A_4964 = tpu.memref_squeeze %gather3A_4963 : memref<1x1x1024xf32, #tpu.memory_space<vmem>> -> memref<1024xf32, #tpu.memory_space<vmem>>
      %gather3A_4965 = tpu.vector_load_idx %gather3A_4964[%add3A_4959] : memref<1024xf32, #tpu.memory_space<vmem>>[vector<16xi32>], vector<16xf32>,
      %swap3A_4966 = arith.index_cast %add3A_2601 : i32 to index
      %swap3A_4967 = arith.constant 80 : index
      %swap3A_4968 = tpu.vector_load %arg11[%swap3A_4966, %swap3A_4967] {strides = array<i32>} : memref<128x128xf32, #tpu.memory_space<vmem>>, vector<16xf32>,
      tpu.vector_store %arg11[%swap3A_4966, %swap3A_4967], %gather3A_4965 {strides = array<i32>} : memref<128x128xf32, #tpu.memory_space<vmem>>, vector<16xf32>,
      %add3A_4969 = arith.constant 96 : i32
      %add3A_4970 = vector.broadcast %add3A_4969 : i32 to vector<16xi32>
      %add3A_4971 = arith.addi %iota3A, %add3A_4970 : vector<16xi32>
      %mul3A_4972 = arith.constant 8 : i32
      %mul3A_4973 = vector.broadcast %mul3A_4972 : i32 to vector<16xi32>
      %mul3A_4974 = arith.muli %add3A_4971, %mul3A_4973 : vector<16xi32>
      %add3A_4975 = vector.broadcast %select_n3A_4866 : i32 to vector<16xi32>
      %add3A_4976 = arith.addi %mul3A_4974, %add3A_4975 : vector<16xi32>
      %gather3A_4977 = arith.constant 1 : i32
      %gather3A_4978 = arith.constant 0 : i32
      %gather3A_4979 = arith.constant 0 : i32
      %gather3A_4980 = tpu.memref_slice %arg10[%gather3A_4977, %gather3A_4978, %gather3A_4979] : memref<2x1x1024xf32, #tpu.memory_space<vmem>> -> memref<1x1x1024xf32, #tpu.memory_space<vmem>>
      %gather3A_4981 = tpu.memref_squeeze %gather3A_4980 : memref<1x1x1024xf32, #tpu.memory_space<vmem>> -> memref<1024xf32, #tpu.memory_space<vmem>>
      %gather3A_4982 = tpu.vector_load_idx %gather3A_4981[%add3A_4976] : memref<1024xf32, #tpu.memory_space<vmem>>[vector<16xi32>], vector<16xf32>,
      %swap3A_4983 = arith.index_cast %add3A_2601 : i32 to index
      %swap3A_4984 = arith.constant 96 : index
      %swap3A_4985 = tpu.vector_load %arg11[%swap3A_4983, %swap3A_4984] {strides = array<i32>} : memref<128x128xf32, #tpu.memory_space<vmem>>, vector<16xf32>,
      tpu.vector_store %arg11[%swap3A_4983, %swap3A_4984], %gather3A_4982 {strides = array<i32>} : memref<128x128xf32, #tpu.memory_space<vmem>>, vector<16xf32>,
      %add3A_4986 = arith.constant 112 : i32
      %add3A_4987 = vector.broadcast %add3A_4986 : i32 to vector<16xi32>
      %add3A_4988 = arith.addi %iota3A, %add3A_4987 : vector<16xi32>
      %mul3A_4989 = arith.constant 8 : i32
      %mul3A_4990 = vector.broadcast %mul3A_4989 : i32 to vector<16xi32>
      %mul3A_4991 = arith.muli %add3A_4988, %mul3A_4990 : vector<16xi32>
      %add3A_4992 = vector.broadcast %select_n3A_4866 : i32 to vector<16xi32>
      %add3A_4993 = arith.addi %mul3A_4991, %add3A_4992 : vector<16xi32>
      %gather3A_4994 = arith.constant 1 : i32
      %gather3A_4995 = arith.constant 0 : i32
      %gather3A_4996 = arith.constant 0 : i32
      %gather3A_4997 = tpu.memref_slice %arg10[%gather3A_4994, %gather3A_4995, %gather3A_4996] : memref<2x1x1024xf32, #tpu.memory_space<vmem>> -> memref<1x1x1024xf32, #tpu.memory_space<vmem>>
      %gather3A_4998 = tpu.memref_squeeze %gather3A_4997 : memref<1x1x1024xf32, #tpu.memory_space<vmem>> -> memref<1024xf32, #tpu.memory_space<vmem>>
      %gather3A_4999 = tpu.vector_load_idx %gather3A_4998[%add3A_4993] : memref<1024xf32, #tpu.memory_space<vmem>>[vector<16xi32>], vector<16xf32>,
      %swap3A_5000 = arith.index_cast %add3A_2601 : i32 to index
      %swap3A_5001 = arith.constant 112 : index
      %swap3A_5002 = tpu.vector_load %arg11[%swap3A_5000, %swap3A_5001] {strides = array<i32>} : memref<128x128xf32, #tpu.memory_space<vmem>>, vector<16xf32>,
      tpu.vector_store %arg11[%swap3A_5000, %swap3A_5001], %gather3A_4999 {strides = array<i32>} : memref<128x128xf32, #tpu.memory_space<vmem>>, vector<16xf32>,
    }
    %scan3A_42 = arith.constant 64 : i32
    %dma_wait3A = arith.constant 0 : i32
    %dma_wait3A_43 = arith.constant 0 : i32
    %dma_wait3A_44 = arith.constant 0 : i32
    %dma_wait3A_45 = tpu.memref_slice %arg9[%dma_wait3A, %dma_wait3A_43, %dma_wait3A_44] : memref<2x200x128xf32, #tpu.memory_space<vmem>> -> memref<1x200x128xf32, #tpu.memory_space<vmem>>
    %dma_wait3A_46 = tpu.memref_squeeze %dma_wait3A_45 : memref<1x200x128xf32, #tpu.memory_space<vmem>> -> memref<200x128xf32, #tpu.memory_space<vmem>>
    %dma_wait3A_47 = arith.constant 0 : i32
    %dma_wait3A_48 = arith.constant 0 : i32
    %dma_wait3A_49 = tpu.memref_slice %arg4[%dma_wait3A_47, %dma_wait3A_48] : memref<100000x128xf32, #tpu.memory_space<hbm>> -> memref<200x128xf32, #tpu.memory_space<hbm>>
    %dma_wait3A_50 = arith.constant 0 : i32
    %dma_wait3A_51 = arith.constant 0 : i32
    %dma_wait3A_52 = tpu.memref_slice %arg9[%dma_wait3A, %dma_wait3A_50, %dma_wait3A_51] : memref<2x200x128xf32, #tpu.memory_space<vmem>> -> memref<1x200x128xf32, #tpu.memory_space<vmem>>
    %dma_wait3A_53 = tpu.memref_squeeze %dma_wait3A_52 : memref<1x200x128xf32, #tpu.memory_space<vmem>> -> memref<200x128xf32, #tpu.memory_space<vmem>>
    %dma_wait3A_54 = arith.constant 0 : i32
    %dma_wait3A_55 = arith.constant 0 : i32
    %dma_wait3A_56 = tpu.memref_slice %arg4[%dma_wait3A_54, %dma_wait3A_55] : memref<100000x128xf32, #tpu.memory_space<hbm>> -> memref<200x128xf32, #tpu.memory_space<hbm>>
    tpu.wait_dma2 semaphore(%arg12 : memref<!tpu.dma_semaphore, #tpu.memory_space<semaphore_mem>>) src(%dma_wait3A_56 : memref<200x128xf32, #tpu.memory_space<hbm>>) dst(%dma_wait3A_53 : memref<200x128xf32, #tpu.memory_space<vmem>>)
    %dma_wait3A_57 = arith.constant 0 : i32
    %dma_wait3A_58 = arith.constant 0 : i32
    %dma_wait3A_59 = arith.constant 0 : i32
    %dma_wait3A_60 = tpu.memref_slice %arg10[%dma_wait3A_57, %dma_wait3A_58, %dma_wait3A_59] : memref<2x1x1024xf32, #tpu.memory_space<vmem>> -> memref<1x1x1024xf32, #tpu.memory_space<vmem>>
    %dma_wait3A_61 = tpu.memref_squeeze %dma_wait3A_60 : memref<1x1x1024xf32, #tpu.memory_space<vmem>> -> memref<1x1024xf32, #tpu.memory_space<vmem>>
    %dma_wait3A_62 = arith.constant 0 : i32
    %dma_wait3A_63 = arith.constant 0 : i32
    %dma_wait3A_64 = tpu.memref_slice %arg5[%dma_wait3A_62, %dma_wait3A_63] : memref<100000x1024xf32, #tpu.memory_space<hbm>> -> memref<1x1024xf32, #tpu.memory_space<hbm>>
    %dma_wait3A_65 = arith.constant 0 : i32
    %dma_wait3A_66 = arith.constant 0 : i32
    %dma_wait3A_67 = tpu.memref_slice %arg10[%dma_wait3A_57, %dma_wait3A_65, %dma_wait3A_66] : memref<2x1x1024xf32, #tpu.memory_space<vmem>> -> memref<1x1x1024xf32, #tpu.memory_space<vmem>>
    %dma_wait3A_68 = tpu.memref_squeeze %dma_wait3A_67 : memref<1x1x1024xf32, #tpu.memory_space<vmem>> -> memref<1x1024xf32, #tpu.memory_space<vmem>>
    %dma_wait3A_69 = arith.constant 0 : i32
    %dma_wait3A_70 = arith.constant 0 : i32
    %dma_wait3A_71 = tpu.memref_slice %arg5[%dma_wait3A_69, %dma_wait3A_70] : memref<100000x1024xf32, #tpu.memory_space<hbm>> -> memref<1x1024xf32, #tpu.memory_space<hbm>>
    tpu.wait_dma2 semaphore(%arg14 : memref<!tpu.dma_semaphore, #tpu.memory_space<semaphore_mem>>) src(%dma_wait3A_71 : memref<1x1024xf32, #tpu.memory_space<hbm>>) dst(%dma_wait3A_68 : memref<1x1024xf32, #tpu.memory_space<vmem>>)
    "tpu.region"() ({
      %run_scoped3A = tpu.sem_alloc : memref<!tpu.dma_semaphore, #tpu.memory_space<semaphore_mem>>
      %dma_start3A_72 = arith.constant 0 : i32
      %dma_start3A_73 = arith.constant 0 : i32
      %dma_start3A_74 = tpu.memref_slice %arg6[%add3A, %dma_start3A_72, %dma_start3A_73] : memref<32x128x128xf32, #tpu.memory_space<hbm>> -> memref<1x128x128xf32, #tpu.memory_space<hbm>>
      %dma_start3A_75 = tpu.memref_squeeze %dma_start3A_74 : memref<1x128x128xf32, #tpu.memory_space<hbm>> -> memref<128x128xf32, #tpu.memory_space<hbm>>
      %dma_start3A_76 = arith.constant 0 : i32
      %dma_start3A_77 = arith.constant 0 : i32
      %dma_start3A_78 = tpu.memref_slice %arg6[%add3A, %dma_start3A_76, %dma_start3A_77] : memref<32x128x128xf32, #tpu.memory_space<hbm>> -> memref<1x128x128xf32, #tpu.memory_space<hbm>>
      %dma_start3A_79 = tpu.memref_squeeze %dma_start3A_78 : memref<1x128x128xf32, #tpu.memory_space<hbm>> -> memref<128x128xf32, #tpu.memory_space<hbm>>
      tpu.enqueue_dma source(%arg11 : memref<128x128xf32, #tpu.memory_space<vmem>>) target(%dma_start3A_79 : memref<128x128xf32, #tpu.memory_space<hbm>>) target_semaphore(%run_scoped3A : memref<!tpu.dma_semaphore, #tpu.memory_space<semaphore_mem>>)
      %dma_wait3A_80 = arith.constant 0 : i32
      %dma_wait3A_81 = arith.constant 0 : i32
      %dma_wait3A_82 = tpu.memref_slice %arg6[%add3A, %dma_wait3A_80, %dma_wait3A_81] : memref<32x128x128xf32, #tpu.memory_space<hbm>> -> memref<1x128x128xf32, #tpu.memory_space<hbm>>
      %dma_wait3A_83 = tpu.memref_squeeze %dma_wait3A_82 : memref<1x128x128xf32, #tpu.memory_space<hbm>> -> memref<128x128xf32, #tpu.memory_space<hbm>>
      %dma_wait3A_84 = arith.constant 0 : i32
      %dma_wait3A_85 = arith.constant 0 : i32
      %dma_wait3A_86 = tpu.memref_slice %arg6[%add3A, %dma_wait3A_84, %dma_wait3A_85] : memref<32x128x128xf32, #tpu.memory_space<hbm>> -> memref<1x128x128xf32, #tpu.memory_space<hbm>>
      %dma_wait3A_87 = tpu.memref_squeeze %dma_wait3A_86 : memref<1x128x128xf32, #tpu.memory_space<hbm>> -> memref<128x128xf32, #tpu.memory_space<hbm>>
      tpu.wait_dma2 semaphore(%run_scoped3A : memref<!tpu.dma_semaphore, #tpu.memory_space<semaphore_mem>>) src(%arg11 : memref<128x128xf32, #tpu.memory_space<vmem>>) dst(%dma_wait3A_87 : memref<128x128xf32, #tpu.memory_space<hbm>>)
      tpu.yield
    }) : () -> ()
    return
  }
}

</mosaic_0001>

<sc_bundles>
// kernel: kernel.3.cloned.1.call-start
scs
__scs_entry_jumppad:
0x0: {  	(pc) =	sbr.rel $0x88, $3  }
0x1: {  	(tag) =	ssettag $0x0;
	lr =	simm.s32 $0x1  }
0x2: {  	[smem:$0x3F9D] =	sst lr;
	_ =	strace $0xD0000000  }
0x3: {  	_ = 	snop  }
0x4: {  	_ = 	snop  }
0x5: {  	_ = 	snop  }
0x6: {  	_ = 	snop  }
0x7: {  	_ = 	snop  }
__scs_overlays_trampoline_lowered:
0x8: {  	[smem:$0x3FAC] =	sst s0  }
0x9: {  	[smem:$0x3FAD] =	sst s1  }
0xa: {  	[smem:$0x3FAE] =	sst s2  }
0xb: {  	[smem:$0x3FAF] =	sst s3  }
0xc: {  	[smem:$0x3FB0] =	sst s4  }
0xd: {  	[smem:$0x3FB1] =	sst s5  }
0xe: {  	[smem:$0x3FB2] =	sst s6  }
0xf: {  	[smem:$0x3FB3] =	sst s7  }
0x10: {  	[smem:$0x3FB4] =	sst s8  }
0x11: {  	[smem:$0x3FB5] =	sst s9;
	s0 =	simm.s32 @!p0 $0x0  }
0x12: {  	s1 =	sld [smem:$0x3F9B];
	s0 =	simm.s32 @p0 $0x1  }
0x13: {  	[smem:$0x3FB6] =	sst s0;
	s0 =	simm.s32 @!p1 $0x0  }
0x14: {  	s2 =	sld [smem:$0x3F9A];
	s0 =	simm.s32 @p1 $0x1  }
0x15: {  	[smem:$0x3FB7] =	sst s0;
	s0 =	simm.s32 @!p2 $0x0  }
0x16: {  	s3 =	sld [smem:$0x3FDB];
	s0 =	simm.s32 @p2 $0x1  }
0x17: {  	s4 =	simm.s32 $0x1BF5;
	[smem:$0x3FB9] =	sst s0  }
0x18: {  	s0 =	sld [smem:$0x3F9C];
	_ =	swait.ge [sflag:s4], $0x0  }
0x19: {  	s7 =	sld [smem:$0x3F9D]  }
0x1a: {  	s8 =	sadd.s32 $0xFFFFE003, lr  }
0x1b: {  	s9 =	sadd.s32 $0xFFFFFEF7, lr;
	s5 =	simm.s32 $0xFFFFFFFF;
	p2 =	slt.u32 s8, $0xFFFFF086  }
0x1c: {  	p1 =	slt.u32 s9, $0xF7A;
	s5 =	simm.s32 @!p2 $0x0  }
0x1d: {  	s5 =	simm.s32 @p1 $0x1;
	p0 =	seq.s32 s7, s2  }
0x1e: {  	s7 =	smul.u32 @!p0 $0xF7A, s2;
	p2 =	seq.s32 @!p0 s5, $0x0  }
0x1f: {  	s9 =	smul.u32 $0xF7A, s1;
	s8 =	simm.s32 @!p0 $0x1BF5;
	p2 =	por !p2, p0  }
0x20: {  	[sflag:s8] =	ssyncset.s32 @!p0 $0xFFFFF086;
	s6 =	sadd.s32 @!p0 s3, s7;
	s7 =	simm.s32 @!p0 $0x108  }
0x21: {  	s3 =	sadd.s32 s3, s9;
	s6 =	sadd.s32 @!p0 $0x88, s6;
	s7 =	simm.s32 @p2 $0x1082  }
0x22: {  	[simem:s7], [sflag:s8] =	dma.local @!p0 [hbm:s6], $0xF7A  }
0x23: {  	s9 =	sor.u32 $0xD0000000, s2;
	s6 =	simm.s32 $0x108;
	_ =	swait.ge @!p0 [sflag:s8], $0x0  }
0x24: {  	s3 =	sadd.s32 $0x88, s3;
	s6 =	simm.s32 @!p1 $0x1082;
	[sflag:s4] =	ssyncset.s32 $0xFFFFF086  }
0x25: {  	[simem:s6], [sflag:s4] =	dma.local [hbm:s3], $0xF7A  }
0x26: {  	[smem:$0x3F9D] =	sst s1;
	(tag) =	ssettag s2;
	_ =	strace s9  }
0x27: {  	s1 =	sld [smem:$0x3FAD]  }
0x28: {  	s2 =	sld [smem:$0x3FAE]  }
0x29: {  	s4 =	sld [smem:$0x3FB0]  }
0x2a: {  	p0 =	seq.s32 s5, $0x0;
	s5 =	sld [smem:$0x3FB1]  }
0x2b: {  	s6 =	sld [smem:$0x3FB2]  }
0x2c: {  	s7 =	sld [smem:$0x3FB3]  }
0x2d: {  	s3 =	simm.s32 $0x108;
	s8 =	sld [smem:$0x3FB4]  }
0x2e: {  	s3 =	simm.s32 @!p0 $0x1082;
	s9 =	sld [smem:$0x3FB5]  }
0x2f: {  	lr =	sadd.s32 s0, s3;
	s0 =	sld [smem:$0x3FAC]  }
0x30: {  	s3 =	sld [smem:$0x3FAF]  }
0x31: {  	[smem:$0x3FB8] =	sst s10  }
0x32: {  	s10 =	sld [smem:$0x3FB6];
	_ =	sdelay $0x3  }
0x33: {  	p0 =	seq.s32 s10, $0x1;
	s10 =	sld [smem:$0x3FB8];
	_ =	sdelay $0x3  }
0x34: {  	[smem:$0x3FB8] =	sst s10  }
0x35: {  	s10 =	sld [smem:$0x3FB7];
	_ =	sdelay $0x3  }
0x36: {  	p1 =	seq.s32 s10, $0x1;
	s10 =	sld [smem:$0x3FB8];
	_ =	sdelay $0x3  }
0x37: {  	[smem:$0x3FB8] =	sst s10  }
0x38: {  	s10 =	sld [smem:$0x3FB9]  }
0x39: {  	_ = 	snop;
	(pc) =	sbr.ind lr, $3  }
0x3a: {  	_ = 	snop  }
0x3b: {  	_ = 	snop  }
0x3c: {  	p2 =	seq.s32 s10, $0x1;
	s10 =	sld [smem:$0x3FB8]  }
0x3d: {  	_ =	shalt  }
0x3e: {  	_ =	shalt  }
0x3f: {  	_ =	shalt  }
0x40: {  	_ =	shalt  }
0x41: {  	_ =	shalt  }
0x42: {  	_ =	shalt  }
0x43: {  	_ =	shalt  }
0x44: {  	_ =	shalt  }
0x45: {  	_ =	shalt  }
0x46: {  	_ =	shalt  }
0x47: {  	_ =	shalt  }
0x48: {  	_ =	shalt  }
0x49: {  	_ =	shalt  }
0x4a: {  	_ =	shalt  }
0x4b: {  	_ =	shalt  }
0x4c: {  	_ =	shalt  }
0x4d: {  	_ =	shalt  }
0x4e: {  	_ =	shalt  }
0x4f: {  	_ =	shalt  }
0x50: {  	_ =	shalt  }
0x51: {  	_ =	shalt  }
0x52: {  	_ =	shalt  }
0x53: {  	_ =	shalt  }
0x54: {  	_ =	shalt  }
0x55: {  	_ =	shalt  }
0x56: {  	_ =	shalt  }
0x57: {  	_ =	shalt  }
0x58: {  	_ =	shalt  }
0x59: {  	_ =	shalt  }
0x5a: {  	_ =	shalt  }
0x5b: {  	_ =	shalt  }
0x5c: {  	_ =	shalt  }
0x5d: {  	_ =	shalt  }
0x5e: {  	_ =	shalt  }
0x5f: {  	_ =	shalt  }
0x60: {  	_ =	shalt  }
0x61: {  	_ =	shalt  }
0x62: {  	_ =	shalt  }
0x63: {  	_ =	shalt  }
0x64: {  	_ =	shalt  }
0x65: {  	_ =	shalt  }
0x66: {  	_ =	shalt  }
0x67: {  	_ =	shalt  }
0x68: {  	_ =	shalt  }
0x69: {  	_ =	shalt  }
0x6a: {  	_ =	shalt  }
0x6b: {  	_ =	shalt  }
0x6c: {  	_ =	shalt  }
0x6d: {  	_ =	shalt  }
0x6e: {  	_ =	shalt  }
0x6f: {  	_ =	shalt  }
0x70: {  	_ =	shalt  }
0x71: {  	_ =	shalt  }
0x72: {  	_ =	shalt  }
0x73: {  	_ =	shalt  }
0x74: {  	_ =	shalt  }
0x75: {  	_ =	shalt  }
0x76: {  	_ =	shalt  }
0x77: {  	_ =	shalt  }
0x78: {  	_ =	shalt  }
0x79: {  	_ =	shalt  }
0x7a: {  	_ =	shalt  }
0x7b: {  	_ =	shalt  }
0x7c: {  	_ =	shalt  }
0x7d: {  	_ =	shalt  }
0x7e: {  	_ =	shalt  }
0x7f: {  	_ =	shalt  }
0x80: {  	_ =	shalt  }
0x81: {  	_ =	shalt  }
0x82: {  	_ =	shalt  }
0x83: {  	_ =	shalt  }
0x84: {  	_ =	shalt  }
0x85: {  	_ =	shalt  }
0x86: {  	_ =	shalt  }
0x87: {  	_ =	shalt  }
.Lfunc_end0:
.L_simem_size_0:
called_computation_lowered:
.L_overlay_start_0:
0x88: {  	s2 =	sld [smem:$0x3FD9]  }
0x89: {  	s3 =	sld [smem:$0x3FFE];
	_ =	sdelay $0x1  }
0x8a: {  	s1 =	srdreg.scid  }
0x8b: {  	s0 =	sand.u32 $0x1, s1  }
0x8c: {  	s17 =	sshll.u32 s0, $0xA;
	s2 =	sadd.s32 s3, s2  }
0x8d: {  	s2 =	sadd.s32 s2, s17  }
0x8e: {  	[smem:$0x3FC4] =	sst s2  }
0x8f: {  	_ = 	snop  }
0x90: {  	s2 =	sld [smem:$0x3FC7]  }
0x91: {  	s18 =	sld [smem:$0x3FD0];
	(tm) =	ssettm $0x1  }
0x92: {  	s4 =	sld [smem:$0x3FFB];
	_ =	sdelay $0x3  }
0x93: {  	_ =	strace s4  }
0x94: {  	s4 =	sld [smem:$0x3FFC];
	_ =	sdelay $0x3  }
0x95: {  	_ =	strace s4  }
0x96: {  	s4 =	sld [smem:$0x3FFD];
	_ =	sdelay $0x3  }
0x97: {  	_ =	strace s4  }
0x98: {  	_ =	strace $0x8FFFFFFF  }
0x99: {  	s19 =	sld [smem:$0x3FDB];
	_ =	sdelay $0x1  }
0x9a: {  	s5 =	simm.s32 $_scs_section_size  }
0x9b: {  	s6 =	simm.s32 $_size__tile_overlayer_lowered;
	s7 =	simm.s32 $_tile_overlayer_lowered  }
0x9c: {  	s22 =	simm.s32 $0x1BFF;
	s21 =	sshll.u32 s7, $0x1;
	s4 =	sadd.s32 s5, s19  }
0x9d: {  	s8 =	simm.s32 $0x0;
	s20 =	sshll.u32 s6, $0x1;
	s6 =	sadd.s32 s21, s4  }
0x9e: {  	[timem:s8], [sflag:s22] =	dma.local [hbm:s6], s20  }
0x9f: {  	_ =	swait.ge [sflag:s22], s20  }
0xa0: {  	s5 =	ssub.s32 $0x0, s20;
	[sflag:s22] =	ssyncset.done $0x0  }
0xa1: {  	[sflag:s22] =	ssyncadd.s32 s5;
	_ =	sdelay $0x1  }
0xa2: {  	s23 =	simm.s32 $0x1B8B  }
0xa3: {  	_ =	swait.ge [sflag:s23], $0x1  }
0xa4: {  	[sflag:s23] =	ssyncset.done $0x0  }
0xa5: {  	s25 =	simm.s32 $0x1B8E;
	s24 =	sld [smem:$0x3FFE];
	[sflag:s23] =	ssyncadd.s32 $0xFFFFFFFF  }
0xa6: {  	s26 =	simm.s32 $execute0_lowered;
	[smem:$0x3FD2] =	sst s25  }
0xa7: {  	s6 =	sshll.u32 s26, $0x1;
	_ =	strace $0x80000046;
	[dreg:$0x1] =	wrdreg $0xFFFFFFFF  }
0xa8: {  	s28 =	simm.s32 $_size_execute0_lowered;
	s4 =	sadd.s32 s4, s6;
	[dreg:$0x0] =	wrdreg $0x0  }
0xa9: {  	s6 =	sshll.u32 s28, $0x1;
	[dreg:$0x2] =	wrdreg s4  }
0xaa: {  	[dreg:$0x3] =	wrdreg s6  }
0xab: {  	[dreg:$0x4] =	wrdreg $0xC0  }
0xac: {  	_ =	task [dreg:s8], $0x5FFFF  }
0xad: {  	[dreg:$0x1] =	wrdreg $0xFFFFFFFF  }
0xae: {  	[dreg:$0x0] =	wrdreg $0x60  }
0xaf: {  	[dreg:$0x2] =	wrdreg s24  }
0xb0: {  	[dreg:$0x3] =	wrdreg s2  }
0xb1: {  	[dreg:$0x4] =	wrdreg s18  }
0xb2: {  	[dreg:$0x5] =	wrdreg $0x9  }
0xb3: {  	_ =	task.clear_ibuf [dreg:s8], $0x6FFFF;
	_ =	strace $0x90000046  }
0xb4: {  	s29 =	simm.s32 $0x9;
	_ =	strace $0x80000048  }
0xb5: {  	_ =	swait.ge [sflag:s29], $0x1  }
0xb6: {  	[sflag:s29] =	ssyncadd.s32 $0xFFFFFFFF  }
0xb7: {  	_ =	strace $0x90000048  }
0xb8: {  	_ =	sfence  }
0xb9: {  	s30 =	sld [smem:$0x0];
	_ =	sdelay $0x2  }
0xba: {  	s31 =	sshll.u32 s1, $0xD;
	s1 =	sshrl.u32 s1, $0x2  }
0xbb: {  	s3 =	sand.u32 $0x4000, s31;
	s1 =	sadd.s32 s1, s30  }
0xbc: {  	s0 =	sor.u32 s3, s0;
	s1 =	sshll.u32 s1, $0x11  }
0xbd: {  	s0 =	sor.u32 s1, s0  }
0xbe: {  	s0 =	sadd.s32 $0x8F2B, s0  }
0xbf: {  	[sflag:s0] =	ssyncadd.remote.s32 $0x1  }
0xc0: {  	_ =	sfence.sel $0xFFFF  }
0xc1: {  	[dreg:$0x0] =	wrdreg $0xFFFFFFFF;
	(pc) =	sbr.abs _section_cstart, $3  }
0xc2: {  	[dreg:$0x1] =	wrdreg $0xFFFFFFFF  }
0xc3: {  	_ =	task.clear_ibuf [dreg:s8], $0x2FFFF;
	_ =	strace $0x9FFFFFFF  }
0xc4: {  	(tm) =	ssettm $0x7FFFFFFF  }
0xc5: {  	_ =	shalt  }
tec
execute0_lowered:
.L_overlay_start_1:
0x0: {  	(tag) =	ssettag $0x1  }
0x1: {  	v0 =	vlaneseq.u32  }
0x2: {  	v0 =	vmul.u32 $0x8, v0;
	_ =	sdelay $0x1  }
0x3: {  	v1 =	vor.u32 $0x82, v0  }
0x4: {  	[tilespmem:$0x1FE30] =	vst v1;
	v1 =	vor.u32 $0x102, v0  }
0x5: {  	[tilespmem:$0x1FE40] =	vst v1;
	v1 =	vor.u32 $0x182, v0  }
0x6: {  	[tilespmem:$0x1FE50] =	vst v1;
	v1 =	vor.u32 $0x202, v0  }
0x7: {  	[tilespmem:$0x1FE60] =	vst v1;
	v1 =	vor.u32 $0x282, v0  }
0x8: {  	s4 =	rddreg [dreg:$0x0];
	[tilespmem:$0x1FE70] =	vst v1;
	v1 =	vor.u32 $0x302, v0  }
0x9: {  	s0 =	rddreg [dreg:$0x1];
	s3 =	simm.s32 $0x0;
	[tilespmem:$0x1FE80] =	vst v1;
	v1 =	vor.u32 $0x382, v0  }
0xa: {  	[smem:$0x7FF] =	sst s3;
	[tilespmem:$0x1FE90] =	vst v1;
	v1 =	vor.u32 $0x3, v0  }
0xb: {  	s7 =	rddreg [dreg:$0x2];
	_ =	strace $0x80000047;
	[tilespmem:$0x1FEA0] =	vst v1;
	v1 =	vor.u32 $0x83, v0  }
0xc: {  	[tilespmem:$0x1FEB0] =	vst v1;
	v1 =	vor.u32 $0x103, v0  }
0xd: {  	[tilespmem:$0x1FEC0] =	vst v1;
	v1 =	vor.u32 $0x183, v0  }
0xe: {  	[tilespmem:$0x1FED0] =	vst v1;
	v1 =	vor.u32 $0x203, v0  }
0xf: {  	[tilespmem:$0x1FEE0] =	vst v1;
	v1 =	vor.u32 $0x283, v0  }
0x10: {  	[tilespmem:$0x1FEF0] =	vst v1;
	v1 =	vor.u32 $0x303, v0  }
0x11: {  	[tilespmem:$0x1FF00] =	vst v1;
	v1 =	vor.u32 $0x383, v0  }
0x12: {  	[tilespmem:$0x1FF10] =	vst v1;
	v1 =	vor.u32 $0x4, v0  }
0x13: {  	[tilespmem:$0x1FF20] =	vst v1;
	v1 =	vor.u32 $0x84, v0  }
0x14: {  	v28 =	vimm.s32 $0x0;
	[tilespmem:$0x1FF30] =	vst v1;
	v1 =	vor.u32 $0x104, v0  }
0x15: {  	vm0 =	vmmov $0xff;
	v2 =	vor.u32 $0x80, v0;
	[tilespmem:$0x1FF40] =	vst v1;
	v1 =	vor.u32 $0x184, v0  }
0x16: {  	s5 =	srdreg.scid;
	s11 =	simm.s32 $0x64;
	s12 =	simm.s32 $0xC000;
	v3 =	vor.u32 $0x100, v0;
	v4 =	vor.u32 $0x180, v0;
	[tilespmem:$0x1FF50] =	vst v1;
	v1 =	vor.u32 $0x204, v0  }
0x17: {  	s2 =	stileid.u32;
	s14 =	simm.s32 $0xF200;
	s15 =	simm.s32 $0x18800;
	v5 =	vor.u32 $0x200, v0;
	v6 =	vor.u32 $0x280, v0;
	[tilespmem:$0x1FF60] =	vst v1;
	v1 =	vor.u32 $0x284, v0  }
0x18: {  	s13 =	simm.s32 $0x80;
	s16 =	simm.s32 $0x12400;
	s17 =	simm.s32 $0x15600;
	v7 =	vor.u32 $0x300, v0;
	v8 =	vor.u32 $0x380, v0;
	[tilespmem:$0x1FF70] =	vst v1;
	v1 =	vor.u32 $0x304, v0  }
0x19: {  	s18 =	simm.s32 $0x18C00;
	s19 =	simm.s32 $0x1;
	s20 =	simm.s32 $0x3;
	v29 =	vor.u32 $0x1, v0;
	v30 =	vor.u32 $0x81, v0;
	[tilespmem:$0x1FF80] =	vst v1;
	v1 =	vor.u32 $0x384, v0  }
0x1a: {  	s21 =	simm.s32 $0x2;
	s5 =	sand.u32 $0x1, s5;
	s6 =	sshll.u32 s2, $0x1;
	v31 =	vor.u32 $0x101, v0;
	v32 =	vor.u32 $0x181, v0;
	[tilespmem:$0x1FF90] =	vst v1;
	v1 =	vor.u32 $0x5, v0  }
0x1b: {  	s22 =	simm.s32 $0x4;
	s23 =	simm.s32 $0x19000;
	s6 =	sor.u32 s5, s6;
	v33 =	vor.u32 $0x201, v0;
	v34 =	vor.u32 $0x281, v0;
	[tilespmem:$0x1FFA0] =	vst v1;
	v1 =	vor.u32 $0x85, v0  }
0x1c: {  	s24 =	simm.s32 $0x0;
	s5 =	ssub.s32 $0x2, s5;
	v35 =	vor.u32 $0x301, v0;
	v36 =	vor.u32 $0x381, v0;
	s8 =	sshll.u32 s6, $0xB;
	[tilespmem:$0x1FFB0] =	vst v1;
	v1 =	vor.u32 $0x105, v0  }
0x1d: {  	v37 =	vor.u32 $0x2, v0;
	s6 =	sshll.u32 s6, $0xC;
	s10 =	sshrl.u32 s5, $0x1;
	v47 =	vor.u32 $0x305, v0;
	s9 =	sadd.s32 s8, s4;
	[tilespmem:$0x1FFC0] =	vst v1;
	v1 =	vor.u32 $0x185, v0  }
0x1e: {  	v48 =	vor.u32 $0x385, v0;
	v49 =	vor.u32 $0x6, v0;
	s6 =	sadd.s32 s6, s4;
	s4 =	sadd.s32 $0xC38800, s4;
	s10 =	ssub.s32 s5, s10;
	[tilespmem:$0x1FFD0] =	vst v1;
	v1 =	vor.u32 $0x205, v0  }
0x1f: {  	v50 =	vor.u32 $0x86, v0;
	v51 =	vor.u32 $0x106, v0;
	s7 =	sadd.s32 s7, s8;
	s5 =	sadd.s32 $0x800, s6;
	s6 =	sadd.s32 $0x20800, s9;
	[tilespmem:$0x1FFE0] =	vst v1;
	v1 =	vor.u32 $0x285, v0  }
0x20: {  	v52 =	vor.u32 $0x186, v0;
	v53 =	vor.u32 $0x206, v0;
	v54 =	vor.u32 $0x286, v0;
	s8 =	smax.u32 s10, $0x1;
	s9 =	simm.s32 $0x5;
	s10 =	simm.s32 $0x8000;
	[tilespmem:$0x1FFF0] =	vst v1  }
.LBB2_1:
0x21: {  	[tilespmem:s3], [sflag:$0x5] =	stream.linear.gather [hbm4b:s5+s3], $0x8000, $0x38;
	[tilespmem:$0x1D000] =	vst v63  }
0x22: {  	_ =	swait.ge [sflag:s9], $0x8000  }
0x23: {  	[sflag:s9] =	ssyncset.done $0x0  }
0x24: {  	[sflag:s9] =	ssyncadd.s32 $0xFFFF8000  }
0x25: {  	[tilespmem:s10], [sflag:$0x5] =	stream.linear.gather [hbm4b:s6+s3], $0x4000, $0x38;
	[tilespmem:$0x1D000] =	vst v63  }
0x26: {  	_ =	swait.ge [sflag:s9], $0x4000  }
0x27: {  	[sflag:s9] =	ssyncset.done $0x0  }
0x28: {  	[sflag:s9] =	ssyncadd.s32 $0xFFFFC000  }
0x29: {  	[tilespmem:s12], [sflag:$0x1] =	stream.indirect.gather [hbm4b:s0+s11], $0x80, s3, s11, $0xb8;
	[tilespmem:$0x1D000] =	vst v63  }
0x2a: {  	_ = 	snop  }
0x2b: {  	[tilespmem:s14], [sflag:$0x1] =	stream.indirect.gather [hbm4b:s0+s11], $0x80, s13, s11, $0xb8;
	[tilespmem:$0x1D000] =	vst v63  }
0x2c: {  	v1 =	vld.msk [tilespmem:$0x8000], $0x1;
	_ =	sdelay $0x4  }
0x2d: {  	v9 =	vshll.u32 v1, $0x3  }
0x2e: {  	v1 =	vand.u32 $0x7, v1;
	v9 =	vand.u32 $0xFFFFFFC0, v9  }
0x2f: {  	v1 =	vor.u32 v1, v9  }
0x30: {  	v1 =	vperm.xlane v1, v28;
	_ =	sdelay $0x1  }
0x31: {  	v1 =	vadd.s32 v0, v1;
	_ =	sdelay $0x3  }
0x32: {  	s25 =	simm.s32 $0x0  }
0x33: {  	[tilespmem:s15], [sflag:$0x3] =	stream.indirect_vreg.gather [hbm4b:s4+s3], $0x80, v1, vm0, $0xb8;
	[tilespmem:$0x1D000] =	vst v63  }
.LBB2_2:
0x34: {  	s26 =	sshllo.u32 s25, $0x1  }
0x35: {  	s28 =	sshll.u32 s26, $0x8  }
0x36: {  	s28 =	sand.u32 $0x3FFFFF00, s28  }
0x37: {  	[tilespmem:s16], [sflag:$0x2] =	stream.indirect.gather [hbm4b:s0+s11], $0x80, s28, s11, $0xb8;
	[tilespmem:$0x1D000] =	vst v63  }
0x38: {  	s26 =	sshll.u32 s26, $0x7;
	s28 =	sor.u32 $0x80, s28  }
0x39: {  	[tilespmem:s17], [sflag:$0x2] =	stream.indirect.gather [hbm4b:s0+s11], $0x80, s28, s11, $0xb8;
	[tilespmem:$0x1D000] =	vst v63  }
0x3a: {  	v1 =	vld.msk [tilespmem:s26+$0x8000], $0x1;
	_ =	sdelay $0x4  }
0x3b: {  	v9 =	vshll.u32 v1, $0x3  }
0x3c: {  	v1 =	vand.u32 $0x7, v1;
	v9 =	vand.u32 $0xFFFFFFC0, v9  }
0x3d: {  	v1 =	vor.u32 v1, v9  }
0x3e: {  	v1 =	vperm.xlane v1, v28;
	_ =	sdelay $0x1  }
0x3f: {  	v1 =	vadd.s32 v0, v1;
	_ =	sdelay $0x4  }
0x40: {  	[tilespmem:s18], [sflag:$0x4] =	stream.indirect_vreg.gather [hbm4b:s4+s3], $0x80, v1, vm0, $0xb8;
	[tilespmem:$0x1D000] =	vst v63  }
0x41: {  	_ =	swait.ge [sflag:s19], $0x6400  }
0x42: {  	[sflag:s19] =	ssyncset.done $0x0  }
0x43: {  	[sflag:s19] =	ssyncadd.s32 $0xFFFF9C00  }
0x44: {  	_ =	swait.ge [sflag:s20], $0x400  }
0x45: {  	[sflag:s20] =	ssyncset.done $0x0  }
0x46: {  	s30 =	simm.s32 $0xC100;
	[sflag:s20] =	ssyncadd.s32 $0xFFFFFC00  }
0x47: {  	v12 =	vld [tilespmem:s30+$0x80]  }
0x48: {  	v13 =	vld [tilespmem:s30+$0x90]  }
0x49: {  	v14 =	vld [tilespmem:s30+$0xA0]  }
0x4a: {  	v19 =	vld [tilespmem:s30+$0xB0]  }
0x4b: {  	v1 =	vld [tilespmem:s30+$0xC0]  }
0x4c: {  	v9 =	vld [tilespmem:s30+$0xD0]  }
0x4d: {  	v15 =	vld [tilespmem:s30+$0x0]  }
0x4e: {  	v16 =	vld [tilespmem:s30+$0x10]  }
0x4f: {  	v17 =	vld [tilespmem:s30+$0x20]  }
0x50: {  	v18 =	vld [tilespmem:s30+$0x30]  }
0x51: {  	v10 =	vld [tilespmem:s30+$0x40]  }
0x52: {  	v11 =	vld [tilespmem:s30+$0x50]  }
0x53: {  	v20 =	vld [tilespmem:s30+$0xFFFFFF80]  }
0x54: {  	v21 =	vld [tilespmem:s30+$0xFFFFFF90]  }
0x55: {  	v22 =	vld [tilespmem:s30+$0xFFFFFF00]  }
0x56: {  	v23 =	vld [tilespmem:s30+$0xFFFFFF10]  }
0x57: {  	v24 =	vld [tilespmem:s30+$0xFFFFFF20]  }
0x58: {  	v25 =	vld [tilespmem:s30+$0xFFFFFF30]  }
0x59: {  	v26 =	vld [tilespmem:s30+$0xFFFFFFA0]  }
0x5a: {  	v55 =	vld [tilespmem:s30+$0xFFFFFFB0]  }
0x5b: {  	v56 =	vimm.f32 $0.0e+00;
	v57 =	vld [tilespmem:s30+$0xFFFFFFC0]  }
0x5c: {  	v58 =	vld [tilespmem:s30+$0xFFFFFFD0];
	v22 =	vadd.f32 v22, v56;
	v23 =	vadd.f32 v23, v56  }
0x5d: {  	v60 =	vld [tilespmem:s30+$0xFFFFFF50];
	v24 =	vadd.f32 v24, v56;
	v25 =	vadd.f32 v25, v56  }
0x5e: {  	v59 =	vld [tilespmem:s30+$0xFFFFFF40];
	v20 =	vadd.f32 v20, v22;
	v21 =	vadd.f32 v21, v23  }
0x5f: {  	v22 =	vld [tilespmem:s30+$0xFFFFFF60];
	v23 =	vadd.f32 v26, v24;
	v24 =	vadd.f32 v55, v25  }
0x60: {  	v25 =	vld [tilespmem:s30+$0xFFFFFF70];
	v15 =	vadd.f32 v15, v20;
	v20 =	vadd.f32 v16, v21  }
0x61: {  	v16 =	vld [tilespmem:s30+$0xFFFFFFE0];
	v21 =	vadd.f32 v17, v23;
	v23 =	vadd.f32 v18, v24  }
0x62: {  	v18 =	vld [tilespmem:s30+$0xFFFFFFF0];
	v24 =	vadd.f32 v60, v56;
	v15 =	vadd.f32 v12, v15  }
0x63: {  	v17 =	vld [tilespmem:s30+$0x60];
	v13 =	vadd.f32 v13, v20;
	v14 =	vadd.f32 v14, v21  }
0x64: {  	v12 =	vadd.f32 v19, v23;
	v20 =	vadd.f32 v59, v56;
	v19 =	vld [tilespmem:s30+$0x70]  }
0x65: {  	v55 =	vld [tilespmem:s30+$0xE0];
	v21 =	vadd.f32 v22, v56;
	v22 =	vadd.f32 v25, v56  }
0x66: {  	s29 =	simm.s32 $0x0;
	s28 =	sshll.u32 s25, $0x1;
	v24 =	vadd.f32 v58, v24;
	v23 =	vadd.f32 v57, v20;
	v20 =	vld [tilespmem:s30+$0xF0];
	s30 =	simm.s32 $0xC300  }
.LBB2_3:
0x67: {  	v25 =	vld [tilespmem:s30+$0x80];
	v16 =	vadd.f32 v16, v21;
	v18 =	vadd.f32 v18, v22  }
0x68: {  	v21 =	vld [tilespmem:s30+$0x90];
	v10 =	vadd.f32 v10, v23;
	v11 =	vadd.f32 v11, v24  }
0x69: {  	v22 =	vld [tilespmem:s30+$0xA0];
	v16 =	vadd.f32 v17, v16;
	v17 =	vadd.f32 v19, v18  }
0x6a: {  	v19 =	vld [tilespmem:s30+$0xB0];
	v23 =	vadd.f32 v1, v10;
	v24 =	vadd.f32 v9, v11  }
0x6b: {  	v1 =	vld [tilespmem:s30+$0xC0];
	v26 =	vadd.f32 v55, v16;
	v20 =	vadd.f32 v20, v17  }
0x6c: {  	v9 =	vld [tilespmem:s30+$0xD0]  }
0x6d: {  	v16 =	vld [tilespmem:s30+$0x0]  }
0x6e: {  	v17 =	vld [tilespmem:s30+$0x10]  }
0x6f: {  	v18 =	vld [tilespmem:s30+$0x20]  }
0x70: {  	v55 =	vld [tilespmem:s30+$0x30]  }
0x71: {  	v10 =	vld [tilespmem:s30+$0x40]  }
0x72: {  	v11 =	vld [tilespmem:s30+$0x50]  }
0x73: {  	v56 =	vld [tilespmem:s30+$0xFFFFFF80]  }
0x74: {  	v57 =	vld [tilespmem:s30+$0xFFFFFF90]  }
0x75: {  	v58 =	vld [tilespmem:s30+$0xFFFFFF00]  }
0x76: {  	v59 =	vld [tilespmem:s30+$0xFFFFFF10]  }
0x77: {  	v60 =	vld [tilespmem:s30+$0xFFFFFF20]  }
0x78: {  	v61 =	vld [tilespmem:s30+$0xFFFFFF30]  }
0x79: {  	v62 =	vld [tilespmem:s30+$0xFFFFFFA0]  }
0x7a: {  	v63 =	vld [tilespmem:s30+$0xFFFFFFB0]  }
0x7b: {  	v27 =	vld [tilespmem:s30+$0xFFFFFFC0]  }
0x7c: {  	v15 =	vadd.f32 v58, v15;
	v13 =	vadd.f32 v59, v13;
	v58 =	vld [tilespmem:s30+$0xFFFFFFD0]  }
0x7d: {  	v14 =	vadd.f32 v60, v14;
	v12 =	vadd.f32 v61, v12;
	v59 =	vld [tilespmem:s30+$0xFFFFFF40]  }
0x7e: {  	v15 =	vadd.f32 v56, v15;
	v13 =	vadd.f32 v57, v13;
	v60 =	vld [tilespmem:s30+$0xFFFFFF50]  }
0x7f: {  	v14 =	vadd.f32 v62, v14;
	v56 =	vld [tilespmem:s30+$0xFFFFFF60];
	v12 =	vadd.f32 v63, v12  }
0x80: {  	s29 =	sadd.s32 $0x4, s29;
	v15 =	vadd.f32 v16, v15;
	v13 =	vadd.f32 v17, v13;
	v57 =	vld [tilespmem:s30+$0xFFFFFF70]  }
0x81: {  	p0 =	slt.u32 s29, $0xC4;
	v14 =	vadd.f32 v18, v14;
	v16 =	vld [tilespmem:s30+$0xFFFFFFE0];
	v12 =	vadd.f32 v55, v12  }
.Ltmp0:
0x82: {  	v15 =	vadd.f32 v25, v15;
	v13 =	vadd.f32 v21, v13;
	v18 =	vld [tilespmem:s30+$0xFFFFFFF0];
	(pc) =	sbr.rel @p0 .LBB2_3-.Ltmp0, $4  }
0x83: {  	v14 =	vadd.f32 v22, v14;
	v17 =	vld [tilespmem:s30+$0x60];
	v12 =	vadd.f32 v19, v12  }
0x84: {  	v23 =	vadd.f32 v59, v23;
	v24 =	vadd.f32 v60, v24;
	v19 =	vld [tilespmem:s30+$0x70]  }
0x85: {  	v21 =	vadd.f32 v56, v26;
	v22 =	vadd.f32 v57, v20;
	v55 =	vld [tilespmem:s30+$0xE0]  }
0x86: {  	v23 =	vadd.f32 v27, v23;
	v24 =	vadd.f32 v58, v24;
	v20 =	vld [tilespmem:s30+$0xF0];
	s30 =	sadd.s32 $0x200, s30  }
0x87: {  	v16 =	vadd.f32 v16, v21;
	v18 =	vadd.f32 v18, v22  }
0x88: {  	v10 =	vadd.f32 v10, v23;
	v11 =	vadd.f32 v11, v24  }
0x89: {  	v16 =	vadd.f32 v17, v16;
	v17 =	vadd.f32 v19, v18;
	v18 =	vshrl.u32 v15, $0x10  }
0x8a: {  	v1 =	vadd.f32 v1, v10;
	v9 =	vadd.f32 v9, v11;
	v10 =	vand.u32 $0x1, v18  }
0x8b: {  	v11 =	vshrl.u32 v13, $0x10;
	v16 =	vadd.f32 v55, v16;
	v10 =	vadd.s32 v10, v15  }
0x8c: {  	v15 =	vadd.f32 v20, v17;
	v11 =	vand.u32 $0x1, v11;
	v10 =	vadd.s32 $0x7FFF, v10  }
0x8d: {  	v57 =	vand.u32 $0xFFFF0000, v10;
	v10 =	vadd.s32 v11, v13;
	v11 =	vshrl.u32 v14, $0x10  }
0x8e: {  	v18 =	vld.idx.msk [tilespmem:v0+s15+$0x0], $0xffff;
	v17 =	vshrl.u32 v12, $0x10;
	v10 =	vadd.s32 $0x7FFF, v10;
	v11 =	vand.u32 $0x1, v11  }
0x8f: {  	v13 =	vand.u32 $0xFFFF0000, v10;
	v10 =	vadd.s32 v11, v14;
	v11 =	vand.u32 $0x1, v17  }
0x90: {  	v14 =	vshrl.u32 v1, $0x10;
	v17 =	vld.idx.msk [tilespmem:v2+s15+$0x0], $0xffff;
	v10 =	vadd.s32 $0x7FFF, v10;
	v11 =	vadd.s32 v11, v12  }
0x91: {  	v14 =	vand.u32 $0x1, v14;
	v12 =	vand.u32 $0xFFFF0000, v10;
	v10 =	vadd.s32 $0x7FFF, v11  }
0x92: {  	v1 =	vadd.s32 v14, v1;
	v11 =	vand.u32 $0xFFFF0000, v10;
	v10 =	vshrl.u32 v9, $0x10  }
0x93: {  	v19 =	vshrl.u32 v18, $0x10;
	v1 =	vadd.s32 $0x7FFF, v1;
	v14 =	vand.u32 $0x1, v10  }
0x94: {  	v10 =	vand.u32 $0xFFFF0000, v1;
	v1 =	vadd.s32 v14, v9;
	v9 =	vand.u32 $0x1, v19;
	v14 =	vld.idx.msk [tilespmem:v3+s15+$0x0], $0xffff  }
0x95: {  	v19 =	vshrl.u32 v17, $0x10;
	v1 =	vadd.s32 $0x7FFF, v1;
	v18 =	vadd.s32 v9, v18  }
0x96: {  	v9 =	vand.u32 $0xFFFF0000, v1;
	v1 =	vadd.s32 $0x7FFF, v18;
	v18 =	vand.u32 $0x1, v19;
	v19 =	vld.idx.msk [tilespmem:v4+s15+$0x0], $0xffff  }
0x97: {  	v20 =	vshrl.u32 v16, $0x10;
	v1 =	vand.u32 $0xFFFF0000, v1;
	v17 =	vadd.s32 v18, v17  }
0x98: {  	v18 =	vand.u32 $0x1, v20;
	v20 =	vld.idx.msk [tilespmem:v5+s15+$0x0], $0xffff;
	v1 =	vmul.f32 v1, v57;
	v17 =	vadd.s32 $0x7FFF, v17  }
0x99: {  	v16 =	vadd.s32 v18, v16;
	v17 =	vand.u32 $0xFFFF0000, v17;
	v18 =	vshrl.u32 v14, $0x10  }
0x9a: {  	v1 =	vadd.f32 $0.0e+00, v1;
	v17 =	vmul.f32 v17, v13;
	v18 =	vand.u32 $0x1, v18  }
0x9b: {  	v14 =	vadd.s32 v18, v14;
	v18 =	vshrl.u32 v19, $0x10  }
0x9c: {  	v1 =	vadd.f32 v17, v1;
	v14 =	vadd.s32 $0x7FFF, v14;
	v17 =	vand.u32 $0x1, v18;
	v18 =	vld.idx.msk [tilespmem:v6+s15+$0x0], $0xffff  }
0x9d: {  	v14 =	vand.u32 $0xFFFF0000, v14;
	v17 =	vadd.s32 v17, v19;
	v19 =	vshrl.u32 v20, $0x10  }
0x9e: {  	v14 =	vmul.f32 v14, v12;
	v17 =	vadd.s32 $0x7FFF, v17;
	v19 =	vand.u32 $0x1, v19  }
0x9f: {  	v21 =	vshrl.u32 v15, $0x10;
	v17 =	vand.u32 $0xFFFF0000, v17;
	v19 =	vadd.s32 v19, v20;
	v20 =	vld.idx.msk [tilespmem:v7+s15+$0x0], $0xffff  }
0xa0: {  	v1 =	vadd.f32 v14, v1;
	v14 =	vmul.f32 v17, v11;
	v17 =	vadd.s32 $0x7FFF, v19;
	v19 =	vld.idx.msk [tilespmem:v29+s15+$0x0], $0xffff  }
0xa1: {  	v16 =	vadd.s32 $0x7FFF, v16;
	v17 =	vand.u32 $0xFFFF0000, v17;
	v22 =	vshrl.u32 v18, $0x10  }
0xa2: {  	v1 =	vadd.f32 v14, v1;
	v17 =	vmul.f32 v17, v10;
	v22 =	vand.u32 $0x1, v22  }
0xa3: {  	v21 =	vand.u32 $0x1, v21;
	v14 =	vand.u32 $0xFFFF0000, v16;
	v16 =	vadd.s32 v22, v18  }
0xa4: {  	v15 =	vadd.s32 v21, v15;
	v1 =	vadd.f32 v17, v1;
	v16 =	vadd.s32 $0x7FFF, v16;
	v17 =	vld.idx.msk [tilespmem:v30+s15+$0x0], $0xffff  }
0xa5: {  	v21 =	vld.idx.msk [tilespmem:v8+s15+$0x0], $0xffff;
	v18 =	vshrl.u32 v20, $0x10;
	v16 =	vand.u32 $0xFFFF0000, v16;
	v22 =	vshrl.u32 v19, $0x10  }
0xa6: {  	v23 =	vld.idx.msk [tilespmem:v31+s15+$0x0], $0xffff;
	v18 =	vand.u32 $0x1, v18;
	v16 =	vmul.f32 v16, v9;
	v22 =	vand.u32 $0x1, v22  }
0xa7: {  	v18 =	vadd.s32 v18, v20;
	v19 =	vadd.s32 v22, v19  }
0xa8: {  	v1 =	vadd.f32 v16, v1;
	v16 =	vadd.s32 $0x7FFF, v18;
	v18 =	vadd.s32 $0x7FFF, v19;
	v19 =	vld.idx.msk [tilespmem:v32+s15+$0x0], $0xffff  }
0xa9: {  	v15 =	vadd.s32 $0x7FFF, v15;
	v18 =	vand.u32 $0xFFFF0000, v18;
	v20 =	vshrl.u32 v17, $0x10  }
0xaa: {  	v22 =	vshrl.u32 v21, $0x10;
	v18 =	vmul.f32 v18, v57;
	v20 =	vand.u32 $0x1, v20  }
0xab: {  	v22 =	vand.u32 $0x1, v22;
	v17 =	vadd.s32 v20, v17;
	v20 =	vshrl.u32 v23, $0x10  }
0xac: {  	v24 =	vld.idx.msk [tilespmem:v33+s15+$0x0], $0xffff;
	v18 =	vadd.f32 $0.0e+00, v18;
	v17 =	vadd.s32 $0x7FFF, v17;
	v20 =	vand.u32 $0x1, v20  }
0xad: {  	v17 =	vand.u32 $0xFFFF0000, v17;
	v20 =	vadd.s32 v20, v23;
	v23 =	vshrl.u32 v19, $0x10  }
0xae: {  	v25 =	vld.idx.msk [tilespmem:v34+s15+$0x0], $0xffff;
	v17 =	vmul.f32 v17, v13;
	v20 =	vadd.s32 $0x7FFF, v20;
	v23 =	vand.u32 $0x1, v23  }
0xaf: {  	v16 =	vand.u32 $0xFFFF0000, v16;
	v20 =	vand.u32 $0xFFFF0000, v20;
	v19 =	vadd.s32 v23, v19  }
0xb0: {  	v17 =	vadd.f32 v17, v18;
	v18 =	vmul.f32 v20, v12;
	v19 =	vadd.s32 $0x7FFF, v19;
	v20 =	vld.idx.msk [tilespmem:v35+s15+$0x0], $0xffff  }
0xb1: {  	v21 =	vadd.s32 v22, v21;
	v22 =	vshrl.u32 v24, $0x10;
	v19 =	vand.u32 $0xFFFF0000, v19  }
0xb2: {  	v17 =	vadd.f32 v18, v17;
	v18 =	vmul.f32 v19, v11;
	v19 =	vand.u32 $0x1, v22  }
0xb3: {  	v16 =	vmul.f32 v16, v14;
	v22 =	vshrl.u32 v25, $0x10;
	v19 =	vadd.s32 v19, v24  }
0xb4: {  	v17 =	vadd.f32 v18, v17;
	v18 =	vadd.s32 $0x7FFF, v19;
	v19 =	vand.u32 $0x1, v22  }
0xb5: {  	v18 =	vand.u32 $0xFFFF0000, v18;
	v19 =	vadd.s32 v19, v25;
	v22 =	vshrl.u32 v20, $0x10  }
0xb6: {  	v18 =	vmul.f32 v18, v10;
	v19 =	vadd.s32 $0x7FFF, v19;
	v22 =	vand.u32 $0x1, v22  }
0xb7: {  	v21 =	vadd.s32 $0x7FFF, v21;
	v19 =	vand.u32 $0xFFFF0000, v19;
	v20 =	vadd.s32 v22, v20  }
0xb8: {  	v17 =	vadd.f32 v18, v17;
	v18 =	vmul.f32 v19, v9;
	v19 =	vadd.s32 $0x7FFF, v20;
	v20 =	vld [tilespmem:$0x1FE30]  }
0xb9: {  	v15 =	vand.u32 $0xFFFF0000, v15;
	v21 =	vand.u32 $0xFFFF0000, v21  }
0xba: {  	v1 =	vadd.f32 v16, v1;
	v16 =	vmul.f32 v21, v15;
	v21 =	vld [tilespmem:$0x1FE40];
	_ =	sdelay $0x1  }
0xbb: {  	v24 =	vld.idx.msk [tilespmem:v36+s15+$0x0], $0xffff;
	_ =	sdelay $0x1  }
0xbc: {  	v23 =	vld.idx.msk [tilespmem:v37+s15+$0x0], $0xffff;
	_ =	sdelay $0x1  }
0xbd: {  	v20 =	vld.idx.msk [tilespmem:v20+s15+$0x0], $0xffff  }
0xbe: {  	v1 =	vadd.f32 v16, v1;
	v22 =	vld [tilespmem:$0x1FE50];
	v16 =	vshrl.u32 v24, $0x10;
	v19 =	vand.u32 $0xFFFF0000, v19  }
0xbf: {  	v21 =	vld.idx.msk [tilespmem:v21+s15+$0x0], $0xffff;
	v16 =	vand.u32 $0x1, v16;
	v17 =	vadd.f32 v18, v17;
	v18 =	vmul.f32 v19, v14  }
0xc0: {  	v19 =	vshrl.u32 v23, $0x10;
	v16 =	vadd.s32 v16, v24  }
0xc1: {  	v19 =	vand.u32 $0x1, v19;
	v16 =	vadd.s32 $0x7FFF, v16;
	v17 =	vadd.f32 v18, v17  }
0xc2: {  	v18 =	vadd.s32 v19, v23;
	v16 =	vand.u32 $0xFFFF0000, v16;
	v19 =	vshrl.u32 v20, $0x10  }
0xc3: {  	v23 =	vld [tilespmem:$0x1FE60];
	v18 =	vadd.s32 $0x7FFF, v18;
	v16 =	vmul.f32 v16, v15;
	v19 =	vand.u32 $0x1, v19  }
0xc4: {  	v18 =	vand.u32 $0xFFFF0000, v18;
	v19 =	vadd.s32 v19, v20;
	v20 =	vshrl.u32 v21, $0x10  }
0xc5: {  	v18 =	vmul.f32 v18, v57;
	v19 =	vadd.s32 $0x7FFF, v19;
	v20 =	vand.u32 $0x1, v20  }
0xc6: {  	(xrf2) =	vadd.scan.msk.f32 $0xffff, v1;
	v22 =	vld.idx.msk [tilespmem:v22+s15+$0x0], $0xffff;
	v1 =	vadd.f32 v16, v17;
	v19 =	vand.u32 $0xFFFF0000, v19;
	v20 =	vadd.s32 v20, v21  }
0xc7: {  	v18 =	vadd.f32 $0.0e+00, v18;
	v19 =	vmul.f32 v19, v13;
	v16 =	vadd.s32 $0x7FFF, v20;
	v20 =	vld [tilespmem:$0x1FE70];
	_ =	sdelay $0x1  }
0xc8: {  	v18 =	vadd.f32 v19, v18;
	v19 =	vld [tilespmem:$0x1FE80];
	_ =	sdelay $0x1  }
0xc9: {  	v23 =	vld.idx.msk [tilespmem:v23+s15+$0x0], $0xffff;
	v21 =	vshrl.u32 v22, $0x10  }
0xca: {  	v17 =	vand.u32 $0x1, v21;
	v21 =	vld [tilespmem:$0x1FEA0];
	_ =	sdelay $0x2  }
0xcb: {  	v20 =	vld.idx.msk [tilespmem:v20+s15+$0x0], $0xffff  }
0xcc: {  	v16 =	vand.u32 $0xFFFF0000, v16;
	v17 =	vadd.s32 v17, v22  }
0xcd: {  	(xrf2) =	vadd.scan.msk.f32 $0xffff, v1;
	v1 =	vmul.f32 v16, v12;
	v16 =	vadd.s32 $0x7FFF, v17;
	v17 =	vshrl.u32 v23, $0x10;
	v19 =	vld.idx.msk [tilespmem:v19+s15+$0x0], $0xffff  }
0xce: {  	v16 =	vand.u32 $0xFFFF0000, v16;
	v17 =	vand.u32 $0x1, v17  }
0xcf: {  	v1 =	vadd.f32 v1, v18;
	v16 =	vmul.f32 v16, v11;
	v17 =	vadd.s32 v17, v23  }
0xd0: {  	v17 =	vadd.s32 $0x7FFF, v17;
	v21 =	vld.idx.msk [tilespmem:v21+s15+$0x0], $0xffff;
	v18 =	vshrl.u32 v20, $0x10  }
0xd1: {  	v1 =	vadd.f32 v16, v1;
	v16 =	vand.u32 $0xFFFF0000, v17;
	v17 =	vand.u32 $0x1, v18  }
0xd2: {  	v16 =	vmul.f32 v16, v10;
	v17 =	vadd.s32 v17, v20;
	v18 =	vshrl.u32 v19, $0x10;
	v20 =	vld [tilespmem:$0x1FEB0]  }
0xd3: {  	v17 =	vadd.s32 $0x7FFF, v17;
	v18 =	vand.u32 $0x1, v18  }
0xd4: {  	v22 =	vld [tilespmem:$0x1FEC0];
	v1 =	vadd.f32 v16, v1;
	v16 =	vand.u32 $0xFFFF0000, v17;
	v17 =	vadd.s32 v18, v19  }
0xd5: {  	v19 =	vshrl.u32 v21, $0x10;
	v16 =	vmul.f32 v16, v9;
	v17 =	vadd.s32 $0x7FFF, v17  }
0xd6: {  	v19 =	vand.u32 $0x1, v19;
	v17 =	vand.u32 $0xFFFF0000, v17  }
0xd7: {  	v1 =	vadd.f32 v16, v1;
	v16 =	vmul.f32 v17, v14;
	v17 =	vadd.s32 v19, v21;
	v21 =	vld [tilespmem:$0x1FED0];
	_ =	sdelay $0x2  }
0xd8: {  	v20 =	vld.idx.msk [tilespmem:v20+s15+$0x0], $0xffff;
	_ =	sdelay $0x1  }
0xd9: {  	v22 =	vld.idx.msk [tilespmem:v22+s15+$0x0], $0xffff  }
0xda: {  	v18, _, _ =	vpop (xrf2)  }
0xdb: {  	(v2sf) =	vpush v18, $0xF;
	v18 =	vld [tilespmem:$0x1FE90];
	v23, _, _ =	vpop (xrf2)  }
0xdc: {  	(v2sf) =	vpush v23, $0xF;
	v17 =	vadd.s32 $0x7FFF, v17;
	v19 =	vshrl.u32 v20, $0x10;
	v21 =	vld.idx.msk [tilespmem:v21+s15+$0x0], $0xffff  }
0xdd: {  	v1 =	vadd.f32 v16, v1;
	v16 =	vand.u32 $0xFFFF0000, v17;
	v17 =	vand.u32 $0x1, v19  }
0xde: {  	v23 =	vld [tilespmem:$0x1FEE0];
	v16 =	vmul.f32 v16, v57;
	v19 =	vshrl.u32 v22, $0x10;
	v17 =	vadd.s32 v17, v20  }
0xdf: {  	v19 =	vand.u32 $0x1, v19;
	v17 =	vadd.s32 $0x7FFF, v17  }
0xe0: {  	v24 =	vld [tilespmem:$0x1FEF0];
	v16 =	vadd.f32 $0.0e+00, v16;
	v19 =	vadd.s32 v19, v22;
	v17 =	vand.u32 $0xFFFF0000, v17  }
0xe1: {  	v19 =	vadd.s32 $0x7FFF, v19;
	v17 =	vmul.f32 v17, v13;
	v22 =	vshrl.u32 v21, $0x10  }
0xe2: {  	v19 =	vand.u32 $0xFFFF0000, v19;
	v22 =	vand.u32 $0x1, v22  }
0xe3: {  	v16 =	vadd.f32 v17, v16;
	v17 =	vmul.f32 v19, v12;
	v19 =	vadd.s32 v22, v21;
	v21 =	vld [tilespmem:$0x1FF00]  }
0xe4: {  	v18 =	vld.idx.msk [tilespmem:v18+s15+$0x0], $0xffff;
	_ =	sdelay $0x1  }
0xe5: {  	v23 =	vld.idx.msk [tilespmem:v23+s15+$0x0], $0xffff;
	_ =	sdelay $0x1  }
0xe6: {  	v24 =	vld.idx.msk [tilespmem:v24+s15+$0x0], $0xffff  }
0xe7: {  	v20 =	vshrl.u32 v18, $0x10  }
0xe8: {  	v20 =	vand.u32 $0x1, v20  }
0xe9: {  	v18 =	vadd.s32 v20, v18;
	v20 =	vshrl.u32 v23, $0x10;
	v19 =	vadd.s32 $0x7FFF, v19;
	v21 =	vld.idx.msk [tilespmem:v21+s15+$0x0], $0xffff  }
0xea: {  	v16 =	vadd.f32 v17, v16;
	v17 =	vand.u32 $0xFFFF0000, v19;
	v19 =	vand.u32 $0x1, v20  }
0xeb: {  	v20 =	vshrl.u32 v24, $0x10;
	v17 =	vmul.f32 v17, v11;
	v19 =	vadd.s32 v19, v23  }
0xec: {  	v22 =	vld [tilespmem:$0x1FF20];
	v20 =	vand.u32 $0x1, v20;
	v19 =	vadd.s32 $0x7FFF, v19  }
0xed: {  	v16 =	vadd.f32 v17, v16;
	v17 =	vand.u32 $0xFFFF0000, v19;
	v19 =	vadd.s32 v20, v24  }
0xee: {  	v23 =	vld [tilespmem:$0x1FF30];
	v17 =	vmul.f32 v17, v10;
	v19 =	vadd.s32 $0x7FFF, v19;
	v20 =	vshrl.u32 v21, $0x10  }
0xef: {  	v24 =	vld [tilespmem:$0x1FF10];
	v19 =	vand.u32 $0xFFFF0000, v19;
	v20 =	vand.u32 $0x1, v20  }
0xf0: {  	v16 =	vadd.f32 v17, v16;
	v17 =	vmul.f32 v19, v9;
	v19 =	vadd.s32 v20, v21;
	v20 =	vld [tilespmem:$0x1FF40];
	_ =	sdelay $0x2  }
0xf1: {  	v25 =	vld [tilespmem:$0x1FF50]  }
0xf2: {  	v22 =	vld.idx.msk [tilespmem:v22+s15+$0x0], $0xffff  }
0xf3: {  	v26 =	vld [tilespmem:$0x1FF60]  }
0xf4: {  	v23 =	vld.idx.msk [tilespmem:v23+s15+$0x0], $0xffff  }
0xf5: {  	v24 =	vld.idx.msk [tilespmem:v24+s15+$0x0], $0xffff  }
0xf6: {  	v20 =	vld.idx.msk [tilespmem:v20+s15+$0x0], $0xffff  }
0xf7: {  	v21 =	vshrl.u32 v22, $0x10;
	v19 =	vadd.s32 $0x7FFF, v19  }
0xf8: {  	v16 =	vadd.f32 v17, v16;
	v17 =	vand.u32 $0xFFFF0000, v19;
	v19 =	vand.u32 $0x1, v21  }
0xf9: {  	v21 =	vshrl.u32 v23, $0x10;
	v19 =	vadd.s32 v19, v22  }
0xfa: {  	v25 =	vld.idx.msk [tilespmem:v25+s15+$0x0], $0xffff;
	v22 =	vshrl.u32 v24, $0x10;
	v21 =	vand.u32 $0x1, v21;
	v19 =	vadd.s32 $0x7FFF, v19  }
0xfb: {  	v21 =	vadd.s32 v21, v23;
	v19 =	vand.u32 $0xFFFF0000, v19;
	v23 =	vshrl.u32 v20, $0x10  }
0xfc: {  	v26 =	vld.idx.msk [tilespmem:v26+s15+$0x0], $0xffff;
	v21 =	vadd.s32 $0x7FFF, v21;
	v19 =	vmul.f32 v19, v57;
	v23 =	vand.u32 $0x1, v23  }
0xfd: {  	v22 =	vand.u32 $0x1, v22;
	v21 =	vand.u32 $0xFFFF0000, v21;
	v20 =	vadd.s32 v23, v20;
	v23 =	vld [tilespmem:$0x1FF70]  }
0xfe: {  	v21 =	vmul.f32 v21, v13;
	v19 =	vadd.f32 $0.0e+00, v19;
	v20 =	vadd.s32 $0x7FFF, v20  }
0xff: {  	v22 =	vadd.s32 v22, v24;
	v24 =	vshrl.u32 v25, $0x10;
	v20 =	vand.u32 $0xFFFF0000, v20  }
0x100: {  	v19 =	vadd.f32 v21, v19;
	v21 =	vand.u32 $0x1, v24;
	v20 =	vmul.f32 v20, v12  }
0x101: {  	v24 =	vshrl.u32 v26, $0x10;
	v21 =	vadd.s32 v21, v25  }
0x102: {  	v25 =	vld [tilespmem:$0x1FF80];
	v19 =	vadd.f32 v20, v19;
	v20 =	vadd.s32 $0x7FFF, v21;
	v21 =	vand.u32 $0x1, v24  }
0x103: {  	v21 =	vadd.s32 v21, v26;
	v26 =	vld [tilespmem:$0x1FFA0];
	_ =	sdelay $0x1  }
0x104: {  	v23 =	vld.idx.msk [tilespmem:v23+s15+$0x0], $0xffff;
	_ =	sdelay $0x2  }
0x105: {  	v18 =	vadd.s32 $0x7FFF, v18  }
0x106: {  	v18 =	vand.u32 $0xFFFF0000, v18  }
0x107: {  	v18 =	vmul.f32 v18, v15;
	v25 =	vld.idx.msk [tilespmem:v25+s15+$0x0], $0xffff;
	v20 =	vand.u32 $0xFFFF0000, v20;
	v24 =	vshrl.u32 v23, $0x10  }
0x108: {  	v20 =	vmul.f32 v20, v11;
	v21 =	vadd.s32 $0x7FFF, v21;
	v24 =	vand.u32 $0x1, v24;
	v26 =	vld.idx.msk [tilespmem:v26+s15+$0x0], $0xffff  }
0x109: {  	v17 =	vmul.f32 v17, v14;
	v21 =	vand.u32 $0xFFFF0000, v21;
	v23 =	vadd.s32 v24, v23  }
0x10a: {  	v19 =	vadd.f32 v20, v19;
	v20 =	vmul.f32 v21, v10;
	v21 =	vadd.s32 $0x7FFF, v23;
	v23 =	vld [tilespmem:$0x1FFB0]  }
0x10b: {  	v16 =	vadd.f32 v17, v16;
	v21 =	vand.u32 $0xFFFF0000, v21  }
0x10c: {  	v17 =	vadd.f32 v18, v1;
	v1 =	vadd.f32 v20, v19;
	v18 =	vmul.f32 v21, v9  }
0x10d: {  	v19 =	vshrl.u32 v25, $0x10;
	v21 =	vshrl.u32 v26, $0x10  }
0x10e: {  	v1 =	vadd.f32 v18, v1;
	v18 =	vand.u32 $0x1, v19;
	v19 =	vand.u32 $0x1, v21;
	v21 =	vld [tilespmem:$0x1FFC0];
	_ =	sdelay $0x1  }
0x10f: {  	v24 =	vld [tilespmem:$0x1FFD0];
	_ =	sdelay $0x1  }
0x110: {  	v23 =	vld.idx.msk [tilespmem:v23+s15+$0x0], $0xffff  }
0x111: {  	v22 =	vadd.s32 $0x7FFF, v22  }
0x112: {  	v22 =	vand.u32 $0xFFFF0000, v22  }
0x113: {  	v22 =	vmul.f32 v22, v15  }
0x114: {  	v21 =	vld.idx.msk [tilespmem:v21+s15+$0x0], $0xffff  }
0x115: {  	v16 =	vadd.f32 v22, v16;
	v20 =	vld [tilespmem:$0x1FF90];
	v19 =	vadd.s32 v19, v26;
	v22 =	vshrl.u32 v23, $0x10  }
0x116: {  	v19 =	vadd.s32 $0x7FFF, v19;
	v24 =	vld.idx.msk [tilespmem:v24+s15+$0x0], $0xffff;
	v22 =	vand.u32 $0x1, v22  }
0x117: {  	v19 =	vand.u32 $0xFFFF0000, v19;
	v22 =	vadd.s32 v22, v23  }
0x118: {  	v19 =	vmul.f32 v19, v57;
	v23 =	vld [tilespmem:$0x1FFE0];
	v22 =	vadd.s32 $0x7FFF, v22  }
0x119: {  	v22 =	vand.u32 $0xFFFF0000, v22;
	v26 =	vshrl.u32 v21, $0x10  }
0x11a: {  	v19 =	vadd.f32 $0.0e+00, v19;
	v22 =	vmul.f32 v22, v13;
	v26 =	vand.u32 $0x1, v26  }
0x11b: {  	v21 =	vadd.s32 v26, v21;
	v26 =	vshrl.u32 v24, $0x10  }
0x11c: {  	v19 =	vadd.f32 v22, v19;
	v22 =	vand.u32 $0x1, v26;
	v26 =	vld [tilespmem:$0x1FFF0];
	_ =	sdelay $0x1  }
0x11d: {  	v20 =	vld.idx.msk [tilespmem:v20+s15+$0x0], $0xffff;
	_ =	sdelay $0x1  }
0x11e: {  	v23 =	vld.idx.msk [tilespmem:v23+s15+$0x0], $0xffff  }
0x11f: {  	v18 =	vadd.s32 v18, v25  }
0x120: {  	v18 =	vadd.s32 $0x7FFF, v18  }
0x121: {  	v18 =	vand.u32 $0xFFFF0000, v18;
	v25 =	vshrl.u32 v20, $0x10  }
0x122: {  	v18 =	vmul.f32 v18, v14;
	v25 =	vand.u32 $0x1, v25;
	v21 =	vadd.s32 $0x7FFF, v21;
	v26 =	vld.idx.msk [tilespmem:v26+s15+$0x0], $0xffff  }
0x123: {  	v21 =	vand.u32 $0xFFFF0000, v21;
	v22 =	vadd.s32 v22, v24;
	v24 =	vshrl.u32 v23, $0x10  }
0x124: {  	v21 =	vmul.f32 v21, v12;
	v22 =	vadd.s32 $0x7FFF, v22;
	v24 =	vand.u32 $0x1, v24  }
0x125: {  	v20 =	vadd.s32 v25, v20;
	v22 =	vand.u32 $0xFFFF0000, v22;
	v23 =	vadd.s32 v24, v23;
	v24 =	vld.idx.msk [tilespmem:v47+s15+$0x0], $0xffff  }
0x126: {  	v19 =	vadd.f32 v21, v19;
	v21 =	vmul.f32 v22, v11;
	v22 =	vadd.s32 $0x7FFF, v23;
	v23 =	vld.idx.msk [tilespmem:v49+s15+$0x0], $0xffff  }
0x127: {  	v20 =	vadd.s32 $0x7FFF, v20;
	v22 =	vand.u32 $0xFFFF0000, v22;
	v25 =	vshrl.u32 v26, $0x10  }
0x128: {  	v19 =	vadd.f32 v21, v19;
	v21 =	vmul.f32 v22, v10;
	v22 =	vand.u32 $0x1, v25  }
0x129: {  	v18 =	vadd.f32 v18, v1;
	v1 =	vand.u32 $0xFFFF0000, v20;
	v20 =	vadd.s32 v22, v26  }
0x12a: {  	v19 =	vadd.f32 v21, v19;
	v21 =	vshrl.u32 v24, $0x10;
	v22 =	vld.idx.msk [tilespmem:v48+s15+$0x0], $0xffff;
	v20 =	vadd.s32 $0x7FFF, v20  }
0x12b: {  	v26 =	vld.idx.msk [tilespmem:v50+s15+$0x0], $0xffff;
	v21 =	vand.u32 $0x1, v21;
	v25 =	vshrl.u32 v23, $0x10;
	v20 =	vand.u32 $0xFFFF0000, v20  }
0x12c: {  	v21 =	vadd.s32 v21, v24;
	v24 =	vand.u32 $0x1, v25;
	v20 =	vmul.f32 v20, v9  }
0x12d: {  	v25 =	vmul.f32 v1, v15;
	v1 =	vadd.s32 $0x7FFF, v21;
	v21 =	vadd.s32 v24, v23;
	v23 =	vld.idx.msk [tilespmem:v51+s15+$0x0], $0xffff  }
0x12e: {  	v1 =	vand.u32 $0xFFFF0000, v1;
	v19 =	vadd.f32 v20, v19;
	v20 =	vadd.s32 $0x7FFF, v21  }
0x12f: {  	v24 =	vld.idx.msk [tilespmem:v52+s15+$0x0], $0xffff;
	v1 =	vmul.f32 v1, v14;
	v21 =	vshrl.u32 v22, $0x10;
	v20 =	vand.u32 $0xFFFF0000, v20  }
0x130: {  	v27 =	vshrl.u32 v26, $0x10;
	v21 =	vand.u32 $0x1, v21;
	v20 =	vmul.f32 v20, v57  }
0x131: {  	v19 =	vadd.f32 v1, v19;
	v1 =	vadd.s32 v21, v22;
	v21 =	vand.u32 $0x1, v27  }
0x132: {  	v56 =	vor.u32 $0x306, v0;
	v21 =	vadd.s32 v21, v26;
	v22 =	vshrl.u32 v23, $0x10  }
0x133: {  	v26 =	vld.idx.msk [tilespmem:v53+s15+$0x0], $0xffff;
	v20 =	vadd.f32 $0.0e+00, v20;
	v21 =	vadd.s32 $0x7FFF, v21;
	v22 =	vand.u32 $0x1, v22  }
0x134: {  	v21 =	vand.u32 $0xFFFF0000, v21;
	v22 =	vadd.s32 v22, v23;
	v23 =	vshrl.u32 v24, $0x10  }
0x135: {  	v27 =	vld.idx.msk [tilespmem:v54+s15+$0x0], $0xffff;
	v21 =	vmul.f32 v21, v13;
	v22 =	vadd.s32 $0x7FFF, v22;
	v23 =	vand.u32 $0x1, v23  }
0x136: {  	v58 =	vadd.s32 $0x7FFF, v1;
	v1 =	vand.u32 $0xFFFF0000, v22;
	v22 =	vadd.s32 v23, v24  }
0x137: {  	v20 =	vadd.f32 v21, v20;
	v21 =	vmul.f32 v1, v12;
	v1 =	vadd.s32 $0x7FFF, v22  }
0x138: {  	v24 =	vld.idx.msk [tilespmem:v56+s15+$0x0], $0xffff;
	v23 =	vshrl.u32 v26, $0x10;
	v22 =	vand.u32 $0xFFFF0000, v1;
	v1 =	vor.u32 $0x7, v0  }
0x139: {  	v20 =	vadd.f32 v21, v20;
	v21 =	vmul.f32 v22, v11;
	v22 =	vand.u32 $0x1, v23  }
0x13a: {  	v63 =	vor.u32 $0x87, v0;
	v23 =	vshrl.u32 v27, $0x10;
	v22 =	vadd.s32 v22, v26  }
0x13b: {  	v55 =	vor.u32 $0x386, v0;
	v23 =	vand.u32 $0x1, v23;
	v22 =	vadd.s32 $0x7FFF, v22  }
0x13c: {  	v20 =	vadd.f32 v21, v20;
	v21 =	vand.u32 $0xFFFF0000, v22;
	v22 =	vadd.s32 v23, v27  }
0x13d: {  	v23 =	vshrl.u32 v24, $0x10;
	v21 =	vmul.f32 v21, v10;
	v22 =	vadd.s32 $0x7FFF, v22;
	v26 =	vld.idx.msk [tilespmem:v1+s15+$0x0], $0xffff  }
0x13e: {  	v60 =	vor.u32 $0x107, v0;
	v23 =	vand.u32 $0x1, v23;
	v22 =	vand.u32 $0xFFFF0000, v22  }
0x13f: {  	v20 =	vadd.f32 v21, v20;
	v21 =	vmul.f32 v22, v9;
	v22 =	vadd.s32 v23, v24;
	v23 =	vld.idx.msk [tilespmem:v63+s15+$0x0], $0xffff  }
0x140: {  	v61 =	vor.u32 $0x187, v0;
	v24 =	vand.u32 $0xFFFF0000, v58;
	v22 =	vadd.s32 $0x7FFF, v22  }
0x141: {  	v27 =	vld.idx.msk [tilespmem:v55+s15+$0x0], $0xffff;
	v24 =	vmul.f32 v24, v15;
	v20 =	vadd.f32 v21, v20;
	v21 =	vand.u32 $0xFFFF0000, v22  }
0x142: {  	v58 =	vor.u32 $0x207, v0;
	v21 =	vmul.f32 v21, v14;
	v22 =	vshrl.u32 v26, $0x10  }
0x143: {  	v62 =	vor.u32 $0x287, v0;
	v19 =	vadd.f32 v24, v19;
	v24 =	vld.idx.msk [tilespmem:v60+s15+$0x0], $0xffff;
	v22 =	vand.u32 $0x1, v22  }
0x144: {  	v20 =	vadd.f32 v21, v20;
	v21 =	vadd.s32 v22, v26;
	v22 =	vshrl.u32 v23, $0x10  }
0x145: {  	v18 =	vadd.f32 v25, v18;
	v26 =	vld.idx.msk [tilespmem:v61+s15+$0x0], $0xffff;
	v21 =	vadd.s32 $0x7FFF, v21;
	v22 =	vand.u32 $0x1, v22  }
0x146: {  	v25 =	vshrl.u32 v27, $0x10;
	v21 =	vand.u32 $0xFFFF0000, v21;
	v22 =	vadd.s32 v22, v23  }
0x147: {  	v23 =	vand.u32 $0x1, v25;
	v25 =	vld.idx.msk [tilespmem:v58+s15+$0x0], $0xffff;
	v21 =	vmul.f32 v21, v57;
	v22 =	vadd.s32 $0x7FFF, v22  }
0x148: {  	v44 =	vmovc v35;
	v59 =	vor.u32 $0x307, v0;
	v35 =	vshrl.u32 v24, $0x10;
	v22 =	vand.u32 $0xFFFF0000, v22  }
0x149: {  	v21 =	vadd.f32 $0.0e+00, v21;
	v13 =	vmul.f32 v22, v13;
	v22 =	vand.u32 $0x1, v35  }
0x14a: {  	v57 =	vor.u32 $0x387, v0;
	v22 =	vadd.s32 v22, v24;
	v24 =	vshrl.u32 v26, $0x10  }
0x14b: {  	v13 =	vadd.f32 v13, v21;
	v21 =	vadd.s32 $0x7FFF, v22;
	v22 =	vand.u32 $0x1, v24;
	v24 =	vld.idx.msk [tilespmem:v62+s15+$0x0], $0xffff  }
0x14c: {  	v21 =	vand.u32 $0xFFFF0000, v21;
	v22 =	vadd.s32 v22, v26;
	v26 =	vshrl.u32 v25, $0x10  }
0x14d: {  	v12 =	vmul.f32 v21, v12;
	v21 =	vadd.s32 $0x7FFF, v22;
	v22 =	vand.u32 $0x1, v26;
	v26 =	vld.idx.msk [tilespmem:v59+s15+$0x0], $0xffff  }
0x14e: {  	(xrf2) =	vadd.scan.msk.f32 $0xffff, v17;
	v17 =	vadd.s32 v23, v27;
	v21 =	vand.u32 $0xFFFF0000, v21;
	v22 =	vadd.s32 v22, v25  }
0x14f: {  	v12 =	vadd.f32 v12, v13;
	v11 =	vmul.f32 v21, v11;
	v13 =	vadd.s32 $0x7FFF, v22;
	v21 =	vld.idx.msk [tilespmem:v57+s15+$0x0], $0xffff  }
0x150: {  	v17 =	vadd.s32 $0x7FFF, v17;
	v13 =	vand.u32 $0xFFFF0000, v13;
	v22 =	vshrl.u32 v24, $0x10  }
0x151: {  	v11 =	vadd.f32 v11, v12;
	v10 =	vmul.f32 v13, v10;
	v12 =	vand.u32 $0x1, v22  }
0x152: {  	(xrf2) =	vadd.scan.msk.f32 $0xffff, v16;
	v13 =	vand.u32 $0xFFFF0000, v17;
	v12 =	vadd.s32 v12, v24;
	v16 =	vshrl.u32 v26, $0x10  }
0x153: {  	v10 =	vadd.f32 v10, v11;
	v11 =	vadd.s32 $0x7FFF, v12;
	v12 =	vand.u32 $0x1, v16  }
0x154: {  	v11 =	vand.u32 $0xFFFF0000, v11;
	v12 =	vadd.s32 v12, v26;
	v16 =	vshrl.u32 v21, $0x10  }
0x155: {  	(xrf2) =	vadd.scan.msk.f32 $0xffff, v18;
	v9 =	vmul.f32 v11, v9;
	v11 =	vadd.s32 $0x7FFF, v12;
	v12 =	vand.u32 $0x1, v16  }
0x156: {  	v13 =	vmul.f32 v13, v15;
	v11 =	vand.u32 $0xFFFF0000, v11;
	v12 =	vadd.s32 v12, v21  }
0x157: {  	v9 =	vadd.f32 v9, v10;
	v10 =	vmul.f32 v11, v14;
	v11 =	vadd.s32 $0x7FFF, v12  }
0x158: {  	(xrf2) =	vadd.scan.msk.f32 $0xffff, v19;
	v11 =	vand.u32 $0xFFFF0000, v11  }
0x159: {  	v13 =	vadd.f32 v13, v20;
	v12, _, _ =	vpop (xrf2);
	v9 =	vadd.f32 v10, v9;
	v10 =	vmul.f32 v11, v15  }
0x15a: {  	(v2sf) =	vpush v12, $0xF  }
0x15b: {  	(xrf2) =	vadd.scan.msk.f32 $0xffff, v13;
	v9 =	vadd.f32 v10, v9  }
0x15c: {  	v11, _, _ =	vpop (xrf2)  }
0x15d: {  	(v2sf) =	vpush v11, $0xF  }
0x15e: {  	(xrf2) =	vadd.scan.msk.f32 $0xffff, v9  }
0x15f: {  	v9, _, _ =	vpop (xrf2)  }
0x160: {  	(v2sf) =	vpush v9, $0xF;
	_ =	sdelay $0x1  }
0x161: {  	v9, _, _ =	vpop (xrf2)  }
0x162: {  	(v2sf) =	vpush v9, $0xF;
	_ =	sdelay $0x1  }
0x163: {  	s29 =	spop (v2sf);
	v9, _, _ =	vpop (xrf2)  }
0x164: {  	s30 =	spop (v2sf);
	(v2sf) =	vpush v9, $0xF  }
0x165: {  	p0 =	sgt.f32 s30, s29  }
0x166: {  	v9, _, _ =	vpop (xrf2)  }
0x167: {  	s29 =	smov.u32 @p0 s30;
	(v2sf) =	vpush v9, $0xF;
	s31 =	spop (v2sf)  }
0x168: {  	p1 =	sgt.f32 s31, s29;
	_ =	sdelay $0x1  }
0x169: {  	s30 =	spop (v2sf);
	s29 =	smov.u32 @p1 s31  }
0x16a: {  	p2 =	sgt.f32 s30, s29;
	_ =	sdelay $0x1  }
0x16b: {  	s31 =	spop (v2sf);
	s29 =	smov.u32 @p2 s30  }
0x16c: {  	p3 =	sgt.f32 s31, s29;
	_ =	sdelay $0x1  }
0x16d: {  	s1 =	simm.s32 $0x1;
	s30 =	spop (v2sf);
	s29 =	smov.u32 @p3 s31  }
0x16e: {  	s1 =	simm.s32 @!p0 $0x0;
	p0 =	sgt.f32 s30, s29;
	_ =	sdelay $0x1  }
0x16f: {  	s31 =	spop (v2sf);
	s29 =	smov.u32 @p0 s30  }
0x170: {  	s1 =	simm.s32 @p1 $0x2;
	p1 =	sgt.f32 s31, s29  }
0x171: {  	s1 =	simm.s32 @p2 $0x3  }
0x172: {  	s1 =	simm.s32 @p3 $0x4;
	s30 =	spop (v2sf);
	s29 =	smov.u32 @p1 s31  }
0x173: {  	s1 =	simm.s32 @p0 $0x5;
	p0 =	sgt.f32 s30, s29  }
0x174: {  	s1 =	simm.s32 @p1 $0x6  }
0x175: {  	s1 =	simm.s32 @p0 $0x7  }
0x176: {  	v9 =	vadd.s32 s1, v0;
	_ =	sdelay $0x4  }
0x177: {  	v9 =	vld.idx.msk [tilespmem:v9+s15+$0x0], $0xffff  }
0x178: {  	v10 =	vadd.s32 s1, v2;
	_ =	sdelay $0x1  }
0x179: {  	s29 =	sshll.u32 s25, $0x8  }
0x17a: {  	s29 =	sand.u32 $0x3FFFFF00, s29  }
0x17b: {  	[tilespmem:s29+$0x19000] =	vst v9  }
0x17c: {  	v9 =	vld.idx.msk [tilespmem:v10+s15+$0x0], $0xffff  }
0x17d: {  	v10 =	vadd.s32 s1, v3;
	_ =	sdelay $0x3  }
0x17e: {  	[tilespmem:s29+$0x19010] =	vst v9  }
0x17f: {  	v9 =	vld.idx.msk [tilespmem:v10+s15+$0x0], $0xffff  }
0x180: {  	v10 =	vadd.s32 s1, v4;
	_ =	sdelay $0x3  }
0x181: {  	[tilespmem:s29+$0x19020] =	vst v9  }
0x182: {  	v9 =	vld.idx.msk [tilespmem:v10+s15+$0x0], $0xffff  }
0x183: {  	v10 =	vadd.s32 s1, v5;
	_ =	sdelay $0x3  }
0x184: {  	[tilespmem:s29+$0x19030] =	vst v9  }
0x185: {  	v9 =	vld.idx.msk [tilespmem:v10+s15+$0x0], $0xffff  }
0x186: {  	v10 =	vadd.s32 s1, v6;
	_ =	sdelay $0x3  }
0x187: {  	[tilespmem:s29+$0x19040] =	vst v9  }
0x188: {  	v9 =	vld.idx.msk [tilespmem:v10+s15+$0x0], $0xffff  }
0x189: {  	v10 =	vadd.s32 s1, v7;
	_ =	sdelay $0x3  }
0x18a: {  	[tilespmem:s29+$0x19050] =	vst v9  }
0x18b: {  	v9 =	vld.idx.msk [tilespmem:v10+s15+$0x0], $0xffff  }
0x18c: {  	v10 =	vadd.s32 s1, v8;
	_ =	sdelay $0x3  }
0x18d: {  	[tilespmem:s29+$0x19060] =	vst v9  }
0x18e: {  	v9 =	vld.idx.msk [tilespmem:v10+s15+$0x0], $0xffff;
	_ =	sdelay $0x2  }
0x18f: {  	s30 =	smin.u32 s28, $0x7D  }
0x190: {  	s1 =	sadd.s32 $0x2, s30  }
0x191: {  	s28 =	sshll.u32 s1, $0x8;
	s1 =	sshll.u32 s1, $0x7;
	[tilespmem:s29+$0x19070] =	vst v9  }
0x192: {  	[tilespmem:s12], [sflag:$0x1] =	stream.indirect.gather [hbm4b:s0+s11], $0x80, s28, s11, $0xb8;
	[tilespmem:$0x1D000] =	vst v63  }
0x193: {  	s1 =	sor.u32 $0x8000, s1;
	s28 =	sor.u32 $0x80, s28  }
0x194: {  	[tilespmem:s14], [sflag:$0x1] =	stream.indirect.gather [hbm4b:s0+s11], $0x80, s28, s11, $0xb8;
	[tilespmem:$0x1D000] =	vst v63  }
0x195: {  	v9 =	vld.msk [tilespmem:s1+$0x0], $0x1;
	_ =	sdelay $0x4  }
0x196: {  	v10 =	vshll.u32 v9, $0x3  }
0x197: {  	v9 =	vand.u32 $0x7, v9;
	v10 =	vand.u32 $0xFFFFFFC0, v10  }
0x198: {  	v9 =	vor.u32 v9, v10  }
0x199: {  	v9 =	vperm.xlane v9, v28;
	_ =	sdelay $0x1  }
0x19a: {  	v9 =	vadd.s32 v0, v9;
	_ =	sdelay $0x4  }
0x19b: {  	[tilespmem:s15], [sflag:$0x3] =	stream.indirect_vreg.gather [hbm4b:s4+s3], $0x80, v9, vm0, $0xb8;
	[tilespmem:$0x1D000] =	vst v63  }
0x19c: {  	_ =	swait.ge [sflag:s21], $0x6400  }
0x19d: {  	[sflag:s21] =	ssyncset.done $0x0  }
0x19e: {  	[sflag:s21] =	ssyncadd.s32 $0xFFFF9C00  }
0x19f: {  	_ =	swait.ge [sflag:s22], $0x400  }
0x1a0: {  	[sflag:s22] =	ssyncset.done $0x0  }
0x1a1: {  	s31 =	simm.s32 $0x12400;
	[sflag:s22] =	ssyncadd.s32 $0xFFFFFC00  }
0x1a2: {  	v13 =	vld [tilespmem:s31+$0x180]  }
0x1a3: {  	v14 =	vld [tilespmem:s31+$0x190]  }
0x1a4: {  	v15 =	vld [tilespmem:s31+$0x1A0]  }
0x1a5: {  	v20 =	vld [tilespmem:s31+$0x1B0]  }
0x1a6: {  	v9 =	vld [tilespmem:s31+$0x1C0]  }
0x1a7: {  	v10 =	vld [tilespmem:s31+$0x1D0]  }
0x1a8: {  	v16 =	vld [tilespmem:s31+$0x100]  }
0x1a9: {  	v17 =	vld [tilespmem:s31+$0x110]  }
0x1aa: {  	v18 =	vld [tilespmem:s31+$0x120]  }
0x1ab: {  	v19 =	vld [tilespmem:s31+$0x130]  }
0x1ac: {  	v11 =	vld [tilespmem:s31+$0x140]  }
0x1ad: {  	v12 =	vld [tilespmem:s31+$0x150]  }
0x1ae: {  	v21 =	vld [tilespmem:s31+$0x80]  }
0x1af: {  	v22 =	vld [tilespmem:s31+$0x90]  }
0x1b0: {  	v23 =	vld [tilespmem:s31+$0x0]  }
0x1b1: {  	v24 =	vld [tilespmem:s31+$0x10]  }
0x1b2: {  	v25 =	vld [tilespmem:s31+$0x20]  }
0x1b3: {  	v26 =	vld [tilespmem:s31+$0x30]  }
0x1b4: {  	v27 =	vld [tilespmem:s31+$0xA0]  }
0x1b5: {  	v28 =	vld [tilespmem:s31+$0xB0]  }
0x1b6: {  	v38 =	vmov v29;
	v39 =	vmov v30;
	v29 =	vimm.f32 $0.0e+00;
	v30 =	vld [tilespmem:s31+$0xC0]  }
0x1b7: {  	v45 =	vmov v36;
	v36 =	vld [tilespmem:s31+$0xD0];
	v23 =	vadd.f32 v23, v29;
	v24 =	vadd.f32 v24, v29  }
0x1b8: {  	v46 =	vmov v37;
	v37 =	vld [tilespmem:s31+$0x40];
	v25 =	vadd.f32 v25, v29;
	v26 =	vadd.f32 v26, v29  }
0x1b9: {  	v21 =	vadd.f32 v21, v23;
	v22 =	vadd.f32 v22, v24;
	v23 =	vld [tilespmem:s31+$0x50]  }
0x1ba: {  	v24 =	vadd.f32 v27, v25;
	v25 =	vadd.f32 v28, v26;
	v26 =	vld [tilespmem:s31+$0x60]  }
0x1bb: {  	v16 =	vadd.f32 v16, v21;
	v21 =	vadd.f32 v17, v22;
	v22 =	vld [tilespmem:s31+$0x70]  }
0x1bc: {  	v18 =	vadd.f32 v18, v24;
	v24 =	vadd.f32 v19, v25;
	v17 =	vld [tilespmem:s31+$0xE0]  }
0x1bd: {  	v19 =	vld [tilespmem:s31+$0xF0];
	v25 =	vadd.f32 v37, v29;
	v13 =	vadd.f32 v13, v16  }
0x1be: {  	v14 =	vadd.f32 v14, v21;
	v16 =	vadd.f32 v15, v18;
	v18 =	vld [tilespmem:s31+$0x160]  }
0x1bf: {  	v15 =	vadd.f32 v20, v24;
	v21 =	vld [tilespmem:s31+$0x170];
	v27 =	vadd.f32 v23, v29  }
0x1c0: {  	v40 =	vmov v31;
	v20 =	vld [tilespmem:s31+$0x1E0];
	v23 =	vadd.f32 v26, v29;
	v24 =	vadd.f32 v22, v29  }
0x1c1: {  	v41 =	vmovc v32;
	v42 =	vmovc v33;
	v43 =	vmov v34;
	s29 =	simm.s32 $0x12600;
	s28 =	simm.s32 $0x0;
	v25 =	vadd.f32 v30, v25;
	v26 =	vadd.f32 v36, v27;
	v22 =	vld [tilespmem:s31+$0x1F0]  }
.LBB2_5:
0x1c2: {  	v27 =	vld [tilespmem:s29+$0x180];
	v17 =	vadd.f32 v17, v23;
	v19 =	vadd.f32 v19, v24  }
0x1c3: {  	v23 =	vld [tilespmem:s29+$0x190];
	v11 =	vadd.f32 v11, v25;
	v12 =	vadd.f32 v12, v26  }
0x1c4: {  	v24 =	vld [tilespmem:s29+$0x1A0];
	v17 =	vadd.f32 v18, v17;
	v18 =	vadd.f32 v21, v19  }
0x1c5: {  	v21 =	vld [tilespmem:s29+$0x1B0];
	v25 =	vadd.f32 v9, v11;
	v26 =	vadd.f32 v10, v12  }
0x1c6: {  	v9 =	vld [tilespmem:s29+$0x1C0];
	v20 =	vadd.f32 v20, v17;
	v22 =	vadd.f32 v22, v18  }
0x1c7: {  	v10 =	vld [tilespmem:s29+$0x1D0]  }
0x1c8: {  	v17 =	vld [tilespmem:s29+$0x100]  }
0x1c9: {  	v18 =	vld [tilespmem:s29+$0x110]  }
0x1ca: {  	v19 =	vld [tilespmem:s29+$0x120]  }
0x1cb: {  	v28 =	vld [tilespmem:s29+$0x130]  }
0x1cc: {  	v11 =	vld [tilespmem:s29+$0x140]  }
0x1cd: {  	v12 =	vld [tilespmem:s29+$0x150]  }
0x1ce: {  	v29 =	vld [tilespmem:s29+$0x80]  }
0x1cf: {  	v30 =	vld [tilespmem:s29+$0x90]  }
0x1d0: {  	v31 =	vld [tilespmem:s29+$0x0]  }
0x1d1: {  	v32 =	vld [tilespmem:s29+$0x10]  }
0x1d2: {  	v33 =	vld [tilespmem:s29+$0x20]  }
0x1d3: {  	v34 =	vld [tilespmem:s29+$0x30]  }
0x1d4: {  	v35 =	vld [tilespmem:s29+$0xA0]  }
0x1d5: {  	v36 =	vld [tilespmem:s29+$0xB0]  }
0x1d6: {  	v37 =	vld [tilespmem:s29+$0xC0]  }
0x1d7: {  	v13 =	vadd.f32 v31, v13;
	v14 =	vadd.f32 v32, v14;
	v31 =	vld [tilespmem:s29+$0xD0]  }
0x1d8: {  	v16 =	vadd.f32 v33, v16;
	v15 =	vadd.f32 v34, v15;
	v32 =	vld [tilespmem:s29+$0x40]  }
0x1d9: {  	v13 =	vadd.f32 v29, v13;
	v14 =	vadd.f32 v30, v14;
	v33 =	vld [tilespmem:s29+$0x50]  }
0x1da: {  	v16 =	vadd.f32 v35, v16;
	v29 =	vld [tilespmem:s29+$0x60];
	v15 =	vadd.f32 v36, v15  }
0x1db: {  	s28 =	sadd.s32 $0x4, s28;
	v13 =	vadd.f32 v17, v13;
	v14 =	vadd.f32 v18, v14;
	v30 =	vld [tilespmem:s29+$0x70]  }
0x1dc: {  	p0 =	slt.u32 s28, $0xC4;
	v16 =	vadd.f32 v19, v16;
	v17 =	vld [tilespmem:s29+$0xE0];
	v15 =	vadd.f32 v28, v15  }
.Ltmp1:
0x1dd: {  	v13 =	vadd.f32 v27, v13;
	v14 =	vadd.f32 v23, v14;
	v19 =	vld [tilespmem:s29+$0xF0];
	(pc) =	sbr.rel @p0 .LBB2_5-.Ltmp1, $4  }
0x1de: {  	v16 =	vadd.f32 v24, v16;
	v18 =	vld [tilespmem:s29+$0x160];
	v15 =	vadd.f32 v21, v15  }
0x1df: {  	v25 =	vadd.f32 v32, v25;
	v26 =	vadd.f32 v33, v26;
	v21 =	vld [tilespmem:s29+$0x170]  }
0x1e0: {  	v23 =	vadd.f32 v29, v20;
	v24 =	vadd.f32 v30, v22;
	v20 =	vld [tilespmem:s29+$0x1E0]  }
0x1e1: {  	v25 =	vadd.f32 v37, v25;
	v26 =	vadd.f32 v31, v26;
	v22 =	vld [tilespmem:s29+$0x1F0];
	s29 =	sadd.s32 $0x200, s29  }
0x1e2: {  	v17 =	vadd.f32 v17, v23;
	v19 =	vadd.f32 v19, v24  }
0x1e3: {  	v11 =	vadd.f32 v11, v25;
	v12 =	vadd.f32 v12, v26  }
0x1e4: {  	v25 =	vshrl.u32 v15, $0x10;
	v17 =	vadd.f32 v18, v17;
	v37 =	vadd.f32 v21, v19  }
0x1e5: {  	v21 =	vshrl.u32 v14, $0x10;
	v26 =	vand.u32 $0x1, v25;
	v9 =	vadd.f32 v9, v11  }
0x1e6: {  	v10 =	vadd.f32 v10, v12;
	v11 =	vshrl.u32 v13, $0x10;
	v12 =	vand.u32 $0x1, v21  }
0x1e7: {  	v19 =	vld.idx.msk [tilespmem:v0+s18+$0x0], $0xffff;
	v18 =	vadd.f32 v22, v37;
	v11 =	vand.u32 $0x1, v11;
	v22 =	vshrl.u32 v16, $0x10  }
0x1e8: {  	v17 =	vadd.f32 v20, v17;
	v11 =	vadd.s32 v11, v13;
	v23 =	vand.u32 $0x1, v22  }
0x1e9: {  	v32 =	vshrl.u32 v9, $0x10;
	v33 =	vshrl.u32 v10, $0x10;
	v11 =	vadd.s32 $0x7FFF, v11  }
0x1ea: {  	v34 =	vld.idx.msk [tilespmem:v2+s18+$0x0], $0xffff;
	v24 =	vadd.s32 v23, v16;
	v16 =	vand.u32 $0x1, v33;
	v25 =	vshrl.u32 v17, $0x10  }
0x1eb: {  	v37 =	vld.idx.msk [tilespmem:v3+s18+$0x0], $0xffff;
	v13 =	vand.u32 $0xFFFF0000, v11;
	v11 =	vadd.s32 v12, v14;
	v12 =	vadd.s32 $0x7FFF, v24  }
0x1ec: {  	v10 =	vadd.s32 v16, v10;
	v36 =	vshrl.u32 v19, $0x10;
	v16 =	vand.u32 $0x1, v25  }
0x1ed: {  	v22 =	vld.idx.msk [tilespmem:v4+s18+$0x0], $0xffff;
	v11 =	vadd.s32 $0x7FFF, v11;
	v35 =	vadd.s32 $0x7FFF, v10;
	v24 =	vand.u32 $0x1, v36  }
0x1ee: {  	v16 =	vadd.s32 v16, v17;
	v14 =	vand.u32 $0xFFFF0000, v11;
	v11 =	vand.u32 $0xFFFF0000, v12  }
0x1ef: {  	v12 =	vadd.s32 v26, v15;
	v15 =	vand.u32 $0x1, v32;
	v26 =	vshrl.u32 v34, $0x10  }
0x1f0: {  	v33 =	vshrl.u32 v37, $0x10;
	v16 =	vadd.s32 $0x7FFF, v16;
	v12 =	vadd.s32 $0x7FFF, v12  }
0x1f1: {  	v9 =	vadd.s32 v15, v9;
	v15 =	vadd.s32 v24, v19;
	v19 =	vand.u32 $0x1, v26  }
0x1f2: {  	v36 =	vshrl.u32 v22, $0x10;
	v12 =	vand.u32 $0xFFFF0000, v12;
	v9 =	vadd.s32 $0x7FFF, v9  }
0x1f3: {  	v15 =	vadd.s32 $0x7FFF, v15;
	v32 =	vadd.s32 v19, v34;
	v19 =	vand.u32 $0x1, v33  }
0x1f4: {  	v34 =	vld.idx.msk [tilespmem:v5+s18+$0x0], $0xffff;
	v26 =	vand.u32 $0x1, v36;
	v10 =	vand.u32 $0xFFFF0000, v9;
	v9 =	vand.u32 $0xFFFF0000, v35  }
0x1f5: {  	v15 =	vand.u32 $0xFFFF0000, v15;
	v17 =	vadd.s32 $0x7FFF, v32;
	v19 =	vadd.s32 v19, v37  }
0x1f6: {  	v35 =	vshrl.u32 v18, $0x10;
	v37 =	vld.idx.msk [tilespmem:v6+s18+$0x0], $0xffff;
	v15 =	vmul.f32 v15, v13;
	v17 =	vand.u32 $0xFFFF0000, v17  }
0x1f7: {  	v19 =	vadd.s32 $0x7FFF, v19;
	v21 =	vand.u32 $0x1, v35;
	v17 =	vmul.f32 v17, v14  }
0x1f8: {  	v20 =	vld.idx.msk [tilespmem:v7+s18+$0x0], $0xffff;
	v25 =	vand.u32 $0xFFFF0000, v19;
	v19 =	vadd.s32 v26, v22;
	v15 =	vadd.f32 $0.0e+00, v15  }
0x1f9: {  	v23 =	vld.idx.msk [tilespmem:v38+s18+$0x0], $0xffff;
	v18 =	vadd.s32 v21, v18;
	v19 =	vadd.s32 $0x7FFF, v19;
	v32 =	vshrl.u32 v34, $0x10  }
0x1fa: {  	v15 =	vadd.f32 v17, v15;
	v17 =	vmul.f32 v25, v11;
	v22 =	vand.u32 $0x1, v32  }
0x1fb: {  	v33 =	vand.u32 $0xFFFF0000, v19;
	v35 =	vshrl.u32 v37, $0x10;
	v34 =	vadd.s32 v22, v34  }
0x1fc: {  	v30 =	vmovc v39;
	v39 =	vld.idx.msk [tilespmem:v39+s18+$0x0], $0xffff;
	v36 =	vand.u32 $0x1, v35;
	v15 =	vadd.f32 v17, v15;
	v17 =	vmul.f32 v33, v12  }
0x1fd: {  	v19 =	vadd.s32 $0x7FFF, v34;
	v21 =	vadd.s32 v36, v37;
	v37 =	vadd.s32 $0x7FFF, v18  }
0x1fe: {  	v24 =	vld.idx.msk [tilespmem:v40+s18+$0x0], $0xffff;
	v33 =	vshrl.u32 v20, $0x10;
	v34 =	vshrl.u32 v23, $0x10;
	v19 =	vand.u32 $0xFFFF0000, v19  }
0x1ff: {  	v29 =	vmovc v38;
	v38 =	vadd.s32 $0x7FFF, v21;
	v22 =	vand.u32 $0x1, v34;
	v17 =	vadd.f32 v17, v15  }
0x200: {  	v27 =	vld.idx.msk [tilespmem:v43+s18+$0x0], $0xffff;
	v19 =	vmul.f32 v19, v10;
	v15 =	vand.u32 $0xFFFF0000, v16;
	v18 =	vand.u32 $0xFFFF0000, v38  }
0x201: {  	v16 =	vand.u32 $0xFFFF0000, v37;
	v36 =	vadd.s32 v22, v23;
	v37 =	vshrl.u32 v39, $0x10  }
0x202: {  	v18 =	vmul.f32 v18, v9;
	v22 =	vand.u32 $0x1, v37;
	v17 =	vadd.f32 v19, v17  }
0x203: {  	v38 =	vld.idx.msk [tilespmem:v41+s18+$0x0], $0xffff;
	v19 =	vand.u32 $0x1, v33;
	v21 =	vadd.s32 v22, v39;
	v39 =	vshrl.u32 v24, $0x10  }
0x204: {  	v32 =	vmovc v41;
	v41 =	vld.idx.msk [tilespmem:v42+s18+$0x0], $0xffff;
	v19 =	vadd.s32 v19, v20;
	v21 =	vadd.s32 $0x7FFF, v21;
	v22 =	vand.u32 $0x1, v39  }
0x205: {  	v39 =	vshrl.u32 v27, $0x10;
	v17 =	vadd.f32 v18, v17;
	v35 =	vadd.s32 $0x7FFF, v19  }
0x206: {  	v20 =	vld.idx.msk [tilespmem:v8+s18+$0x0], $0xffff;
	v19 =	vadd.s32 $0x7FFF, v36;
	v21 =	vand.u32 $0xFFFF0000, v21;
	v22 =	vadd.s32 v22, v24  }
0x207: {  	v23 =	vand.u32 $0x1, v39;
	v18 =	vand.u32 $0xFFFF0000, v35;
	v19 =	vand.u32 $0xFFFF0000, v19  }
0x208: {  	v33 =	vmovc v42;
	v21 =	vmul.f32 v21, v14;
	v22 =	vadd.s32 $0x7FFF, v22;
	v42 =	vshrl.u32 v38, $0x10  }
0x209: {  	v36 =	vshrl.u32 v41, $0x10;
	v18 =	vmul.f32 v18, v15;
	v22 =	vand.u32 $0xFFFF0000, v22  }
0x20a: {  	v34 =	vmovc v43;
	v19 =	vmul.f32 v19, v13;
	v24 =	vand.u32 $0x1, v42;
	v43 =	vmul.f32 v22, v11  }
0x20b: {  	v31 =	vmovc v40;
	v35 =	vadd.s32 v24, v38;
	v38 =	vand.u32 $0x1, v36;
	v40 =	vshrl.u32 v20, $0x10  }
0x20c: {  	v24 =	vld.idx.msk [tilespmem:v44+s18+$0x0], $0xffff;
	v19 =	vadd.f32 $0.0e+00, v19;
	v22 =	vadd.s32 $0x7FFF, v35;
	v25 =	vand.u32 $0x1, v40  }
0x20d: {  	v37 =	vand.u32 $0xFFFF0000, v22;
	v22 =	vadd.s32 v38, v41;
	v41 =	vadd.s32 v23, v27;
	v38 =	vld [tilespmem:$0x1FE30]  }
0x20e: {  	v26 =	vld.idx.msk [tilespmem:v46+s18+$0x0], $0xffff;
	v19 =	vadd.f32 v21, v19;
	v20 =	vadd.s32 v25, v20;
	v22 =	vadd.s32 $0x7FFF, v22  }
0x20f: {  	v21 =	vmul.f32 v37, v12;
	v20 =	vadd.s32 $0x7FFF, v20;
	v40 =	vand.u32 $0xFFFF0000, v22  }
0x210: {  	v22 =	vadd.s32 $0x7FFF, v41;
	v41 =	vld [tilespmem:$0x1FE40];
	v19 =	vadd.f32 v43, v19;
	v20 =	vand.u32 $0xFFFF0000, v20  }
0x211: {  	v42 =	vld.idx.msk [tilespmem:v45+s18+$0x0], $0xffff;
	v17 =	vadd.f32 v18, v17;
	v37 =	vmov v46;
	v46 =	vmul.f32 v20, v16  }
0x212: {  	v43 =	vshrl.u32 v24, $0x10;
	v19 =	vadd.f32 v21, v19  }
0x213: {  	v21 =	vmul.f32 v40, v10;
	v40 =	vshrl.u32 v26, $0x10;
	v17 =	vadd.f32 v46, v17;
	v46 =	vld [tilespmem:$0x1FE50]  }
0x214: {  	v22 =	vand.u32 $0xFFFF0000, v22;
	v25 =	vand.u32 $0x1, v43;
	v43 =	vand.u32 $0x1, v40;
	v40 =	vld [tilespmem:$0x1FE60]  }
0x215: {  	v36 =	vmovc v45;
	v35 =	vmov v44;
	v44 =	vmul.f32 v22, v9;
	v45 =	vadd.s32 v25, v24;
	v22 =	vld.idx.msk [tilespmem:v38+s18+$0x0], $0xffff  }
0x216: {  	v39 =	vshrl.u32 v42, $0x10;
	v25 =	vadd.s32 $0x7FFF, v45;
	v19 =	vadd.f32 v21, v19  }
0x217: {  	v20 =	vand.u32 $0xFFFF0000, v25;
	v21 =	vand.u32 $0x1, v39  }
0x218: {  	v20 =	vmul.f32 v20, v15;
	v42 =	vadd.s32 v21, v42;
	v19 =	vadd.f32 v44, v19;
	v25 =	vld.idx.msk [tilespmem:v41+s18+$0x0], $0xffff  }
0x219: {  	v18 =	vadd.s32 $0x7FFF, v42;
	v44 =	vadd.s32 v43, v26  }
0x21a: {  	v19 =	vadd.f32 v20, v19;
	v20 =	vadd.s32 $0x7FFF, v44;
	v44 =	vld [tilespmem:$0x1FE70];
	v45 =	vshrl.u32 v22, $0x10  }
0x21b: {  	v18 =	vand.u32 $0xFFFF0000, v18;
	v23 =	vld.idx.msk [tilespmem:v46+s18+$0x0], $0xffff;
	v21 =	vand.u32 $0x1, v45  }
0x21c: {  	v18 =	vmul.f32 v18, v16;
	v20 =	vand.u32 $0xFFFF0000, v20;
	v46 =	vld [tilespmem:$0x1FE80];
	v21 =	vadd.s32 v21, v22  }
0x21d: {  	v20 =	vmul.f32 v20, v13;
	v24 =	vshrl.u32 v25, $0x10;
	v38 =	vadd.s32 $0x7FFF, v21;
	v21 =	vld.idx.msk [tilespmem:v40+s18+$0x0], $0xffff  }
0x21e: {  	v26 =	vadd.f32 v18, v19;
	v39 =	vand.u32 $0x1, v24  }
0x21f: {  	v20 =	vadd.f32 $0.0e+00, v20;
	v18 =	vand.u32 $0xFFFF0000, v38;
	v19 =	vadd.s32 v39, v25  }
0x220: {  	v41 =	vmul.f32 v18, v14;
	v42 =	vadd.s32 $0x7FFF, v19;
	v43 =	vshrl.u32 v23, $0x10  }
0x221: {  	v38 =	vld [tilespmem:$0x1FEA0];
	v18 =	vand.u32 $0xFFFF0000, v42;
	v19 =	vand.u32 $0x1, v43  }
0x222: {  	(xrf2) =	vadd.scan.msk.f32 $0xffff, v17;
	v22 =	vld.idx.msk [tilespmem:v44+s18+$0x0], $0xffff;
	v17 =	vadd.f32 v41, v20;
	v19 =	vadd.s32 v19, v23;
	v45 =	vshrl.u32 v21, $0x10  }
0x223: {  	v18 =	vmul.f32 v18, v11;
	v19 =	vadd.s32 $0x7FFF, v19;
	v25 =	vand.u32 $0x1, v45;
	v45 =	vld [tilespmem:$0x1FE90]  }
0x224: {  	v24 =	vand.u32 $0xFFFF0000, v19;
	v19 =	vadd.s32 v25, v21  }
0x225: {  	v23 =	vld.idx.msk [tilespmem:v46+s18+$0x0], $0xffff;
	v17 =	vadd.f32 v18, v17;
	v18 =	vmul.f32 v24, v12;
	v19 =	vadd.s32 $0x7FFF, v19  }
0x226: {  	v43 =	vld [tilespmem:$0x1FEB0];
	v39 =	vand.u32 $0xFFFF0000, v19  }
0x227: {  	v17 =	vadd.f32 v18, v17;
	v18 =	vmul.f32 v39, v10;
	v39 =	vld [tilespmem:$0x1FEC0]  }
0x228: {  	(xrf2) =	vadd.scan.msk.f32 $0xffff, v26;
	v26 =	vshrl.u32 v22, $0x10  }
0x229: {  	v20 =	vand.u32 $0x1, v26  }
0x22a: {  	v21 =	vld.idx.msk [tilespmem:v38+s18+$0x0], $0xffff;
	v40 =	vadd.s32 v20, v22;
	v42 =	vshrl.u32 v23, $0x10  }
0x22b: {  	v19 =	vadd.s32 $0x7FFF, v40;
	v44 =	vand.u32 $0x1, v42;
	v22 =	vld.idx.msk [tilespmem:v45+s18+$0x0], $0xffff  }
0x22c: {  	v19 =	vand.u32 $0xFFFF0000, v19;
	v38 =	vadd.s32 v44, v23;
	v45 =	vld [tilespmem:$0x1FED0]  }
0x22d: {  	v26 =	vmul.f32 v19, v9;
	v19 =	vadd.s32 $0x7FFF, v38;
	v38 =	vld [tilespmem:$0x1FEE0]  }
0x22e: {  	v24 =	vld.idx.msk [tilespmem:v43+s18+$0x0], $0xffff  }
0x22f: {  	v20 =	vld.idx.msk [tilespmem:v39+s18+$0x0], $0xffff  }
0x230: {  	v39 =	vld [tilespmem:$0x1FEF0]  }
0x231: {  	v41, _, _ =	vpop (xrf2)  }
0x232: {  	(v2sf) =	vpush v41, $0xF;
	v46, _, _ =	vpop (xrf2);
	v17 =	vadd.f32 v18, v17;
	v40 =	vshrl.u32 v21, $0x10  }
0x233: {  	(v2sf) =	vpush v46, $0xF;
	v42 =	vand.u32 $0x1, v40  }
0x234: {  	v17 =	vadd.f32 v26, v17;
	v41 =	vand.u32 $0xFFFF0000, v19;
	v19 =	vadd.s32 v42, v21;
	v25 =	vld.idx.msk [tilespmem:v45+s18+$0x0], $0xffff  }
0x235: {  	v18 =	vmul.f32 v41, v15;
	v43 =	vshrl.u32 v24, $0x10;
	v19 =	vadd.s32 $0x7FFF, v19;
	v26 =	vld.idx.msk [tilespmem:v38+s18+$0x0], $0xffff  }
0x236: {  	v21 =	vand.u32 $0x1, v43;
	v19 =	vand.u32 $0xFFFF0000, v19;
	v38 =	vld [tilespmem:$0x1FF20];
	v46 =	vshrl.u32 v20, $0x10  }
0x237: {  	v21 =	vadd.s32 v21, v24;
	v19 =	vmul.f32 v19, v13;
	v24 =	vand.u32 $0x1, v46;
	v46 =	vld [tilespmem:$0x1FF00]  }
0x238: {  	v44 =	vshrl.u32 v22, $0x10;
	v21 =	vadd.s32 $0x7FFF, v21;
	v20 =	vadd.s32 v24, v20;
	v24 =	vld.idx.msk [tilespmem:v39+s18+$0x0], $0xffff  }
0x239: {  	v23 =	vand.u32 $0x1, v44;
	v21 =	vand.u32 $0xFFFF0000, v21;
	v19 =	vadd.f32 $0.0e+00, v19  }
0x23a: {  	v22 =	vadd.s32 v23, v22;
	v21 =	vmul.f32 v21, v14;
	v40 =	vshrl.u32 v25, $0x10  }
0x23b: {  	v17 =	vadd.f32 v18, v17;
	v22 =	vadd.s32 $0x7FFF, v22;
	v41 =	vand.u32 $0x1, v40  }
0x23c: {  	v19 =	vadd.f32 v21, v19;
	v42 =	vshrl.u32 v26, $0x10;
	v21 =	vadd.s32 v41, v25;
	v41 =	vld [tilespmem:$0x1FF30]  }
0x23d: {  	v22 =	vand.u32 $0xFFFF0000, v22;
	v44 =	vand.u32 $0x1, v42;
	v45 =	vshrl.u32 v24, $0x10  }
0x23e: {  	v43 =	vadd.s32 $0x7FFF, v21;
	v21 =	vadd.s32 v44, v26;
	v23 =	vand.u32 $0x1, v45;
	v45 =	vld [tilespmem:$0x1FF40]  }
0x23f: {  	v20 =	vadd.s32 $0x7FFF, v20;
	v26 =	vld.idx.msk [tilespmem:v38+s18+$0x0], $0xffff;
	v21 =	vadd.s32 $0x7FFF, v21;
	v23 =	vadd.s32 v23, v24  }
0x240: {  	v42 =	vmul.f32 v22, v16;
	v25 =	vld.idx.msk [tilespmem:v46+s18+$0x0], $0xffff;
	v21 =	vand.u32 $0xFFFF0000, v21;
	v40 =	vadd.s32 $0x7FFF, v23  }
0x241: {  	v20 =	vand.u32 $0xFFFF0000, v20;
	v39 =	vmul.f32 v21, v10;
	v21 =	vand.u32 $0xFFFF0000, v40;
	v40 =	vld [tilespmem:$0x1FF50]  }
0x242: {  	v20 =	vmul.f32 v20, v11;
	v17 =	vadd.f32 v42, v17;
	v42 =	vld [tilespmem:$0x1FF60];
	_ =	sdelay $0x1  }
0x243: {  	v19 =	vadd.f32 v20, v19;
	v20 =	vand.u32 $0xFFFF0000, v43;
	v23 =	vld.idx.msk [tilespmem:v41+s18+$0x0], $0xffff  }
0x244: {  	v20 =	vmul.f32 v20, v12;
	v44 =	vshrl.u32 v25, $0x10  }
0x245: {  	v24 =	vshrl.u32 v26, $0x10;
	v46 =	vand.u32 $0x1, v44;
	v22 =	vld.idx.msk [tilespmem:v45+s18+$0x0], $0xffff  }
0x246: {  	v19 =	vadd.f32 v20, v19;
	v18 =	vadd.s32 v46, v25;
	v25 =	vand.u32 $0x1, v24  }
0x247: {  	v38 =	vld [tilespmem:$0x1FF10];
	v20 =	vadd.s32 v25, v26  }
0x248: {  	v19 =	vadd.f32 v39, v19;
	v20 =	vadd.s32 $0x7FFF, v20;
	v39 =	vshrl.u32 v23, $0x10;
	v25 =	vld.idx.msk [tilespmem:v40+s18+$0x0], $0xffff  }
0x249: {  	v43 =	vmul.f32 v21, v9;
	v26 =	vld.idx.msk [tilespmem:v42+s18+$0x0], $0xffff;
	v20 =	vand.u32 $0xFFFF0000, v20;
	v24 =	vand.u32 $0x1, v39  }
0x24a: {  	v20 =	vmul.f32 v20, v13;
	v23 =	vadd.s32 v24, v23;
	v41 =	vshrl.u32 v22, $0x10  }
0x24b: {  	v19 =	vadd.f32 v43, v19;
	v43 =	vld [tilespmem:$0x1FF70];
	v23 =	vadd.s32 $0x7FFF, v23;
	v24 =	vand.u32 $0x1, v41  }
0x24c: {  	v20 =	vadd.f32 $0.0e+00, v20;
	v23 =	vand.u32 $0xFFFF0000, v23;
	v22 =	vadd.s32 v24, v22  }
0x24d: {  	v23 =	vmul.f32 v23, v14;
	v22 =	vadd.s32 $0x7FFF, v22;
	v28 =	vshrl.u32 v25, $0x10  }
0x24e: {  	v45 =	vshrl.u32 v26, $0x10;
	v22 =	vand.u32 $0xFFFF0000, v22;
	v44 =	vand.u32 $0x1, v28  }
0x24f: {  	v20 =	vadd.f32 v23, v20;
	v22 =	vmul.f32 v22, v11;
	v23 =	vadd.s32 v44, v25  }
0x250: {  	v21 =	vld.idx.msk [tilespmem:v38+s18+$0x0], $0xffff;
	v25 =	vand.u32 $0x1, v45;
	v46 =	vadd.s32 $0x7FFF, v23  }
0x251: {  	v42 =	vld [tilespmem:$0x1FFB0];
	v23 =	vadd.s32 v25, v26;
	v20 =	vadd.f32 v22, v20;
	v22 =	vand.u32 $0xFFFF0000, v46  }
0x252: {  	v39 =	vld [tilespmem:$0x1FF80];
	v23 =	vadd.s32 $0x7FFF, v23;
	v22 =	vmul.f32 v22, v12  }
0x253: {  	v24 =	vld.idx.msk [tilespmem:v43+s18+$0x0], $0xffff;
	v23 =	vand.u32 $0xFFFF0000, v23  }
0x254: {  	v28 =	vld [tilespmem:$0x1FFA0];
	v40 =	vmul.f32 v23, v10;
	v20 =	vadd.f32 v22, v20;
	_ =	sdelay $0x1  }
0x255: {  	v20 =	vadd.f32 v40, v20;
	v40 =	vld [tilespmem:$0x1FF90]  }
0x256: {  	v27 =	vshrl.u32 v21, $0x10;
	v45 =	vld [tilespmem:$0x1FFC0]  }
0x257: {  	v27 =	vand.u32 $0x1, v27;
	v38 =	vshrl.u32 v24, $0x10  }
0x258: {  	v18 =	vadd.s32 $0x7FFF, v18;
	v21 =	vadd.s32 v27, v21;
	v27 =	vld [tilespmem:$0x1FFD0];
	v25 =	vand.u32 $0x1, v38  }
0x259: {  	v18 =	vand.u32 $0xFFFF0000, v18;
	v26 =	vld.idx.msk [tilespmem:v39+s18+$0x0], $0xffff;
	v24 =	vadd.s32 v25, v24  }
0x25a: {  	v18 =	vmul.f32 v18, v15;
	v41 =	vadd.s32 $0x7FFF, v24;
	v24 =	vld.idx.msk [tilespmem:v42+s18+$0x0], $0xffff  }
0x25b: {  	v43 =	vadd.s32 $0x7FFF, v21;
	v28 =	vld.idx.msk [tilespmem:v28+s18+$0x0], $0xffff  }
0x25c: {  	v18 =	vadd.f32 v18, v19;
	v19 =	vand.u32 $0xFFFF0000, v43;
	v43 =	vld [tilespmem:$0x1FFE0]  }
0x25d: {  	v44 =	vand.u32 $0xFFFF0000, v41;
	v23 =	vld.idx.msk [tilespmem:v40+s18+$0x0], $0xffff  }
0x25e: {  	v46 =	vshrl.u32 v26, $0x10;
	v21 =	vmul.f32 v44, v9;
	v22 =	vld.idx.msk [tilespmem:v45+s18+$0x0], $0xffff  }
0x25f: {  	v39 =	vand.u32 $0x1, v46  }
0x260: {  	v20 =	vadd.f32 v21, v20;
	v41 =	vshrl.u32 v24, $0x10;
	v38 =	vshrl.u32 v28, $0x10  }
0x261: {  	v21 =	vadd.s32 v39, v26;
	v26 =	vand.u32 $0x1, v41;
	v25 =	vand.u32 $0x1, v38  }
0x262: {  	v24 =	vadd.s32 v26, v24;
	v25 =	vadd.s32 v25, v28;
	v28 =	vshrl.u32 v23, $0x10  }
0x263: {  	v27 =	vld.idx.msk [tilespmem:v27+s18+$0x0], $0xffff;
	v42 =	vshrl.u32 v22, $0x10;
	v25 =	vadd.s32 $0x7FFF, v25;
	v28 =	vand.u32 $0x1, v28  }
0x264: {  	v26 =	vand.u32 $0x1, v42;
	v25 =	vand.u32 $0xFFFF0000, v25;
	v23 =	vadd.s32 v28, v23;
	v28 =	vld [tilespmem:$0x1FFF0]  }
0x265: {  	v24 =	vadd.s32 $0x7FFF, v24;
	v22 =	vadd.s32 v26, v22;
	v26 =	vld.idx.msk [tilespmem:v43+s18+$0x0], $0xffff;
	v25 =	vmul.f32 v25, v13  }
0x266: {  	v24 =	vand.u32 $0xFFFF0000, v24  }
0x267: {  	v24 =	vmul.f32 v24, v14;
	v25 =	vadd.f32 $0.0e+00, v25  }
0x268: {  	v19 =	vmul.f32 v19, v16;
	v44 =	vshrl.u32 v27, $0x10;
	v21 =	vadd.s32 $0x7FFF, v21  }
0x269: {  	v22 =	vadd.s32 $0x7FFF, v22;
	v24 =	vadd.f32 v24, v25;
	v25 =	vand.u32 $0x1, v44  }
0x26a: {  	v22 =	vand.u32 $0xFFFF0000, v22;
	v25 =	vadd.s32 v25, v27;
	v27 =	vshrl.u32 v26, $0x10  }
0x26b: {  	v21 =	vand.u32 $0xFFFF0000, v21;
	v22 =	vmul.f32 v22, v11;
	v46 =	vand.u32 $0x1, v27;
	v27 =	vld.idx.msk [tilespmem:v49+s18+$0x0], $0xffff  }
0x26c: {  	v21 =	vmul.f32 v21, v15;
	v23 =	vadd.s32 $0x7FFF, v23;
	v45 =	vadd.s32 $0x7FFF, v25;
	v28 =	vld.idx.msk [tilespmem:v28+s18+$0x0], $0xffff  }
0x26d: {  	v22 =	vadd.f32 v22, v24;
	v24 =	vand.u32 $0xFFFF0000, v45;
	v25 =	vadd.s32 v46, v26  }
0x26e: {  	v44 =	vld.idx.msk [tilespmem:v51+s18+$0x0], $0xffff;
	v23 =	vand.u32 $0xFFFF0000, v23;
	v24 =	vmul.f32 v24, v12;
	v25 =	vadd.s32 $0x7FFF, v25  }
0x26f: {  	v20 =	vadd.f32 v21, v20;
	v42 =	vmul.f32 v23, v16;
	v25 =	vand.u32 $0xFFFF0000, v25  }
0x270: {  	v18 =	vadd.f32 v19, v18;
	v22 =	vadd.f32 v24, v22;
	v39 =	vmul.f32 v25, v10  }
0x271: {  	v41 =	vld.idx.msk [tilespmem:v47+s18+$0x0], $0xffff;
	v19 =	vadd.f32 v42, v20;
	v45 =	vshrl.u32 v27, $0x10;
	v38 =	vshrl.u32 v28, $0x10  }
0x272: {  	v22 =	vadd.f32 v39, v22;
	v46 =	vand.u32 $0x1, v45;
	v39 =	vld.idx.msk [tilespmem:v52+s18+$0x0], $0xffff;
	v26 =	vand.u32 $0x1, v38  }
0x273: {  	v20 =	vadd.s32 v46, v27;
	v27 =	vshrl.u32 v44, $0x10;
	v26 =	vadd.s32 v26, v28;
	v28 =	vld.idx.msk [tilespmem:v50+s18+$0x0], $0xffff  }
0x274: {  	v20 =	vadd.s32 $0x7FFF, v20;
	v27 =	vand.u32 $0x1, v27  }
0x275: {  	v20 =	vand.u32 $0xFFFF0000, v20;
	v25 =	vadd.s32 v27, v44;
	v40 =	vadd.s32 $0x7FFF, v26  }
0x276: {  	v20 =	vmul.f32 v20, v13;
	v25 =	vadd.s32 $0x7FFF, v25;
	v43 =	vand.u32 $0xFFFF0000, v40  }
0x277: {  	v25 =	vand.u32 $0xFFFF0000, v25;
	v27 =	vshrl.u32 v39, $0x10;
	v40 =	vld.idx.msk [tilespmem:v48+s18+$0x0], $0xffff;
	v23 =	vmul.f32 v43, v9  }
0x278: {  	v20 =	vadd.f32 $0.0e+00, v20;
	v38 =	vshrl.u32 v41, $0x10;
	v24 =	vshrl.u32 v28, $0x10  }
0x279: {  	v46 =	vld.idx.msk [tilespmem:v54+s18+$0x0], $0xffff;
	v21 =	vadd.f32 v23, v22;
	v23 =	vand.u32 $0x1, v38;
	v22 =	vand.u32 $0x1, v24  }
0x27a: {  	v42 =	vand.u32 $0x1, v27;
	v23 =	vadd.s32 v23, v41;
	v22 =	vadd.s32 v22, v28;
	v28 =	vld.idx.msk [tilespmem:v53+s18+$0x0], $0xffff  }
0x27b: {  	v41 =	vmul.f32 v25, v11;
	v24 =	vadd.s32 v42, v39;
	v23 =	vadd.s32 $0x7FFF, v23  }
0x27c: {  	v44 =	vadd.s32 $0x7FFF, v24;
	v27 =	vshrl.u32 v40, $0x10;
	v22 =	vadd.s32 $0x7FFF, v22  }
0x27d: {  	v23 =	vand.u32 $0xFFFF0000, v23;
	v27 =	vand.u32 $0x1, v27;
	v22 =	vand.u32 $0xFFFF0000, v22  }
0x27e: {  	v1 =	vld.idx.msk [tilespmem:v1+s18+$0x0], $0xffff;
	v23 =	vmul.f32 v23, v15;
	v26 =	vadd.s32 v27, v40;
	v22 =	vmul.f32 v22, v14  }
0x27f: {  	v40 =	vshrl.u32 v46, $0x10;
	v39 =	vadd.s32 $0x7FFF, v26;
	v43 =	vshrl.u32 v28, $0x10  }
0x280: {  	v21 =	vadd.f32 v23, v21;
	v20 =	vadd.f32 v22, v20;
	v45 =	vand.u32 $0x1, v43  }
0x281: {  	v23 =	vand.u32 $0xFFFF0000, v39;
	v22 =	vand.u32 $0xFFFF0000, v44;
	v24 =	vadd.s32 v45, v28;
	v28 =	vld.idx.msk [tilespmem:v63+s18+$0x0], $0xffff  }
0x282: {  	v23 =	vmul.f32 v23, v16;
	v22 =	vmul.f32 v22, v12;
	v43 =	vld.idx.msk [tilespmem:v56+s18+$0x0], $0xffff;
	v20 =	vadd.f32 v41, v20  }
0x283: {  	v42 =	vshrl.u32 v1, $0x10;
	v41 =	vand.u32 $0x1, v40;
	v24 =	vadd.s32 $0x7FFF, v24  }
0x284: {  	v21 =	vadd.f32 v23, v21;
	v24 =	vand.u32 $0xFFFF0000, v24;
	v20 =	vadd.f32 v22, v20  }
0x285: {  	v45 =	vld.idx.msk [tilespmem:v60+s18+$0x0], $0xffff;
	v22 =	vadd.s32 v41, v46;
	v38 =	vmul.f32 v24, v10;
	v24 =	vand.u32 $0x1, v42  }
0x286: {  	v27 =	vld.idx.msk [tilespmem:v61+s18+$0x0], $0xffff;
	v22 =	vadd.s32 $0x7FFF, v22;
	v1 =	vadd.s32 v24, v1;
	v44 =	vshrl.u32 v28, $0x10  }
0x287: {  	v22 =	vand.u32 $0xFFFF0000, v22;
	v60 =	vshrl.u32 v43, $0x10;
	v24 =	vand.u32 $0x1, v44  }
0x288: {  	v20 =	vadd.f32 v38, v20;
	v1 =	vadd.s32 $0x7FFF, v1;
	v24 =	vadd.s32 v24, v28  }
0x289: {  	v22 =	vmul.f32 v22, v9;
	v1 =	vand.u32 $0xFFFF0000, v1;
	v46 =	vadd.s32 $0x7FFF, v24  }
0x28a: {  	v63 =	vld.idx.msk [tilespmem:v58+s18+$0x0], $0xffff;
	v61 =	vshrl.u32 v45, $0x10;
	v1 =	vmul.f32 v1, v13;
	v56 =	vand.u32 $0xFFFF0000, v46  }
0x28b: {  	v42 =	vld.idx.msk [tilespmem:v55+s18+$0x0], $0xffff;
	v38 =	vshrl.u32 v27, $0x10;
	v13 =	vmul.f32 v56, v14;
	v14 =	vand.u32 $0x1, v61  }
0x28c: {  	v55 =	vld.idx.msk [tilespmem:v59+s18+$0x0], $0xffff;
	v40 =	vand.u32 $0x1, v38;
	v1 =	vadd.f32 $0.0e+00, v1;
	v14 =	vadd.s32 v14, v45  }
0x28d: {  	v59 =	vld.idx.msk [tilespmem:v57+s18+$0x0], $0xffff;
	v20 =	vadd.f32 v22, v20;
	v22 =	vand.u32 $0x1, v60;
	v39 =	vadd.s32 $0x7FFF, v14  }
0x28e: {  	v41 =	vld.idx.msk [tilespmem:v62+s18+$0x0], $0xffff;
	v1 =	vadd.f32 v13, v1;
	v14 =	vadd.s32 v40, v27;
	v13 =	vand.u32 $0xFFFF0000, v39  }
0x28f: {  	v22 =	vadd.s32 v22, v43;
	v43 =	vadd.s32 $0x7FFF, v14;
	v11 =	vmul.f32 v13, v11  }
0x290: {  	v60 =	vshrl.u32 v42, $0x10;
	v45 =	vshrl.u32 v63, $0x10;
	v13 =	vand.u32 $0xFFFF0000, v43  }
0x291: {  	v46 =	vand.u32 $0x1, v45;
	v1 =	vadd.f32 v11, v1;
	v11 =	vmul.f32 v13, v12  }
0x292: {  	v62 =	vshrl.u32 v59, $0x10;
	v22 =	vadd.s32 $0x7FFF, v22;
	v12 =	vadd.s32 v46, v63  }
0x293: {  	v56 =	vshrl.u32 v41, $0x10;
	v1 =	vadd.f32 v11, v1;
	v11 =	vadd.s32 $0x7FFF, v12  }
0x294: {  	(xrf2) =	vadd.scan.msk.f32 $0xffff, v17;
	v22 =	vand.u32 $0xFFFF0000, v22;
	v58 =	vand.u32 $0x1, v56;
	v11 =	vand.u32 $0xFFFF0000, v11  }
0x295: {  	v61 =	vshrl.u32 v55, $0x10;
	v12 =	vadd.s32 v58, v41;
	v10 =	vmul.f32 v11, v10  }
0x296: {  	v44 =	vmul.f32 v22, v15;
	v12 =	vadd.s32 $0x7FFF, v12;
	v11 =	vand.u32 $0x1, v60  }
0x297: {  	(xrf2) =	vadd.scan.msk.f32 $0xffff, v18;
	v12 =	vand.u32 $0xFFFF0000, v12;
	v1 =	vadd.f32 v10, v1;
	v10 =	vand.u32 $0x1, v61  }
0x298: {  	v11 =	vadd.s32 v11, v42;
	v9 =	vmul.f32 v12, v9;
	v10 =	vadd.s32 v10, v55  }
0x299: {  	v12 =	vand.u32 $0x1, v62;
	v11 =	vadd.s32 $0x7FFF, v11;
	v10 =	vadd.s32 $0x7FFF, v10  }
0x29a: {  	(xrf2) =	vadd.scan.msk.f32 $0xffff, v19;
	v12 =	vadd.s32 v12, v59;
	v11 =	vand.u32 $0xFFFF0000, v11;
	v10 =	vand.u32 $0xFFFF0000, v10  }
0x29b: {  	v1 =	vadd.f32 v9, v1;
	v9 =	vmul.f32 v10, v15;
	v10 =	vadd.s32 $0x7FFF, v12  }
0x29c: {  	v14 =	vadd.f32 v44, v20;
	v11 =	vmul.f32 v11, v16;
	v10 =	vand.u32 $0xFFFF0000, v10  }
0x29d: {  	(xrf2) =	vadd.scan.msk.f32 $0xffff, v21;
	v1 =	vadd.f32 v9, v1;
	v9 =	vmul.f32 v10, v16  }
0x29e: {  	v63, _, _ =	vpop (xrf2);
	v11 =	vadd.f32 v11, v14  }
0x29f: {  	(v2sf) =	vpush v63, $0xF  }
0x2a0: {  	(xrf2) =	vadd.scan.msk.f32 $0xffff, v11;
	v1 =	vadd.f32 v9, v1  }
0x2a1: {  	v9, _, _ =	vpop (xrf2)  }
0x2a2: {  	(v2sf) =	vpush v9, $0xF  }
0x2a3: {  	(xrf2) =	vadd.scan.msk.f32 $0xffff, v1  }
0x2a4: {  	v1, _, _ =	vpop (xrf2)  }
0x2a5: {  	(v2sf) =	vpush v1, $0xF;
	_ =	sdelay $0x1  }
0x2a6: {  	v1, _, _ =	vpop (xrf2)  }
0x2a7: {  	(v2sf) =	vpush v1, $0xF;
	_ =	sdelay $0x1  }
0x2a8: {  	s1 =	spop (v2sf);
	v1, _, _ =	vpop (xrf2)  }
0x2a9: {  	s28 =	spop (v2sf);
	(v2sf) =	vpush v1, $0xF  }
0x2aa: {  	p0 =	sgt.f32 s28, s1  }
0x2ab: {  	v1, _, _ =	vpop (xrf2)  }
0x2ac: {  	s1 =	smov.u32 @p0 s28;
	s29 =	spop (v2sf);
	(v2sf) =	vpush v1, $0xF  }
0x2ad: {  	p1 =	sgt.f32 s29, s1;
	_ =	sdelay $0x1  }
0x2ae: {  	s1 =	smov.u32 @p1 s29;
	s28 =	spop (v2sf)  }
0x2af: {  	p2 =	sgt.f32 s28, s1;
	_ =	sdelay $0x1  }
0x2b0: {  	s29 =	spop (v2sf);
	s1 =	smov.u32 @p2 s28  }
0x2b1: {  	p3 =	sgt.f32 s29, s1;
	_ =	sdelay $0x1  }
0x2b2: {  	s30 =	simm.s32 $0x1;
	s28 =	spop (v2sf);
	s1 =	smov.u32 @p3 s29  }
0x2b3: {  	s30 =	simm.s32 @!p0 $0x0;
	p0 =	sgt.f32 s28, s1;
	_ =	sdelay $0x1  }
0x2b4: {  	s29 =	spop (v2sf);
	s1 =	smov.u32 @p0 s28  }
0x2b5: {  	s30 =	simm.s32 @p1 $0x2;
	p1 =	sgt.f32 s29, s1  }
0x2b6: {  	s30 =	simm.s32 @p2 $0x3  }
0x2b7: {  	s30 =	simm.s32 @p3 $0x4;
	s31 =	spop (v2sf);
	s1 =	smov.u32 @p1 s29  }
0x2b8: {  	s30 =	simm.s32 @p0 $0x5;
	p0 =	sgt.f32 s31, s1  }
0x2b9: {  	s30 =	simm.s32 @p1 $0x6  }
0x2ba: {  	s30 =	simm.s32 @p0 $0x7  }
0x2bb: {  	v1 =	vadd.s32 s30, v0;
	_ =	sdelay $0x4  }
0x2bc: {  	v1 =	vld.idx.msk [tilespmem:v1+s18+$0x0], $0xffff  }
0x2bd: {  	v9 =	vadd.s32 s30, v2;
	_ =	sdelay $0x3  }
0x2be: {  	[tilespmem:s26+$0x19000] =	vst v1  }
0x2bf: {  	v1 =	vld.idx.msk [tilespmem:v9+s18+$0x0], $0xffff  }
0x2c0: {  	v9 =	vadd.s32 s30, v3;
	_ =	sdelay $0x3  }
0x2c1: {  	[tilespmem:s26+$0x19010] =	vst v1  }
0x2c2: {  	v1 =	vld.idx.msk [tilespmem:v9+s18+$0x0], $0xffff  }
0x2c3: {  	v9 =	vadd.s32 s30, v4;
	_ =	sdelay $0x3  }
0x2c4: {  	[tilespmem:s26+$0x19020] =	vst v1  }
0x2c5: {  	v1 =	vld.idx.msk [tilespmem:v9+s18+$0x0], $0xffff  }
0x2c6: {  	v9 =	vadd.s32 s30, v5;
	_ =	sdelay $0x3  }
0x2c7: {  	[tilespmem:s26+$0x19030] =	vst v1  }
0x2c8: {  	v1 =	vld.idx.msk [tilespmem:v9+s18+$0x0], $0xffff  }
0x2c9: {  	v9 =	vadd.s32 s30, v6;
	_ =	sdelay $0x3  }
0x2ca: {  	[tilespmem:s26+$0x19040] =	vst v1  }
0x2cb: {  	v1 =	vld.idx.msk [tilespmem:v9+s18+$0x0], $0xffff  }
0x2cc: {  	v9 =	vadd.s32 s30, v7;
	_ =	sdelay $0x3  }
0x2cd: {  	[tilespmem:s26+$0x19050] =	vst v1  }
0x2ce: {  	v1 =	vld.idx.msk [tilespmem:v9+s18+$0x0], $0xffff  }
0x2cf: {  	v9 =	vadd.s32 s30, v8;
	_ =	sdelay $0x3  }
0x2d0: {  	s25 =	sadd.s32 $0x1, s25;
	[tilespmem:s26+$0x19060] =	vst v1  }
0x2d1: {  	p0 =	sne.s32 s25, $0x40;
	v1 =	vld.idx.msk [tilespmem:v9+s18+$0x0], $0xffff  }
.Ltmp2:
0x2d2: {  	_ = 	snop;
	(pc) =	sbr.rel @p0 .LBB2_2-.Ltmp2, $2  }
0x2d3: {  	_ =	sdelay $0x2  }
0x2d4: {  	v28 =	vimm.s32 $0x0;
	[tilespmem:s26+$0x19070] =	vst v1  }
0x2d5: {  	_ =	swait.ge [sflag:s19], $0x6400  }
0x2d6: {  	[sflag:s19] =	ssyncset.done $0x0  }
0x2d7: {  	[sflag:s19] =	ssyncadd.s32 $0xFFFF9C00  }
0x2d8: {  	s24 =	sadd.s32 $0x1, s24;
	_ =	swait.ge [sflag:s20], $0x400  }
0x2d9: {  	p0 =	sne.s32 s24, s8;
	[sflag:s20] =	ssyncset.done $0x0  }
.Ltmp3:
0x2da: {  	[sflag:s20] =	ssyncadd.s32 $0xFFFFFC00;
	(pc) =	sbr.rel @p0 .LBB2_1-.Ltmp3, $4  }
0x2db: {  	[hbm4b:s7+s3] =	stream.linear.scatter [tilespmem:s23], [sflag:$0x5], $0x4000, $0x38;
	[tilespmem:$0x1D000] =	vst v63  }
0x2dc: {  	_ =	swait.ge [sflag:s9], $0x4000  }
0x2dd: {  	[sflag:s9] =	ssyncset.done $0x0  }
0x2de: {  	[sflag:s9] =	ssyncadd.s32 $0xFFFFC000  }
0x2df: {  	_ =	sfence.sel $0x180000  }
0x2e0: {  	[bflag:$0x0] =	sbarrier.arrive $0xFFFF  }
0x2e1: {  	_ =	strace $0x90000047  }
0x2e2: {  	[bflag:$0x2] =	sbarrier.arrive $0xFFFF  }
0x2e3: {  	p0 =	sne.s32 s2, $0x0;
	s0 =	rddreg [dreg:$0x3]  }
0x2e4: {  	s0 =	sadd.s32 @!p0 $0x100000, s0  }
0x2e5: {  	[sflag:s0] =	ssyncadd.tile.s32 @!p0 $0x1;
	_ =	shalt  }
.Lfunc_end2:
_tile_overlayer_lowered:
.L_overlay_start_2:
0x2e6: {  	(tag) =	ssettag $0x2  }
0x2e7: {  	s0 =	rddreg [dreg:$0x0];
	s2 =	stileid.u32  }
0x2e8: {  	s1 =	rddreg [dreg:$0x1];
	p0 =	sne.s32 s2, $0x0  }
0x2e9: {  	s3 =	rddreg [dreg:$0x2];
	[bflag:$0x3] =	sbarrier.arrive $0xFFFF;
	s2 =	simm.s32 @!p0 $0x1C05  }
0x2ea: {  	[timem:s3], [sflag:s2] =	dma.local @!p0 [hbm:s0], s1  }
0x2eb: {  	s0 =	simm.s32 @!p0 $0x5  }
0x2ec: {  	_ =	swait.ge @!p0 [sflag:s0], s1  }
0x2ed: {  	s1 =	ssub.s32 @!p0 $0x0, s1;
	[sflag:s0] =	ssyncset.done @!p0 $0x0  }
0x2ee: {  	[sflag:s0] =	ssyncadd.s32 @!p0 s1  }
0x2ef: {  	[bflag:$0x3] =	sbarrier.arrive $0xFFFF  }
0x2f0: {  	_ =	shalt  }

</sc_bundles>
